<compile_context>
chip_gen: v7x
topology: tpu7x:2x2x1
jax: 0.10.2.dev20260603
libtpu: 0.0.44.dev20260713+nightly
codegen_flags: <defaults>
</compile_context>

<pallas_src>
import functools

import jax
import jax.numpy as jnp
from jax import lax
from jax.experimental import pallas as pl
from jax.experimental.pallas import tpu as pltpu
from jax.experimental.pallas import tpu_sc as plsc

_B = 128
_D = 1024
_C = 1000
_K = 10
_SCALE = 20.0
_CP = 1024
_CB = 200
_NP = 1536
_PER = 48
_NCHUNK = 1152 // 16

_HI = jax.lax.Precision.HIGHEST


def _col_stats(x, nr_sentinel):
    nr, nc = x.shape
    m = jnp.max(x, axis=0, keepdims=True)
    e = jnp.exp(x - m)
    s = jnp.sum(e, axis=0, keepdims=True)
    sx = jnp.sum(e * x, axis=0, keepdims=True)
    ent = m + jnp.log(s) - sx / s
    conf = 1.0 / s
    row = jax.lax.broadcasted_iota(jnp.int32, (nr, nc), 0)
    idx = jnp.min(jnp.where(x == m, row, nr_sentinel), axis=0, keepdims=True)
    return idx.astype(jnp.float32), ent, conf


def _norm_rows(x):
    n = jnp.sqrt(jnp.sum(x * x, axis=1, keepdims=True))
    return x / jnp.maximum(n, 1e-12)


def _stats_kernel(feat_ref, raw_t_ref, aug_t_ref, wp_ref, bc_ref,
                  y_ref, k_ref, w_ref):
    b_col = bc_ref[...]
    feat = feat_ref[...]
    W = wp_ref[0:_C, :]

    lt = jax.lax.dot_general(W, feat, (((1,), (1,)), ((), ())),
                             preferred_element_type=jnp.float32) + b_col
    y_f, ent_f, conf_f = _col_stats(lt, _C)
    rmax = jnp.max(raw_t_ref[...], axis=0, keepdims=True)
    amax = jnp.max(aug_t_ref[...], axis=0, keepdims=True)
    rows = jax.lax.broadcasted_iota(jnp.int32, (_C, _B), 0)
    r_idx = jnp.min(jnp.where(raw_t_ref[...] == rmax, rows, _C), axis=0,
                    keepdims=True)
    a_idx = jnp.min(jnp.where(aug_t_ref[...] == amax, rows, _C), axis=0,
                    keepdims=True)
    maskv = (r_idx == a_idx).astype(jnp.float32)
    am = jnp.max(maskv)
    y_f_mod = maskv * y_f + (1.0 - maskv) * float(_C)
    y_ref[8:9, :] = y_f_mod
    k_ref[8:9, :] = y_f_mod * 1000.0 + maskv * ent_f
    w_ref[8:9, :] = jnp.maximum(conf_f, 1e-6) * maskv
    pad3 = jnp.zeros((3, _B), jnp.float32)
    y_ref[9:12, :] = pad3 - 3.0
    k_ref[9:12, :] = pad3 - 8000.0
    w_ref[9:12, :] = pad3
    w_ref[9:10, :] = jnp.full((1, _B), am)

    for si in range(8):
        blk = wp_ref[si * _B:(si + 1) * _B, :]
        t = jax.lax.dot_general(W, blk, (((1,), (1,)), ((), ())),
                                preferred_element_type=jnp.float32) + b_col
        y_w, ent_w, conf_w = _col_stats(t, _C)
        real = (jax.lax.broadcasted_iota(jnp.int32, (1, _B), 1)
                + si * _B < _C).astype(jnp.float32)
        y_ref[si:si + 1, :] = real * y_w + (1.0 - real) * (-2.0)
        k_ref[si:si + 1, :] = (real * (y_w * 1000.0 + ent_w)
                               + (1.0 - real) * (-5000.0))
        w_ref[si:si + 1, :] = real * jnp.maximum(conf_w, 1e-6)


def _sc_rank_kernel(k_hbm, kept_hbm, k_v, kept_v):
    wid = lax.axis_index("s") * 2 + lax.axis_index("c")
    base = wid * _PER
    pltpu.sync_copy(k_hbm, k_v)
    lane = lax.iota(jnp.int32, 16).astype(jnp.float32)

    for ic in range(_PER // 16):
        k_mine = k_v[pl.ds(base + ic * 16, 16)]
        k_lo = k_mine - 900.0
        idx_mine = lane + (base + ic * 16).astype(jnp.float32)

        def body(jc, rank, _k=k_mine, _lo=k_lo, _idx=idx_mine):
            k_jc = k_v[pl.ds(jc * 16, 16)]
            for l in range(16):
                k_j = k_jc[l]
                idx_j = (jc * 16 + l).astype(jnp.float32)
                beat = (k_j < _k) | ((k_j == _k) & (idx_j < _idx))
                rank = rank + jnp.where((k_j > _lo) & beat, 1.0, 0.0)
            return rank

        rank = lax.fori_loop(0, _NCHUNK, body,
                             jnp.zeros((16,), jnp.float32))
        kept_v[pl.ds(ic * 16, 16)] = jnp.where(rank < float(_K), 1.0, 0.0)

    pltpu.sync_copy(kept_v, kept_hbm.at[pl.ds(base, _PER)])


_sc_rank = functools.partial(
    pl.kernel,
    mesh=plsc.VectorSubcoreMesh(core_axis_name="c", subcore_axis_name="s"),
    out_type=jax.ShapeDtypeStruct((_NP,), jnp.float32),
    scratch_types=[
        pltpu.VMEM((_NP,), jnp.float32),
        pltpu.VMEM((_PER,), jnp.float32),
    ],
)(_sc_rank_kernel)


def _cent_kernel(feat_ref, wp_ref, y_ref, w_ref, kept_ref, out_ref,
                 wn_ref, fn_ref, cent_ref):
    fn_ref[...] = _norm_rows(feat_ref[...])
    for si in range(8):
        wn_ref[si * _B:(si + 1) * _B, :] = _norm_rows(
            wp_ref[si * _B:(si + 1) * _B, :])

    am = w_ref[9:10, :]
    for ci in range(5):
        cls = (jax.lax.broadcasted_iota(jnp.int32, (_CB, 1), 0)
               + ci * _CB).astype(jnp.float32)
        w_f = w_ref[8:9, :] * am * kept_ref[8:9, :]
        a_f = jnp.where(y_ref[8:9, :] == cls, w_f, 0.0)
        acc = jax.lax.dot_general(a_f, fn_ref[...], (((1,), (0,)), ((), ())),
                                  precision=_HI,
                                  preferred_element_type=jnp.float32)
        for sj in range(8):
            w_w = w_ref[sj:sj + 1, :] * (am * kept_ref[sj:sj + 1, :]
                                         + (1.0 - am))
            a_w = jnp.where(y_ref[sj:sj + 1, :] == cls, w_w, 0.0)
            acc += jax.lax.dot_general(
                a_w, wn_ref[sj * _B:(sj + 1) * _B, :], (((1,), (0,)), ((), ())),
                precision=_HI, preferred_element_type=jnp.float32)
        cent_ref[ci * _CB:(ci + 1) * _CB, :] = _norm_rows(acc)

    out_ref[...] = _SCALE * jax.lax.dot_general(
        fn_ref[...], cent_ref[...], (((1,), (1,)), ((), ())),
        precision=_HI, preferred_element_type=jnp.float32)


def kernel(feat, logits_raw, logits_aug, W, b):
    w_pad = jnp.pad(W, ((0, _CP - _C), (0, 0)))
    b_col = b.reshape(_C, 1)

    y12, k12, w12 = pl.pallas_call(
        _stats_kernel,
        out_shape=[jax.ShapeDtypeStruct((12, _B), jnp.float32)] * 3,
        compiler_params=pltpu.CompilerParams(
            vmem_limit_bytes=100 * 1024 * 1024,
        ),
    )(feat, logits_raw.T, logits_aug.T, w_pad, b_col)

    kept = _sc_rank(k12.reshape(_NP))
    kept12 = kept.reshape(12, _B)

    return pl.pallas_call(
        _cent_kernel,
        out_shape=jax.ShapeDtypeStruct((_B, _C), jnp.float32),
        scratch_shapes=[
            pltpu.VMEM((_CP, _D), jnp.float32),
            pltpu.VMEM((_B, _D), jnp.float32),
            pltpu.VMEM((_C, _D), jnp.float32),
        ],
        compiler_params=pltpu.CompilerParams(
            vmem_limit_bytes=100 * 1024 * 1024,
        ),
    )(feat, w_pad, y12, w12, kept12)

# --- scband reference (transcript-rebuilt; emitter-appended) ---
"""Pipeline reference for scband-ofttaprototype-head-20761871909706 (READ-ONLY COPY).

The authoritative reference and input builder live on the scoring server;
editing this copy changes nothing except your own understanding.
"""

import jax, jax.numpy as jnp
import numpy as np

B = 128
D = 1024
C = 1000
FILTER_K = 10
TAU = 1.0
SCALE = 20.0


def _entropy(logits):
    p = jax.nn.softmax(logits, axis=1)
    return -(p * jax.nn.log_softmax(logits, axis=1)).sum(axis=1)


def _normalize(x):
    n = jnp.linalg.norm(x, axis=1, keepdims=True)
    return x / jnp.maximum(n, 1e-12)


def setup_inputs(seed: int = 0):
    key = jax.random.key(seed)
    k1, k2, k3, k4, k5 = jax.random.split(key, 5)
    feat = jax.random.normal(k1, (B, D), dtype=jnp.float32)
    logits_raw = jax.random.normal(k2, (B, C), dtype=jnp.float32)
    # correlated second view so the consistency gate accepts a realistic fraction
    logits_aug = logits_raw + 0.1 * jax.random.normal(k3, (B, C), dtype=jnp.float32)
    W = 0.02 * jax.random.normal(k4, (C, D), dtype=jnp.float32)
    b = 0.01 * jax.random.normal(k5, (C,), dtype=jnp.float32)
    return {"feat": feat, "logits_raw": logits_raw, "logits_aug": logits_aug, "W": W, "b": b}


def _select_keep(y_idx, ents, filter_k, valid):
    # per-class top-K lowest-entropy selection, classes in ascending order
    n = y_idx.shape[0]
    y_mod = jnp.where(valid, y_idx, C)
    keyv = y_mod.astype(jnp.float32) * 1000.0 + jnp.where(valid, ents, 0.0)  # entropy < log(C) ~ 6.9 << 1000
    order = jnp.argsort(keyv)
    sorted_y = y_mod[order]
    start = jnp.searchsorted(sorted_y, sorted_y, side='left')
    rank = jnp.arange(n) - start
    kept = (rank < filter_k) & valid[order]
    perm = jnp.argsort(~kept, stable=True)
    return order[perm], kept[perm]


def reference(feat, logits_raw, logits_aug, W, b):
    # warmup state (from classifier weights)
    warm = W @ W.T + b
    p0 = jax.nn.softmax(warm, axis=1)
    labels0 = jax.nn.one_hot(jnp.argmax(warm, axis=1), C, dtype=jnp.float32)
    ents0 = _entropy(warm)
    conf0 = jnp.max(p0, axis=1)

    logits = feat @ W.T + b
    p = jax.nn.softmax(logits, axis=1)
    yhat = jax.nn.one_hot(jnp.argmax(logits, axis=1), C, dtype=jnp.float32)
    ent = _entropy(logits)

    # consistency gate (ent_thresh=None in this config)
    mask = jnp.argmax(logits_raw, axis=1) == jnp.argmax(logits_aug, axis=1)

    supports_all = jnp.concatenate([W, feat], axis=0)
    labels_all = jnp.concatenate([labels0, yhat], axis=0)
    ents_all = jnp.concatenate([ents0, ent], axis=0)
    conf_all = jnp.concatenate([conf0, jnp.max(p, axis=1)], axis=0)
    valid = jnp.concatenate([jnp.ones((C,), dtype=bool), mask], axis=0)

    def _filtered(_):
        y_idx = jnp.argmax(labels_all, axis=1)
        sel, kept = _select_keep(y_idx, ents_all, FILTER_K, valid)
        return (supports_all[sel],
                labels_all[sel] * kept[:, None].astype(jnp.float32),
                conf_all[sel])

    def _plain(_):
        keep0 = jnp.concatenate([jnp.ones((C,), jnp.float32), jnp.zeros((B,), jnp.float32)])
        return supports_all, labels_all * keep0[:, None], conf_all

    supports, labels, conf = jax.lax.cond(mask.any(), _filtered, _plain, None)

    S = _normalize(supports)
    w = jnp.maximum(conf, 1e-06)[:, None]
    lab_w = labels * w
    denom = jnp.maximum(lab_w.sum(axis=0, keepdims=True), 1e-12)
    centroids = _normalize((lab_w / denom).T @ S)
    feat_n = _normalize(feat)
    out = SCALE * (feat_n @ centroids.T) / max(TAU, 1e-06)
    return out

if __name__ == "__main__":
    import jax
    _d = setup_inputs()
    print(jax.jit(kernel)(*tuple(_d.values())))

</pallas_src>

<mosaic_0001>
#map = affine_map<(d0, d1) -> (0)>
module attributes {stable_mosaic.version = 14 : i64} {
  func.func @_sc_rank_kernel(%arg0: i32, %arg1: i32, %arg2: memref<1536xf32, #tpu.memory_space<hbm>>, %arg3: memref<1536xf32, #tpu.memory_space<hbm>>, %arg4: memref<1536xf32, #tpu.memory_space<vmem>>, %arg5: memref<48xf32, #tpu.memory_space<vmem>>) attributes {dimension_semantics = [#tpu.dimension_semantics<core_parallel>, #tpu.dimension_semantics<subcore_parallel>], iteration_bounds = array<i64: 2, 16>, scalar_prefetch = 0 : i64, scratch_operands = 2 : i64, tpu.core_type = #tpu.core_type<sc_vector_subcore>, window_params = [{transform_indices = #map}, {transform_indices = #map}]} {
    %mul3A = arith.constant 2 : i32
    %mul3A_0 = arith.muli %arg1, %mul3A : i32
    %add3A = arith.addi %mul3A_0, %arg0 : i32
    %mul3A_1 = arith.constant 48 : i32
    %mul3A_2 = arith.muli %add3A, %mul3A_1 : i32
    "tpu.region"() ({
      %run_scoped3A = tpu.sem_alloc : memref<!tpu.dma_semaphore, #tpu.memory_space<semaphore_mem>>
      tpu.enqueue_dma source(%arg2 : memref<1536xf32, #tpu.memory_space<hbm>>) target(%arg4 : memref<1536xf32, #tpu.memory_space<vmem>>) target_semaphore(%run_scoped3A : memref<!tpu.dma_semaphore, #tpu.memory_space<semaphore_mem>>)
      tpu.wait_dma2 semaphore(%run_scoped3A : memref<!tpu.dma_semaphore, #tpu.memory_space<semaphore_mem>>) src(%arg2 : memref<1536xf32, #tpu.memory_space<hbm>>) dst(%arg4 : memref<1536xf32, #tpu.memory_space<vmem>>)
      tpu.yield
    }) : () -> ()
    %iota3A = tpu.iota {dimensions = array<i32: 0>} : vector<16xi32>
    %convert_element_type3A = arith.sitofp %iota3A : vector<16xi32> to vector<16xf32>
    %add3A_3 = arith.constant 0 : i32
    %add3A_4 = arith.addi %mul3A_2, %add3A_3 : i32
    %get3A = arith.index_cast %add3A_4 : i32 to index
    %get3A_5 = tpu.vector_load %arg4[%get3A] {strides = array<i32>} : memref<1536xf32, #tpu.memory_space<vmem>>, vector<16xf32>,
    %get3A_6 = vector.shape_cast %get3A_5 : vector<16xf32> to vector<16xf32>
    %sub3A = arith.constant 9.000000e+02 : f32
    %sub3A_7 = vector.broadcast %sub3A : f32 to vector<16xf32>
    %sub3A_8 = arith.subf %get3A_6, %sub3A_7 : vector<16xf32>
    %add3A_9 = arith.constant 0 : i32
    %add3A_10 = arith.addi %mul3A_2, %add3A_9 : i32
    %convert_element_type3A_11 = arith.sitofp %add3A_10 : i32 to f32
    %add3A_12 = vector.broadcast %convert_element_type3A_11 : f32 to vector<16xf32>
    %add3A_13 = arith.addf %convert_element_type3A, %add3A_12 : vector<16xf32>
    %broadcast_in_dim3A = arith.constant 0.000000e+00 : f32
    %broadcast_in_dim3A_14 = vector.broadcast %broadcast_in_dim3A : f32 to vector<16xf32>
    %scan3A = arith.constant 0 : i32
    %scan3A_15 = arith.constant 72 : i32
    %scan3A_16 = arith.addi %scan3A, %scan3A_15 : i32
    %scan3A_17 = arith.constant 1 : i32
    %scan3A_18 = scf.for %scan3A_94 = %scan3A to %scan3A_16 step %scan3A_17 iter_args(%scan3A_95 = %broadcast_in_dim3A_14) -> (vector<16xf32>)  : i32 {
      %mul3A_96 = arith.constant 16 : i32
      %mul3A_97 = arith.muli %scan3A_94, %mul3A_96 : i32
      %get3A_98 = arith.index_cast %mul3A_97 : i32 to index
      %get3A_99 = tpu.vector_load %arg4[%get3A_98] {strides = array<i32>} : memref<1536xf32, #tpu.memory_space<vmem>>, vector<16xf32>,
      %get3A_100 = vector.shape_cast %get3A_99 : vector<16xf32> to vector<16xf32>
      %slice3A = vector.extract_strided_slice %get3A_100 {offsets = [0], sizes = [1], strides = [1]} : vector<16xf32> to vector<1xf32>
      %squeeze3A = vector.extract %slice3A[0] : f32 from vector<1xf32>
      %mul3A_101 = arith.constant 16 : i32
      %mul3A_102 = arith.muli %scan3A_94, %mul3A_101 : i32
      %add3A_103 = arith.constant 0 : i32
      %add3A_104 = arith.addi %mul3A_102, %add3A_103 : i32
      %convert_element_type3A_105 = arith.sitofp %add3A_104 : i32 to f32
      %lt3A_106 = vector.broadcast %squeeze3A : f32 to vector<16xf32>
      %lt3A_107 = arith.cmpf olt, %lt3A_106, %get3A_6 : vector<16xf32>
      %eq3A = vector.broadcast %squeeze3A : f32 to vector<16xf32>
      %eq3A_108 = arith.cmpf oeq, %eq3A, %get3A_6 : vector<16xf32>
      %lt3A_109 = vector.broadcast %convert_element_type3A_105 : f32 to vector<16xf32>
      %lt3A_110 = arith.cmpf olt, %lt3A_109, %add3A_13 : vector<16xf32>
      %and3A = arith.andi %eq3A_108, %lt3A_110 : vector<16xi1>
      %or3A = arith.ori %lt3A_107, %and3A : vector<16xi1>
      %gt3A = vector.broadcast %squeeze3A : f32 to vector<16xf32>
      %gt3A_111 = arith.cmpf ogt, %gt3A, %sub3A_8 : vector<16xf32>
      %and3A_112 = arith.andi %gt3A_111, %or3A : vector<16xi1>
      %jit3A_113 = arith.constant 1.000000e+00 : f32
      %jit3A_114 = arith.constant 0.000000e+00 : f32
      %broadcast_in_dim3A_115 = vector.broadcast %jit3A_113 : f32 to vector<16xf32>
      %broadcast_in_dim3A_116 = vector.broadcast %jit3A_114 : f32 to vector<16xf32>
      %select_n3A_117 = arith.select %and3A_112, %broadcast_in_dim3A_115, %broadcast_in_dim3A_116 : vector<16xi1>, vector<16xf32>
      %add3A_118 = arith.addf %scan3A_95, %select_n3A_117 : vector<16xf32>
      %slice3A_119 = vector.extract_strided_slice %get3A_100 {offsets = [1], sizes = [1], strides = [1]} : vector<16xf32> to vector<1xf32>
      %squeeze3A_120 = vector.extract %slice3A_119[0] : f32 from vector<1xf32>
      %mul3A_121 = arith.constant 16 : i32
      %mul3A_122 = arith.muli %scan3A_94, %mul3A_121 : i32
      %add3A_123 = arith.constant 1 : i32
      %add3A_124 = arith.addi %mul3A_122, %add3A_123 : i32
      %convert_element_type3A_125 = arith.sitofp %add3A_124 : i32 to f32
      %lt3A_126 = vector.broadcast %squeeze3A_120 : f32 to vector<16xf32>
      %lt3A_127 = arith.cmpf olt, %lt3A_126, %get3A_6 : vector<16xf32>
      %eq3A_128 = vector.broadcast %squeeze3A_120 : f32 to vector<16xf32>
      %eq3A_129 = arith.cmpf oeq, %eq3A_128, %get3A_6 : vector<16xf32>
      %lt3A_130 = vector.broadcast %convert_element_type3A_125 : f32 to vector<16xf32>
      %lt3A_131 = arith.cmpf olt, %lt3A_130, %add3A_13 : vector<16xf32>
      %and3A_132 = arith.andi %eq3A_129, %lt3A_131 : vector<16xi1>
      %or3A_133 = arith.ori %lt3A_127, %and3A_132 : vector<16xi1>
      %gt3A_134 = vector.broadcast %squeeze3A_120 : f32 to vector<16xf32>
      %gt3A_135 = arith.cmpf ogt, %gt3A_134, %sub3A_8 : vector<16xf32>
      %and3A_136 = arith.andi %gt3A_135, %or3A_133 : vector<16xi1>
      %jit3A_137 = arith.constant 1.000000e+00 : f32
      %jit3A_138 = arith.constant 0.000000e+00 : f32
      %broadcast_in_dim3A_139 = vector.broadcast %jit3A_137 : f32 to vector<16xf32>
      %broadcast_in_dim3A_140 = vector.broadcast %jit3A_138 : f32 to vector<16xf32>
      %select_n3A_141 = arith.select %and3A_136, %broadcast_in_dim3A_139, %broadcast_in_dim3A_140 : vector<16xi1>, vector<16xf32>
      %add3A_142 = arith.addf %add3A_118, %select_n3A_141 : vector<16xf32>
      %slice3A_143 = vector.extract_strided_slice %get3A_100 {offsets = [2], sizes = [1], strides = [1]} : vector<16xf32> to vector<1xf32>
      %squeeze3A_144 = vector.extract %slice3A_143[0] : f32 from vector<1xf32>
      %mul3A_145 = arith.constant 16 : i32
      %mul3A_146 = arith.muli %scan3A_94, %mul3A_145 : i32
      %add3A_147 = arith.constant 2 : i32
      %add3A_148 = arith.addi %mul3A_146, %add3A_147 : i32
      %convert_element_type3A_149 = arith.sitofp %add3A_148 : i32 to f32
      %lt3A_150 = vector.broadcast %squeeze3A_144 : f32 to vector<16xf32>
      %lt3A_151 = arith.cmpf olt, %lt3A_150, %get3A_6 : vector<16xf32>
      %eq3A_152 = vector.broadcast %squeeze3A_144 : f32 to vector<16xf32>
      %eq3A_153 = arith.cmpf oeq, %eq3A_152, %get3A_6 : vector<16xf32>
      %lt3A_154 = vector.broadcast %convert_element_type3A_149 : f32 to vector<16xf32>
      %lt3A_155 = arith.cmpf olt, %lt3A_154, %add3A_13 : vector<16xf32>
      %and3A_156 = arith.andi %eq3A_153, %lt3A_155 : vector<16xi1>
      %or3A_157 = arith.ori %lt3A_151, %and3A_156 : vector<16xi1>
      %gt3A_158 = vector.broadcast %squeeze3A_144 : f32 to vector<16xf32>
      %gt3A_159 = arith.cmpf ogt, %gt3A_158, %sub3A_8 : vector<16xf32>
      %and3A_160 = arith.andi %gt3A_159, %or3A_157 : vector<16xi1>
      %jit3A_161 = arith.constant 1.000000e+00 : f32
      %jit3A_162 = arith.constant 0.000000e+00 : f32
      %broadcast_in_dim3A_163 = vector.broadcast %jit3A_161 : f32 to vector<16xf32>
      %broadcast_in_dim3A_164 = vector.broadcast %jit3A_162 : f32 to vector<16xf32>
      %select_n3A_165 = arith.select %and3A_160, %broadcast_in_dim3A_163, %broadcast_in_dim3A_164 : vector<16xi1>, vector<16xf32>
      %add3A_166 = arith.addf %add3A_142, %select_n3A_165 : vector<16xf32>
      %slice3A_167 = vector.extract_strided_slice %get3A_100 {offsets = [3], sizes = [1], strides = [1]} : vector<16xf32> to vector<1xf32>
      %squeeze3A_168 = vector.extract %slice3A_167[0] : f32 from vector<1xf32>
      %mul3A_169 = arith.constant 16 : i32
      %mul3A_170 = arith.muli %scan3A_94, %mul3A_169 : i32
      %add3A_171 = arith.constant 3 : i32
      %add3A_172 = arith.addi %mul3A_170, %add3A_171 : i32
      %convert_element_type3A_173 = arith.sitofp %add3A_172 : i32 to f32
      %lt3A_174 = vector.broadcast %squeeze3A_168 : f32 to vector<16xf32>
      %lt3A_175 = arith.cmpf olt, %lt3A_174, %get3A_6 : vector<16xf32>
      %eq3A_176 = vector.broadcast %squeeze3A_168 : f32 to vector<16xf32>
      %eq3A_177 = arith.cmpf oeq, %eq3A_176, %get3A_6 : vector<16xf32>
      %lt3A_178 = vector.broadcast %convert_element_type3A_173 : f32 to vector<16xf32>
      %lt3A_179 = arith.cmpf olt, %lt3A_178, %add3A_13 : vector<16xf32>
      %and3A_180 = arith.andi %eq3A_177, %lt3A_179 : vector<16xi1>
      %or3A_181 = arith.ori %lt3A_175, %and3A_180 : vector<16xi1>
      %gt3A_182 = vector.broadcast %squeeze3A_168 : f32 to vector<16xf32>
      %gt3A_183 = arith.cmpf ogt, %gt3A_182, %sub3A_8 : vector<16xf32>
      %and3A_184 = arith.andi %gt3A_183, %or3A_181 : vector<16xi1>
      %jit3A_185 = arith.constant 1.000000e+00 : f32
      %jit3A_186 = arith.constant 0.000000e+00 : f32
      %broadcast_in_dim3A_187 = vector.broadcast %jit3A_185 : f32 to vector<16xf32>
      %broadcast_in_dim3A_188 = vector.broadcast %jit3A_186 : f32 to vector<16xf32>
      %select_n3A_189 = arith.select %and3A_184, %broadcast_in_dim3A_187, %broadcast_in_dim3A_188 : vector<16xi1>, vector<16xf32>
      %add3A_190 = arith.addf %add3A_166, %select_n3A_189 : vector<16xf32>
      %slice3A_191 = vector.extract_strided_slice %get3A_100 {offsets = [4], sizes = [1], strides = [1]} : vector<16xf32> to vector<1xf32>
      %squeeze3A_192 = vector.extract %slice3A_191[0] : f32 from vector<1xf32>
      %mul3A_193 = arith.constant 16 : i32
      %mul3A_194 = arith.muli %scan3A_94, %mul3A_193 : i32
      %add3A_195 = arith.constant 4 : i32
      %add3A_196 = arith.addi %mul3A_194, %add3A_195 : i32
      %convert_element_type3A_197 = arith.sitofp %add3A_196 : i32 to f32
      %lt3A_198 = vector.broadcast %squeeze3A_192 : f32 to vector<16xf32>
      %lt3A_199 = arith.cmpf olt, %lt3A_198, %get3A_6 : vector<16xf32>
      %eq3A_200 = vector.broadcast %squeeze3A_192 : f32 to vector<16xf32>
      %eq3A_201 = arith.cmpf oeq, %eq3A_200, %get3A_6 : vector<16xf32>
      %lt3A_202 = vector.broadcast %convert_element_type3A_197 : f32 to vector<16xf32>
      %lt3A_203 = arith.cmpf olt, %lt3A_202, %add3A_13 : vector<16xf32>
      %and3A_204 = arith.andi %eq3A_201, %lt3A_203 : vector<16xi1>
      %or3A_205 = arith.ori %lt3A_199, %and3A_204 : vector<16xi1>
      %gt3A_206 = vector.broadcast %squeeze3A_192 : f32 to vector<16xf32>
      %gt3A_207 = arith.cmpf ogt, %gt3A_206, %sub3A_8 : vector<16xf32>
      %and3A_208 = arith.andi %gt3A_207, %or3A_205 : vector<16xi1>
      %jit3A_209 = arith.constant 1.000000e+00 : f32
      %jit3A_210 = arith.constant 0.000000e+00 : f32
      %broadcast_in_dim3A_211 = vector.broadcast %jit3A_209 : f32 to vector<16xf32>
      %broadcast_in_dim3A_212 = vector.broadcast %jit3A_210 : f32 to vector<16xf32>
      %select_n3A_213 = arith.select %and3A_208, %broadcast_in_dim3A_211, %broadcast_in_dim3A_212 : vector<16xi1>, vector<16xf32>
      %add3A_214 = arith.addf %add3A_190, %select_n3A_213 : vector<16xf32>
      %slice3A_215 = vector.extract_strided_slice %get3A_100 {offsets = [5], sizes = [1], strides = [1]} : vector<16xf32> to vector<1xf32>
      %squeeze3A_216 = vector.extract %slice3A_215[0] : f32 from vector<1xf32>
      %mul3A_217 = arith.constant 16 : i32
      %mul3A_218 = arith.muli %scan3A_94, %mul3A_217 : i32
      %add3A_219 = arith.constant 5 : i32
      %add3A_220 = arith.addi %mul3A_218, %add3A_219 : i32
      %convert_element_type3A_221 = arith.sitofp %add3A_220 : i32 to f32
      %lt3A_222 = vector.broadcast %squeeze3A_216 : f32 to vector<16xf32>
      %lt3A_223 = arith.cmpf olt, %lt3A_222, %get3A_6 : vector<16xf32>
      %eq3A_224 = vector.broadcast %squeeze3A_216 : f32 to vector<16xf32>
      %eq3A_225 = arith.cmpf oeq, %eq3A_224, %get3A_6 : vector<16xf32>
      %lt3A_226 = vector.broadcast %convert_element_type3A_221 : f32 to vector<16xf32>
      %lt3A_227 = arith.cmpf olt, %lt3A_226, %add3A_13 : vector<16xf32>
      %and3A_228 = arith.andi %eq3A_225, %lt3A_227 : vector<16xi1>
      %or3A_229 = arith.ori %lt3A_223, %and3A_228 : vector<16xi1>
      %gt3A_230 = vector.broadcast %squeeze3A_216 : f32 to vector<16xf32>
      %gt3A_231 = arith.cmpf ogt, %gt3A_230, %sub3A_8 : vector<16xf32>
      %and3A_232 = arith.andi %gt3A_231, %or3A_229 : vector<16xi1>
      %jit3A_233 = arith.constant 1.000000e+00 : f32
      %jit3A_234 = arith.constant 0.000000e+00 : f32
      %broadcast_in_dim3A_235 = vector.broadcast %jit3A_233 : f32 to vector<16xf32>
      %broadcast_in_dim3A_236 = vector.broadcast %jit3A_234 : f32 to vector<16xf32>
      %select_n3A_237 = arith.select %and3A_232, %broadcast_in_dim3A_235, %broadcast_in_dim3A_236 : vector<16xi1>, vector<16xf32>
      %add3A_238 = arith.addf %add3A_214, %select_n3A_237 : vector<16xf32>
      %slice3A_239 = vector.extract_strided_slice %get3A_100 {offsets = [6], sizes = [1], strides = [1]} : vector<16xf32> to vector<1xf32>
      %squeeze3A_240 = vector.extract %slice3A_239[0] : f32 from vector<1xf32>
      %mul3A_241 = arith.constant 16 : i32
      %mul3A_242 = arith.muli %scan3A_94, %mul3A_241 : i32
      %add3A_243 = arith.constant 6 : i32
      %add3A_244 = arith.addi %mul3A_242, %add3A_243 : i32
      %convert_element_type3A_245 = arith.sitofp %add3A_244 : i32 to f32
      %lt3A_246 = vector.broadcast %squeeze3A_240 : f32 to vector<16xf32>
      %lt3A_247 = arith.cmpf olt, %lt3A_246, %get3A_6 : vector<16xf32>
      %eq3A_248 = vector.broadcast %squeeze3A_240 : f32 to vector<16xf32>
      %eq3A_249 = arith.cmpf oeq, %eq3A_248, %get3A_6 : vector<16xf32>
      %lt3A_250 = vector.broadcast %convert_element_type3A_245 : f32 to vector<16xf32>
      %lt3A_251 = arith.cmpf olt, %lt3A_250, %add3A_13 : vector<16xf32>
      %and3A_252 = arith.andi %eq3A_249, %lt3A_251 : vector<16xi1>
      %or3A_253 = arith.ori %lt3A_247, %and3A_252 : vector<16xi1>
      %gt3A_254 = vector.broadcast %squeeze3A_240 : f32 to vector<16xf32>
      %gt3A_255 = arith.cmpf ogt, %gt3A_254, %sub3A_8 : vector<16xf32>
      %and3A_256 = arith.andi %gt3A_255, %or3A_253 : vector<16xi1>
      %jit3A_257 = arith.constant 1.000000e+00 : f32
      %jit3A_258 = arith.constant 0.000000e+00 : f32
      %broadcast_in_dim3A_259 = vector.broadcast %jit3A_257 : f32 to vector<16xf32>
      %broadcast_in_dim3A_260 = vector.broadcast %jit3A_258 : f32 to vector<16xf32>
      %select_n3A_261 = arith.select %and3A_256, %broadcast_in_dim3A_259, %broadcast_in_dim3A_260 : vector<16xi1>, vector<16xf32>
      %add3A_262 = arith.addf %add3A_238, %select_n3A_261 : vector<16xf32>
      %slice3A_263 = vector.extract_strided_slice %get3A_100 {offsets = [7], sizes = [1], strides = [1]} : vector<16xf32> to vector<1xf32>
      %squeeze3A_264 = vector.extract %slice3A_263[0] : f32 from vector<1xf32>
      %mul3A_265 = arith.constant 16 : i32
      %mul3A_266 = arith.muli %scan3A_94, %mul3A_265 : i32
      %add3A_267 = arith.constant 7 : i32
      %add3A_268 = arith.addi %mul3A_266, %add3A_267 : i32
      %convert_element_type3A_269 = arith.sitofp %add3A_268 : i32 to f32
      %lt3A_270 = vector.broadcast %squeeze3A_264 : f32 to vector<16xf32>
      %lt3A_271 = arith.cmpf olt, %lt3A_270, %get3A_6 : vector<16xf32>
      %eq3A_272 = vector.broadcast %squeeze3A_264 : f32 to vector<16xf32>
      %eq3A_273 = arith.cmpf oeq, %eq3A_272, %get3A_6 : vector<16xf32>
      %lt3A_274 = vector.broadcast %convert_element_type3A_269 : f32 to vector<16xf32>
      %lt3A_275 = arith.cmpf olt, %lt3A_274, %add3A_13 : vector<16xf32>
      %and3A_276 = arith.andi %eq3A_273, %lt3A_275 : vector<16xi1>
      %or3A_277 = arith.ori %lt3A_271, %and3A_276 : vector<16xi1>
      %gt3A_278 = vector.broadcast %squeeze3A_264 : f32 to vector<16xf32>
      %gt3A_279 = arith.cmpf ogt, %gt3A_278, %sub3A_8 : vector<16xf32>
      %and3A_280 = arith.andi %gt3A_279, %or3A_277 : vector<16xi1>
      %jit3A_281 = arith.constant 1.000000e+00 : f32
      %jit3A_282 = arith.constant 0.000000e+00 : f32
      %broadcast_in_dim3A_283 = vector.broadcast %jit3A_281 : f32 to vector<16xf32>
      %broadcast_in_dim3A_284 = vector.broadcast %jit3A_282 : f32 to vector<16xf32>
      %select_n3A_285 = arith.select %and3A_280, %broadcast_in_dim3A_283, %broadcast_in_dim3A_284 : vector<16xi1>, vector<16xf32>
      %add3A_286 = arith.addf %add3A_262, %select_n3A_285 : vector<16xf32>
      %slice3A_287 = vector.extract_strided_slice %get3A_100 {offsets = [8], sizes = [1], strides = [1]} : vector<16xf32> to vector<1xf32>
      %squeeze3A_288 = vector.extract %slice3A_287[0] : f32 from vector<1xf32>
      %mul3A_289 = arith.constant 16 : i32
      %mul3A_290 = arith.muli %scan3A_94, %mul3A_289 : i32
      %add3A_291 = arith.constant 8 : i32
      %add3A_292 = arith.addi %mul3A_290, %add3A_291 : i32
      %convert_element_type3A_293 = arith.sitofp %add3A_292 : i32 to f32
      %lt3A_294 = vector.broadcast %squeeze3A_288 : f32 to vector<16xf32>
      %lt3A_295 = arith.cmpf olt, %lt3A_294, %get3A_6 : vector<16xf32>
      %eq3A_296 = vector.broadcast %squeeze3A_288 : f32 to vector<16xf32>
      %eq3A_297 = arith.cmpf oeq, %eq3A_296, %get3A_6 : vector<16xf32>
      %lt3A_298 = vector.broadcast %convert_element_type3A_293 : f32 to vector<16xf32>
      %lt3A_299 = arith.cmpf olt, %lt3A_298, %add3A_13 : vector<16xf32>
      %and3A_300 = arith.andi %eq3A_297, %lt3A_299 : vector<16xi1>
      %or3A_301 = arith.ori %lt3A_295, %and3A_300 : vector<16xi1>
      %gt3A_302 = vector.broadcast %squeeze3A_288 : f32 to vector<16xf32>
      %gt3A_303 = arith.cmpf ogt, %gt3A_302, %sub3A_8 : vector<16xf32>
      %and3A_304 = arith.andi %gt3A_303, %or3A_301 : vector<16xi1>
      %jit3A_305 = arith.constant 1.000000e+00 : f32
      %jit3A_306 = arith.constant 0.000000e+00 : f32
      %broadcast_in_dim3A_307 = vector.broadcast %jit3A_305 : f32 to vector<16xf32>
      %broadcast_in_dim3A_308 = vector.broadcast %jit3A_306 : f32 to vector<16xf32>
      %select_n3A_309 = arith.select %and3A_304, %broadcast_in_dim3A_307, %broadcast_in_dim3A_308 : vector<16xi1>, vector<16xf32>
      %add3A_310 = arith.addf %add3A_286, %select_n3A_309 : vector<16xf32>
      %slice3A_311 = vector.extract_strided_slice %get3A_100 {offsets = [9], sizes = [1], strides = [1]} : vector<16xf32> to vector<1xf32>
      %squeeze3A_312 = vector.extract %slice3A_311[0] : f32 from vector<1xf32>
      %mul3A_313 = arith.constant 16 : i32
      %mul3A_314 = arith.muli %scan3A_94, %mul3A_313 : i32
      %add3A_315 = arith.constant 9 : i32
      %add3A_316 = arith.addi %mul3A_314, %add3A_315 : i32
      %convert_element_type3A_317 = arith.sitofp %add3A_316 : i32 to f32
      %lt3A_318 = vector.broadcast %squeeze3A_312 : f32 to vector<16xf32>
      %lt3A_319 = arith.cmpf olt, %lt3A_318, %get3A_6 : vector<16xf32>
      %eq3A_320 = vector.broadcast %squeeze3A_312 : f32 to vector<16xf32>
      %eq3A_321 = arith.cmpf oeq, %eq3A_320, %get3A_6 : vector<16xf32>
      %lt3A_322 = vector.broadcast %convert_element_type3A_317 : f32 to vector<16xf32>
      %lt3A_323 = arith.cmpf olt, %lt3A_322, %add3A_13 : vector<16xf32>
      %and3A_324 = arith.andi %eq3A_321, %lt3A_323 : vector<16xi1>
      %or3A_325 = arith.ori %lt3A_319, %and3A_324 : vector<16xi1>
      %gt3A_326 = vector.broadcast %squeeze3A_312 : f32 to vector<16xf32>
      %gt3A_327 = arith.cmpf ogt, %gt3A_326, %sub3A_8 : vector<16xf32>
      %and3A_328 = arith.andi %gt3A_327, %or3A_325 : vector<16xi1>
      %jit3A_329 = arith.constant 1.000000e+00 : f32
      %jit3A_330 = arith.constant 0.000000e+00 : f32
      %broadcast_in_dim3A_331 = vector.broadcast %jit3A_329 : f32 to vector<16xf32>
      %broadcast_in_dim3A_332 = vector.broadcast %jit3A_330 : f32 to vector<16xf32>
      %select_n3A_333 = arith.select %and3A_328, %broadcast_in_dim3A_331, %broadcast_in_dim3A_332 : vector<16xi1>, vector<16xf32>
      %add3A_334 = arith.addf %add3A_310, %select_n3A_333 : vector<16xf32>
      %slice3A_335 = vector.extract_strided_slice %get3A_100 {offsets = [10], sizes = [1], strides = [1]} : vector<16xf32> to vector<1xf32>
      %squeeze3A_336 = vector.extract %slice3A_335[0] : f32 from vector<1xf32>
      %mul3A_337 = arith.constant 16 : i32
      %mul3A_338 = arith.muli %scan3A_94, %mul3A_337 : i32
      %add3A_339 = arith.constant 10 : i32
      %add3A_340 = arith.addi %mul3A_338, %add3A_339 : i32
      %convert_element_type3A_341 = arith.sitofp %add3A_340 : i32 to f32
      %lt3A_342 = vector.broadcast %squeeze3A_336 : f32 to vector<16xf32>
      %lt3A_343 = arith.cmpf olt, %lt3A_342, %get3A_6 : vector<16xf32>
      %eq3A_344 = vector.broadcast %squeeze3A_336 : f32 to vector<16xf32>
      %eq3A_345 = arith.cmpf oeq, %eq3A_344, %get3A_6 : vector<16xf32>
      %lt3A_346 = vector.broadcast %convert_element_type3A_341 : f32 to vector<16xf32>
      %lt3A_347 = arith.cmpf olt, %lt3A_346, %add3A_13 : vector<16xf32>
      %and3A_348 = arith.andi %eq3A_345, %lt3A_347 : vector<16xi1>
      %or3A_349 = arith.ori %lt3A_343, %and3A_348 : vector<16xi1>
      %gt3A_350 = vector.broadcast %squeeze3A_336 : f32 to vector<16xf32>
      %gt3A_351 = arith.cmpf ogt, %gt3A_350, %sub3A_8 : vector<16xf32>
      %and3A_352 = arith.andi %gt3A_351, %or3A_349 : vector<16xi1>
      %jit3A_353 = arith.constant 1.000000e+00 : f32
      %jit3A_354 = arith.constant 0.000000e+00 : f32
      %broadcast_in_dim3A_355 = vector.broadcast %jit3A_353 : f32 to vector<16xf32>
      %broadcast_in_dim3A_356 = vector.broadcast %jit3A_354 : f32 to vector<16xf32>
      %select_n3A_357 = arith.select %and3A_352, %broadcast_in_dim3A_355, %broadcast_in_dim3A_356 : vector<16xi1>, vector<16xf32>
      %add3A_358 = arith.addf %add3A_334, %select_n3A_357 : vector<16xf32>
      %slice3A_359 = vector.extract_strided_slice %get3A_100 {offsets = [11], sizes = [1], strides = [1]} : vector<16xf32> to vector<1xf32>
      %squeeze3A_360 = vector.extract %slice3A_359[0] : f32 from vector<1xf32>
      %mul3A_361 = arith.constant 16 : i32
      %mul3A_362 = arith.muli %scan3A_94, %mul3A_361 : i32
      %add3A_363 = arith.constant 11 : i32
      %add3A_364 = arith.addi %mul3A_362, %add3A_363 : i32
      %convert_element_type3A_365 = arith.sitofp %add3A_364 : i32 to f32
      %lt3A_366 = vector.broadcast %squeeze3A_360 : f32 to vector<16xf32>
      %lt3A_367 = arith.cmpf olt, %lt3A_366, %get3A_6 : vector<16xf32>
      %eq3A_368 = vector.broadcast %squeeze3A_360 : f32 to vector<16xf32>
      %eq3A_369 = arith.cmpf oeq, %eq3A_368, %get3A_6 : vector<16xf32>
      %lt3A_370 = vector.broadcast %convert_element_type3A_365 : f32 to vector<16xf32>
      %lt3A_371 = arith.cmpf olt, %lt3A_370, %add3A_13 : vector<16xf32>
      %and3A_372 = arith.andi %eq3A_369, %lt3A_371 : vector<16xi1>
      %or3A_373 = arith.ori %lt3A_367, %and3A_372 : vector<16xi1>
      %gt3A_374 = vector.broadcast %squeeze3A_360 : f32 to vector<16xf32>
      %gt3A_375 = arith.cmpf ogt, %gt3A_374, %sub3A_8 : vector<16xf32>
      %and3A_376 = arith.andi %gt3A_375, %or3A_373 : vector<16xi1>
      %jit3A_377 = arith.constant 1.000000e+00 : f32
      %jit3A_378 = arith.constant 0.000000e+00 : f32
      %broadcast_in_dim3A_379 = vector.broadcast %jit3A_377 : f32 to vector<16xf32>
      %broadcast_in_dim3A_380 = vector.broadcast %jit3A_378 : f32 to vector<16xf32>
      %select_n3A_381 = arith.select %and3A_376, %broadcast_in_dim3A_379, %broadcast_in_dim3A_380 : vector<16xi1>, vector<16xf32>
      %add3A_382 = arith.addf %add3A_358, %select_n3A_381 : vector<16xf32>
      %slice3A_383 = vector.extract_strided_slice %get3A_100 {offsets = [12], sizes = [1], strides = [1]} : vector<16xf32> to vector<1xf32>
      %squeeze3A_384 = vector.extract %slice3A_383[0] : f32 from vector<1xf32>
      %mul3A_385 = arith.constant 16 : i32
      %mul3A_386 = arith.muli %scan3A_94, %mul3A_385 : i32
      %add3A_387 = arith.constant 12 : i32
      %add3A_388 = arith.addi %mul3A_386, %add3A_387 : i32
      %convert_element_type3A_389 = arith.sitofp %add3A_388 : i32 to f32
      %lt3A_390 = vector.broadcast %squeeze3A_384 : f32 to vector<16xf32>
      %lt3A_391 = arith.cmpf olt, %lt3A_390, %get3A_6 : vector<16xf32>
      %eq3A_392 = vector.broadcast %squeeze3A_384 : f32 to vector<16xf32>
      %eq3A_393 = arith.cmpf oeq, %eq3A_392, %get3A_6 : vector<16xf32>
      %lt3A_394 = vector.broadcast %convert_element_type3A_389 : f32 to vector<16xf32>
      %lt3A_395 = arith.cmpf olt, %lt3A_394, %add3A_13 : vector<16xf32>
      %and3A_396 = arith.andi %eq3A_393, %lt3A_395 : vector<16xi1>
      %or3A_397 = arith.ori %lt3A_391, %and3A_396 : vector<16xi1>
      %gt3A_398 = vector.broadcast %squeeze3A_384 : f32 to vector<16xf32>
      %gt3A_399 = arith.cmpf ogt, %gt3A_398, %sub3A_8 : vector<16xf32>
      %and3A_400 = arith.andi %gt3A_399, %or3A_397 : vector<16xi1>
      %jit3A_401 = arith.constant 1.000000e+00 : f32
      %jit3A_402 = arith.constant 0.000000e+00 : f32
      %broadcast_in_dim3A_403 = vector.broadcast %jit3A_401 : f32 to vector<16xf32>
      %broadcast_in_dim3A_404 = vector.broadcast %jit3A_402 : f32 to vector<16xf32>
      %select_n3A_405 = arith.select %and3A_400, %broadcast_in_dim3A_403, %broadcast_in_dim3A_404 : vector<16xi1>, vector<16xf32>
      %add3A_406 = arith.addf %add3A_382, %select_n3A_405 : vector<16xf32>
      %slice3A_407 = vector.extract_strided_slice %get3A_100 {offsets = [13], sizes = [1], strides = [1]} : vector<16xf32> to vector<1xf32>
      %squeeze3A_408 = vector.extract %slice3A_407[0] : f32 from vector<1xf32>
      %mul3A_409 = arith.constant 16 : i32
      %mul3A_410 = arith.muli %scan3A_94, %mul3A_409 : i32
      %add3A_411 = arith.constant 13 : i32
      %add3A_412 = arith.addi %mul3A_410, %add3A_411 : i32
      %convert_element_type3A_413 = arith.sitofp %add3A_412 : i32 to f32
      %lt3A_414 = vector.broadcast %squeeze3A_408 : f32 to vector<16xf32>
      %lt3A_415 = arith.cmpf olt, %lt3A_414, %get3A_6 : vector<16xf32>
      %eq3A_416 = vector.broadcast %squeeze3A_408 : f32 to vector<16xf32>
      %eq3A_417 = arith.cmpf oeq, %eq3A_416, %get3A_6 : vector<16xf32>
      %lt3A_418 = vector.broadcast %convert_element_type3A_413 : f32 to vector<16xf32>
      %lt3A_419 = arith.cmpf olt, %lt3A_418, %add3A_13 : vector<16xf32>
      %and3A_420 = arith.andi %eq3A_417, %lt3A_419 : vector<16xi1>
      %or3A_421 = arith.ori %lt3A_415, %and3A_420 : vector<16xi1>
      %gt3A_422 = vector.broadcast %squeeze3A_408 : f32 to vector<16xf32>
      %gt3A_423 = arith.cmpf ogt, %gt3A_422, %sub3A_8 : vector<16xf32>
      %and3A_424 = arith.andi %gt3A_423, %or3A_421 : vector<16xi1>
      %jit3A_425 = arith.constant 1.000000e+00 : f32
      %jit3A_426 = arith.constant 0.000000e+00 : f32
      %broadcast_in_dim3A_427 = vector.broadcast %jit3A_425 : f32 to vector<16xf32>
      %broadcast_in_dim3A_428 = vector.broadcast %jit3A_426 : f32 to vector<16xf32>
      %select_n3A_429 = arith.select %and3A_424, %broadcast_in_dim3A_427, %broadcast_in_dim3A_428 : vector<16xi1>, vector<16xf32>
      %add3A_430 = arith.addf %add3A_406, %select_n3A_429 : vector<16xf32>
      %slice3A_431 = vector.extract_strided_slice %get3A_100 {offsets = [14], sizes = [1], strides = [1]} : vector<16xf32> to vector<1xf32>
      %squeeze3A_432 = vector.extract %slice3A_431[0] : f32 from vector<1xf32>
      %mul3A_433 = arith.constant 16 : i32
      %mul3A_434 = arith.muli %scan3A_94, %mul3A_433 : i32
      %add3A_435 = arith.constant 14 : i32
      %add3A_436 = arith.addi %mul3A_434, %add3A_435 : i32
      %convert_element_type3A_437 = arith.sitofp %add3A_436 : i32 to f32
      %lt3A_438 = vector.broadcast %squeeze3A_432 : f32 to vector<16xf32>
      %lt3A_439 = arith.cmpf olt, %lt3A_438, %get3A_6 : vector<16xf32>
      %eq3A_440 = vector.broadcast %squeeze3A_432 : f32 to vector<16xf32>
      %eq3A_441 = arith.cmpf oeq, %eq3A_440, %get3A_6 : vector<16xf32>
      %lt3A_442 = vector.broadcast %convert_element_type3A_437 : f32 to vector<16xf32>
      %lt3A_443 = arith.cmpf olt, %lt3A_442, %add3A_13 : vector<16xf32>
      %and3A_444 = arith.andi %eq3A_441, %lt3A_443 : vector<16xi1>
      %or3A_445 = arith.ori %lt3A_439, %and3A_444 : vector<16xi1>
      %gt3A_446 = vector.broadcast %squeeze3A_432 : f32 to vector<16xf32>
      %gt3A_447 = arith.cmpf ogt, %gt3A_446, %sub3A_8 : vector<16xf32>
      %and3A_448 = arith.andi %gt3A_447, %or3A_445 : vector<16xi1>
      %jit3A_449 = arith.constant 1.000000e+00 : f32
      %jit3A_450 = arith.constant 0.000000e+00 : f32
      %broadcast_in_dim3A_451 = vector.broadcast %jit3A_449 : f32 to vector<16xf32>
      %broadcast_in_dim3A_452 = vector.broadcast %jit3A_450 : f32 to vector<16xf32>
      %select_n3A_453 = arith.select %and3A_448, %broadcast_in_dim3A_451, %broadcast_in_dim3A_452 : vector<16xi1>, vector<16xf32>
      %add3A_454 = arith.addf %add3A_430, %select_n3A_453 : vector<16xf32>
      %slice3A_455 = vector.extract_strided_slice %get3A_100 {offsets = [15], sizes = [1], strides = [1]} : vector<16xf32> to vector<1xf32>
      %squeeze3A_456 = vector.extract %slice3A_455[0] : f32 from vector<1xf32>
      %mul3A_457 = arith.constant 16 : i32
      %mul3A_458 = arith.muli %scan3A_94, %mul3A_457 : i32
      %add3A_459 = arith.constant 15 : i32
      %add3A_460 = arith.addi %mul3A_458, %add3A_459 : i32
      %convert_element_type3A_461 = arith.sitofp %add3A_460 : i32 to f32
      %lt3A_462 = vector.broadcast %squeeze3A_456 : f32 to vector<16xf32>
      %lt3A_463 = arith.cmpf olt, %lt3A_462, %get3A_6 : vector<16xf32>
      %eq3A_464 = vector.broadcast %squeeze3A_456 : f32 to vector<16xf32>
      %eq3A_465 = arith.cmpf oeq, %eq3A_464, %get3A_6 : vector<16xf32>
      %lt3A_466 = vector.broadcast %convert_element_type3A_461 : f32 to vector<16xf32>
      %lt3A_467 = arith.cmpf olt, %lt3A_466, %add3A_13 : vector<16xf32>
      %and3A_468 = arith.andi %eq3A_465, %lt3A_467 : vector<16xi1>
      %or3A_469 = arith.ori %lt3A_463, %and3A_468 : vector<16xi1>
      %gt3A_470 = vector.broadcast %squeeze3A_456 : f32 to vector<16xf32>
      %gt3A_471 = arith.cmpf ogt, %gt3A_470, %sub3A_8 : vector<16xf32>
      %and3A_472 = arith.andi %gt3A_471, %or3A_469 : vector<16xi1>
      %jit3A_473 = arith.constant 1.000000e+00 : f32
      %jit3A_474 = arith.constant 0.000000e+00 : f32
      %broadcast_in_dim3A_475 = vector.broadcast %jit3A_473 : f32 to vector<16xf32>
      %broadcast_in_dim3A_476 = vector.broadcast %jit3A_474 : f32 to vector<16xf32>
      %select_n3A_477 = arith.select %and3A_472, %broadcast_in_dim3A_475, %broadcast_in_dim3A_476 : vector<16xi1>, vector<16xf32>
      %add3A_478 = arith.addf %add3A_454, %select_n3A_477 : vector<16xf32>
      scf.yield %add3A_478 : vector<16xf32>
    }
    %scan3A_19 = arith.constant 72 : i32
    %lt3A = arith.constant 1.000000e+01 : f32
    %lt3A_20 = vector.broadcast %lt3A : f32 to vector<16xf32>
    %lt3A_21 = arith.cmpf olt, %scan3A_18, %lt3A_20 : vector<16xf32>
    %jit3A = arith.constant 1.000000e+00 : f32
    %jit3A_22 = arith.constant 0.000000e+00 : f32
    %broadcast_in_dim3A_23 = vector.broadcast %jit3A : f32 to vector<16xf32>
    %broadcast_in_dim3A_24 = vector.broadcast %jit3A_22 : f32 to vector<16xf32>
    %select_n3A = arith.select %lt3A_21, %broadcast_in_dim3A_23, %broadcast_in_dim3A_24 : vector<16xi1>, vector<16xf32>
    %swap3A = arith.constant 0 : index
    %swap3A_25 = tpu.vector_load %arg5[%swap3A] {strides = array<i32>} : memref<48xf32, #tpu.memory_space<vmem>>, vector<16xf32>,
    %swap3A_26 = vector.shape_cast %swap3A_25 : vector<16xf32> to vector<16xf32>
    %swap3A_27 = vector.shape_cast %select_n3A : vector<16xf32> to vector<16xf32>
    tpu.vector_store %arg5[%swap3A], %swap3A_27 {strides = array<i32>} : memref<48xf32, #tpu.memory_space<vmem>>, vector<16xf32>,
    %add3A_28 = arith.constant 16 : i32
    %add3A_29 = arith.addi %mul3A_2, %add3A_28 : i32
    %get3A_30 = arith.index_cast %add3A_29 : i32 to index
    %get3A_31 = tpu.vector_load %arg4[%get3A_30] {strides = array<i32>} : memref<1536xf32, #tpu.memory_space<vmem>>, vector<16xf32>,
    %get3A_32 = vector.shape_cast %get3A_31 : vector<16xf32> to vector<16xf32>
    %sub3A_33 = arith.constant 9.000000e+02 : f32
    %sub3A_34 = vector.broadcast %sub3A_33 : f32 to vector<16xf32>
    %sub3A_35 = arith.subf %get3A_32, %sub3A_34 : vector<16xf32>
    %add3A_36 = arith.constant 16 : i32
    %add3A_37 = arith.addi %mul3A_2, %add3A_36 : i32
    %convert_element_type3A_38 = arith.sitofp %add3A_37 : i32 to f32
    %add3A_39 = vector.broadcast %convert_element_type3A_38 : f32 to vector<16xf32>
    %add3A_40 = arith.addf %convert_element_type3A, %add3A_39 : vector<16xf32>
    %broadcast_in_dim3A_41 = arith.constant 0.000000e+00 : f32
    %broadcast_in_dim3A_42 = vector.broadcast %broadcast_in_dim3A_41 : f32 to vector<16xf32>
    %scan3A_43 = arith.constant 0 : i32
    %scan3A_44 = arith.constant 72 : i32
    %scan3A_45 = arith.addi %scan3A_43, %scan3A_44 : i32
    %scan3A_46 = arith.constant 1 : i32
    %scan3A_47 = scf.for %scan3A_94 = %scan3A_43 to %scan3A_45 step %scan3A_46 iter_args(%scan3A_95 = %broadcast_in_dim3A_42) -> (vector<16xf32>)  : i32 {
      %mul3A_96 = arith.constant 16 : i32
      %mul3A_97 = arith.muli %scan3A_94, %mul3A_96 : i32
      %get3A_98 = arith.index_cast %mul3A_97 : i32 to index
      %get3A_99 = tpu.vector_load %arg4[%get3A_98] {strides = array<i32>} : memref<1536xf32, #tpu.memory_space<vmem>>, vector<16xf32>,
      %get3A_100 = vector.shape_cast %get3A_99 : vector<16xf32> to vector<16xf32>
      %slice3A = vector.extract_strided_slice %get3A_100 {offsets = [0], sizes = [1], strides = [1]} : vector<16xf32> to vector<1xf32>
      %squeeze3A = vector.extract %slice3A[0] : f32 from vector<1xf32>
      %mul3A_101 = arith.constant 16 : i32
      %mul3A_102 = arith.muli %scan3A_94, %mul3A_101 : i32
      %add3A_103 = arith.constant 0 : i32
      %add3A_104 = arith.addi %mul3A_102, %add3A_103 : i32
      %convert_element_type3A_105 = arith.sitofp %add3A_104 : i32 to f32
      %lt3A_106 = vector.broadcast %squeeze3A : f32 to vector<16xf32>
      %lt3A_107 = arith.cmpf olt, %lt3A_106, %get3A_32 : vector<16xf32>
      %eq3A = vector.broadcast %squeeze3A : f32 to vector<16xf32>
      %eq3A_108 = arith.cmpf oeq, %eq3A, %get3A_32 : vector<16xf32>
      %lt3A_109 = vector.broadcast %convert_element_type3A_105 : f32 to vector<16xf32>
      %lt3A_110 = arith.cmpf olt, %lt3A_109, %add3A_40 : vector<16xf32>
      %and3A = arith.andi %eq3A_108, %lt3A_110 : vector<16xi1>
      %or3A = arith.ori %lt3A_107, %and3A : vector<16xi1>
      %gt3A = vector.broadcast %squeeze3A : f32 to vector<16xf32>
      %gt3A_111 = arith.cmpf ogt, %gt3A, %sub3A_35 : vector<16xf32>
      %and3A_112 = arith.andi %gt3A_111, %or3A : vector<16xi1>
      %jit3A_113 = arith.constant 1.000000e+00 : f32
      %jit3A_114 = arith.constant 0.000000e+00 : f32
      %broadcast_in_dim3A_115 = vector.broadcast %jit3A_113 : f32 to vector<16xf32>
      %broadcast_in_dim3A_116 = vector.broadcast %jit3A_114 : f32 to vector<16xf32>
      %select_n3A_117 = arith.select %and3A_112, %broadcast_in_dim3A_115, %broadcast_in_dim3A_116 : vector<16xi1>, vector<16xf32>
      %add3A_118 = arith.addf %scan3A_95, %select_n3A_117 : vector<16xf32>
      %slice3A_119 = vector.extract_strided_slice %get3A_100 {offsets = [1], sizes = [1], strides = [1]} : vector<16xf32> to vector<1xf32>
      %squeeze3A_120 = vector.extract %slice3A_119[0] : f32 from vector<1xf32>
      %mul3A_121 = arith.constant 16 : i32
      %mul3A_122 = arith.muli %scan3A_94, %mul3A_121 : i32
      %add3A_123 = arith.constant 1 : i32
      %add3A_124 = arith.addi %mul3A_122, %add3A_123 : i32
      %convert_element_type3A_125 = arith.sitofp %add3A_124 : i32 to f32
      %lt3A_126 = vector.broadcast %squeeze3A_120 : f32 to vector<16xf32>
      %lt3A_127 = arith.cmpf olt, %lt3A_126, %get3A_32 : vector<16xf32>
      %eq3A_128 = vector.broadcast %squeeze3A_120 : f32 to vector<16xf32>
      %eq3A_129 = arith.cmpf oeq, %eq3A_128, %get3A_32 : vector<16xf32>
      %lt3A_130 = vector.broadcast %convert_element_type3A_125 : f32 to vector<16xf32>
      %lt3A_131 = arith.cmpf olt, %lt3A_130, %add3A_40 : vector<16xf32>
      %and3A_132 = arith.andi %eq3A_129, %lt3A_131 : vector<16xi1>
      %or3A_133 = arith.ori %lt3A_127, %and3A_132 : vector<16xi1>
      %gt3A_134 = vector.broadcast %squeeze3A_120 : f32 to vector<16xf32>
      %gt3A_135 = arith.cmpf ogt, %gt3A_134, %sub3A_35 : vector<16xf32>
      %and3A_136 = arith.andi %gt3A_135, %or3A_133 : vector<16xi1>
      %jit3A_137 = arith.constant 1.000000e+00 : f32
      %jit3A_138 = arith.constant 0.000000e+00 : f32
      %broadcast_in_dim3A_139 = vector.broadcast %jit3A_137 : f32 to vector<16xf32>
      %broadcast_in_dim3A_140 = vector.broadcast %jit3A_138 : f32 to vector<16xf32>
      %select_n3A_141 = arith.select %and3A_136, %broadcast_in_dim3A_139, %broadcast_in_dim3A_140 : vector<16xi1>, vector<16xf32>
      %add3A_142 = arith.addf %add3A_118, %select_n3A_141 : vector<16xf32>
      %slice3A_143 = vector.extract_strided_slice %get3A_100 {offsets = [2], sizes = [1], strides = [1]} : vector<16xf32> to vector<1xf32>
      %squeeze3A_144 = vector.extract %slice3A_143[0] : f32 from vector<1xf32>
      %mul3A_145 = arith.constant 16 : i32
      %mul3A_146 = arith.muli %scan3A_94, %mul3A_145 : i32
      %add3A_147 = arith.constant 2 : i32
      %add3A_148 = arith.addi %mul3A_146, %add3A_147 : i32
      %convert_element_type3A_149 = arith.sitofp %add3A_148 : i32 to f32
      %lt3A_150 = vector.broadcast %squeeze3A_144 : f32 to vector<16xf32>
      %lt3A_151 = arith.cmpf olt, %lt3A_150, %get3A_32 : vector<16xf32>
      %eq3A_152 = vector.broadcast %squeeze3A_144 : f32 to vector<16xf32>
      %eq3A_153 = arith.cmpf oeq, %eq3A_152, %get3A_32 : vector<16xf32>
      %lt3A_154 = vector.broadcast %convert_element_type3A_149 : f32 to vector<16xf32>
      %lt3A_155 = arith.cmpf olt, %lt3A_154, %add3A_40 : vector<16xf32>
      %and3A_156 = arith.andi %eq3A_153, %lt3A_155 : vector<16xi1>
      %or3A_157 = arith.ori %lt3A_151, %and3A_156 : vector<16xi1>
      %gt3A_158 = vector.broadcast %squeeze3A_144 : f32 to vector<16xf32>
      %gt3A_159 = arith.cmpf ogt, %gt3A_158, %sub3A_35 : vector<16xf32>
      %and3A_160 = arith.andi %gt3A_159, %or3A_157 : vector<16xi1>
      %jit3A_161 = arith.constant 1.000000e+00 : f32
      %jit3A_162 = arith.constant 0.000000e+00 : f32
      %broadcast_in_dim3A_163 = vector.broadcast %jit3A_161 : f32 to vector<16xf32>
      %broadcast_in_dim3A_164 = vector.broadcast %jit3A_162 : f32 to vector<16xf32>
      %select_n3A_165 = arith.select %and3A_160, %broadcast_in_dim3A_163, %broadcast_in_dim3A_164 : vector<16xi1>, vector<16xf32>
      %add3A_166 = arith.addf %add3A_142, %select_n3A_165 : vector<16xf32>
      %slice3A_167 = vector.extract_strided_slice %get3A_100 {offsets = [3], sizes = [1], strides = [1]} : vector<16xf32> to vector<1xf32>
      %squeeze3A_168 = vector.extract %slice3A_167[0] : f32 from vector<1xf32>
      %mul3A_169 = arith.constant 16 : i32
      %mul3A_170 = arith.muli %scan3A_94, %mul3A_169 : i32
      %add3A_171 = arith.constant 3 : i32
      %add3A_172 = arith.addi %mul3A_170, %add3A_171 : i32
      %convert_element_type3A_173 = arith.sitofp %add3A_172 : i32 to f32
      %lt3A_174 = vector.broadcast %squeeze3A_168 : f32 to vector<16xf32>
      %lt3A_175 = arith.cmpf olt, %lt3A_174, %get3A_32 : vector<16xf32>
      %eq3A_176 = vector.broadcast %squeeze3A_168 : f32 to vector<16xf32>
      %eq3A_177 = arith.cmpf oeq, %eq3A_176, %get3A_32 : vector<16xf32>
      %lt3A_178 = vector.broadcast %convert_element_type3A_173 : f32 to vector<16xf32>
      %lt3A_179 = arith.cmpf olt, %lt3A_178, %add3A_40 : vector<16xf32>
      %and3A_180 = arith.andi %eq3A_177, %lt3A_179 : vector<16xi1>
      %or3A_181 = arith.ori %lt3A_175, %and3A_180 : vector<16xi1>
      %gt3A_182 = vector.broadcast %squeeze3A_168 : f32 to vector<16xf32>
      %gt3A_183 = arith.cmpf ogt, %gt3A_182, %sub3A_35 : vector<16xf32>
      %and3A_184 = arith.andi %gt3A_183, %or3A_181 : vector<16xi1>
      %jit3A_185 = arith.constant 1.000000e+00 : f32
      %jit3A_186 = arith.constant 0.000000e+00 : f32
      %broadcast_in_dim3A_187 = vector.broadcast %jit3A_185 : f32 to vector<16xf32>
      %broadcast_in_dim3A_188 = vector.broadcast %jit3A_186 : f32 to vector<16xf32>
      %select_n3A_189 = arith.select %and3A_184, %broadcast_in_dim3A_187, %broadcast_in_dim3A_188 : vector<16xi1>, vector<16xf32>
      %add3A_190 = arith.addf %add3A_166, %select_n3A_189 : vector<16xf32>
      %slice3A_191 = vector.extract_strided_slice %get3A_100 {offsets = [4], sizes = [1], strides = [1]} : vector<16xf32> to vector<1xf32>
      %squeeze3A_192 = vector.extract %slice3A_191[0] : f32 from vector<1xf32>
      %mul3A_193 = arith.constant 16 : i32
      %mul3A_194 = arith.muli %scan3A_94, %mul3A_193 : i32
      %add3A_195 = arith.constant 4 : i32
      %add3A_196 = arith.addi %mul3A_194, %add3A_195 : i32
      %convert_element_type3A_197 = arith.sitofp %add3A_196 : i32 to f32
      %lt3A_198 = vector.broadcast %squeeze3A_192 : f32 to vector<16xf32>
      %lt3A_199 = arith.cmpf olt, %lt3A_198, %get3A_32 : vector<16xf32>
      %eq3A_200 = vector.broadcast %squeeze3A_192 : f32 to vector<16xf32>
      %eq3A_201 = arith.cmpf oeq, %eq3A_200, %get3A_32 : vector<16xf32>
      %lt3A_202 = vector.broadcast %convert_element_type3A_197 : f32 to vector<16xf32>
      %lt3A_203 = arith.cmpf olt, %lt3A_202, %add3A_40 : vector<16xf32>
      %and3A_204 = arith.andi %eq3A_201, %lt3A_203 : vector<16xi1>
      %or3A_205 = arith.ori %lt3A_199, %and3A_204 : vector<16xi1>
      %gt3A_206 = vector.broadcast %squeeze3A_192 : f32 to vector<16xf32>
      %gt3A_207 = arith.cmpf ogt, %gt3A_206, %sub3A_35 : vector<16xf32>
      %and3A_208 = arith.andi %gt3A_207, %or3A_205 : vector<16xi1>
      %jit3A_209 = arith.constant 1.000000e+00 : f32
      %jit3A_210 = arith.constant 0.000000e+00 : f32
      %broadcast_in_dim3A_211 = vector.broadcast %jit3A_209 : f32 to vector<16xf32>
      %broadcast_in_dim3A_212 = vector.broadcast %jit3A_210 : f32 to vector<16xf32>
      %select_n3A_213 = arith.select %and3A_208, %broadcast_in_dim3A_211, %broadcast_in_dim3A_212 : vector<16xi1>, vector<16xf32>
      %add3A_214 = arith.addf %add3A_190, %select_n3A_213 : vector<16xf32>
      %slice3A_215 = vector.extract_strided_slice %get3A_100 {offsets = [5], sizes = [1], strides = [1]} : vector<16xf32> to vector<1xf32>
      %squeeze3A_216 = vector.extract %slice3A_215[0] : f32 from vector<1xf32>
      %mul3A_217 = arith.constant 16 : i32
      %mul3A_218 = arith.muli %scan3A_94, %mul3A_217 : i32
      %add3A_219 = arith.constant 5 : i32
      %add3A_220 = arith.addi %mul3A_218, %add3A_219 : i32
      %convert_element_type3A_221 = arith.sitofp %add3A_220 : i32 to f32
      %lt3A_222 = vector.broadcast %squeeze3A_216 : f32 to vector<16xf32>
      %lt3A_223 = arith.cmpf olt, %lt3A_222, %get3A_32 : vector<16xf32>
      %eq3A_224 = vector.broadcast %squeeze3A_216 : f32 to vector<16xf32>
      %eq3A_225 = arith.cmpf oeq, %eq3A_224, %get3A_32 : vector<16xf32>
      %lt3A_226 = vector.broadcast %convert_element_type3A_221 : f32 to vector<16xf32>
      %lt3A_227 = arith.cmpf olt, %lt3A_226, %add3A_40 : vector<16xf32>
      %and3A_228 = arith.andi %eq3A_225, %lt3A_227 : vector<16xi1>
      %or3A_229 = arith.ori %lt3A_223, %and3A_228 : vector<16xi1>
      %gt3A_230 = vector.broadcast %squeeze3A_216 : f32 to vector<16xf32>
      %gt3A_231 = arith.cmpf ogt, %gt3A_230, %sub3A_35 : vector<16xf32>
      %and3A_232 = arith.andi %gt3A_231, %or3A_229 : vector<16xi1>
      %jit3A_233 = arith.constant 1.000000e+00 : f32
      %jit3A_234 = arith.constant 0.000000e+00 : f32
      %broadcast_in_dim3A_235 = vector.broadcast %jit3A_233 : f32 to vector<16xf32>
      %broadcast_in_dim3A_236 = vector.broadcast %jit3A_234 : f32 to vector<16xf32>
      %select_n3A_237 = arith.select %and3A_232, %broadcast_in_dim3A_235, %broadcast_in_dim3A_236 : vector<16xi1>, vector<16xf32>
      %add3A_238 = arith.addf %add3A_214, %select_n3A_237 : vector<16xf32>
      %slice3A_239 = vector.extract_strided_slice %get3A_100 {offsets = [6], sizes = [1], strides = [1]} : vector<16xf32> to vector<1xf32>
      %squeeze3A_240 = vector.extract %slice3A_239[0] : f32 from vector<1xf32>
      %mul3A_241 = arith.constant 16 : i32
      %mul3A_242 = arith.muli %scan3A_94, %mul3A_241 : i32
      %add3A_243 = arith.constant 6 : i32
      %add3A_244 = arith.addi %mul3A_242, %add3A_243 : i32
      %convert_element_type3A_245 = arith.sitofp %add3A_244 : i32 to f32
      %lt3A_246 = vector.broadcast %squeeze3A_240 : f32 to vector<16xf32>
      %lt3A_247 = arith.cmpf olt, %lt3A_246, %get3A_32 : vector<16xf32>
      %eq3A_248 = vector.broadcast %squeeze3A_240 : f32 to vector<16xf32>
      %eq3A_249 = arith.cmpf oeq, %eq3A_248, %get3A_32 : vector<16xf32>
      %lt3A_250 = vector.broadcast %convert_element_type3A_245 : f32 to vector<16xf32>
      %lt3A_251 = arith.cmpf olt, %lt3A_250, %add3A_40 : vector<16xf32>
      %and3A_252 = arith.andi %eq3A_249, %lt3A_251 : vector<16xi1>
      %or3A_253 = arith.ori %lt3A_247, %and3A_252 : vector<16xi1>
      %gt3A_254 = vector.broadcast %squeeze3A_240 : f32 to vector<16xf32>
      %gt3A_255 = arith.cmpf ogt, %gt3A_254, %sub3A_35 : vector<16xf32>
      %and3A_256 = arith.andi %gt3A_255, %or3A_253 : vector<16xi1>
      %jit3A_257 = arith.constant 1.000000e+00 : f32
      %jit3A_258 = arith.constant 0.000000e+00 : f32
      %broadcast_in_dim3A_259 = vector.broadcast %jit3A_257 : f32 to vector<16xf32>
      %broadcast_in_dim3A_260 = vector.broadcast %jit3A_258 : f32 to vector<16xf32>
      %select_n3A_261 = arith.select %and3A_256, %broadcast_in_dim3A_259, %broadcast_in_dim3A_260 : vector<16xi1>, vector<16xf32>
      %add3A_262 = arith.addf %add3A_238, %select_n3A_261 : vector<16xf32>
      %slice3A_263 = vector.extract_strided_slice %get3A_100 {offsets = [7], sizes = [1], strides = [1]} : vector<16xf32> to vector<1xf32>
      %squeeze3A_264 = vector.extract %slice3A_263[0] : f32 from vector<1xf32>
      %mul3A_265 = arith.constant 16 : i32
      %mul3A_266 = arith.muli %scan3A_94, %mul3A_265 : i32
      %add3A_267 = arith.constant 7 : i32
      %add3A_268 = arith.addi %mul3A_266, %add3A_267 : i32
      %convert_element_type3A_269 = arith.sitofp %add3A_268 : i32 to f32
      %lt3A_270 = vector.broadcast %squeeze3A_264 : f32 to vector<16xf32>
      %lt3A_271 = arith.cmpf olt, %lt3A_270, %get3A_32 : vector<16xf32>
      %eq3A_272 = vector.broadcast %squeeze3A_264 : f32 to vector<16xf32>
      %eq3A_273 = arith.cmpf oeq, %eq3A_272, %get3A_32 : vector<16xf32>
      %lt3A_274 = vector.broadcast %convert_element_type3A_269 : f32 to vector<16xf32>
      %lt3A_275 = arith.cmpf olt, %lt3A_274, %add3A_40 : vector<16xf32>
      %and3A_276 = arith.andi %eq3A_273, %lt3A_275 : vector<16xi1>
      %or3A_277 = arith.ori %lt3A_271, %and3A_276 : vector<16xi1>
      %gt3A_278 = vector.broadcast %squeeze3A_264 : f32 to vector<16xf32>
      %gt3A_279 = arith.cmpf ogt, %gt3A_278, %sub3A_35 : vector<16xf32>
      %and3A_280 = arith.andi %gt3A_279, %or3A_277 : vector<16xi1>
      %jit3A_281 = arith.constant 1.000000e+00 : f32
      %jit3A_282 = arith.constant 0.000000e+00 : f32
      %broadcast_in_dim3A_283 = vector.broadcast %jit3A_281 : f32 to vector<16xf32>
      %broadcast_in_dim3A_284 = vector.broadcast %jit3A_282 : f32 to vector<16xf32>
      %select_n3A_285 = arith.select %and3A_280, %broadcast_in_dim3A_283, %broadcast_in_dim3A_284 : vector<16xi1>, vector<16xf32>
      %add3A_286 = arith.addf %add3A_262, %select_n3A_285 : vector<16xf32>
      %slice3A_287 = vector.extract_strided_slice %get3A_100 {offsets = [8], sizes = [1], strides = [1]} : vector<16xf32> to vector<1xf32>
      %squeeze3A_288 = vector.extract %slice3A_287[0] : f32 from vector<1xf32>
      %mul3A_289 = arith.constant 16 : i32
      %mul3A_290 = arith.muli %scan3A_94, %mul3A_289 : i32
      %add3A_291 = arith.constant 8 : i32
      %add3A_292 = arith.addi %mul3A_290, %add3A_291 : i32
      %convert_element_type3A_293 = arith.sitofp %add3A_292 : i32 to f32
      %lt3A_294 = vector.broadcast %squeeze3A_288 : f32 to vector<16xf32>
      %lt3A_295 = arith.cmpf olt, %lt3A_294, %get3A_32 : vector<16xf32>
      %eq3A_296 = vector.broadcast %squeeze3A_288 : f32 to vector<16xf32>
      %eq3A_297 = arith.cmpf oeq, %eq3A_296, %get3A_32 : vector<16xf32>
      %lt3A_298 = vector.broadcast %convert_element_type3A_293 : f32 to vector<16xf32>
      %lt3A_299 = arith.cmpf olt, %lt3A_298, %add3A_40 : vector<16xf32>
      %and3A_300 = arith.andi %eq3A_297, %lt3A_299 : vector<16xi1>
      %or3A_301 = arith.ori %lt3A_295, %and3A_300 : vector<16xi1>
      %gt3A_302 = vector.broadcast %squeeze3A_288 : f32 to vector<16xf32>
      %gt3A_303 = arith.cmpf ogt, %gt3A_302, %sub3A_35 : vector<16xf32>
      %and3A_304 = arith.andi %gt3A_303, %or3A_301 : vector<16xi1>
      %jit3A_305 = arith.constant 1.000000e+00 : f32
      %jit3A_306 = arith.constant 0.000000e+00 : f32
      %broadcast_in_dim3A_307 = vector.broadcast %jit3A_305 : f32 to vector<16xf32>
      %broadcast_in_dim3A_308 = vector.broadcast %jit3A_306 : f32 to vector<16xf32>
      %select_n3A_309 = arith.select %and3A_304, %broadcast_in_dim3A_307, %broadcast_in_dim3A_308 : vector<16xi1>, vector<16xf32>
      %add3A_310 = arith.addf %add3A_286, %select_n3A_309 : vector<16xf32>
      %slice3A_311 = vector.extract_strided_slice %get3A_100 {offsets = [9], sizes = [1], strides = [1]} : vector<16xf32> to vector<1xf32>
      %squeeze3A_312 = vector.extract %slice3A_311[0] : f32 from vector<1xf32>
      %mul3A_313 = arith.constant 16 : i32
      %mul3A_314 = arith.muli %scan3A_94, %mul3A_313 : i32
      %add3A_315 = arith.constant 9 : i32
      %add3A_316 = arith.addi %mul3A_314, %add3A_315 : i32
      %convert_element_type3A_317 = arith.sitofp %add3A_316 : i32 to f32
      %lt3A_318 = vector.broadcast %squeeze3A_312 : f32 to vector<16xf32>
      %lt3A_319 = arith.cmpf olt, %lt3A_318, %get3A_32 : vector<16xf32>
      %eq3A_320 = vector.broadcast %squeeze3A_312 : f32 to vector<16xf32>
      %eq3A_321 = arith.cmpf oeq, %eq3A_320, %get3A_32 : vector<16xf32>
      %lt3A_322 = vector.broadcast %convert_element_type3A_317 : f32 to vector<16xf32>
      %lt3A_323 = arith.cmpf olt, %lt3A_322, %add3A_40 : vector<16xf32>
      %and3A_324 = arith.andi %eq3A_321, %lt3A_323 : vector<16xi1>
      %or3A_325 = arith.ori %lt3A_319, %and3A_324 : vector<16xi1>
      %gt3A_326 = vector.broadcast %squeeze3A_312 : f32 to vector<16xf32>
      %gt3A_327 = arith.cmpf ogt, %gt3A_326, %sub3A_35 : vector<16xf32>
      %and3A_328 = arith.andi %gt3A_327, %or3A_325 : vector<16xi1>
      %jit3A_329 = arith.constant 1.000000e+00 : f32
      %jit3A_330 = arith.constant 0.000000e+00 : f32
      %broadcast_in_dim3A_331 = vector.broadcast %jit3A_329 : f32 to vector<16xf32>
      %broadcast_in_dim3A_332 = vector.broadcast %jit3A_330 : f32 to vector<16xf32>
      %select_n3A_333 = arith.select %and3A_328, %broadcast_in_dim3A_331, %broadcast_in_dim3A_332 : vector<16xi1>, vector<16xf32>
      %add3A_334 = arith.addf %add3A_310, %select_n3A_333 : vector<16xf32>
      %slice3A_335 = vector.extract_strided_slice %get3A_100 {offsets = [10], sizes = [1], strides = [1]} : vector<16xf32> to vector<1xf32>
      %squeeze3A_336 = vector.extract %slice3A_335[0] : f32 from vector<1xf32>
      %mul3A_337 = arith.constant 16 : i32
      %mul3A_338 = arith.muli %scan3A_94, %mul3A_337 : i32
      %add3A_339 = arith.constant 10 : i32
      %add3A_340 = arith.addi %mul3A_338, %add3A_339 : i32
      %convert_element_type3A_341 = arith.sitofp %add3A_340 : i32 to f32
      %lt3A_342 = vector.broadcast %squeeze3A_336 : f32 to vector<16xf32>
      %lt3A_343 = arith.cmpf olt, %lt3A_342, %get3A_32 : vector<16xf32>
      %eq3A_344 = vector.broadcast %squeeze3A_336 : f32 to vector<16xf32>
      %eq3A_345 = arith.cmpf oeq, %eq3A_344, %get3A_32 : vector<16xf32>
      %lt3A_346 = vector.broadcast %convert_element_type3A_341 : f32 to vector<16xf32>
      %lt3A_347 = arith.cmpf olt, %lt3A_346, %add3A_40 : vector<16xf32>
      %and3A_348 = arith.andi %eq3A_345, %lt3A_347 : vector<16xi1>
      %or3A_349 = arith.ori %lt3A_343, %and3A_348 : vector<16xi1>
      %gt3A_350 = vector.broadcast %squeeze3A_336 : f32 to vector<16xf32>
      %gt3A_351 = arith.cmpf ogt, %gt3A_350, %sub3A_35 : vector<16xf32>
      %and3A_352 = arith.andi %gt3A_351, %or3A_349 : vector<16xi1>
      %jit3A_353 = arith.constant 1.000000e+00 : f32
      %jit3A_354 = arith.constant 0.000000e+00 : f32
      %broadcast_in_dim3A_355 = vector.broadcast %jit3A_353 : f32 to vector<16xf32>
      %broadcast_in_dim3A_356 = vector.broadcast %jit3A_354 : f32 to vector<16xf32>
      %select_n3A_357 = arith.select %and3A_352, %broadcast_in_dim3A_355, %broadcast_in_dim3A_356 : vector<16xi1>, vector<16xf32>
      %add3A_358 = arith.addf %add3A_334, %select_n3A_357 : vector<16xf32>
      %slice3A_359 = vector.extract_strided_slice %get3A_100 {offsets = [11], sizes = [1], strides = [1]} : vector<16xf32> to vector<1xf32>
      %squeeze3A_360 = vector.extract %slice3A_359[0] : f32 from vector<1xf32>
      %mul3A_361 = arith.constant 16 : i32
      %mul3A_362 = arith.muli %scan3A_94, %mul3A_361 : i32
      %add3A_363 = arith.constant 11 : i32
      %add3A_364 = arith.addi %mul3A_362, %add3A_363 : i32
      %convert_element_type3A_365 = arith.sitofp %add3A_364 : i32 to f32
      %lt3A_366 = vector.broadcast %squeeze3A_360 : f32 to vector<16xf32>
      %lt3A_367 = arith.cmpf olt, %lt3A_366, %get3A_32 : vector<16xf32>
      %eq3A_368 = vector.broadcast %squeeze3A_360 : f32 to vector<16xf32>
      %eq3A_369 = arith.cmpf oeq, %eq3A_368, %get3A_32 : vector<16xf32>
      %lt3A_370 = vector.broadcast %convert_element_type3A_365 : f32 to vector<16xf32>
      %lt3A_371 = arith.cmpf olt, %lt3A_370, %add3A_40 : vector<16xf32>
      %and3A_372 = arith.andi %eq3A_369, %lt3A_371 : vector<16xi1>
      %or3A_373 = arith.ori %lt3A_367, %and3A_372 : vector<16xi1>
      %gt3A_374 = vector.broadcast %squeeze3A_360 : f32 to vector<16xf32>
      %gt3A_375 = arith.cmpf ogt, %gt3A_374, %sub3A_35 : vector<16xf32>
      %and3A_376 = arith.andi %gt3A_375, %or3A_373 : vector<16xi1>
      %jit3A_377 = arith.constant 1.000000e+00 : f32
      %jit3A_378 = arith.constant 0.000000e+00 : f32
      %broadcast_in_dim3A_379 = vector.broadcast %jit3A_377 : f32 to vector<16xf32>
      %broadcast_in_dim3A_380 = vector.broadcast %jit3A_378 : f32 to vector<16xf32>
      %select_n3A_381 = arith.select %and3A_376, %broadcast_in_dim3A_379, %broadcast_in_dim3A_380 : vector<16xi1>, vector<16xf32>
      %add3A_382 = arith.addf %add3A_358, %select_n3A_381 : vector<16xf32>
      %slice3A_383 = vector.extract_strided_slice %get3A_100 {offsets = [12], sizes = [1], strides = [1]} : vector<16xf32> to vector<1xf32>
      %squeeze3A_384 = vector.extract %slice3A_383[0] : f32 from vector<1xf32>
      %mul3A_385 = arith.constant 16 : i32
      %mul3A_386 = arith.muli %scan3A_94, %mul3A_385 : i32
      %add3A_387 = arith.constant 12 : i32
      %add3A_388 = arith.addi %mul3A_386, %add3A_387 : i32
      %convert_element_type3A_389 = arith.sitofp %add3A_388 : i32 to f32
      %lt3A_390 = vector.broadcast %squeeze3A_384 : f32 to vector<16xf32>
      %lt3A_391 = arith.cmpf olt, %lt3A_390, %get3A_32 : vector<16xf32>
      %eq3A_392 = vector.broadcast %squeeze3A_384 : f32 to vector<16xf32>
      %eq3A_393 = arith.cmpf oeq, %eq3A_392, %get3A_32 : vector<16xf32>
      %lt3A_394 = vector.broadcast %convert_element_type3A_389 : f32 to vector<16xf32>
      %lt3A_395 = arith.cmpf olt, %lt3A_394, %add3A_40 : vector<16xf32>
      %and3A_396 = arith.andi %eq3A_393, %lt3A_395 : vector<16xi1>
      %or3A_397 = arith.ori %lt3A_391, %and3A_396 : vector<16xi1>
      %gt3A_398 = vector.broadcast %squeeze3A_384 : f32 to vector<16xf32>
      %gt3A_399 = arith.cmpf ogt, %gt3A_398, %sub3A_35 : vector<16xf32>
      %and3A_400 = arith.andi %gt3A_399, %or3A_397 : vector<16xi1>
      %jit3A_401 = arith.constant 1.000000e+00 : f32
      %jit3A_402 = arith.constant 0.000000e+00 : f32
      %broadcast_in_dim3A_403 = vector.broadcast %jit3A_401 : f32 to vector<16xf32>
      %broadcast_in_dim3A_404 = vector.broadcast %jit3A_402 : f32 to vector<16xf32>
      %select_n3A_405 = arith.select %and3A_400, %broadcast_in_dim3A_403, %broadcast_in_dim3A_404 : vector<16xi1>, vector<16xf32>
      %add3A_406 = arith.addf %add3A_382, %select_n3A_405 : vector<16xf32>
      %slice3A_407 = vector.extract_strided_slice %get3A_100 {offsets = [13], sizes = [1], strides = [1]} : vector<16xf32> to vector<1xf32>
      %squeeze3A_408 = vector.extract %slice3A_407[0] : f32 from vector<1xf32>
      %mul3A_409 = arith.constant 16 : i32
      %mul3A_410 = arith.muli %scan3A_94, %mul3A_409 : i32
      %add3A_411 = arith.constant 13 : i32
      %add3A_412 = arith.addi %mul3A_410, %add3A_411 : i32
      %convert_element_type3A_413 = arith.sitofp %add3A_412 : i32 to f32
      %lt3A_414 = vector.broadcast %squeeze3A_408 : f32 to vector<16xf32>
      %lt3A_415 = arith.cmpf olt, %lt3A_414, %get3A_32 : vector<16xf32>
      %eq3A_416 = vector.broadcast %squeeze3A_408 : f32 to vector<16xf32>
      %eq3A_417 = arith.cmpf oeq, %eq3A_416, %get3A_32 : vector<16xf32>
      %lt3A_418 = vector.broadcast %convert_element_type3A_413 : f32 to vector<16xf32>
      %lt3A_419 = arith.cmpf olt, %lt3A_418, %add3A_40 : vector<16xf32>
      %and3A_420 = arith.andi %eq3A_417, %lt3A_419 : vector<16xi1>
      %or3A_421 = arith.ori %lt3A_415, %and3A_420 : vector<16xi1>
      %gt3A_422 = vector.broadcast %squeeze3A_408 : f32 to vector<16xf32>
      %gt3A_423 = arith.cmpf ogt, %gt3A_422, %sub3A_35 : vector<16xf32>
      %and3A_424 = arith.andi %gt3A_423, %or3A_421 : vector<16xi1>
      %jit3A_425 = arith.constant 1.000000e+00 : f32
      %jit3A_426 = arith.constant 0.000000e+00 : f32
      %broadcast_in_dim3A_427 = vector.broadcast %jit3A_425 : f32 to vector<16xf32>
      %broadcast_in_dim3A_428 = vector.broadcast %jit3A_426 : f32 to vector<16xf32>
      %select_n3A_429 = arith.select %and3A_424, %broadcast_in_dim3A_427, %broadcast_in_dim3A_428 : vector<16xi1>, vector<16xf32>
      %add3A_430 = arith.addf %add3A_406, %select_n3A_429 : vector<16xf32>
      %slice3A_431 = vector.extract_strided_slice %get3A_100 {offsets = [14], sizes = [1], strides = [1]} : vector<16xf32> to vector<1xf32>
      %squeeze3A_432 = vector.extract %slice3A_431[0] : f32 from vector<1xf32>
      %mul3A_433 = arith.constant 16 : i32
      %mul3A_434 = arith.muli %scan3A_94, %mul3A_433 : i32
      %add3A_435 = arith.constant 14 : i32
      %add3A_436 = arith.addi %mul3A_434, %add3A_435 : i32
      %convert_element_type3A_437 = arith.sitofp %add3A_436 : i32 to f32
      %lt3A_438 = vector.broadcast %squeeze3A_432 : f32 to vector<16xf32>
      %lt3A_439 = arith.cmpf olt, %lt3A_438, %get3A_32 : vector<16xf32>
      %eq3A_440 = vector.broadcast %squeeze3A_432 : f32 to vector<16xf32>
      %eq3A_441 = arith.cmpf oeq, %eq3A_440, %get3A_32 : vector<16xf32>
      %lt3A_442 = vector.broadcast %convert_element_type3A_437 : f32 to vector<16xf32>
      %lt3A_443 = arith.cmpf olt, %lt3A_442, %add3A_40 : vector<16xf32>
      %and3A_444 = arith.andi %eq3A_441, %lt3A_443 : vector<16xi1>
      %or3A_445 = arith.ori %lt3A_439, %and3A_444 : vector<16xi1>
      %gt3A_446 = vector.broadcast %squeeze3A_432 : f32 to vector<16xf32>
      %gt3A_447 = arith.cmpf ogt, %gt3A_446, %sub3A_35 : vector<16xf32>
      %and3A_448 = arith.andi %gt3A_447, %or3A_445 : vector<16xi1>
      %jit3A_449 = arith.constant 1.000000e+00 : f32
      %jit3A_450 = arith.constant 0.000000e+00 : f32
      %broadcast_in_dim3A_451 = vector.broadcast %jit3A_449 : f32 to vector<16xf32>
      %broadcast_in_dim3A_452 = vector.broadcast %jit3A_450 : f32 to vector<16xf32>
      %select_n3A_453 = arith.select %and3A_448, %broadcast_in_dim3A_451, %broadcast_in_dim3A_452 : vector<16xi1>, vector<16xf32>
      %add3A_454 = arith.addf %add3A_430, %select_n3A_453 : vector<16xf32>
      %slice3A_455 = vector.extract_strided_slice %get3A_100 {offsets = [15], sizes = [1], strides = [1]} : vector<16xf32> to vector<1xf32>
      %squeeze3A_456 = vector.extract %slice3A_455[0] : f32 from vector<1xf32>
      %mul3A_457 = arith.constant 16 : i32
      %mul3A_458 = arith.muli %scan3A_94, %mul3A_457 : i32
      %add3A_459 = arith.constant 15 : i32
      %add3A_460 = arith.addi %mul3A_458, %add3A_459 : i32
      %convert_element_type3A_461 = arith.sitofp %add3A_460 : i32 to f32
      %lt3A_462 = vector.broadcast %squeeze3A_456 : f32 to vector<16xf32>
      %lt3A_463 = arith.cmpf olt, %lt3A_462, %get3A_32 : vector<16xf32>
      %eq3A_464 = vector.broadcast %squeeze3A_456 : f32 to vector<16xf32>
      %eq3A_465 = arith.cmpf oeq, %eq3A_464, %get3A_32 : vector<16xf32>
      %lt3A_466 = vector.broadcast %convert_element_type3A_461 : f32 to vector<16xf32>
      %lt3A_467 = arith.cmpf olt, %lt3A_466, %add3A_40 : vector<16xf32>
      %and3A_468 = arith.andi %eq3A_465, %lt3A_467 : vector<16xi1>
      %or3A_469 = arith.ori %lt3A_463, %and3A_468 : vector<16xi1>
      %gt3A_470 = vector.broadcast %squeeze3A_456 : f32 to vector<16xf32>
      %gt3A_471 = arith.cmpf ogt, %gt3A_470, %sub3A_35 : vector<16xf32>
      %and3A_472 = arith.andi %gt3A_471, %or3A_469 : vector<16xi1>
      %jit3A_473 = arith.constant 1.000000e+00 : f32
      %jit3A_474 = arith.constant 0.000000e+00 : f32
      %broadcast_in_dim3A_475 = vector.broadcast %jit3A_473 : f32 to vector<16xf32>
      %broadcast_in_dim3A_476 = vector.broadcast %jit3A_474 : f32 to vector<16xf32>
      %select_n3A_477 = arith.select %and3A_472, %broadcast_in_dim3A_475, %broadcast_in_dim3A_476 : vector<16xi1>, vector<16xf32>
      %add3A_478 = arith.addf %add3A_454, %select_n3A_477 : vector<16xf32>
      scf.yield %add3A_478 : vector<16xf32>
    }
    %scan3A_48 = arith.constant 72 : i32
    %lt3A_49 = arith.constant 1.000000e+01 : f32
    %lt3A_50 = vector.broadcast %lt3A_49 : f32 to vector<16xf32>
    %lt3A_51 = arith.cmpf olt, %scan3A_47, %lt3A_50 : vector<16xf32>
    %jit3A_52 = arith.constant 1.000000e+00 : f32
    %jit3A_53 = arith.constant 0.000000e+00 : f32
    %broadcast_in_dim3A_54 = vector.broadcast %jit3A_52 : f32 to vector<16xf32>
    %broadcast_in_dim3A_55 = vector.broadcast %jit3A_53 : f32 to vector<16xf32>
    %select_n3A_56 = arith.select %lt3A_51, %broadcast_in_dim3A_54, %broadcast_in_dim3A_55 : vector<16xi1>, vector<16xf32>
    %swap3A_57 = arith.constant 16 : index
    %swap3A_58 = tpu.vector_load %arg5[%swap3A_57] {strides = array<i32>} : memref<48xf32, #tpu.memory_space<vmem>>, vector<16xf32>,
    %swap3A_59 = vector.shape_cast %swap3A_58 : vector<16xf32> to vector<16xf32>
    %swap3A_60 = vector.shape_cast %select_n3A_56 : vector<16xf32> to vector<16xf32>
    tpu.vector_store %arg5[%swap3A_57], %swap3A_60 {strides = array<i32>} : memref<48xf32, #tpu.memory_space<vmem>>, vector<16xf32>,
    %add3A_61 = arith.constant 32 : i32
    %add3A_62 = arith.addi %mul3A_2, %add3A_61 : i32
    %get3A_63 = arith.index_cast %add3A_62 : i32 to index
    %get3A_64 = tpu.vector_load %arg4[%get3A_63] {strides = array<i32>} : memref<1536xf32, #tpu.memory_space<vmem>>, vector<16xf32>,
    %get3A_65 = vector.shape_cast %get3A_64 : vector<16xf32> to vector<16xf32>
    %sub3A_66 = arith.constant 9.000000e+02 : f32
    %sub3A_67 = vector.broadcast %sub3A_66 : f32 to vector<16xf32>
    %sub3A_68 = arith.subf %get3A_65, %sub3A_67 : vector<16xf32>
    %add3A_69 = arith.constant 32 : i32
    %add3A_70 = arith.addi %mul3A_2, %add3A_69 : i32
    %convert_element_type3A_71 = arith.sitofp %add3A_70 : i32 to f32
    %add3A_72 = vector.broadcast %convert_element_type3A_71 : f32 to vector<16xf32>
    %add3A_73 = arith.addf %convert_element_type3A, %add3A_72 : vector<16xf32>
    %broadcast_in_dim3A_74 = arith.constant 0.000000e+00 : f32
    %broadcast_in_dim3A_75 = vector.broadcast %broadcast_in_dim3A_74 : f32 to vector<16xf32>
    %scan3A_76 = arith.constant 0 : i32
    %scan3A_77 = arith.constant 72 : i32
    %scan3A_78 = arith.addi %scan3A_76, %scan3A_77 : i32
    %scan3A_79 = arith.constant 1 : i32
    %scan3A_80 = scf.for %scan3A_94 = %scan3A_76 to %scan3A_78 step %scan3A_79 iter_args(%scan3A_95 = %broadcast_in_dim3A_75) -> (vector<16xf32>)  : i32 {
      %mul3A_96 = arith.constant 16 : i32
      %mul3A_97 = arith.muli %scan3A_94, %mul3A_96 : i32
      %get3A_98 = arith.index_cast %mul3A_97 : i32 to index
      %get3A_99 = tpu.vector_load %arg4[%get3A_98] {strides = array<i32>} : memref<1536xf32, #tpu.memory_space<vmem>>, vector<16xf32>,
      %get3A_100 = vector.shape_cast %get3A_99 : vector<16xf32> to vector<16xf32>
      %slice3A = vector.extract_strided_slice %get3A_100 {offsets = [0], sizes = [1], strides = [1]} : vector<16xf32> to vector<1xf32>
      %squeeze3A = vector.extract %slice3A[0] : f32 from vector<1xf32>
      %mul3A_101 = arith.constant 16 : i32
      %mul3A_102 = arith.muli %scan3A_94, %mul3A_101 : i32
      %add3A_103 = arith.constant 0 : i32
      %add3A_104 = arith.addi %mul3A_102, %add3A_103 : i32
      %convert_element_type3A_105 = arith.sitofp %add3A_104 : i32 to f32
      %lt3A_106 = vector.broadcast %squeeze3A : f32 to vector<16xf32>
      %lt3A_107 = arith.cmpf olt, %lt3A_106, %get3A_65 : vector<16xf32>
      %eq3A = vector.broadcast %squeeze3A : f32 to vector<16xf32>
      %eq3A_108 = arith.cmpf oeq, %eq3A, %get3A_65 : vector<16xf32>
      %lt3A_109 = vector.broadcast %convert_element_type3A_105 : f32 to vector<16xf32>
      %lt3A_110 = arith.cmpf olt, %lt3A_109, %add3A_73 : vector<16xf32>
      %and3A = arith.andi %eq3A_108, %lt3A_110 : vector<16xi1>
      %or3A = arith.ori %lt3A_107, %and3A : vector<16xi1>
      %gt3A = vector.broadcast %squeeze3A : f32 to vector<16xf32>
      %gt3A_111 = arith.cmpf ogt, %gt3A, %sub3A_68 : vector<16xf32>
      %and3A_112 = arith.andi %gt3A_111, %or3A : vector<16xi1>
      %jit3A_113 = arith.constant 1.000000e+00 : f32
      %jit3A_114 = arith.constant 0.000000e+00 : f32
      %broadcast_in_dim3A_115 = vector.broadcast %jit3A_113 : f32 to vector<16xf32>
      %broadcast_in_dim3A_116 = vector.broadcast %jit3A_114 : f32 to vector<16xf32>
      %select_n3A_117 = arith.select %and3A_112, %broadcast_in_dim3A_115, %broadcast_in_dim3A_116 : vector<16xi1>, vector<16xf32>
      %add3A_118 = arith.addf %scan3A_95, %select_n3A_117 : vector<16xf32>
      %slice3A_119 = vector.extract_strided_slice %get3A_100 {offsets = [1], sizes = [1], strides = [1]} : vector<16xf32> to vector<1xf32>
      %squeeze3A_120 = vector.extract %slice3A_119[0] : f32 from vector<1xf32>
      %mul3A_121 = arith.constant 16 : i32
      %mul3A_122 = arith.muli %scan3A_94, %mul3A_121 : i32
      %add3A_123 = arith.constant 1 : i32
      %add3A_124 = arith.addi %mul3A_122, %add3A_123 : i32
      %convert_element_type3A_125 = arith.sitofp %add3A_124 : i32 to f32
      %lt3A_126 = vector.broadcast %squeeze3A_120 : f32 to vector<16xf32>
      %lt3A_127 = arith.cmpf olt, %lt3A_126, %get3A_65 : vector<16xf32>
      %eq3A_128 = vector.broadcast %squeeze3A_120 : f32 to vector<16xf32>
      %eq3A_129 = arith.cmpf oeq, %eq3A_128, %get3A_65 : vector<16xf32>
      %lt3A_130 = vector.broadcast %convert_element_type3A_125 : f32 to vector<16xf32>
      %lt3A_131 = arith.cmpf olt, %lt3A_130, %add3A_73 : vector<16xf32>
      %and3A_132 = arith.andi %eq3A_129, %lt3A_131 : vector<16xi1>
      %or3A_133 = arith.ori %lt3A_127, %and3A_132 : vector<16xi1>
      %gt3A_134 = vector.broadcast %squeeze3A_120 : f32 to vector<16xf32>
      %gt3A_135 = arith.cmpf ogt, %gt3A_134, %sub3A_68 : vector<16xf32>
      %and3A_136 = arith.andi %gt3A_135, %or3A_133 : vector<16xi1>
      %jit3A_137 = arith.constant 1.000000e+00 : f32
      %jit3A_138 = arith.constant 0.000000e+00 : f32
      %broadcast_in_dim3A_139 = vector.broadcast %jit3A_137 : f32 to vector<16xf32>
      %broadcast_in_dim3A_140 = vector.broadcast %jit3A_138 : f32 to vector<16xf32>
      %select_n3A_141 = arith.select %and3A_136, %broadcast_in_dim3A_139, %broadcast_in_dim3A_140 : vector<16xi1>, vector<16xf32>
      %add3A_142 = arith.addf %add3A_118, %select_n3A_141 : vector<16xf32>
      %slice3A_143 = vector.extract_strided_slice %get3A_100 {offsets = [2], sizes = [1], strides = [1]} : vector<16xf32> to vector<1xf32>
      %squeeze3A_144 = vector.extract %slice3A_143[0] : f32 from vector<1xf32>
      %mul3A_145 = arith.constant 16 : i32
      %mul3A_146 = arith.muli %scan3A_94, %mul3A_145 : i32
      %add3A_147 = arith.constant 2 : i32
      %add3A_148 = arith.addi %mul3A_146, %add3A_147 : i32
      %convert_element_type3A_149 = arith.sitofp %add3A_148 : i32 to f32
      %lt3A_150 = vector.broadcast %squeeze3A_144 : f32 to vector<16xf32>
      %lt3A_151 = arith.cmpf olt, %lt3A_150, %get3A_65 : vector<16xf32>
      %eq3A_152 = vector.broadcast %squeeze3A_144 : f32 to vector<16xf32>
      %eq3A_153 = arith.cmpf oeq, %eq3A_152, %get3A_65 : vector<16xf32>
      %lt3A_154 = vector.broadcast %convert_element_type3A_149 : f32 to vector<16xf32>
      %lt3A_155 = arith.cmpf olt, %lt3A_154, %add3A_73 : vector<16xf32>
      %and3A_156 = arith.andi %eq3A_153, %lt3A_155 : vector<16xi1>
      %or3A_157 = arith.ori %lt3A_151, %and3A_156 : vector<16xi1>
      %gt3A_158 = vector.broadcast %squeeze3A_144 : f32 to vector<16xf32>
      %gt3A_159 = arith.cmpf ogt, %gt3A_158, %sub3A_68 : vector<16xf32>
      %and3A_160 = arith.andi %gt3A_159, %or3A_157 : vector<16xi1>
      %jit3A_161 = arith.constant 1.000000e+00 : f32
      %jit3A_162 = arith.constant 0.000000e+00 : f32
      %broadcast_in_dim3A_163 = vector.broadcast %jit3A_161 : f32 to vector<16xf32>
      %broadcast_in_dim3A_164 = vector.broadcast %jit3A_162 : f32 to vector<16xf32>
      %select_n3A_165 = arith.select %and3A_160, %broadcast_in_dim3A_163, %broadcast_in_dim3A_164 : vector<16xi1>, vector<16xf32>
      %add3A_166 = arith.addf %add3A_142, %select_n3A_165 : vector<16xf32>
      %slice3A_167 = vector.extract_strided_slice %get3A_100 {offsets = [3], sizes = [1], strides = [1]} : vector<16xf32> to vector<1xf32>
      %squeeze3A_168 = vector.extract %slice3A_167[0] : f32 from vector<1xf32>
      %mul3A_169 = arith.constant 16 : i32
      %mul3A_170 = arith.muli %scan3A_94, %mul3A_169 : i32
      %add3A_171 = arith.constant 3 : i32
      %add3A_172 = arith.addi %mul3A_170, %add3A_171 : i32
      %convert_element_type3A_173 = arith.sitofp %add3A_172 : i32 to f32
      %lt3A_174 = vector.broadcast %squeeze3A_168 : f32 to vector<16xf32>
      %lt3A_175 = arith.cmpf olt, %lt3A_174, %get3A_65 : vector<16xf32>
      %eq3A_176 = vector.broadcast %squeeze3A_168 : f32 to vector<16xf32>
      %eq3A_177 = arith.cmpf oeq, %eq3A_176, %get3A_65 : vector<16xf32>
      %lt3A_178 = vector.broadcast %convert_element_type3A_173 : f32 to vector<16xf32>
      %lt3A_179 = arith.cmpf olt, %lt3A_178, %add3A_73 : vector<16xf32>
      %and3A_180 = arith.andi %eq3A_177, %lt3A_179 : vector<16xi1>
      %or3A_181 = arith.ori %lt3A_175, %and3A_180 : vector<16xi1>
      %gt3A_182 = vector.broadcast %squeeze3A_168 : f32 to vector<16xf32>
      %gt3A_183 = arith.cmpf ogt, %gt3A_182, %sub3A_68 : vector<16xf32>
      %and3A_184 = arith.andi %gt3A_183, %or3A_181 : vector<16xi1>
      %jit3A_185 = arith.constant 1.000000e+00 : f32
      %jit3A_186 = arith.constant 0.000000e+00 : f32
      %broadcast_in_dim3A_187 = vector.broadcast %jit3A_185 : f32 to vector<16xf32>
      %broadcast_in_dim3A_188 = vector.broadcast %jit3A_186 : f32 to vector<16xf32>
      %select_n3A_189 = arith.select %and3A_184, %broadcast_in_dim3A_187, %broadcast_in_dim3A_188 : vector<16xi1>, vector<16xf32>
      %add3A_190 = arith.addf %add3A_166, %select_n3A_189 : vector<16xf32>
      %slice3A_191 = vector.extract_strided_slice %get3A_100 {offsets = [4], sizes = [1], strides = [1]} : vector<16xf32> to vector<1xf32>
      %squeeze3A_192 = vector.extract %slice3A_191[0] : f32 from vector<1xf32>
      %mul3A_193 = arith.constant 16 : i32
      %mul3A_194 = arith.muli %scan3A_94, %mul3A_193 : i32
      %add3A_195 = arith.constant 4 : i32
      %add3A_196 = arith.addi %mul3A_194, %add3A_195 : i32
      %convert_element_type3A_197 = arith.sitofp %add3A_196 : i32 to f32
      %lt3A_198 = vector.broadcast %squeeze3A_192 : f32 to vector<16xf32>
      %lt3A_199 = arith.cmpf olt, %lt3A_198, %get3A_65 : vector<16xf32>
      %eq3A_200 = vector.broadcast %squeeze3A_192 : f32 to vector<16xf32>
      %eq3A_201 = arith.cmpf oeq, %eq3A_200, %get3A_65 : vector<16xf32>
      %lt3A_202 = vector.broadcast %convert_element_type3A_197 : f32 to vector<16xf32>
      %lt3A_203 = arith.cmpf olt, %lt3A_202, %add3A_73 : vector<16xf32>
      %and3A_204 = arith.andi %eq3A_201, %lt3A_203 : vector<16xi1>
      %or3A_205 = arith.ori %lt3A_199, %and3A_204 : vector<16xi1>
      %gt3A_206 = vector.broadcast %squeeze3A_192 : f32 to vector<16xf32>
      %gt3A_207 = arith.cmpf ogt, %gt3A_206, %sub3A_68 : vector<16xf32>
      %and3A_208 = arith.andi %gt3A_207, %or3A_205 : vector<16xi1>
      %jit3A_209 = arith.constant 1.000000e+00 : f32
      %jit3A_210 = arith.constant 0.000000e+00 : f32
      %broadcast_in_dim3A_211 = vector.broadcast %jit3A_209 : f32 to vector<16xf32>
      %broadcast_in_dim3A_212 = vector.broadcast %jit3A_210 : f32 to vector<16xf32>
      %select_n3A_213 = arith.select %and3A_208, %broadcast_in_dim3A_211, %broadcast_in_dim3A_212 : vector<16xi1>, vector<16xf32>
      %add3A_214 = arith.addf %add3A_190, %select_n3A_213 : vector<16xf32>
      %slice3A_215 = vector.extract_strided_slice %get3A_100 {offsets = [5], sizes = [1], strides = [1]} : vector<16xf32> to vector<1xf32>
      %squeeze3A_216 = vector.extract %slice3A_215[0] : f32 from vector<1xf32>
      %mul3A_217 = arith.constant 16 : i32
      %mul3A_218 = arith.muli %scan3A_94, %mul3A_217 : i32
      %add3A_219 = arith.constant 5 : i32
      %add3A_220 = arith.addi %mul3A_218, %add3A_219 : i32
      %convert_element_type3A_221 = arith.sitofp %add3A_220 : i32 to f32
      %lt3A_222 = vector.broadcast %squeeze3A_216 : f32 to vector<16xf32>
      %lt3A_223 = arith.cmpf olt, %lt3A_222, %get3A_65 : vector<16xf32>
      %eq3A_224 = vector.broadcast %squeeze3A_216 : f32 to vector<16xf32>
      %eq3A_225 = arith.cmpf oeq, %eq3A_224, %get3A_65 : vector<16xf32>
      %lt3A_226 = vector.broadcast %convert_element_type3A_221 : f32 to vector<16xf32>
      %lt3A_227 = arith.cmpf olt, %lt3A_226, %add3A_73 : vector<16xf32>
      %and3A_228 = arith.andi %eq3A_225, %lt3A_227 : vector<16xi1>
      %or3A_229 = arith.ori %lt3A_223, %and3A_228 : vector<16xi1>
      %gt3A_230 = vector.broadcast %squeeze3A_216 : f32 to vector<16xf32>
      %gt3A_231 = arith.cmpf ogt, %gt3A_230, %sub3A_68 : vector<16xf32>
      %and3A_232 = arith.andi %gt3A_231, %or3A_229 : vector<16xi1>
      %jit3A_233 = arith.constant 1.000000e+00 : f32
      %jit3A_234 = arith.constant 0.000000e+00 : f32
      %broadcast_in_dim3A_235 = vector.broadcast %jit3A_233 : f32 to vector<16xf32>
      %broadcast_in_dim3A_236 = vector.broadcast %jit3A_234 : f32 to vector<16xf32>
      %select_n3A_237 = arith.select %and3A_232, %broadcast_in_dim3A_235, %broadcast_in_dim3A_236 : vector<16xi1>, vector<16xf32>
      %add3A_238 = arith.addf %add3A_214, %select_n3A_237 : vector<16xf32>
      %slice3A_239 = vector.extract_strided_slice %get3A_100 {offsets = [6], sizes = [1], strides = [1]} : vector<16xf32> to vector<1xf32>
      %squeeze3A_240 = vector.extract %slice3A_239[0] : f32 from vector<1xf32>
      %mul3A_241 = arith.constant 16 : i32
      %mul3A_242 = arith.muli %scan3A_94, %mul3A_241 : i32
      %add3A_243 = arith.constant 6 : i32
      %add3A_244 = arith.addi %mul3A_242, %add3A_243 : i32
      %convert_element_type3A_245 = arith.sitofp %add3A_244 : i32 to f32
      %lt3A_246 = vector.broadcast %squeeze3A_240 : f32 to vector<16xf32>
      %lt3A_247 = arith.cmpf olt, %lt3A_246, %get3A_65 : vector<16xf32>
      %eq3A_248 = vector.broadcast %squeeze3A_240 : f32 to vector<16xf32>
      %eq3A_249 = arith.cmpf oeq, %eq3A_248, %get3A_65 : vector<16xf32>
      %lt3A_250 = vector.broadcast %convert_element_type3A_245 : f32 to vector<16xf32>
      %lt3A_251 = arith.cmpf olt, %lt3A_250, %add3A_73 : vector<16xf32>
      %and3A_252 = arith.andi %eq3A_249, %lt3A_251 : vector<16xi1>
      %or3A_253 = arith.ori %lt3A_247, %and3A_252 : vector<16xi1>
      %gt3A_254 = vector.broadcast %squeeze3A_240 : f32 to vector<16xf32>
      %gt3A_255 = arith.cmpf ogt, %gt3A_254, %sub3A_68 : vector<16xf32>
      %and3A_256 = arith.andi %gt3A_255, %or3A_253 : vector<16xi1>
      %jit3A_257 = arith.constant 1.000000e+00 : f32
      %jit3A_258 = arith.constant 0.000000e+00 : f32
      %broadcast_in_dim3A_259 = vector.broadcast %jit3A_257 : f32 to vector<16xf32>
      %broadcast_in_dim3A_260 = vector.broadcast %jit3A_258 : f32 to vector<16xf32>
      %select_n3A_261 = arith.select %and3A_256, %broadcast_in_dim3A_259, %broadcast_in_dim3A_260 : vector<16xi1>, vector<16xf32>
      %add3A_262 = arith.addf %add3A_238, %select_n3A_261 : vector<16xf32>
      %slice3A_263 = vector.extract_strided_slice %get3A_100 {offsets = [7], sizes = [1], strides = [1]} : vector<16xf32> to vector<1xf32>
      %squeeze3A_264 = vector.extract %slice3A_263[0] : f32 from vector<1xf32>
      %mul3A_265 = arith.constant 16 : i32
      %mul3A_266 = arith.muli %scan3A_94, %mul3A_265 : i32
      %add3A_267 = arith.constant 7 : i32
      %add3A_268 = arith.addi %mul3A_266, %add3A_267 : i32
      %convert_element_type3A_269 = arith.sitofp %add3A_268 : i32 to f32
      %lt3A_270 = vector.broadcast %squeeze3A_264 : f32 to vector<16xf32>
      %lt3A_271 = arith.cmpf olt, %lt3A_270, %get3A_65 : vector<16xf32>
      %eq3A_272 = vector.broadcast %squeeze3A_264 : f32 to vector<16xf32>
      %eq3A_273 = arith.cmpf oeq, %eq3A_272, %get3A_65 : vector<16xf32>
      %lt3A_274 = vector.broadcast %convert_element_type3A_269 : f32 to vector<16xf32>
      %lt3A_275 = arith.cmpf olt, %lt3A_274, %add3A_73 : vector<16xf32>
      %and3A_276 = arith.andi %eq3A_273, %lt3A_275 : vector<16xi1>
      %or3A_277 = arith.ori %lt3A_271, %and3A_276 : vector<16xi1>
      %gt3A_278 = vector.broadcast %squeeze3A_264 : f32 to vector<16xf32>
      %gt3A_279 = arith.cmpf ogt, %gt3A_278, %sub3A_68 : vector<16xf32>
      %and3A_280 = arith.andi %gt3A_279, %or3A_277 : vector<16xi1>
      %jit3A_281 = arith.constant 1.000000e+00 : f32
      %jit3A_282 = arith.constant 0.000000e+00 : f32
      %broadcast_in_dim3A_283 = vector.broadcast %jit3A_281 : f32 to vector<16xf32>
      %broadcast_in_dim3A_284 = vector.broadcast %jit3A_282 : f32 to vector<16xf32>
      %select_n3A_285 = arith.select %and3A_280, %broadcast_in_dim3A_283, %broadcast_in_dim3A_284 : vector<16xi1>, vector<16xf32>
      %add3A_286 = arith.addf %add3A_262, %select_n3A_285 : vector<16xf32>
      %slice3A_287 = vector.extract_strided_slice %get3A_100 {offsets = [8], sizes = [1], strides = [1]} : vector<16xf32> to vector<1xf32>
      %squeeze3A_288 = vector.extract %slice3A_287[0] : f32 from vector<1xf32>
      %mul3A_289 = arith.constant 16 : i32
      %mul3A_290 = arith.muli %scan3A_94, %mul3A_289 : i32
      %add3A_291 = arith.constant 8 : i32
      %add3A_292 = arith.addi %mul3A_290, %add3A_291 : i32
      %convert_element_type3A_293 = arith.sitofp %add3A_292 : i32 to f32
      %lt3A_294 = vector.broadcast %squeeze3A_288 : f32 to vector<16xf32>
      %lt3A_295 = arith.cmpf olt, %lt3A_294, %get3A_65 : vector<16xf32>
      %eq3A_296 = vector.broadcast %squeeze3A_288 : f32 to vector<16xf32>
      %eq3A_297 = arith.cmpf oeq, %eq3A_296, %get3A_65 : vector<16xf32>
      %lt3A_298 = vector.broadcast %convert_element_type3A_293 : f32 to vector<16xf32>
      %lt3A_299 = arith.cmpf olt, %lt3A_298, %add3A_73 : vector<16xf32>
      %and3A_300 = arith.andi %eq3A_297, %lt3A_299 : vector<16xi1>
      %or3A_301 = arith.ori %lt3A_295, %and3A_300 : vector<16xi1>
      %gt3A_302 = vector.broadcast %squeeze3A_288 : f32 to vector<16xf32>
      %gt3A_303 = arith.cmpf ogt, %gt3A_302, %sub3A_68 : vector<16xf32>
      %and3A_304 = arith.andi %gt3A_303, %or3A_301 : vector<16xi1>
      %jit3A_305 = arith.constant 1.000000e+00 : f32
      %jit3A_306 = arith.constant 0.000000e+00 : f32
      %broadcast_in_dim3A_307 = vector.broadcast %jit3A_305 : f32 to vector<16xf32>
      %broadcast_in_dim3A_308 = vector.broadcast %jit3A_306 : f32 to vector<16xf32>
      %select_n3A_309 = arith.select %and3A_304, %broadcast_in_dim3A_307, %broadcast_in_dim3A_308 : vector<16xi1>, vector<16xf32>
      %add3A_310 = arith.addf %add3A_286, %select_n3A_309 : vector<16xf32>
      %slice3A_311 = vector.extract_strided_slice %get3A_100 {offsets = [9], sizes = [1], strides = [1]} : vector<16xf32> to vector<1xf32>
      %squeeze3A_312 = vector.extract %slice3A_311[0] : f32 from vector<1xf32>
      %mul3A_313 = arith.constant 16 : i32
      %mul3A_314 = arith.muli %scan3A_94, %mul3A_313 : i32
      %add3A_315 = arith.constant 9 : i32
      %add3A_316 = arith.addi %mul3A_314, %add3A_315 : i32
      %convert_element_type3A_317 = arith.sitofp %add3A_316 : i32 to f32
      %lt3A_318 = vector.broadcast %squeeze3A_312 : f32 to vector<16xf32>
      %lt3A_319 = arith.cmpf olt, %lt3A_318, %get3A_65 : vector<16xf32>
      %eq3A_320 = vector.broadcast %squeeze3A_312 : f32 to vector<16xf32>
      %eq3A_321 = arith.cmpf oeq, %eq3A_320, %get3A_65 : vector<16xf32>
      %lt3A_322 = vector.broadcast %convert_element_type3A_317 : f32 to vector<16xf32>
      %lt3A_323 = arith.cmpf olt, %lt3A_322, %add3A_73 : vector<16xf32>
      %and3A_324 = arith.andi %eq3A_321, %lt3A_323 : vector<16xi1>
      %or3A_325 = arith.ori %lt3A_319, %and3A_324 : vector<16xi1>
      %gt3A_326 = vector.broadcast %squeeze3A_312 : f32 to vector<16xf32>
      %gt3A_327 = arith.cmpf ogt, %gt3A_326, %sub3A_68 : vector<16xf32>
      %and3A_328 = arith.andi %gt3A_327, %or3A_325 : vector<16xi1>
      %jit3A_329 = arith.constant 1.000000e+00 : f32
      %jit3A_330 = arith.constant 0.000000e+00 : f32
      %broadcast_in_dim3A_331 = vector.broadcast %jit3A_329 : f32 to vector<16xf32>
      %broadcast_in_dim3A_332 = vector.broadcast %jit3A_330 : f32 to vector<16xf32>
      %select_n3A_333 = arith.select %and3A_328, %broadcast_in_dim3A_331, %broadcast_in_dim3A_332 : vector<16xi1>, vector<16xf32>
      %add3A_334 = arith.addf %add3A_310, %select_n3A_333 : vector<16xf32>
      %slice3A_335 = vector.extract_strided_slice %get3A_100 {offsets = [10], sizes = [1], strides = [1]} : vector<16xf32> to vector<1xf32>
      %squeeze3A_336 = vector.extract %slice3A_335[0] : f32 from vector<1xf32>
      %mul3A_337 = arith.constant 16 : i32
      %mul3A_338 = arith.muli %scan3A_94, %mul3A_337 : i32
      %add3A_339 = arith.constant 10 : i32
      %add3A_340 = arith.addi %mul3A_338, %add3A_339 : i32
      %convert_element_type3A_341 = arith.sitofp %add3A_340 : i32 to f32
      %lt3A_342 = vector.broadcast %squeeze3A_336 : f32 to vector<16xf32>
      %lt3A_343 = arith.cmpf olt, %lt3A_342, %get3A_65 : vector<16xf32>
      %eq3A_344 = vector.broadcast %squeeze3A_336 : f32 to vector<16xf32>
      %eq3A_345 = arith.cmpf oeq, %eq3A_344, %get3A_65 : vector<16xf32>
      %lt3A_346 = vector.broadcast %convert_element_type3A_341 : f32 to vector<16xf32>
      %lt3A_347 = arith.cmpf olt, %lt3A_346, %add3A_73 : vector<16xf32>
      %and3A_348 = arith.andi %eq3A_345, %lt3A_347 : vector<16xi1>
      %or3A_349 = arith.ori %lt3A_343, %and3A_348 : vector<16xi1>
      %gt3A_350 = vector.broadcast %squeeze3A_336 : f32 to vector<16xf32>
      %gt3A_351 = arith.cmpf ogt, %gt3A_350, %sub3A_68 : vector<16xf32>
      %and3A_352 = arith.andi %gt3A_351, %or3A_349 : vector<16xi1>
      %jit3A_353 = arith.constant 1.000000e+00 : f32
      %jit3A_354 = arith.constant 0.000000e+00 : f32
      %broadcast_in_dim3A_355 = vector.broadcast %jit3A_353 : f32 to vector<16xf32>
      %broadcast_in_dim3A_356 = vector.broadcast %jit3A_354 : f32 to vector<16xf32>
      %select_n3A_357 = arith.select %and3A_352, %broadcast_in_dim3A_355, %broadcast_in_dim3A_356 : vector<16xi1>, vector<16xf32>
      %add3A_358 = arith.addf %add3A_334, %select_n3A_357 : vector<16xf32>
      %slice3A_359 = vector.extract_strided_slice %get3A_100 {offsets = [11], sizes = [1], strides = [1]} : vector<16xf32> to vector<1xf32>
      %squeeze3A_360 = vector.extract %slice3A_359[0] : f32 from vector<1xf32>
      %mul3A_361 = arith.constant 16 : i32
      %mul3A_362 = arith.muli %scan3A_94, %mul3A_361 : i32
      %add3A_363 = arith.constant 11 : i32
      %add3A_364 = arith.addi %mul3A_362, %add3A_363 : i32
      %convert_element_type3A_365 = arith.sitofp %add3A_364 : i32 to f32
      %lt3A_366 = vector.broadcast %squeeze3A_360 : f32 to vector<16xf32>
      %lt3A_367 = arith.cmpf olt, %lt3A_366, %get3A_65 : vector<16xf32>
      %eq3A_368 = vector.broadcast %squeeze3A_360 : f32 to vector<16xf32>
      %eq3A_369 = arith.cmpf oeq, %eq3A_368, %get3A_65 : vector<16xf32>
      %lt3A_370 = vector.broadcast %convert_element_type3A_365 : f32 to vector<16xf32>
      %lt3A_371 = arith.cmpf olt, %lt3A_370, %add3A_73 : vector<16xf32>
      %and3A_372 = arith.andi %eq3A_369, %lt3A_371 : vector<16xi1>
      %or3A_373 = arith.ori %lt3A_367, %and3A_372 : vector<16xi1>
      %gt3A_374 = vector.broadcast %squeeze3A_360 : f32 to vector<16xf32>
      %gt3A_375 = arith.cmpf ogt, %gt3A_374, %sub3A_68 : vector<16xf32>
      %and3A_376 = arith.andi %gt3A_375, %or3A_373 : vector<16xi1>
      %jit3A_377 = arith.constant 1.000000e+00 : f32
      %jit3A_378 = arith.constant 0.000000e+00 : f32
      %broadcast_in_dim3A_379 = vector.broadcast %jit3A_377 : f32 to vector<16xf32>
      %broadcast_in_dim3A_380 = vector.broadcast %jit3A_378 : f32 to vector<16xf32>
      %select_n3A_381 = arith.select %and3A_376, %broadcast_in_dim3A_379, %broadcast_in_dim3A_380 : vector<16xi1>, vector<16xf32>
      %add3A_382 = arith.addf %add3A_358, %select_n3A_381 : vector<16xf32>
      %slice3A_383 = vector.extract_strided_slice %get3A_100 {offsets = [12], sizes = [1], strides = [1]} : vector<16xf32> to vector<1xf32>
      %squeeze3A_384 = vector.extract %slice3A_383[0] : f32 from vector<1xf32>
      %mul3A_385 = arith.constant 16 : i32
      %mul3A_386 = arith.muli %scan3A_94, %mul3A_385 : i32
      %add3A_387 = arith.constant 12 : i32
      %add3A_388 = arith.addi %mul3A_386, %add3A_387 : i32
      %convert_element_type3A_389 = arith.sitofp %add3A_388 : i32 to f32
      %lt3A_390 = vector.broadcast %squeeze3A_384 : f32 to vector<16xf32>
      %lt3A_391 = arith.cmpf olt, %lt3A_390, %get3A_65 : vector<16xf32>
      %eq3A_392 = vector.broadcast %squeeze3A_384 : f32 to vector<16xf32>
      %eq3A_393 = arith.cmpf oeq, %eq3A_392, %get3A_65 : vector<16xf32>
      %lt3A_394 = vector.broadcast %convert_element_type3A_389 : f32 to vector<16xf32>
      %lt3A_395 = arith.cmpf olt, %lt3A_394, %add3A_73 : vector<16xf32>
      %and3A_396 = arith.andi %eq3A_393, %lt3A_395 : vector<16xi1>
      %or3A_397 = arith.ori %lt3A_391, %and3A_396 : vector<16xi1>
      %gt3A_398 = vector.broadcast %squeeze3A_384 : f32 to vector<16xf32>
      %gt3A_399 = arith.cmpf ogt, %gt3A_398, %sub3A_68 : vector<16xf32>
      %and3A_400 = arith.andi %gt3A_399, %or3A_397 : vector<16xi1>
      %jit3A_401 = arith.constant 1.000000e+00 : f32
      %jit3A_402 = arith.constant 0.000000e+00 : f32
      %broadcast_in_dim3A_403 = vector.broadcast %jit3A_401 : f32 to vector<16xf32>
      %broadcast_in_dim3A_404 = vector.broadcast %jit3A_402 : f32 to vector<16xf32>
      %select_n3A_405 = arith.select %and3A_400, %broadcast_in_dim3A_403, %broadcast_in_dim3A_404 : vector<16xi1>, vector<16xf32>
      %add3A_406 = arith.addf %add3A_382, %select_n3A_405 : vector<16xf32>
      %slice3A_407 = vector.extract_strided_slice %get3A_100 {offsets = [13], sizes = [1], strides = [1]} : vector<16xf32> to vector<1xf32>
      %squeeze3A_408 = vector.extract %slice3A_407[0] : f32 from vector<1xf32>
      %mul3A_409 = arith.constant 16 : i32
      %mul3A_410 = arith.muli %scan3A_94, %mul3A_409 : i32
      %add3A_411 = arith.constant 13 : i32
      %add3A_412 = arith.addi %mul3A_410, %add3A_411 : i32
      %convert_element_type3A_413 = arith.sitofp %add3A_412 : i32 to f32
      %lt3A_414 = vector.broadcast %squeeze3A_408 : f32 to vector<16xf32>
      %lt3A_415 = arith.cmpf olt, %lt3A_414, %get3A_65 : vector<16xf32>
      %eq3A_416 = vector.broadcast %squeeze3A_408 : f32 to vector<16xf32>
      %eq3A_417 = arith.cmpf oeq, %eq3A_416, %get3A_65 : vector<16xf32>
      %lt3A_418 = vector.broadcast %convert_element_type3A_413 : f32 to vector<16xf32>
      %lt3A_419 = arith.cmpf olt, %lt3A_418, %add3A_73 : vector<16xf32>
      %and3A_420 = arith.andi %eq3A_417, %lt3A_419 : vector<16xi1>
      %or3A_421 = arith.ori %lt3A_415, %and3A_420 : vector<16xi1>
      %gt3A_422 = vector.broadcast %squeeze3A_408 : f32 to vector<16xf32>
      %gt3A_423 = arith.cmpf ogt, %gt3A_422, %sub3A_68 : vector<16xf32>
      %and3A_424 = arith.andi %gt3A_423, %or3A_421 : vector<16xi1>
      %jit3A_425 = arith.constant 1.000000e+00 : f32
      %jit3A_426 = arith.constant 0.000000e+00 : f32
      %broadcast_in_dim3A_427 = vector.broadcast %jit3A_425 : f32 to vector<16xf32>
      %broadcast_in_dim3A_428 = vector.broadcast %jit3A_426 : f32 to vector<16xf32>
      %select_n3A_429 = arith.select %and3A_424, %broadcast_in_dim3A_427, %broadcast_in_dim3A_428 : vector<16xi1>, vector<16xf32>
      %add3A_430 = arith.addf %add3A_406, %select_n3A_429 : vector<16xf32>
      %slice3A_431 = vector.extract_strided_slice %get3A_100 {offsets = [14], sizes = [1], strides = [1]} : vector<16xf32> to vector<1xf32>
      %squeeze3A_432 = vector.extract %slice3A_431[0] : f32 from vector<1xf32>
      %mul3A_433 = arith.constant 16 : i32
      %mul3A_434 = arith.muli %scan3A_94, %mul3A_433 : i32
      %add3A_435 = arith.constant 14 : i32
      %add3A_436 = arith.addi %mul3A_434, %add3A_435 : i32
      %convert_element_type3A_437 = arith.sitofp %add3A_436 : i32 to f32
      %lt3A_438 = vector.broadcast %squeeze3A_432 : f32 to vector<16xf32>
      %lt3A_439 = arith.cmpf olt, %lt3A_438, %get3A_65 : vector<16xf32>
      %eq3A_440 = vector.broadcast %squeeze3A_432 : f32 to vector<16xf32>
      %eq3A_441 = arith.cmpf oeq, %eq3A_440, %get3A_65 : vector<16xf32>
      %lt3A_442 = vector.broadcast %convert_element_type3A_437 : f32 to vector<16xf32>
      %lt3A_443 = arith.cmpf olt, %lt3A_442, %add3A_73 : vector<16xf32>
      %and3A_444 = arith.andi %eq3A_441, %lt3A_443 : vector<16xi1>
      %or3A_445 = arith.ori %lt3A_439, %and3A_444 : vector<16xi1>
      %gt3A_446 = vector.broadcast %squeeze3A_432 : f32 to vector<16xf32>
      %gt3A_447 = arith.cmpf ogt, %gt3A_446, %sub3A_68 : vector<16xf32>
      %and3A_448 = arith.andi %gt3A_447, %or3A_445 : vector<16xi1>
      %jit3A_449 = arith.constant 1.000000e+00 : f32
      %jit3A_450 = arith.constant 0.000000e+00 : f32
      %broadcast_in_dim3A_451 = vector.broadcast %jit3A_449 : f32 to vector<16xf32>
      %broadcast_in_dim3A_452 = vector.broadcast %jit3A_450 : f32 to vector<16xf32>
      %select_n3A_453 = arith.select %and3A_448, %broadcast_in_dim3A_451, %broadcast_in_dim3A_452 : vector<16xi1>, vector<16xf32>
      %add3A_454 = arith.addf %add3A_430, %select_n3A_453 : vector<16xf32>
      %slice3A_455 = vector.extract_strided_slice %get3A_100 {offsets = [15], sizes = [1], strides = [1]} : vector<16xf32> to vector<1xf32>
      %squeeze3A_456 = vector.extract %slice3A_455[0] : f32 from vector<1xf32>
      %mul3A_457 = arith.constant 16 : i32
      %mul3A_458 = arith.muli %scan3A_94, %mul3A_457 : i32
      %add3A_459 = arith.constant 15 : i32
      %add3A_460 = arith.addi %mul3A_458, %add3A_459 : i32
      %convert_element_type3A_461 = arith.sitofp %add3A_460 : i32 to f32
      %lt3A_462 = vector.broadcast %squeeze3A_456 : f32 to vector<16xf32>
      %lt3A_463 = arith.cmpf olt, %lt3A_462, %get3A_65 : vector<16xf32>
      %eq3A_464 = vector.broadcast %squeeze3A_456 : f32 to vector<16xf32>
      %eq3A_465 = arith.cmpf oeq, %eq3A_464, %get3A_65 : vector<16xf32>
      %lt3A_466 = vector.broadcast %convert_element_type3A_461 : f32 to vector<16xf32>
      %lt3A_467 = arith.cmpf olt, %lt3A_466, %add3A_73 : vector<16xf32>
      %and3A_468 = arith.andi %eq3A_465, %lt3A_467 : vector<16xi1>
      %or3A_469 = arith.ori %lt3A_463, %and3A_468 : vector<16xi1>
      %gt3A_470 = vector.broadcast %squeeze3A_456 : f32 to vector<16xf32>
      %gt3A_471 = arith.cmpf ogt, %gt3A_470, %sub3A_68 : vector<16xf32>
      %and3A_472 = arith.andi %gt3A_471, %or3A_469 : vector<16xi1>
      %jit3A_473 = arith.constant 1.000000e+00 : f32
      %jit3A_474 = arith.constant 0.000000e+00 : f32
      %broadcast_in_dim3A_475 = vector.broadcast %jit3A_473 : f32 to vector<16xf32>
      %broadcast_in_dim3A_476 = vector.broadcast %jit3A_474 : f32 to vector<16xf32>
      %select_n3A_477 = arith.select %and3A_472, %broadcast_in_dim3A_475, %broadcast_in_dim3A_476 : vector<16xi1>, vector<16xf32>
      %add3A_478 = arith.addf %add3A_454, %select_n3A_477 : vector<16xf32>
      scf.yield %add3A_478 : vector<16xf32>
    }
    %scan3A_81 = arith.constant 72 : i32
    %lt3A_82 = arith.constant 1.000000e+01 : f32
    %lt3A_83 = vector.broadcast %lt3A_82 : f32 to vector<16xf32>
    %lt3A_84 = arith.cmpf olt, %scan3A_80, %lt3A_83 : vector<16xf32>
    %jit3A_85 = arith.constant 1.000000e+00 : f32
    %jit3A_86 = arith.constant 0.000000e+00 : f32
    %broadcast_in_dim3A_87 = vector.broadcast %jit3A_85 : f32 to vector<16xf32>
    %broadcast_in_dim3A_88 = vector.broadcast %jit3A_86 : f32 to vector<16xf32>
    %select_n3A_89 = arith.select %lt3A_84, %broadcast_in_dim3A_87, %broadcast_in_dim3A_88 : vector<16xi1>, vector<16xf32>
    %swap3A_90 = arith.constant 32 : index
    %swap3A_91 = tpu.vector_load %arg5[%swap3A_90] {strides = array<i32>} : memref<48xf32, #tpu.memory_space<vmem>>, vector<16xf32>,
    %swap3A_92 = vector.shape_cast %swap3A_91 : vector<16xf32> to vector<16xf32>
    %swap3A_93 = vector.shape_cast %select_n3A_89 : vector<16xf32> to vector<16xf32>
    tpu.vector_store %arg5[%swap3A_90], %swap3A_93 {strides = array<i32>} : memref<48xf32, #tpu.memory_space<vmem>>, vector<16xf32>,
    "tpu.region"() ({
      %run_scoped3A = tpu.sem_alloc : memref<!tpu.dma_semaphore, #tpu.memory_space<semaphore_mem>>
      %dma_start3A = tpu.memref_slice %arg3[%mul3A_2] : memref<1536xf32, #tpu.memory_space<hbm>> -> memref<48xf32, #tpu.memory_space<hbm>>
      %dma_start3A_94 = tpu.memref_slice %arg3[%mul3A_2] : memref<1536xf32, #tpu.memory_space<hbm>> -> memref<48xf32, #tpu.memory_space<hbm>>
      tpu.enqueue_dma source(%arg5 : memref<48xf32, #tpu.memory_space<vmem>>) target(%dma_start3A_94 : memref<48xf32, #tpu.memory_space<hbm>>) target_semaphore(%run_scoped3A : memref<!tpu.dma_semaphore, #tpu.memory_space<semaphore_mem>>)
      %dma_wait3A = tpu.memref_slice %arg3[%mul3A_2] : memref<1536xf32, #tpu.memory_space<hbm>> -> memref<48xf32, #tpu.memory_space<hbm>>
      %dma_wait3A_95 = tpu.memref_slice %arg3[%mul3A_2] : memref<1536xf32, #tpu.memory_space<hbm>> -> memref<48xf32, #tpu.memory_space<hbm>>
      tpu.wait_dma2 semaphore(%run_scoped3A : memref<!tpu.dma_semaphore, #tpu.memory_space<semaphore_mem>>) src(%arg5 : memref<48xf32, #tpu.memory_space<vmem>>) dst(%dma_wait3A_95 : memref<48xf32, #tpu.memory_space<hbm>>)
      tpu.yield
    }) : () -> ()
    return
  }
}

module attributes {stable_mosaic.version = 14 : i64} {
  func.func @_cent_kernel(%arg0: memref<128x1024xf32, #tpu.memory_space<vmem>>, %arg1: memref<1024x1024xf32, #tpu.memory_space<vmem>>, %arg2: memref<12x128xf32, #tpu.memory_space<vmem>>, %arg3: memref<12x128xf32, #tpu.memory_space<vmem>>, %arg4: memref<12x128xf32, #tpu.memory_space<vmem>>, %arg5: memref<128x1000xf32, #tpu.memory_space<vmem>>, %arg6: memref<1024x1024xf32, #tpu.memory_space<vmem>>, %arg7: memref<128x1024xf32, #tpu.memory_space<vmem>>, %arg8: memref<1000x1024xf32, #tpu.memory_space<vmem>>) attributes {dimension_semantics = [], scalar_prefetch = 0 : i64, scratch_operands = 3 : i64, tpu.core_type = #tpu.core_type<tc>} {
    %get3A = arith.constant 0 : index
    %get3A_0 = arith.constant 0 : index
    %get3A_1 = vector.load %arg0[%get3A, %get3A_0] : memref<128x1024xf32, #tpu.memory_space<vmem>>, vector<128x1024xf32>
    %mul3A = arith.mulf %get3A_1, %get3A_1 : vector<128x1024xf32>
    %reduce_sum3A = arith.constant dense<0.000000e+00> : vector<128xf32>
    %reduce_sum3A_2 = vector.multi_reduction <add>, %mul3A, %reduce_sum3A [1] : vector<128x1024xf32> to vector<128xf32>
    %broadcast_in_dim3A = vector.shape_cast %reduce_sum3A_2 : vector<128xf32> to vector<128x1xf32>
    %sqrt3A = math.sqrt %broadcast_in_dim3A : vector<128x1xf32>
    %max3A = arith.constant 9.99999996E-13 : f32
    %max3A_3 = vector.broadcast %max3A : f32 to vector<128x1xf32>
    %max3A_4 = arith.maximumf %sqrt3A, %max3A_3 : vector<128x1xf32>
    %div3A = vector.broadcast %max3A_4 : vector<128x1xf32> to vector<128x1024xf32>
    %div3A_5 = arith.divf %get3A_1, %div3A : vector<128x1024xf32>
    %swap3A = arith.constant 0 : index
    %swap3A_6 = arith.constant 0 : index
    %swap3A_7 = vector.load %arg7[%swap3A, %swap3A_6] : memref<128x1024xf32, #tpu.memory_space<vmem>>, vector<128x1024xf32>
    tpu.vector_store %arg7[%swap3A, %swap3A_6], %div3A_5 {strides = array<i32>} : memref<128x1024xf32, #tpu.memory_space<vmem>>, vector<128x1024xf32>,
    %get3A_8 = arith.constant 0 : index
    %get3A_9 = arith.constant 0 : index
    %get3A_10 = vector.load %arg1[%get3A_8, %get3A_9] : memref<1024x1024xf32, #tpu.memory_space<vmem>>, vector<128x1024xf32>
    %mul3A_11 = arith.mulf %get3A_10, %get3A_10 : vector<128x1024xf32>
    %reduce_sum3A_12 = arith.constant dense<0.000000e+00> : vector<128xf32>
    %reduce_sum3A_13 = vector.multi_reduction <add>, %mul3A_11, %reduce_sum3A_12 [1] : vector<128x1024xf32> to vector<128xf32>
    %broadcast_in_dim3A_14 = vector.shape_cast %reduce_sum3A_13 : vector<128xf32> to vector<128x1xf32>
    %sqrt3A_15 = math.sqrt %broadcast_in_dim3A_14 : vector<128x1xf32>
    %max3A_16 = arith.constant 9.99999996E-13 : f32
    %max3A_17 = vector.broadcast %max3A_16 : f32 to vector<128x1xf32>
    %max3A_18 = arith.maximumf %sqrt3A_15, %max3A_17 : vector<128x1xf32>
    %div3A_19 = vector.broadcast %max3A_18 : vector<128x1xf32> to vector<128x1024xf32>
    %div3A_20 = arith.divf %get3A_10, %div3A_19 : vector<128x1024xf32>
    %swap3A_21 = arith.constant 0 : index
    %swap3A_22 = arith.constant 0 : index
    %swap3A_23 = vector.load %arg6[%swap3A_21, %swap3A_22] : memref<1024x1024xf32, #tpu.memory_space<vmem>>, vector<128x1024xf32>
    tpu.vector_store %arg6[%swap3A_21, %swap3A_22], %div3A_20 {strides = array<i32>} : memref<1024x1024xf32, #tpu.memory_space<vmem>>, vector<128x1024xf32>,
    %get3A_24 = arith.constant 128 : index
    %get3A_25 = arith.constant 0 : index
    %get3A_26 = vector.load %arg1[%get3A_24, %get3A_25] : memref<1024x1024xf32, #tpu.memory_space<vmem>>, vector<128x1024xf32>
    %mul3A_27 = arith.mulf %get3A_26, %get3A_26 : vector<128x1024xf32>
    %reduce_sum3A_28 = arith.constant dense<0.000000e+00> : vector<128xf32>
    %reduce_sum3A_29 = vector.multi_reduction <add>, %mul3A_27, %reduce_sum3A_28 [1] : vector<128x1024xf32> to vector<128xf32>
    %broadcast_in_dim3A_30 = vector.shape_cast %reduce_sum3A_29 : vector<128xf32> to vector<128x1xf32>
    %sqrt3A_31 = math.sqrt %broadcast_in_dim3A_30 : vector<128x1xf32>
    %max3A_32 = arith.constant 9.99999996E-13 : f32
    %max3A_33 = vector.broadcast %max3A_32 : f32 to vector<128x1xf32>
    %max3A_34 = arith.maximumf %sqrt3A_31, %max3A_33 : vector<128x1xf32>
    %div3A_35 = vector.broadcast %max3A_34 : vector<128x1xf32> to vector<128x1024xf32>
    %div3A_36 = arith.divf %get3A_26, %div3A_35 : vector<128x1024xf32>
    %swap3A_37 = arith.constant 128 : index
    %swap3A_38 = arith.constant 0 : index
    %swap3A_39 = vector.load %arg6[%swap3A_37, %swap3A_38] : memref<1024x1024xf32, #tpu.memory_space<vmem>>, vector<128x1024xf32>
    tpu.vector_store %arg6[%swap3A_37, %swap3A_38], %div3A_36 {strides = array<i32>} : memref<1024x1024xf32, #tpu.memory_space<vmem>>, vector<128x1024xf32>,
    %get3A_40 = arith.constant 256 : index
    %get3A_41 = arith.constant 0 : index
    %get3A_42 = vector.load %arg1[%get3A_40, %get3A_41] : memref<1024x1024xf32, #tpu.memory_space<vmem>>, vector<128x1024xf32>
    %mul3A_43 = arith.mulf %get3A_42, %get3A_42 : vector<128x1024xf32>
    %reduce_sum3A_44 = arith.constant dense<0.000000e+00> : vector<128xf32>
    %reduce_sum3A_45 = vector.multi_reduction <add>, %mul3A_43, %reduce_sum3A_44 [1] : vector<128x1024xf32> to vector<128xf32>
    %broadcast_in_dim3A_46 = vector.shape_cast %reduce_sum3A_45 : vector<128xf32> to vector<128x1xf32>
    %sqrt3A_47 = math.sqrt %broadcast_in_dim3A_46 : vector<128x1xf32>
    %max3A_48 = arith.constant 9.99999996E-13 : f32
    %max3A_49 = vector.broadcast %max3A_48 : f32 to vector<128x1xf32>
    %max3A_50 = arith.maximumf %sqrt3A_47, %max3A_49 : vector<128x1xf32>
    %div3A_51 = vector.broadcast %max3A_50 : vector<128x1xf32> to vector<128x1024xf32>
    %div3A_52 = arith.divf %get3A_42, %div3A_51 : vector<128x1024xf32>
    %swap3A_53 = arith.constant 256 : index
    %swap3A_54 = arith.constant 0 : index
    %swap3A_55 = vector.load %arg6[%swap3A_53, %swap3A_54] : memref<1024x1024xf32, #tpu.memory_space<vmem>>, vector<128x1024xf32>
    tpu.vector_store %arg6[%swap3A_53, %swap3A_54], %div3A_52 {strides = array<i32>} : memref<1024x1024xf32, #tpu.memory_space<vmem>>, vector<128x1024xf32>,
    %get3A_56 = arith.constant 384 : index
    %get3A_57 = arith.constant 0 : index
    %get3A_58 = vector.load %arg1[%get3A_56, %get3A_57] : memref<1024x1024xf32, #tpu.memory_space<vmem>>, vector<128x1024xf32>
    %mul3A_59 = arith.mulf %get3A_58, %get3A_58 : vector<128x1024xf32>
    %reduce_sum3A_60 = arith.constant dense<0.000000e+00> : vector<128xf32>
    %reduce_sum3A_61 = vector.multi_reduction <add>, %mul3A_59, %reduce_sum3A_60 [1] : vector<128x1024xf32> to vector<128xf32>
    %broadcast_in_dim3A_62 = vector.shape_cast %reduce_sum3A_61 : vector<128xf32> to vector<128x1xf32>
    %sqrt3A_63 = math.sqrt %broadcast_in_dim3A_62 : vector<128x1xf32>
    %max3A_64 = arith.constant 9.99999996E-13 : f32
    %max3A_65 = vector.broadcast %max3A_64 : f32 to vector<128x1xf32>
    %max3A_66 = arith.maximumf %sqrt3A_63, %max3A_65 : vector<128x1xf32>
    %div3A_67 = vector.broadcast %max3A_66 : vector<128x1xf32> to vector<128x1024xf32>
    %div3A_68 = arith.divf %get3A_58, %div3A_67 : vector<128x1024xf32>
    %swap3A_69 = arith.constant 384 : index
    %swap3A_70 = arith.constant 0 : index
    %swap3A_71 = vector.load %arg6[%swap3A_69, %swap3A_70] : memref<1024x1024xf32, #tpu.memory_space<vmem>>, vector<128x1024xf32>
    tpu.vector_store %arg6[%swap3A_69, %swap3A_70], %div3A_68 {strides = array<i32>} : memref<1024x1024xf32, #tpu.memory_space<vmem>>, vector<128x1024xf32>,
    %get3A_72 = arith.constant 512 : index
    %get3A_73 = arith.constant 0 : index
    %get3A_74 = vector.load %arg1[%get3A_72, %get3A_73] : memref<1024x1024xf32, #tpu.memory_space<vmem>>, vector<128x1024xf32>
    %mul3A_75 = arith.mulf %get3A_74, %get3A_74 : vector<128x1024xf32>
    %reduce_sum3A_76 = arith.constant dense<0.000000e+00> : vector<128xf32>
    %reduce_sum3A_77 = vector.multi_reduction <add>, %mul3A_75, %reduce_sum3A_76 [1] : vector<128x1024xf32> to vector<128xf32>
    %broadcast_in_dim3A_78 = vector.shape_cast %reduce_sum3A_77 : vector<128xf32> to vector<128x1xf32>
    %sqrt3A_79 = math.sqrt %broadcast_in_dim3A_78 : vector<128x1xf32>
    %max3A_80 = arith.constant 9.99999996E-13 : f32
    %max3A_81 = vector.broadcast %max3A_80 : f32 to vector<128x1xf32>
    %max3A_82 = arith.maximumf %sqrt3A_79, %max3A_81 : vector<128x1xf32>
    %div3A_83 = vector.broadcast %max3A_82 : vector<128x1xf32> to vector<128x1024xf32>
    %div3A_84 = arith.divf %get3A_74, %div3A_83 : vector<128x1024xf32>
    %swap3A_85 = arith.constant 512 : index
    %swap3A_86 = arith.constant 0 : index
    %swap3A_87 = vector.load %arg6[%swap3A_85, %swap3A_86] : memref<1024x1024xf32, #tpu.memory_space<vmem>>, vector<128x1024xf32>
    tpu.vector_store %arg6[%swap3A_85, %swap3A_86], %div3A_84 {strides = array<i32>} : memref<1024x1024xf32, #tpu.memory_space<vmem>>, vector<128x1024xf32>,
    %get3A_88 = arith.constant 640 : index
    %get3A_89 = arith.constant 0 : index
    %get3A_90 = vector.load %arg1[%get3A_88, %get3A_89] : memref<1024x1024xf32, #tpu.memory_space<vmem>>, vector<128x1024xf32>
    %mul3A_91 = arith.mulf %get3A_90, %get3A_90 : vector<128x1024xf32>
    %reduce_sum3A_92 = arith.constant dense<0.000000e+00> : vector<128xf32>
    %reduce_sum3A_93 = vector.multi_reduction <add>, %mul3A_91, %reduce_sum3A_92 [1] : vector<128x1024xf32> to vector<128xf32>
    %broadcast_in_dim3A_94 = vector.shape_cast %reduce_sum3A_93 : vector<128xf32> to vector<128x1xf32>
    %sqrt3A_95 = math.sqrt %broadcast_in_dim3A_94 : vector<128x1xf32>
    %max3A_96 = arith.constant 9.99999996E-13 : f32
    %max3A_97 = vector.broadcast %max3A_96 : f32 to vector<128x1xf32>
    %max3A_98 = arith.maximumf %sqrt3A_95, %max3A_97 : vector<128x1xf32>
    %div3A_99 = vector.broadcast %max3A_98 : vector<128x1xf32> to vector<128x1024xf32>
    %div3A_100 = arith.divf %get3A_90, %div3A_99 : vector<128x1024xf32>
    %swap3A_101 = arith.constant 640 : index
    %swap3A_102 = arith.constant 0 : index
    %swap3A_103 = vector.load %arg6[%swap3A_101, %swap3A_102] : memref<1024x1024xf32, #tpu.memory_space<vmem>>, vector<128x1024xf32>
    tpu.vector_store %arg6[%swap3A_101, %swap3A_102], %div3A_100 {strides = array<i32>} : memref<1024x1024xf32, #tpu.memory_space<vmem>>, vector<128x1024xf32>,
    %get3A_104 = arith.constant 768 : index
    %get3A_105 = arith.constant 0 : index
    %get3A_106 = vector.load %arg1[%get3A_104, %get3A_105] : memref<1024x1024xf32, #tpu.memory_space<vmem>>, vector<128x1024xf32>
    %mul3A_107 = arith.mulf %get3A_106, %get3A_106 : vector<128x1024xf32>
    %reduce_sum3A_108 = arith.constant dense<0.000000e+00> : vector<128xf32>
    %reduce_sum3A_109 = vector.multi_reduction <add>, %mul3A_107, %reduce_sum3A_108 [1] : vector<128x1024xf32> to vector<128xf32>
    %broadcast_in_dim3A_110 = vector.shape_cast %reduce_sum3A_109 : vector<128xf32> to vector<128x1xf32>
    %sqrt3A_111 = math.sqrt %broadcast_in_dim3A_110 : vector<128x1xf32>
    %max3A_112 = arith.constant 9.99999996E-13 : f32
    %max3A_113 = vector.broadcast %max3A_112 : f32 to vector<128x1xf32>
    %max3A_114 = arith.maximumf %sqrt3A_111, %max3A_113 : vector<128x1xf32>
    %div3A_115 = vector.broadcast %max3A_114 : vector<128x1xf32> to vector<128x1024xf32>
    %div3A_116 = arith.divf %get3A_106, %div3A_115 : vector<128x1024xf32>
    %swap3A_117 = arith.constant 768 : index
    %swap3A_118 = arith.constant 0 : index
    %swap3A_119 = vector.load %arg6[%swap3A_117, %swap3A_118] : memref<1024x1024xf32, #tpu.memory_space<vmem>>, vector<128x1024xf32>
    tpu.vector_store %arg6[%swap3A_117, %swap3A_118], %div3A_116 {strides = array<i32>} : memref<1024x1024xf32, #tpu.memory_space<vmem>>, vector<128x1024xf32>,
    %get3A_120 = arith.constant 896 : index
    %get3A_121 = arith.constant 0 : index
    %get3A_122 = vector.load %arg1[%get3A_120, %get3A_121] : memref<1024x1024xf32, #tpu.memory_space<vmem>>, vector<128x1024xf32>
    %mul3A_123 = arith.mulf %get3A_122, %get3A_122 : vector<128x1024xf32>
    %reduce_sum3A_124 = arith.constant dense<0.000000e+00> : vector<128xf32>
    %reduce_sum3A_125 = vector.multi_reduction <add>, %mul3A_123, %reduce_sum3A_124 [1] : vector<128x1024xf32> to vector<128xf32>
    %broadcast_in_dim3A_126 = vector.shape_cast %reduce_sum3A_125 : vector<128xf32> to vector<128x1xf32>
    %sqrt3A_127 = math.sqrt %broadcast_in_dim3A_126 : vector<128x1xf32>
    %max3A_128 = arith.constant 9.99999996E-13 : f32
    %max3A_129 = vector.broadcast %max3A_128 : f32 to vector<128x1xf32>
    %max3A_130 = arith.maximumf %sqrt3A_127, %max3A_129 : vector<128x1xf32>
    %div3A_131 = vector.broadcast %max3A_130 : vector<128x1xf32> to vector<128x1024xf32>
    %div3A_132 = arith.divf %get3A_122, %div3A_131 : vector<128x1024xf32>
    %swap3A_133 = arith.constant 896 : index
    %swap3A_134 = arith.constant 0 : index
    %swap3A_135 = vector.load %arg6[%swap3A_133, %swap3A_134] : memref<1024x1024xf32, #tpu.memory_space<vmem>>, vector<128x1024xf32>
    tpu.vector_store %arg6[%swap3A_133, %swap3A_134], %div3A_132 {strides = array<i32>} : memref<1024x1024xf32, #tpu.memory_space<vmem>>, vector<128x1024xf32>,
    %get3A_136 = arith.constant 9 : index
    %get3A_137 = arith.constant 0 : index
    %get3A_138 = vector.load %arg3[%get3A_136, %get3A_137] : memref<12x128xf32, #tpu.memory_space<vmem>>, vector<1x128xf32>
    %iota3A = tpu.iota {dimensions = array<i32: 0>} : vector<200x1xi32>
    %add3A = arith.constant 0 : i32
    %add3A_139 = vector.broadcast %add3A : i32 to vector<200x1xi32>
    %add3A_140 = arith.addi %iota3A, %add3A_139 : vector<200x1xi32>
    %convert_element_type3A = arith.sitofp %add3A_140 : vector<200x1xi32> to vector<200x1xf32>
    %get3A_141 = arith.constant 8 : index
    %get3A_142 = arith.constant 0 : index
    %get3A_143 = vector.load %arg3[%get3A_141, %get3A_142] : memref<12x128xf32, #tpu.memory_space<vmem>>, vector<1x128xf32>
    %mul3A_144 = arith.mulf %get3A_143, %get3A_138 : vector<1x128xf32>
    %get3A_145 = arith.constant 8 : index
    %get3A_146 = arith.constant 0 : index
    %get3A_147 = vector.load %arg4[%get3A_145, %get3A_146] : memref<12x128xf32, #tpu.memory_space<vmem>>, vector<1x128xf32>
    %mul3A_148 = arith.mulf %mul3A_144, %get3A_147 : vector<1x128xf32>
    %get3A_149 = arith.constant 8 : index
    %get3A_150 = arith.constant 0 : index
    %get3A_151 = vector.load %arg2[%get3A_149, %get3A_150] : memref<12x128xf32, #tpu.memory_space<vmem>>, vector<1x128xf32>
    %eq3A = vector.broadcast %get3A_151 : vector<1x128xf32> to vector<200x128xf32>
    %eq3A_152 = vector.broadcast %convert_element_type3A : vector<200x1xf32> to vector<200x128xf32>
    %eq3A_153 = arith.cmpf oeq, %eq3A, %eq3A_152 : vector<200x128xf32>
    %jit3A = arith.constant 0.000000e+00 : f32
    %broadcast_in_dim3A_154 = vector.shape_cast %mul3A_148 : vector<1x128xf32> to vector<1x128xf32>
    %broadcast_in_dim3A_155 = vector.broadcast %broadcast_in_dim3A_154 : vector<1x128xf32> to vector<200x128xf32>
    %broadcast_in_dim3A_156 = vector.broadcast %jit3A : f32 to vector<200x128xf32>
    %select_n3A = arith.select %eq3A_153, %broadcast_in_dim3A_155, %broadcast_in_dim3A_156 : vector<200x128xi1>, vector<200x128xf32>
    %get3A_157 = arith.constant 0 : index
    %get3A_158 = arith.constant 0 : index
    %get3A_159 = vector.load %arg7[%get3A_157, %get3A_158] : memref<128x1024xf32, #tpu.memory_space<vmem>>, vector<128x1024xf32>
    %dot_general3A = arith.constant dense<0.000000e+00> : vector<200x1024xf32>
    %dot_general3A_160 = tpu.matmul %select_n3A, %get3A_159, %dot_general3A {dimension_numbers = #tpu.dot_dimension_numbers<[1], [0], [0], [1], [0, 0, 1, 1], [], []>, precision = #tpu.contract_precision<fp32>, transpose_lhs_hint = false} : vector<200x128xf32>, vector<128x1024xf32>, vector<200x1024xf32> -> vector<200x1024xf32>
    %get3A_161 = arith.constant 0 : index
    %get3A_162 = arith.constant 0 : index
    %get3A_163 = vector.load %arg3[%get3A_161, %get3A_162] : memref<12x128xf32, #tpu.memory_space<vmem>>, vector<1x128xf32>
    %get3A_164 = arith.constant 0 : index
    %get3A_165 = arith.constant 0 : index
    %get3A_166 = vector.load %arg4[%get3A_164, %get3A_165] : memref<12x128xf32, #tpu.memory_space<vmem>>, vector<1x128xf32>
    %mul3A_167 = arith.mulf %get3A_138, %get3A_166 : vector<1x128xf32>
    %sub3A = arith.constant 1.000000e+00 : f32
    %sub3A_168 = vector.broadcast %sub3A : f32 to vector<1x128xf32>
    %sub3A_169 = arith.subf %sub3A_168, %get3A_138 : vector<1x128xf32>
    %add3A_170 = arith.addf %mul3A_167, %sub3A_169 : vector<1x128xf32>
    %mul3A_171 = arith.mulf %get3A_163, %add3A_170 : vector<1x128xf32>
    %get3A_172 = arith.constant 0 : index
    %get3A_173 = arith.constant 0 : index
    %get3A_174 = vector.load %arg2[%get3A_172, %get3A_173] : memref<12x128xf32, #tpu.memory_space<vmem>>, vector<1x128xf32>
    %eq3A_175 = vector.broadcast %get3A_174 : vector<1x128xf32> to vector<200x128xf32>
    %eq3A_176 = vector.broadcast %convert_element_type3A : vector<200x1xf32> to vector<200x128xf32>
    %eq3A_177 = arith.cmpf oeq, %eq3A_175, %eq3A_176 : vector<200x128xf32>
    %jit3A_178 = arith.constant 0.000000e+00 : f32
    %broadcast_in_dim3A_179 = vector.shape_cast %mul3A_171 : vector<1x128xf32> to vector<1x128xf32>
    %broadcast_in_dim3A_180 = vector.broadcast %broadcast_in_dim3A_179 : vector<1x128xf32> to vector<200x128xf32>
    %broadcast_in_dim3A_181 = vector.broadcast %jit3A_178 : f32 to vector<200x128xf32>
    %select_n3A_182 = arith.select %eq3A_177, %broadcast_in_dim3A_180, %broadcast_in_dim3A_181 : vector<200x128xi1>, vector<200x128xf32>
    %get3A_183 = arith.constant 0 : index
    %get3A_184 = arith.constant 0 : index
    %get3A_185 = vector.load %arg6[%get3A_183, %get3A_184] : memref<1024x1024xf32, #tpu.memory_space<vmem>>, vector<128x1024xf32>
    %dot_general3A_186 = arith.constant dense<0.000000e+00> : vector<200x1024xf32>
    %dot_general3A_187 = tpu.matmul %select_n3A_182, %get3A_185, %dot_general3A_186 {dimension_numbers = #tpu.dot_dimension_numbers<[1], [0], [0], [1], [0, 0, 1, 1], [], []>, precision = #tpu.contract_precision<fp32>, transpose_lhs_hint = false} : vector<200x128xf32>, vector<128x1024xf32>, vector<200x1024xf32> -> vector<200x1024xf32>
    %add3A_188 = arith.addf %dot_general3A_160, %dot_general3A_187 : vector<200x1024xf32>
    %get3A_189 = arith.constant 1 : index
    %get3A_190 = arith.constant 0 : index
    %get3A_191 = vector.load %arg3[%get3A_189, %get3A_190] : memref<12x128xf32, #tpu.memory_space<vmem>>, vector<1x128xf32>
    %get3A_192 = arith.constant 1 : index
    %get3A_193 = arith.constant 0 : index
    %get3A_194 = vector.load %arg4[%get3A_192, %get3A_193] : memref<12x128xf32, #tpu.memory_space<vmem>>, vector<1x128xf32>
    %mul3A_195 = arith.mulf %get3A_138, %get3A_194 : vector<1x128xf32>
    %sub3A_196 = arith.constant 1.000000e+00 : f32
    %sub3A_197 = vector.broadcast %sub3A_196 : f32 to vector<1x128xf32>
    %sub3A_198 = arith.subf %sub3A_197, %get3A_138 : vector<1x128xf32>
    %add3A_199 = arith.addf %mul3A_195, %sub3A_198 : vector<1x128xf32>
    %mul3A_200 = arith.mulf %get3A_191, %add3A_199 : vector<1x128xf32>
    %get3A_201 = arith.constant 1 : index
    %get3A_202 = arith.constant 0 : index
    %get3A_203 = vector.load %arg2[%get3A_201, %get3A_202] : memref<12x128xf32, #tpu.memory_space<vmem>>, vector<1x128xf32>
    %eq3A_204 = vector.broadcast %get3A_203 : vector<1x128xf32> to vector<200x128xf32>
    %eq3A_205 = vector.broadcast %convert_element_type3A : vector<200x1xf32> to vector<200x128xf32>
    %eq3A_206 = arith.cmpf oeq, %eq3A_204, %eq3A_205 : vector<200x128xf32>
    %jit3A_207 = arith.constant 0.000000e+00 : f32
    %broadcast_in_dim3A_208 = vector.shape_cast %mul3A_200 : vector<1x128xf32> to vector<1x128xf32>
    %broadcast_in_dim3A_209 = vector.broadcast %broadcast_in_dim3A_208 : vector<1x128xf32> to vector<200x128xf32>
    %broadcast_in_dim3A_210 = vector.broadcast %jit3A_207 : f32 to vector<200x128xf32>
    %select_n3A_211 = arith.select %eq3A_206, %broadcast_in_dim3A_209, %broadcast_in_dim3A_210 : vector<200x128xi1>, vector<200x128xf32>
    %get3A_212 = arith.constant 128 : index
    %get3A_213 = arith.constant 0 : index
    %get3A_214 = vector.load %arg6[%get3A_212, %get3A_213] : memref<1024x1024xf32, #tpu.memory_space<vmem>>, vector<128x1024xf32>
    %dot_general3A_215 = arith.constant dense<0.000000e+00> : vector<200x1024xf32>
    %dot_general3A_216 = tpu.matmul %select_n3A_211, %get3A_214, %dot_general3A_215 {dimension_numbers = #tpu.dot_dimension_numbers<[1], [0], [0], [1], [0, 0, 1, 1], [], []>, precision = #tpu.contract_precision<fp32>, transpose_lhs_hint = false} : vector<200x128xf32>, vector<128x1024xf32>, vector<200x1024xf32> -> vector<200x1024xf32>
    %add3A_217 = arith.addf %add3A_188, %dot_general3A_216 : vector<200x1024xf32>
    %get3A_218 = arith.constant 2 : index
    %get3A_219 = arith.constant 0 : index
    %get3A_220 = vector.load %arg3[%get3A_218, %get3A_219] : memref<12x128xf32, #tpu.memory_space<vmem>>, vector<1x128xf32>
    %get3A_221 = arith.constant 2 : index
    %get3A_222 = arith.constant 0 : index
    %get3A_223 = vector.load %arg4[%get3A_221, %get3A_222] : memref<12x128xf32, #tpu.memory_space<vmem>>, vector<1x128xf32>
    %mul3A_224 = arith.mulf %get3A_138, %get3A_223 : vector<1x128xf32>
    %sub3A_225 = arith.constant 1.000000e+00 : f32
    %sub3A_226 = vector.broadcast %sub3A_225 : f32 to vector<1x128xf32>
    %sub3A_227 = arith.subf %sub3A_226, %get3A_138 : vector<1x128xf32>
    %add3A_228 = arith.addf %mul3A_224, %sub3A_227 : vector<1x128xf32>
    %mul3A_229 = arith.mulf %get3A_220, %add3A_228 : vector<1x128xf32>
    %get3A_230 = arith.constant 2 : index
    %get3A_231 = arith.constant 0 : index
    %get3A_232 = vector.load %arg2[%get3A_230, %get3A_231] : memref<12x128xf32, #tpu.memory_space<vmem>>, vector<1x128xf32>
    %eq3A_233 = vector.broadcast %get3A_232 : vector<1x128xf32> to vector<200x128xf32>
    %eq3A_234 = vector.broadcast %convert_element_type3A : vector<200x1xf32> to vector<200x128xf32>
    %eq3A_235 = arith.cmpf oeq, %eq3A_233, %eq3A_234 : vector<200x128xf32>
    %jit3A_236 = arith.constant 0.000000e+00 : f32
    %broadcast_in_dim3A_237 = vector.shape_cast %mul3A_229 : vector<1x128xf32> to vector<1x128xf32>
    %broadcast_in_dim3A_238 = vector.broadcast %broadcast_in_dim3A_237 : vector<1x128xf32> to vector<200x128xf32>
    %broadcast_in_dim3A_239 = vector.broadcast %jit3A_236 : f32 to vector<200x128xf32>
    %select_n3A_240 = arith.select %eq3A_235, %broadcast_in_dim3A_238, %broadcast_in_dim3A_239 : vector<200x128xi1>, vector<200x128xf32>
    %get3A_241 = arith.constant 256 : index
    %get3A_242 = arith.constant 0 : index
    %get3A_243 = vector.load %arg6[%get3A_241, %get3A_242] : memref<1024x1024xf32, #tpu.memory_space<vmem>>, vector<128x1024xf32>
    %dot_general3A_244 = arith.constant dense<0.000000e+00> : vector<200x1024xf32>
    %dot_general3A_245 = tpu.matmul %select_n3A_240, %get3A_243, %dot_general3A_244 {dimension_numbers = #tpu.dot_dimension_numbers<[1], [0], [0], [1], [0, 0, 1, 1], [], []>, precision = #tpu.contract_precision<fp32>, transpose_lhs_hint = false} : vector<200x128xf32>, vector<128x1024xf32>, vector<200x1024xf32> -> vector<200x1024xf32>
    %add3A_246 = arith.addf %add3A_217, %dot_general3A_245 : vector<200x1024xf32>
    %get3A_247 = arith.constant 3 : index
    %get3A_248 = arith.constant 0 : index
    %get3A_249 = vector.load %arg3[%get3A_247, %get3A_248] : memref<12x128xf32, #tpu.memory_space<vmem>>, vector<1x128xf32>
    %get3A_250 = arith.constant 3 : index
    %get3A_251 = arith.constant 0 : index
    %get3A_252 = vector.load %arg4[%get3A_250, %get3A_251] : memref<12x128xf32, #tpu.memory_space<vmem>>, vector<1x128xf32>
    %mul3A_253 = arith.mulf %get3A_138, %get3A_252 : vector<1x128xf32>
    %sub3A_254 = arith.constant 1.000000e+00 : f32
    %sub3A_255 = vector.broadcast %sub3A_254 : f32 to vector<1x128xf32>
    %sub3A_256 = arith.subf %sub3A_255, %get3A_138 : vector<1x128xf32>
    %add3A_257 = arith.addf %mul3A_253, %sub3A_256 : vector<1x128xf32>
    %mul3A_258 = arith.mulf %get3A_249, %add3A_257 : vector<1x128xf32>
    %get3A_259 = arith.constant 3 : index
    %get3A_260 = arith.constant 0 : index
    %get3A_261 = vector.load %arg2[%get3A_259, %get3A_260] : memref<12x128xf32, #tpu.memory_space<vmem>>, vector<1x128xf32>
    %eq3A_262 = vector.broadcast %get3A_261 : vector<1x128xf32> to vector<200x128xf32>
    %eq3A_263 = vector.broadcast %convert_element_type3A : vector<200x1xf32> to vector<200x128xf32>
    %eq3A_264 = arith.cmpf oeq, %eq3A_262, %eq3A_263 : vector<200x128xf32>
    %jit3A_265 = arith.constant 0.000000e+00 : f32
    %broadcast_in_dim3A_266 = vector.shape_cast %mul3A_258 : vector<1x128xf32> to vector<1x128xf32>
    %broadcast_in_dim3A_267 = vector.broadcast %broadcast_in_dim3A_266 : vector<1x128xf32> to vector<200x128xf32>
    %broadcast_in_dim3A_268 = vector.broadcast %jit3A_265 : f32 to vector<200x128xf32>
    %select_n3A_269 = arith.select %eq3A_264, %broadcast_in_dim3A_267, %broadcast_in_dim3A_268 : vector<200x128xi1>, vector<200x128xf32>
    %get3A_270 = arith.constant 384 : index
    %get3A_271 = arith.constant 0 : index
    %get3A_272 = vector.load %arg6[%get3A_270, %get3A_271] : memref<1024x1024xf32, #tpu.memory_space<vmem>>, vector<128x1024xf32>
    %dot_general3A_273 = arith.constant dense<0.000000e+00> : vector<200x1024xf32>
    %dot_general3A_274 = tpu.matmul %select_n3A_269, %get3A_272, %dot_general3A_273 {dimension_numbers = #tpu.dot_dimension_numbers<[1], [0], [0], [1], [0, 0, 1, 1], [], []>, precision = #tpu.contract_precision<fp32>, transpose_lhs_hint = false} : vector<200x128xf32>, vector<128x1024xf32>, vector<200x1024xf32> -> vector<200x1024xf32>
    %add3A_275 = arith.addf %add3A_246, %dot_general3A_274 : vector<200x1024xf32>
    %get3A_276 = arith.constant 4 : index
    %get3A_277 = arith.constant 0 : index
    %get3A_278 = vector.load %arg3[%get3A_276, %get3A_277] : memref<12x128xf32, #tpu.memory_space<vmem>>, vector<1x128xf32>
    %get3A_279 = arith.constant 4 : index
    %get3A_280 = arith.constant 0 : index
    %get3A_281 = vector.load %arg4[%get3A_279, %get3A_280] : memref<12x128xf32, #tpu.memory_space<vmem>>, vector<1x128xf32>
    %mul3A_282 = arith.mulf %get3A_138, %get3A_281 : vector<1x128xf32>
    %sub3A_283 = arith.constant 1.000000e+00 : f32
    %sub3A_284 = vector.broadcast %sub3A_283 : f32 to vector<1x128xf32>
    %sub3A_285 = arith.subf %sub3A_284, %get3A_138 : vector<1x128xf32>
    %add3A_286 = arith.addf %mul3A_282, %sub3A_285 : vector<1x128xf32>
    %mul3A_287 = arith.mulf %get3A_278, %add3A_286 : vector<1x128xf32>
    %get3A_288 = arith.constant 4 : index
    %get3A_289 = arith.constant 0 : index
    %get3A_290 = vector.load %arg2[%get3A_288, %get3A_289] : memref<12x128xf32, #tpu.memory_space<vmem>>, vector<1x128xf32>
    %eq3A_291 = vector.broadcast %get3A_290 : vector<1x128xf32> to vector<200x128xf32>
    %eq3A_292 = vector.broadcast %convert_element_type3A : vector<200x1xf32> to vector<200x128xf32>
    %eq3A_293 = arith.cmpf oeq, %eq3A_291, %eq3A_292 : vector<200x128xf32>
    %jit3A_294 = arith.constant 0.000000e+00 : f32
    %broadcast_in_dim3A_295 = vector.shape_cast %mul3A_287 : vector<1x128xf32> to vector<1x128xf32>
    %broadcast_in_dim3A_296 = vector.broadcast %broadcast_in_dim3A_295 : vector<1x128xf32> to vector<200x128xf32>
    %broadcast_in_dim3A_297 = vector.broadcast %jit3A_294 : f32 to vector<200x128xf32>
    %select_n3A_298 = arith.select %eq3A_293, %broadcast_in_dim3A_296, %broadcast_in_dim3A_297 : vector<200x128xi1>, vector<200x128xf32>
    %get3A_299 = arith.constant 512 : index
    %get3A_300 = arith.constant 0 : index
    %get3A_301 = vector.load %arg6[%get3A_299, %get3A_300] : memref<1024x1024xf32, #tpu.memory_space<vmem>>, vector<128x1024xf32>
    %dot_general3A_302 = arith.constant dense<0.000000e+00> : vector<200x1024xf32>
    %dot_general3A_303 = tpu.matmul %select_n3A_298, %get3A_301, %dot_general3A_302 {dimension_numbers = #tpu.dot_dimension_numbers<[1], [0], [0], [1], [0, 0, 1, 1], [], []>, precision = #tpu.contract_precision<fp32>, transpose_lhs_hint = false} : vector<200x128xf32>, vector<128x1024xf32>, vector<200x1024xf32> -> vector<200x1024xf32>
    %add3A_304 = arith.addf %add3A_275, %dot_general3A_303 : vector<200x1024xf32>
    %get3A_305 = arith.constant 5 : index
    %get3A_306 = arith.constant 0 : index
    %get3A_307 = vector.load %arg3[%get3A_305, %get3A_306] : memref<12x128xf32, #tpu.memory_space<vmem>>, vector<1x128xf32>
    %get3A_308 = arith.constant 5 : index
    %get3A_309 = arith.constant 0 : index
    %get3A_310 = vector.load %arg4[%get3A_308, %get3A_309] : memref<12x128xf32, #tpu.memory_space<vmem>>, vector<1x128xf32>
    %mul3A_311 = arith.mulf %get3A_138, %get3A_310 : vector<1x128xf32>
    %sub3A_312 = arith.constant 1.000000e+00 : f32
    %sub3A_313 = vector.broadcast %sub3A_312 : f32 to vector<1x128xf32>
    %sub3A_314 = arith.subf %sub3A_313, %get3A_138 : vector<1x128xf32>
    %add3A_315 = arith.addf %mul3A_311, %sub3A_314 : vector<1x128xf32>
    %mul3A_316 = arith.mulf %get3A_307, %add3A_315 : vector<1x128xf32>
    %get3A_317 = arith.constant 5 : index
    %get3A_318 = arith.constant 0 : index
    %get3A_319 = vector.load %arg2[%get3A_317, %get3A_318] : memref<12x128xf32, #tpu.memory_space<vmem>>, vector<1x128xf32>
    %eq3A_320 = vector.broadcast %get3A_319 : vector<1x128xf32> to vector<200x128xf32>
    %eq3A_321 = vector.broadcast %convert_element_type3A : vector<200x1xf32> to vector<200x128xf32>
    %eq3A_322 = arith.cmpf oeq, %eq3A_320, %eq3A_321 : vector<200x128xf32>
    %jit3A_323 = arith.constant 0.000000e+00 : f32
    %broadcast_in_dim3A_324 = vector.shape_cast %mul3A_316 : vector<1x128xf32> to vector<1x128xf32>
    %broadcast_in_dim3A_325 = vector.broadcast %broadcast_in_dim3A_324 : vector<1x128xf32> to vector<200x128xf32>
    %broadcast_in_dim3A_326 = vector.broadcast %jit3A_323 : f32 to vector<200x128xf32>
    %select_n3A_327 = arith.select %eq3A_322, %broadcast_in_dim3A_325, %broadcast_in_dim3A_326 : vector<200x128xi1>, vector<200x128xf32>
    %get3A_328 = arith.constant 640 : index
    %get3A_329 = arith.constant 0 : index
    %get3A_330 = vector.load %arg6[%get3A_328, %get3A_329] : memref<1024x1024xf32, #tpu.memory_space<vmem>>, vector<128x1024xf32>
    %dot_general3A_331 = arith.constant dense<0.000000e+00> : vector<200x1024xf32>
    %dot_general3A_332 = tpu.matmul %select_n3A_327, %get3A_330, %dot_general3A_331 {dimension_numbers = #tpu.dot_dimension_numbers<[1], [0], [0], [1], [0, 0, 1, 1], [], []>, precision = #tpu.contract_precision<fp32>, transpose_lhs_hint = false} : vector<200x128xf32>, vector<128x1024xf32>, vector<200x1024xf32> -> vector<200x1024xf32>
    %add3A_333 = arith.addf %add3A_304, %dot_general3A_332 : vector<200x1024xf32>
    %get3A_334 = arith.constant 6 : index
    %get3A_335 = arith.constant 0 : index
    %get3A_336 = vector.load %arg3[%get3A_334, %get3A_335] : memref<12x128xf32, #tpu.memory_space<vmem>>, vector<1x128xf32>
    %get3A_337 = arith.constant 6 : index
    %get3A_338 = arith.constant 0 : index
    %get3A_339 = vector.load %arg4[%get3A_337, %get3A_338] : memref<12x128xf32, #tpu.memory_space<vmem>>, vector<1x128xf32>
    %mul3A_340 = arith.mulf %get3A_138, %get3A_339 : vector<1x128xf32>
    %sub3A_341 = arith.constant 1.000000e+00 : f32
    %sub3A_342 = vector.broadcast %sub3A_341 : f32 to vector<1x128xf32>
    %sub3A_343 = arith.subf %sub3A_342, %get3A_138 : vector<1x128xf32>
    %add3A_344 = arith.addf %mul3A_340, %sub3A_343 : vector<1x128xf32>
    %mul3A_345 = arith.mulf %get3A_336, %add3A_344 : vector<1x128xf32>
    %get3A_346 = arith.constant 6 : index
    %get3A_347 = arith.constant 0 : index
    %get3A_348 = vector.load %arg2[%get3A_346, %get3A_347] : memref<12x128xf32, #tpu.memory_space<vmem>>, vector<1x128xf32>
    %eq3A_349 = vector.broadcast %get3A_348 : vector<1x128xf32> to vector<200x128xf32>
    %eq3A_350 = vector.broadcast %convert_element_type3A : vector<200x1xf32> to vector<200x128xf32>
    %eq3A_351 = arith.cmpf oeq, %eq3A_349, %eq3A_350 : vector<200x128xf32>
    %jit3A_352 = arith.constant 0.000000e+00 : f32
    %broadcast_in_dim3A_353 = vector.shape_cast %mul3A_345 : vector<1x128xf32> to vector<1x128xf32>
    %broadcast_in_dim3A_354 = vector.broadcast %broadcast_in_dim3A_353 : vector<1x128xf32> to vector<200x128xf32>
    %broadcast_in_dim3A_355 = vector.broadcast %jit3A_352 : f32 to vector<200x128xf32>
    %select_n3A_356 = arith.select %eq3A_351, %broadcast_in_dim3A_354, %broadcast_in_dim3A_355 : vector<200x128xi1>, vector<200x128xf32>
    %get3A_357 = arith.constant 768 : index
    %get3A_358 = arith.constant 0 : index
    %get3A_359 = vector.load %arg6[%get3A_357, %get3A_358] : memref<1024x1024xf32, #tpu.memory_space<vmem>>, vector<128x1024xf32>
    %dot_general3A_360 = arith.constant dense<0.000000e+00> : vector<200x1024xf32>
    %dot_general3A_361 = tpu.matmul %select_n3A_356, %get3A_359, %dot_general3A_360 {dimension_numbers = #tpu.dot_dimension_numbers<[1], [0], [0], [1], [0, 0, 1, 1], [], []>, precision = #tpu.contract_precision<fp32>, transpose_lhs_hint = false} : vector<200x128xf32>, vector<128x1024xf32>, vector<200x1024xf32> -> vector<200x1024xf32>
    %add3A_362 = arith.addf %add3A_333, %dot_general3A_361 : vector<200x1024xf32>
    %get3A_363 = arith.constant 7 : index
    %get3A_364 = arith.constant 0 : index
    %get3A_365 = vector.load %arg3[%get3A_363, %get3A_364] : memref<12x128xf32, #tpu.memory_space<vmem>>, vector<1x128xf32>
    %get3A_366 = arith.constant 7 : index
    %get3A_367 = arith.constant 0 : index
    %get3A_368 = vector.load %arg4[%get3A_366, %get3A_367] : memref<12x128xf32, #tpu.memory_space<vmem>>, vector<1x128xf32>
    %mul3A_369 = arith.mulf %get3A_138, %get3A_368 : vector<1x128xf32>
    %sub3A_370 = arith.constant 1.000000e+00 : f32
    %sub3A_371 = vector.broadcast %sub3A_370 : f32 to vector<1x128xf32>
    %sub3A_372 = arith.subf %sub3A_371, %get3A_138 : vector<1x128xf32>
    %add3A_373 = arith.addf %mul3A_369, %sub3A_372 : vector<1x128xf32>
    %mul3A_374 = arith.mulf %get3A_365, %add3A_373 : vector<1x128xf32>
    %get3A_375 = arith.constant 7 : index
    %get3A_376 = arith.constant 0 : index
    %get3A_377 = vector.load %arg2[%get3A_375, %get3A_376] : memref<12x128xf32, #tpu.memory_space<vmem>>, vector<1x128xf32>
    %eq3A_378 = vector.broadcast %get3A_377 : vector<1x128xf32> to vector<200x128xf32>
    %eq3A_379 = vector.broadcast %convert_element_type3A : vector<200x1xf32> to vector<200x128xf32>
    %eq3A_380 = arith.cmpf oeq, %eq3A_378, %eq3A_379 : vector<200x128xf32>
    %jit3A_381 = arith.constant 0.000000e+00 : f32
    %broadcast_in_dim3A_382 = vector.shape_cast %mul3A_374 : vector<1x128xf32> to vector<1x128xf32>
    %broadcast_in_dim3A_383 = vector.broadcast %broadcast_in_dim3A_382 : vector<1x128xf32> to vector<200x128xf32>
    %broadcast_in_dim3A_384 = vector.broadcast %jit3A_381 : f32 to vector<200x128xf32>
    %select_n3A_385 = arith.select %eq3A_380, %broadcast_in_dim3A_383, %broadcast_in_dim3A_384 : vector<200x128xi1>, vector<200x128xf32>
    %get3A_386 = arith.constant 896 : index
    %get3A_387 = arith.constant 0 : index
    %get3A_388 = vector.load %arg6[%get3A_386, %get3A_387] : memref<1024x1024xf32, #tpu.memory_space<vmem>>, vector<128x1024xf32>
    %dot_general3A_389 = arith.constant dense<0.000000e+00> : vector<200x1024xf32>
    %dot_general3A_390 = tpu.matmul %select_n3A_385, %get3A_388, %dot_general3A_389 {dimension_numbers = #tpu.dot_dimension_numbers<[1], [0], [0], [1], [0, 0, 1, 1], [], []>, precision = #tpu.contract_precision<fp32>, transpose_lhs_hint = false} : vector<200x128xf32>, vector<128x1024xf32>, vector<200x1024xf32> -> vector<200x1024xf32>
    %add3A_391 = arith.addf %add3A_362, %dot_general3A_390 : vector<200x1024xf32>
    %mul3A_392 = arith.mulf %add3A_391, %add3A_391 : vector<200x1024xf32>
    %reduce_sum3A_393 = arith.constant dense<0.000000e+00> : vector<200xf32>
    %reduce_sum3A_394 = vector.multi_reduction <add>, %mul3A_392, %reduce_sum3A_393 [1] : vector<200x1024xf32> to vector<200xf32>
    %broadcast_in_dim3A_395 = vector.shape_cast %reduce_sum3A_394 : vector<200xf32> to vector<200x1xf32>
    %sqrt3A_396 = math.sqrt %broadcast_in_dim3A_395 : vector<200x1xf32>
    %max3A_397 = arith.constant 9.99999996E-13 : f32
    %max3A_398 = vector.broadcast %max3A_397 : f32 to vector<200x1xf32>
    %max3A_399 = arith.maximumf %sqrt3A_396, %max3A_398 : vector<200x1xf32>
    %div3A_400 = vector.broadcast %max3A_399 : vector<200x1xf32> to vector<200x1024xf32>
    %div3A_401 = arith.divf %add3A_391, %div3A_400 : vector<200x1024xf32>
    %swap3A_402 = arith.constant 0 : index
    %swap3A_403 = arith.constant 0 : index
    %swap3A_404 = vector.load %arg8[%swap3A_402, %swap3A_403] : memref<1000x1024xf32, #tpu.memory_space<vmem>>, vector<200x1024xf32>
    tpu.vector_store %arg8[%swap3A_402, %swap3A_403], %div3A_401 {strides = array<i32>} : memref<1000x1024xf32, #tpu.memory_space<vmem>>, vector<200x1024xf32>,
    %iota3A_405 = tpu.iota {dimensions = array<i32: 0>} : vector<200x1xi32>
    %add3A_406 = arith.constant 200 : i32
    %add3A_407 = vector.broadcast %add3A_406 : i32 to vector<200x1xi32>
    %add3A_408 = arith.addi %iota3A_405, %add3A_407 : vector<200x1xi32>
    %convert_element_type3A_409 = arith.sitofp %add3A_408 : vector<200x1xi32> to vector<200x1xf32>
    %get3A_410 = arith.constant 8 : index
    %get3A_411 = arith.constant 0 : index
    %get3A_412 = vector.load %arg3[%get3A_410, %get3A_411] : memref<12x128xf32, #tpu.memory_space<vmem>>, vector<1x128xf32>
    %mul3A_413 = arith.mulf %get3A_412, %get3A_138 : vector<1x128xf32>
    %get3A_414 = arith.constant 8 : index
    %get3A_415 = arith.constant 0 : index
    %get3A_416 = vector.load %arg4[%get3A_414, %get3A_415] : memref<12x128xf32, #tpu.memory_space<vmem>>, vector<1x128xf32>
    %mul3A_417 = arith.mulf %mul3A_413, %get3A_416 : vector<1x128xf32>
    %get3A_418 = arith.constant 8 : index
    %get3A_419 = arith.constant 0 : index
    %get3A_420 = vector.load %arg2[%get3A_418, %get3A_419] : memref<12x128xf32, #tpu.memory_space<vmem>>, vector<1x128xf32>
    %eq3A_421 = vector.broadcast %get3A_420 : vector<1x128xf32> to vector<200x128xf32>
    %eq3A_422 = vector.broadcast %convert_element_type3A_409 : vector<200x1xf32> to vector<200x128xf32>
    %eq3A_423 = arith.cmpf oeq, %eq3A_421, %eq3A_422 : vector<200x128xf32>
    %jit3A_424 = arith.constant 0.000000e+00 : f32
    %broadcast_in_dim3A_425 = vector.shape_cast %mul3A_417 : vector<1x128xf32> to vector<1x128xf32>
    %broadcast_in_dim3A_426 = vector.broadcast %broadcast_in_dim3A_425 : vector<1x128xf32> to vector<200x128xf32>
    %broadcast_in_dim3A_427 = vector.broadcast %jit3A_424 : f32 to vector<200x128xf32>
    %select_n3A_428 = arith.select %eq3A_423, %broadcast_in_dim3A_426, %broadcast_in_dim3A_427 : vector<200x128xi1>, vector<200x128xf32>
    %get3A_429 = arith.constant 0 : index
    %get3A_430 = arith.constant 0 : index
    %get3A_431 = vector.load %arg7[%get3A_429, %get3A_430] : memref<128x1024xf32, #tpu.memory_space<vmem>>, vector<128x1024xf32>
    %dot_general3A_432 = arith.constant dense<0.000000e+00> : vector<200x1024xf32>
    %dot_general3A_433 = tpu.matmul %select_n3A_428, %get3A_431, %dot_general3A_432 {dimension_numbers = #tpu.dot_dimension_numbers<[1], [0], [0], [1], [0, 0, 1, 1], [], []>, precision = #tpu.contract_precision<fp32>, transpose_lhs_hint = false} : vector<200x128xf32>, vector<128x1024xf32>, vector<200x1024xf32> -> vector<200x1024xf32>
    %get3A_434 = arith.constant 0 : index
    %get3A_435 = arith.constant 0 : index
    %get3A_436 = vector.load %arg3[%get3A_434, %get3A_435] : memref<12x128xf32, #tpu.memory_space<vmem>>, vector<1x128xf32>
    %get3A_437 = arith.constant 0 : index
    %get3A_438 = arith.constant 0 : index
    %get3A_439 = vector.load %arg4[%get3A_437, %get3A_438] : memref<12x128xf32, #tpu.memory_space<vmem>>, vector<1x128xf32>
    %mul3A_440 = arith.mulf %get3A_138, %get3A_439 : vector<1x128xf32>
    %sub3A_441 = arith.constant 1.000000e+00 : f32
    %sub3A_442 = vector.broadcast %sub3A_441 : f32 to vector<1x128xf32>
    %sub3A_443 = arith.subf %sub3A_442, %get3A_138 : vector<1x128xf32>
    %add3A_444 = arith.addf %mul3A_440, %sub3A_443 : vector<1x128xf32>
    %mul3A_445 = arith.mulf %get3A_436, %add3A_444 : vector<1x128xf32>
    %get3A_446 = arith.constant 0 : index
    %get3A_447 = arith.constant 0 : index
    %get3A_448 = vector.load %arg2[%get3A_446, %get3A_447] : memref<12x128xf32, #tpu.memory_space<vmem>>, vector<1x128xf32>
    %eq3A_449 = vector.broadcast %get3A_448 : vector<1x128xf32> to vector<200x128xf32>
    %eq3A_450 = vector.broadcast %convert_element_type3A_409 : vector<200x1xf32> to vector<200x128xf32>
    %eq3A_451 = arith.cmpf oeq, %eq3A_449, %eq3A_450 : vector<200x128xf32>
    %jit3A_452 = arith.constant 0.000000e+00 : f32
    %broadcast_in_dim3A_453 = vector.shape_cast %mul3A_445 : vector<1x128xf32> to vector<1x128xf32>
    %broadcast_in_dim3A_454 = vector.broadcast %broadcast_in_dim3A_453 : vector<1x128xf32> to vector<200x128xf32>
    %broadcast_in_dim3A_455 = vector.broadcast %jit3A_452 : f32 to vector<200x128xf32>
    %select_n3A_456 = arith.select %eq3A_451, %broadcast_in_dim3A_454, %broadcast_in_dim3A_455 : vector<200x128xi1>, vector<200x128xf32>
    %get3A_457 = arith.constant 0 : index
    %get3A_458 = arith.constant 0 : index
    %get3A_459 = vector.load %arg6[%get3A_457, %get3A_458] : memref<1024x1024xf32, #tpu.memory_space<vmem>>, vector<128x1024xf32>
    %dot_general3A_460 = arith.constant dense<0.000000e+00> : vector<200x1024xf32>
    %dot_general3A_461 = tpu.matmul %select_n3A_456, %get3A_459, %dot_general3A_460 {dimension_numbers = #tpu.dot_dimension_numbers<[1], [0], [0], [1], [0, 0, 1, 1], [], []>, precision = #tpu.contract_precision<fp32>, transpose_lhs_hint = false} : vector<200x128xf32>, vector<128x1024xf32>, vector<200x1024xf32> -> vector<200x1024xf32>
    %add3A_462 = arith.addf %dot_general3A_433, %dot_general3A_461 : vector<200x1024xf32>
    %get3A_463 = arith.constant 1 : index
    %get3A_464 = arith.constant 0 : index
    %get3A_465 = vector.load %arg3[%get3A_463, %get3A_464] : memref<12x128xf32, #tpu.memory_space<vmem>>, vector<1x128xf32>
    %get3A_466 = arith.constant 1 : index
    %get3A_467 = arith.constant 0 : index
    %get3A_468 = vector.load %arg4[%get3A_466, %get3A_467] : memref<12x128xf32, #tpu.memory_space<vmem>>, vector<1x128xf32>
    %mul3A_469 = arith.mulf %get3A_138, %get3A_468 : vector<1x128xf32>
    %sub3A_470 = arith.constant 1.000000e+00 : f32
    %sub3A_471 = vector.broadcast %sub3A_470 : f32 to vector<1x128xf32>
    %sub3A_472 = arith.subf %sub3A_471, %get3A_138 : vector<1x128xf32>
    %add3A_473 = arith.addf %mul3A_469, %sub3A_472 : vector<1x128xf32>
    %mul3A_474 = arith.mulf %get3A_465, %add3A_473 : vector<1x128xf32>
    %get3A_475 = arith.constant 1 : index
    %get3A_476 = arith.constant 0 : index
    %get3A_477 = vector.load %arg2[%get3A_475, %get3A_476] : memref<12x128xf32, #tpu.memory_space<vmem>>, vector<1x128xf32>
    %eq3A_478 = vector.broadcast %get3A_477 : vector<1x128xf32> to vector<200x128xf32>
    %eq3A_479 = vector.broadcast %convert_element_type3A_409 : vector<200x1xf32> to vector<200x128xf32>
    %eq3A_480 = arith.cmpf oeq, %eq3A_478, %eq3A_479 : vector<200x128xf32>
    %jit3A_481 = arith.constant 0.000000e+00 : f32
    %broadcast_in_dim3A_482 = vector.shape_cast %mul3A_474 : vector<1x128xf32> to vector<1x128xf32>
    %broadcast_in_dim3A_483 = vector.broadcast %broadcast_in_dim3A_482 : vector<1x128xf32> to vector<200x128xf32>
    %broadcast_in_dim3A_484 = vector.broadcast %jit3A_481 : f32 to vector<200x128xf32>
    %select_n3A_485 = arith.select %eq3A_480, %broadcast_in_dim3A_483, %broadcast_in_dim3A_484 : vector<200x128xi1>, vector<200x128xf32>
    %get3A_486 = arith.constant 128 : index
    %get3A_487 = arith.constant 0 : index
    %get3A_488 = vector.load %arg6[%get3A_486, %get3A_487] : memref<1024x1024xf32, #tpu.memory_space<vmem>>, vector<128x1024xf32>
    %dot_general3A_489 = arith.constant dense<0.000000e+00> : vector<200x1024xf32>
    %dot_general3A_490 = tpu.matmul %select_n3A_485, %get3A_488, %dot_general3A_489 {dimension_numbers = #tpu.dot_dimension_numbers<[1], [0], [0], [1], [0, 0, 1, 1], [], []>, precision = #tpu.contract_precision<fp32>, transpose_lhs_hint = false} : vector<200x128xf32>, vector<128x1024xf32>, vector<200x1024xf32> -> vector<200x1024xf32>
    %add3A_491 = arith.addf %add3A_462, %dot_general3A_490 : vector<200x1024xf32>
    %get3A_492 = arith.constant 2 : index
    %get3A_493 = arith.constant 0 : index
    %get3A_494 = vector.load %arg3[%get3A_492, %get3A_493] : memref<12x128xf32, #tpu.memory_space<vmem>>, vector<1x128xf32>
    %get3A_495 = arith.constant 2 : index
    %get3A_496 = arith.constant 0 : index
    %get3A_497 = vector.load %arg4[%get3A_495, %get3A_496] : memref<12x128xf32, #tpu.memory_space<vmem>>, vector<1x128xf32>
    %mul3A_498 = arith.mulf %get3A_138, %get3A_497 : vector<1x128xf32>
    %sub3A_499 = arith.constant 1.000000e+00 : f32
    %sub3A_500 = vector.broadcast %sub3A_499 : f32 to vector<1x128xf32>
    %sub3A_501 = arith.subf %sub3A_500, %get3A_138 : vector<1x128xf32>
    %add3A_502 = arith.addf %mul3A_498, %sub3A_501 : vector<1x128xf32>
    %mul3A_503 = arith.mulf %get3A_494, %add3A_502 : vector<1x128xf32>
    %get3A_504 = arith.constant 2 : index
    %get3A_505 = arith.constant 0 : index
    %get3A_506 = vector.load %arg2[%get3A_504, %get3A_505] : memref<12x128xf32, #tpu.memory_space<vmem>>, vector<1x128xf32>
    %eq3A_507 = vector.broadcast %get3A_506 : vector<1x128xf32> to vector<200x128xf32>
    %eq3A_508 = vector.broadcast %convert_element_type3A_409 : vector<200x1xf32> to vector<200x128xf32>
    %eq3A_509 = arith.cmpf oeq, %eq3A_507, %eq3A_508 : vector<200x128xf32>
    %jit3A_510 = arith.constant 0.000000e+00 : f32
    %broadcast_in_dim3A_511 = vector.shape_cast %mul3A_503 : vector<1x128xf32> to vector<1x128xf32>
    %broadcast_in_dim3A_512 = vector.broadcast %broadcast_in_dim3A_511 : vector<1x128xf32> to vector<200x128xf32>
    %broadcast_in_dim3A_513 = vector.broadcast %jit3A_510 : f32 to vector<200x128xf32>
    %select_n3A_514 = arith.select %eq3A_509, %broadcast_in_dim3A_512, %broadcast_in_dim3A_513 : vector<200x128xi1>, vector<200x128xf32>
    %get3A_515 = arith.constant 256 : index
    %get3A_516 = arith.constant 0 : index
    %get3A_517 = vector.load %arg6[%get3A_515, %get3A_516] : memref<1024x1024xf32, #tpu.memory_space<vmem>>, vector<128x1024xf32>
    %dot_general3A_518 = arith.constant dense<0.000000e+00> : vector<200x1024xf32>
    %dot_general3A_519 = tpu.matmul %select_n3A_514, %get3A_517, %dot_general3A_518 {dimension_numbers = #tpu.dot_dimension_numbers<[1], [0], [0], [1], [0, 0, 1, 1], [], []>, precision = #tpu.contract_precision<fp32>, transpose_lhs_hint = false} : vector<200x128xf32>, vector<128x1024xf32>, vector<200x1024xf32> -> vector<200x1024xf32>
    %add3A_520 = arith.addf %add3A_491, %dot_general3A_519 : vector<200x1024xf32>
    %get3A_521 = arith.constant 3 : index
    %get3A_522 = arith.constant 0 : index
    %get3A_523 = vector.load %arg3[%get3A_521, %get3A_522] : memref<12x128xf32, #tpu.memory_space<vmem>>, vector<1x128xf32>
    %get3A_524 = arith.constant 3 : index
    %get3A_525 = arith.constant 0 : index
    %get3A_526 = vector.load %arg4[%get3A_524, %get3A_525] : memref<12x128xf32, #tpu.memory_space<vmem>>, vector<1x128xf32>
    %mul3A_527 = arith.mulf %get3A_138, %get3A_526 : vector<1x128xf32>
    %sub3A_528 = arith.constant 1.000000e+00 : f32
    %sub3A_529 = vector.broadcast %sub3A_528 : f32 to vector<1x128xf32>
    %sub3A_530 = arith.subf %sub3A_529, %get3A_138 : vector<1x128xf32>
    %add3A_531 = arith.addf %mul3A_527, %sub3A_530 : vector<1x128xf32>
    %mul3A_532 = arith.mulf %get3A_523, %add3A_531 : vector<1x128xf32>
    %get3A_533 = arith.constant 3 : index
    %get3A_534 = arith.constant 0 : index
    %get3A_535 = vector.load %arg2[%get3A_533, %get3A_534] : memref<12x128xf32, #tpu.memory_space<vmem>>, vector<1x128xf32>
    %eq3A_536 = vector.broadcast %get3A_535 : vector<1x128xf32> to vector<200x128xf32>
    %eq3A_537 = vector.broadcast %convert_element_type3A_409 : vector<200x1xf32> to vector<200x128xf32>
    %eq3A_538 = arith.cmpf oeq, %eq3A_536, %eq3A_537 : vector<200x128xf32>
    %jit3A_539 = arith.constant 0.000000e+00 : f32
    %broadcast_in_dim3A_540 = vector.shape_cast %mul3A_532 : vector<1x128xf32> to vector<1x128xf32>
    %broadcast_in_dim3A_541 = vector.broadcast %broadcast_in_dim3A_540 : vector<1x128xf32> to vector<200x128xf32>
    %broadcast_in_dim3A_542 = vector.broadcast %jit3A_539 : f32 to vector<200x128xf32>
    %select_n3A_543 = arith.select %eq3A_538, %broadcast_in_dim3A_541, %broadcast_in_dim3A_542 : vector<200x128xi1>, vector<200x128xf32>
    %get3A_544 = arith.constant 384 : index
    %get3A_545 = arith.constant 0 : index
    %get3A_546 = vector.load %arg6[%get3A_544, %get3A_545] : memref<1024x1024xf32, #tpu.memory_space<vmem>>, vector<128x1024xf32>
    %dot_general3A_547 = arith.constant dense<0.000000e+00> : vector<200x1024xf32>
    %dot_general3A_548 = tpu.matmul %select_n3A_543, %get3A_546, %dot_general3A_547 {dimension_numbers = #tpu.dot_dimension_numbers<[1], [0], [0], [1], [0, 0, 1, 1], [], []>, precision = #tpu.contract_precision<fp32>, transpose_lhs_hint = false} : vector<200x128xf32>, vector<128x1024xf32>, vector<200x1024xf32> -> vector<200x1024xf32>
    %add3A_549 = arith.addf %add3A_520, %dot_general3A_548 : vector<200x1024xf32>
    %get3A_550 = arith.constant 4 : index
    %get3A_551 = arith.constant 0 : index
    %get3A_552 = vector.load %arg3[%get3A_550, %get3A_551] : memref<12x128xf32, #tpu.memory_space<vmem>>, vector<1x128xf32>
    %get3A_553 = arith.constant 4 : index
    %get3A_554 = arith.constant 0 : index
    %get3A_555 = vector.load %arg4[%get3A_553, %get3A_554] : memref<12x128xf32, #tpu.memory_space<vmem>>, vector<1x128xf32>
    %mul3A_556 = arith.mulf %get3A_138, %get3A_555 : vector<1x128xf32>
    %sub3A_557 = arith.constant 1.000000e+00 : f32
    %sub3A_558 = vector.broadcast %sub3A_557 : f32 to vector<1x128xf32>
    %sub3A_559 = arith.subf %sub3A_558, %get3A_138 : vector<1x128xf32>
    %add3A_560 = arith.addf %mul3A_556, %sub3A_559 : vector<1x128xf32>
    %mul3A_561 = arith.mulf %get3A_552, %add3A_560 : vector<1x128xf32>
    %get3A_562 = arith.constant 4 : index
    %get3A_563 = arith.constant 0 : index
    %get3A_564 = vector.load %arg2[%get3A_562, %get3A_563] : memref<12x128xf32, #tpu.memory_space<vmem>>, vector<1x128xf32>
    %eq3A_565 = vector.broadcast %get3A_564 : vector<1x128xf32> to vector<200x128xf32>
    %eq3A_566 = vector.broadcast %convert_element_type3A_409 : vector<200x1xf32> to vector<200x128xf32>
    %eq3A_567 = arith.cmpf oeq, %eq3A_565, %eq3A_566 : vector<200x128xf32>
    %jit3A_568 = arith.constant 0.000000e+00 : f32
    %broadcast_in_dim3A_569 = vector.shape_cast %mul3A_561 : vector<1x128xf32> to vector<1x128xf32>
    %broadcast_in_dim3A_570 = vector.broadcast %broadcast_in_dim3A_569 : vector<1x128xf32> to vector<200x128xf32>
    %broadcast_in_dim3A_571 = vector.broadcast %jit3A_568 : f32 to vector<200x128xf32>
    %select_n3A_572 = arith.select %eq3A_567, %broadcast_in_dim3A_570, %broadcast_in_dim3A_571 : vector<200x128xi1>, vector<200x128xf32>
    %get3A_573 = arith.constant 512 : index
    %get3A_574 = arith.constant 0 : index
    %get3A_575 = vector.load %arg6[%get3A_573, %get3A_574] : memref<1024x1024xf32, #tpu.memory_space<vmem>>, vector<128x1024xf32>
    %dot_general3A_576 = arith.constant dense<0.000000e+00> : vector<200x1024xf32>
    %dot_general3A_577 = tpu.matmul %select_n3A_572, %get3A_575, %dot_general3A_576 {dimension_numbers = #tpu.dot_dimension_numbers<[1], [0], [0], [1], [0, 0, 1, 1], [], []>, precision = #tpu.contract_precision<fp32>, transpose_lhs_hint = false} : vector<200x128xf32>, vector<128x1024xf32>, vector<200x1024xf32> -> vector<200x1024xf32>
    %add3A_578 = arith.addf %add3A_549, %dot_general3A_577 : vector<200x1024xf32>
    %get3A_579 = arith.constant 5 : index
    %get3A_580 = arith.constant 0 : index
    %get3A_581 = vector.load %arg3[%get3A_579, %get3A_580] : memref<12x128xf32, #tpu.memory_space<vmem>>, vector<1x128xf32>
    %get3A_582 = arith.constant 5 : index
    %get3A_583 = arith.constant 0 : index
    %get3A_584 = vector.load %arg4[%get3A_582, %get3A_583] : memref<12x128xf32, #tpu.memory_space<vmem>>, vector<1x128xf32>
    %mul3A_585 = arith.mulf %get3A_138, %get3A_584 : vector<1x128xf32>
    %sub3A_586 = arith.constant 1.000000e+00 : f32
    %sub3A_587 = vector.broadcast %sub3A_586 : f32 to vector<1x128xf32>
    %sub3A_588 = arith.subf %sub3A_587, %get3A_138 : vector<1x128xf32>
    %add3A_589 = arith.addf %mul3A_585, %sub3A_588 : vector<1x128xf32>
    %mul3A_590 = arith.mulf %get3A_581, %add3A_589 : vector<1x128xf32>
    %get3A_591 = arith.constant 5 : index
    %get3A_592 = arith.constant 0 : index
    %get3A_593 = vector.load %arg2[%get3A_591, %get3A_592] : memref<12x128xf32, #tpu.memory_space<vmem>>, vector<1x128xf32>
    %eq3A_594 = vector.broadcast %get3A_593 : vector<1x128xf32> to vector<200x128xf32>
    %eq3A_595 = vector.broadcast %convert_element_type3A_409 : vector<200x1xf32> to vector<200x128xf32>
    %eq3A_596 = arith.cmpf oeq, %eq3A_594, %eq3A_595 : vector<200x128xf32>
    %jit3A_597 = arith.constant 0.000000e+00 : f32
    %broadcast_in_dim3A_598 = vector.shape_cast %mul3A_590 : vector<1x128xf32> to vector<1x128xf32>
    %broadcast_in_dim3A_599 = vector.broadcast %broadcast_in_dim3A_598 : vector<1x128xf32> to vector<200x128xf32>
    %broadcast_in_dim3A_600 = vector.broadcast %jit3A_597 : f32 to vector<200x128xf32>
    %select_n3A_601 = arith.select %eq3A_596, %broadcast_in_dim3A_599, %broadcast_in_dim3A_600 : vector<200x128xi1>, vector<200x128xf32>
    %get3A_602 = arith.constant 640 : index
    %get3A_603 = arith.constant 0 : index
    %get3A_604 = vector.load %arg6[%get3A_602, %get3A_603] : memref<1024x1024xf32, #tpu.memory_space<vmem>>, vector<128x1024xf32>
    %dot_general3A_605 = arith.constant dense<0.000000e+00> : vector<200x1024xf32>
    %dot_general3A_606 = tpu.matmul %select_n3A_601, %get3A_604, %dot_general3A_605 {dimension_numbers = #tpu.dot_dimension_numbers<[1], [0], [0], [1], [0, 0, 1, 1], [], []>, precision = #tpu.contract_precision<fp32>, transpose_lhs_hint = false} : vector<200x128xf32>, vector<128x1024xf32>, vector<200x1024xf32> -> vector<200x1024xf32>
    %add3A_607 = arith.addf %add3A_578, %dot_general3A_606 : vector<200x1024xf32>
    %get3A_608 = arith.constant 6 : index
    %get3A_609 = arith.constant 0 : index
    %get3A_610 = vector.load %arg3[%get3A_608, %get3A_609] : memref<12x128xf32, #tpu.memory_space<vmem>>, vector<1x128xf32>
    %get3A_611 = arith.constant 6 : index
    %get3A_612 = arith.constant 0 : index
    %get3A_613 = vector.load %arg4[%get3A_611, %get3A_612] : memref<12x128xf32, #tpu.memory_space<vmem>>, vector<1x128xf32>
    %mul3A_614 = arith.mulf %get3A_138, %get3A_613 : vector<1x128xf32>
    %sub3A_615 = arith.constant 1.000000e+00 : f32
    %sub3A_616 = vector.broadcast %sub3A_615 : f32 to vector<1x128xf32>
    %sub3A_617 = arith.subf %sub3A_616, %get3A_138 : vector<1x128xf32>
    %add3A_618 = arith.addf %mul3A_614, %sub3A_617 : vector<1x128xf32>
    %mul3A_619 = arith.mulf %get3A_610, %add3A_618 : vector<1x128xf32>
    %get3A_620 = arith.constant 6 : index
    %get3A_621 = arith.constant 0 : index
    %get3A_622 = vector.load %arg2[%get3A_620, %get3A_621] : memref<12x128xf32, #tpu.memory_space<vmem>>, vector<1x128xf32>
    %eq3A_623 = vector.broadcast %get3A_622 : vector<1x128xf32> to vector<200x128xf32>
    %eq3A_624 = vector.broadcast %convert_element_type3A_409 : vector<200x1xf32> to vector<200x128xf32>
    %eq3A_625 = arith.cmpf oeq, %eq3A_623, %eq3A_624 : vector<200x128xf32>
    %jit3A_626 = arith.constant 0.000000e+00 : f32
    %broadcast_in_dim3A_627 = vector.shape_cast %mul3A_619 : vector<1x128xf32> to vector<1x128xf32>
    %broadcast_in_dim3A_628 = vector.broadcast %broadcast_in_dim3A_627 : vector<1x128xf32> to vector<200x128xf32>
    %broadcast_in_dim3A_629 = vector.broadcast %jit3A_626 : f32 to vector<200x128xf32>
    %select_n3A_630 = arith.select %eq3A_625, %broadcast_in_dim3A_628, %broadcast_in_dim3A_629 : vector<200x128xi1>, vector<200x128xf32>
    %get3A_631 = arith.constant 768 : index
    %get3A_632 = arith.constant 0 : index
    %get3A_633 = vector.load %arg6[%get3A_631, %get3A_632] : memref<1024x1024xf32, #tpu.memory_space<vmem>>, vector<128x1024xf32>
    %dot_general3A_634 = arith.constant dense<0.000000e+00> : vector<200x1024xf32>
    %dot_general3A_635 = tpu.matmul %select_n3A_630, %get3A_633, %dot_general3A_634 {dimension_numbers = #tpu.dot_dimension_numbers<[1], [0], [0], [1], [0, 0, 1, 1], [], []>, precision = #tpu.contract_precision<fp32>, transpose_lhs_hint = false} : vector<200x128xf32>, vector<128x1024xf32>, vector<200x1024xf32> -> vector<200x1024xf32>
    %add3A_636 = arith.addf %add3A_607, %dot_general3A_635 : vector<200x1024xf32>
    %get3A_637 = arith.constant 7 : index
    %get3A_638 = arith.constant 0 : index
    %get3A_639 = vector.load %arg3[%get3A_637, %get3A_638] : memref<12x128xf32, #tpu.memory_space<vmem>>, vector<1x128xf32>
    %get3A_640 = arith.constant 7 : index
    %get3A_641 = arith.constant 0 : index
    %get3A_642 = vector.load %arg4[%get3A_640, %get3A_641] : memref<12x128xf32, #tpu.memory_space<vmem>>, vector<1x128xf32>
    %mul3A_643 = arith.mulf %get3A_138, %get3A_642 : vector<1x128xf32>
    %sub3A_644 = arith.constant 1.000000e+00 : f32
    %sub3A_645 = vector.broadcast %sub3A_644 : f32 to vector<1x128xf32>
    %sub3A_646 = arith.subf %sub3A_645, %get3A_138 : vector<1x128xf32>
    %add3A_647 = arith.addf %mul3A_643, %sub3A_646 : vector<1x128xf32>
    %mul3A_648 = arith.mulf %get3A_639, %add3A_647 : vector<1x128xf32>
    %get3A_649 = arith.constant 7 : index
    %get3A_650 = arith.constant 0 : index
    %get3A_651 = vector.load %arg2[%get3A_649, %get3A_650] : memref<12x128xf32, #tpu.memory_space<vmem>>, vector<1x128xf32>
    %eq3A_652 = vector.broadcast %get3A_651 : vector<1x128xf32> to vector<200x128xf32>
    %eq3A_653 = vector.broadcast %convert_element_type3A_409 : vector<200x1xf32> to vector<200x128xf32>
    %eq3A_654 = arith.cmpf oeq, %eq3A_652, %eq3A_653 : vector<200x128xf32>
    %jit3A_655 = arith.constant 0.000000e+00 : f32
    %broadcast_in_dim3A_656 = vector.shape_cast %mul3A_648 : vector<1x128xf32> to vector<1x128xf32>
    %broadcast_in_dim3A_657 = vector.broadcast %broadcast_in_dim3A_656 : vector<1x128xf32> to vector<200x128xf32>
    %broadcast_in_dim3A_658 = vector.broadcast %jit3A_655 : f32 to vector<200x128xf32>
    %select_n3A_659 = arith.select %eq3A_654, %broadcast_in_dim3A_657, %broadcast_in_dim3A_658 : vector<200x128xi1>, vector<200x128xf32>
    %get3A_660 = arith.constant 896 : index
    %get3A_661 = arith.constant 0 : index
    %get3A_662 = vector.load %arg6[%get3A_660, %get3A_661] : memref<1024x1024xf32, #tpu.memory_space<vmem>>, vector<128x1024xf32>
    %dot_general3A_663 = arith.constant dense<0.000000e+00> : vector<200x1024xf32>
    %dot_general3A_664 = tpu.matmul %select_n3A_659, %get3A_662, %dot_general3A_663 {dimension_numbers = #tpu.dot_dimension_numbers<[1], [0], [0], [1], [0, 0, 1, 1], [], []>, precision = #tpu.contract_precision<fp32>, transpose_lhs_hint = false} : vector<200x128xf32>, vector<128x1024xf32>, vector<200x1024xf32> -> vector<200x1024xf32>
    %add3A_665 = arith.addf %add3A_636, %dot_general3A_664 : vector<200x1024xf32>
    %mul3A_666 = arith.mulf %add3A_665, %add3A_665 : vector<200x1024xf32>
    %reduce_sum3A_667 = arith.constant dense<0.000000e+00> : vector<200xf32>
    %reduce_sum3A_668 = vector.multi_reduction <add>, %mul3A_666, %reduce_sum3A_667 [1] : vector<200x1024xf32> to vector<200xf32>
    %broadcast_in_dim3A_669 = vector.shape_cast %reduce_sum3A_668 : vector<200xf32> to vector<200x1xf32>
    %sqrt3A_670 = math.sqrt %broadcast_in_dim3A_669 : vector<200x1xf32>
    %max3A_671 = arith.constant 9.99999996E-13 : f32
    %max3A_672 = vector.broadcast %max3A_671 : f32 to vector<200x1xf32>
    %max3A_673 = arith.maximumf %sqrt3A_670, %max3A_672 : vector<200x1xf32>
    %div3A_674 = vector.broadcast %max3A_673 : vector<200x1xf32> to vector<200x1024xf32>
    %div3A_675 = arith.divf %add3A_665, %div3A_674 : vector<200x1024xf32>
    %swap3A_676 = arith.constant 200 : index
    %swap3A_677 = arith.constant 0 : index
    %swap3A_678 = vector.load %arg8[%swap3A_676, %swap3A_677] : memref<1000x1024xf32, #tpu.memory_space<vmem>>, vector<200x1024xf32>
    tpu.vector_store %arg8[%swap3A_676, %swap3A_677], %div3A_675 {strides = array<i32>} : memref<1000x1024xf32, #tpu.memory_space<vmem>>, vector<200x1024xf32>,
    %iota3A_679 = tpu.iota {dimensions = array<i32: 0>} : vector<200x1xi32>
    %add3A_680 = arith.constant 400 : i32
    %add3A_681 = vector.broadcast %add3A_680 : i32 to vector<200x1xi32>
    %add3A_682 = arith.addi %iota3A_679, %add3A_681 : vector<200x1xi32>
    %convert_element_type3A_683 = arith.sitofp %add3A_682 : vector<200x1xi32> to vector<200x1xf32>
    %get3A_684 = arith.constant 8 : index
    %get3A_685 = arith.constant 0 : index
    %get3A_686 = vector.load %arg3[%get3A_684, %get3A_685] : memref<12x128xf32, #tpu.memory_space<vmem>>, vector<1x128xf32>
    %mul3A_687 = arith.mulf %get3A_686, %get3A_138 : vector<1x128xf32>
    %get3A_688 = arith.constant 8 : index
    %get3A_689 = arith.constant 0 : index
    %get3A_690 = vector.load %arg4[%get3A_688, %get3A_689] : memref<12x128xf32, #tpu.memory_space<vmem>>, vector<1x128xf32>
    %mul3A_691 = arith.mulf %mul3A_687, %get3A_690 : vector<1x128xf32>
    %get3A_692 = arith.constant 8 : index
    %get3A_693 = arith.constant 0 : index
    %get3A_694 = vector.load %arg2[%get3A_692, %get3A_693] : memref<12x128xf32, #tpu.memory_space<vmem>>, vector<1x128xf32>
    %eq3A_695 = vector.broadcast %get3A_694 : vector<1x128xf32> to vector<200x128xf32>
    %eq3A_696 = vector.broadcast %convert_element_type3A_683 : vector<200x1xf32> to vector<200x128xf32>
    %eq3A_697 = arith.cmpf oeq, %eq3A_695, %eq3A_696 : vector<200x128xf32>
    %jit3A_698 = arith.constant 0.000000e+00 : f32
    %broadcast_in_dim3A_699 = vector.shape_cast %mul3A_691 : vector<1x128xf32> to vector<1x128xf32>
    %broadcast_in_dim3A_700 = vector.broadcast %broadcast_in_dim3A_699 : vector<1x128xf32> to vector<200x128xf32>
    %broadcast_in_dim3A_701 = vector.broadcast %jit3A_698 : f32 to vector<200x128xf32>
    %select_n3A_702 = arith.select %eq3A_697, %broadcast_in_dim3A_700, %broadcast_in_dim3A_701 : vector<200x128xi1>, vector<200x128xf32>
    %get3A_703 = arith.constant 0 : index
    %get3A_704 = arith.constant 0 : index
    %get3A_705 = vector.load %arg7[%get3A_703, %get3A_704] : memref<128x1024xf32, #tpu.memory_space<vmem>>, vector<128x1024xf32>
    %dot_general3A_706 = arith.constant dense<0.000000e+00> : vector<200x1024xf32>
    %dot_general3A_707 = tpu.matmul %select_n3A_702, %get3A_705, %dot_general3A_706 {dimension_numbers = #tpu.dot_dimension_numbers<[1], [0], [0], [1], [0, 0, 1, 1], [], []>, precision = #tpu.contract_precision<fp32>, transpose_lhs_hint = false} : vector<200x128xf32>, vector<128x1024xf32>, vector<200x1024xf32> -> vector<200x1024xf32>
    %get3A_708 = arith.constant 0 : index
    %get3A_709 = arith.constant 0 : index
    %get3A_710 = vector.load %arg3[%get3A_708, %get3A_709] : memref<12x128xf32, #tpu.memory_space<vmem>>, vector<1x128xf32>
    %get3A_711 = arith.constant 0 : index
    %get3A_712 = arith.constant 0 : index
    %get3A_713 = vector.load %arg4[%get3A_711, %get3A_712] : memref<12x128xf32, #tpu.memory_space<vmem>>, vector<1x128xf32>
    %mul3A_714 = arith.mulf %get3A_138, %get3A_713 : vector<1x128xf32>
    %sub3A_715 = arith.constant 1.000000e+00 : f32
    %sub3A_716 = vector.broadcast %sub3A_715 : f32 to vector<1x128xf32>
    %sub3A_717 = arith.subf %sub3A_716, %get3A_138 : vector<1x128xf32>
    %add3A_718 = arith.addf %mul3A_714, %sub3A_717 : vector<1x128xf32>
    %mul3A_719 = arith.mulf %get3A_710, %add3A_718 : vector<1x128xf32>
    %get3A_720 = arith.constant 0 : index
    %get3A_721 = arith.constant 0 : index
    %get3A_722 = vector.load %arg2[%get3A_720, %get3A_721] : memref<12x128xf32, #tpu.memory_space<vmem>>, vector<1x128xf32>
    %eq3A_723 = vector.broadcast %get3A_722 : vector<1x128xf32> to vector<200x128xf32>
    %eq3A_724 = vector.broadcast %convert_element_type3A_683 : vector<200x1xf32> to vector<200x128xf32>
    %eq3A_725 = arith.cmpf oeq, %eq3A_723, %eq3A_724 : vector<200x128xf32>
    %jit3A_726 = arith.constant 0.000000e+00 : f32
    %broadcast_in_dim3A_727 = vector.shape_cast %mul3A_719 : vector<1x128xf32> to vector<1x128xf32>
    %broadcast_in_dim3A_728 = vector.broadcast %broadcast_in_dim3A_727 : vector<1x128xf32> to vector<200x128xf32>
    %broadcast_in_dim3A_729 = vector.broadcast %jit3A_726 : f32 to vector<200x128xf32>
    %select_n3A_730 = arith.select %eq3A_725, %broadcast_in_dim3A_728, %broadcast_in_dim3A_729 : vector<200x128xi1>, vector<200x128xf32>
    %get3A_731 = arith.constant 0 : index
    %get3A_732 = arith.constant 0 : index
    %get3A_733 = vector.load %arg6[%get3A_731, %get3A_732] : memref<1024x1024xf32, #tpu.memory_space<vmem>>, vector<128x1024xf32>
    %dot_general3A_734 = arith.constant dense<0.000000e+00> : vector<200x1024xf32>
    %dot_general3A_735 = tpu.matmul %select_n3A_730, %get3A_733, %dot_general3A_734 {dimension_numbers = #tpu.dot_dimension_numbers<[1], [0], [0], [1], [0, 0, 1, 1], [], []>, precision = #tpu.contract_precision<fp32>, transpose_lhs_hint = false} : vector<200x128xf32>, vector<128x1024xf32>, vector<200x1024xf32> -> vector<200x1024xf32>
    %add3A_736 = arith.addf %dot_general3A_707, %dot_general3A_735 : vector<200x1024xf32>
    %get3A_737 = arith.constant 1 : index
    %get3A_738 = arith.constant 0 : index
    %get3A_739 = vector.load %arg3[%get3A_737, %get3A_738] : memref<12x128xf32, #tpu.memory_space<vmem>>, vector<1x128xf32>
    %get3A_740 = arith.constant 1 : index
    %get3A_741 = arith.constant 0 : index
    %get3A_742 = vector.load %arg4[%get3A_740, %get3A_741] : memref<12x128xf32, #tpu.memory_space<vmem>>, vector<1x128xf32>
    %mul3A_743 = arith.mulf %get3A_138, %get3A_742 : vector<1x128xf32>
    %sub3A_744 = arith.constant 1.000000e+00 : f32
    %sub3A_745 = vector.broadcast %sub3A_744 : f32 to vector<1x128xf32>
    %sub3A_746 = arith.subf %sub3A_745, %get3A_138 : vector<1x128xf32>
    %add3A_747 = arith.addf %mul3A_743, %sub3A_746 : vector<1x128xf32>
    %mul3A_748 = arith.mulf %get3A_739, %add3A_747 : vector<1x128xf32>
    %get3A_749 = arith.constant 1 : index
    %get3A_750 = arith.constant 0 : index
    %get3A_751 = vector.load %arg2[%get3A_749, %get3A_750] : memref<12x128xf32, #tpu.memory_space<vmem>>, vector<1x128xf32>
    %eq3A_752 = vector.broadcast %get3A_751 : vector<1x128xf32> to vector<200x128xf32>
    %eq3A_753 = vector.broadcast %convert_element_type3A_683 : vector<200x1xf32> to vector<200x128xf32>
    %eq3A_754 = arith.cmpf oeq, %eq3A_752, %eq3A_753 : vector<200x128xf32>
    %jit3A_755 = arith.constant 0.000000e+00 : f32
    %broadcast_in_dim3A_756 = vector.shape_cast %mul3A_748 : vector<1x128xf32> to vector<1x128xf32>
    %broadcast_in_dim3A_757 = vector.broadcast %broadcast_in_dim3A_756 : vector<1x128xf32> to vector<200x128xf32>
    %broadcast_in_dim3A_758 = vector.broadcast %jit3A_755 : f32 to vector<200x128xf32>
    %select_n3A_759 = arith.select %eq3A_754, %broadcast_in_dim3A_757, %broadcast_in_dim3A_758 : vector<200x128xi1>, vector<200x128xf32>
    %get3A_760 = arith.constant 128 : index
    %get3A_761 = arith.constant 0 : index
    %get3A_762 = vector.load %arg6[%get3A_760, %get3A_761] : memref<1024x1024xf32, #tpu.memory_space<vmem>>, vector<128x1024xf32>
    %dot_general3A_763 = arith.constant dense<0.000000e+00> : vector<200x1024xf32>
    %dot_general3A_764 = tpu.matmul %select_n3A_759, %get3A_762, %dot_general3A_763 {dimension_numbers = #tpu.dot_dimension_numbers<[1], [0], [0], [1], [0, 0, 1, 1], [], []>, precision = #tpu.contract_precision<fp32>, transpose_lhs_hint = false} : vector<200x128xf32>, vector<128x1024xf32>, vector<200x1024xf32> -> vector<200x1024xf32>
    %add3A_765 = arith.addf %add3A_736, %dot_general3A_764 : vector<200x1024xf32>
    %get3A_766 = arith.constant 2 : index
    %get3A_767 = arith.constant 0 : index
    %get3A_768 = vector.load %arg3[%get3A_766, %get3A_767] : memref<12x128xf32, #tpu.memory_space<vmem>>, vector<1x128xf32>
    %get3A_769 = arith.constant 2 : index
    %get3A_770 = arith.constant 0 : index
    %get3A_771 = vector.load %arg4[%get3A_769, %get3A_770] : memref<12x128xf32, #tpu.memory_space<vmem>>, vector<1x128xf32>
    %mul3A_772 = arith.mulf %get3A_138, %get3A_771 : vector<1x128xf32>
    %sub3A_773 = arith.constant 1.000000e+00 : f32
    %sub3A_774 = vector.broadcast %sub3A_773 : f32 to vector<1x128xf32>
    %sub3A_775 = arith.subf %sub3A_774, %get3A_138 : vector<1x128xf32>
    %add3A_776 = arith.addf %mul3A_772, %sub3A_775 : vector<1x128xf32>
    %mul3A_777 = arith.mulf %get3A_768, %add3A_776 : vector<1x128xf32>
    %get3A_778 = arith.constant 2 : index
    %get3A_779 = arith.constant 0 : index
    %get3A_780 = vector.load %arg2[%get3A_778, %get3A_779] : memref<12x128xf32, #tpu.memory_space<vmem>>, vector<1x128xf32>
    %eq3A_781 = vector.broadcast %get3A_780 : vector<1x128xf32> to vector<200x128xf32>
    %eq3A_782 = vector.broadcast %convert_element_type3A_683 : vector<200x1xf32> to vector<200x128xf32>
    %eq3A_783 = arith.cmpf oeq, %eq3A_781, %eq3A_782 : vector<200x128xf32>
    %jit3A_784 = arith.constant 0.000000e+00 : f32
    %broadcast_in_dim3A_785 = vector.shape_cast %mul3A_777 : vector<1x128xf32> to vector<1x128xf32>
    %broadcast_in_dim3A_786 = vector.broadcast %broadcast_in_dim3A_785 : vector<1x128xf32> to vector<200x128xf32>
    %broadcast_in_dim3A_787 = vector.broadcast %jit3A_784 : f32 to vector<200x128xf32>
    %select_n3A_788 = arith.select %eq3A_783, %broadcast_in_dim3A_786, %broadcast_in_dim3A_787 : vector<200x128xi1>, vector<200x128xf32>
    %get3A_789 = arith.constant 256 : index
    %get3A_790 = arith.constant 0 : index
    %get3A_791 = vector.load %arg6[%get3A_789, %get3A_790] : memref<1024x1024xf32, #tpu.memory_space<vmem>>, vector<128x1024xf32>
    %dot_general3A_792 = arith.constant dense<0.000000e+00> : vector<200x1024xf32>
    %dot_general3A_793 = tpu.matmul %select_n3A_788, %get3A_791, %dot_general3A_792 {dimension_numbers = #tpu.dot_dimension_numbers<[1], [0], [0], [1], [0, 0, 1, 1], [], []>, precision = #tpu.contract_precision<fp32>, transpose_lhs_hint = false} : vector<200x128xf32>, vector<128x1024xf32>, vector<200x1024xf32> -> vector<200x1024xf32>
    %add3A_794 = arith.addf %add3A_765, %dot_general3A_793 : vector<200x1024xf32>
    %get3A_795 = arith.constant 3 : index
    %get3A_796 = arith.constant 0 : index
    %get3A_797 = vector.load %arg3[%get3A_795, %get3A_796] : memref<12x128xf32, #tpu.memory_space<vmem>>, vector<1x128xf32>
    %get3A_798 = arith.constant 3 : index
    %get3A_799 = arith.constant 0 : index
    %get3A_800 = vector.load %arg4[%get3A_798, %get3A_799] : memref<12x128xf32, #tpu.memory_space<vmem>>, vector<1x128xf32>
    %mul3A_801 = arith.mulf %get3A_138, %get3A_800 : vector<1x128xf32>
    %sub3A_802 = arith.constant 1.000000e+00 : f32
    %sub3A_803 = vector.broadcast %sub3A_802 : f32 to vector<1x128xf32>
    %sub3A_804 = arith.subf %sub3A_803, %get3A_138 : vector<1x128xf32>
    %add3A_805 = arith.addf %mul3A_801, %sub3A_804 : vector<1x128xf32>
    %mul3A_806 = arith.mulf %get3A_797, %add3A_805 : vector<1x128xf32>
    %get3A_807 = arith.constant 3 : index
    %get3A_808 = arith.constant 0 : index
    %get3A_809 = vector.load %arg2[%get3A_807, %get3A_808] : memref<12x128xf32, #tpu.memory_space<vmem>>, vector<1x128xf32>
    %eq3A_810 = vector.broadcast %get3A_809 : vector<1x128xf32> to vector<200x128xf32>
    %eq3A_811 = vector.broadcast %convert_element_type3A_683 : vector<200x1xf32> to vector<200x128xf32>
    %eq3A_812 = arith.cmpf oeq, %eq3A_810, %eq3A_811 : vector<200x128xf32>
    %jit3A_813 = arith.constant 0.000000e+00 : f32
    %broadcast_in_dim3A_814 = vector.shape_cast %mul3A_806 : vector<1x128xf32> to vector<1x128xf32>
    %broadcast_in_dim3A_815 = vector.broadcast %broadcast_in_dim3A_814 : vector<1x128xf32> to vector<200x128xf32>
    %broadcast_in_dim3A_816 = vector.broadcast %jit3A_813 : f32 to vector<200x128xf32>
    %select_n3A_817 = arith.select %eq3A_812, %broadcast_in_dim3A_815, %broadcast_in_dim3A_816 : vector<200x128xi1>, vector<200x128xf32>
    %get3A_818 = arith.constant 384 : index
    %get3A_819 = arith.constant 0 : index
    %get3A_820 = vector.load %arg6[%get3A_818, %get3A_819] : memref<1024x1024xf32, #tpu.memory_space<vmem>>, vector<128x1024xf32>
    %dot_general3A_821 = arith.constant dense<0.000000e+00> : vector<200x1024xf32>
    %dot_general3A_822 = tpu.matmul %select_n3A_817, %get3A_820, %dot_general3A_821 {dimension_numbers = #tpu.dot_dimension_numbers<[1], [0], [0], [1], [0, 0, 1, 1], [], []>, precision = #tpu.contract_precision<fp32>, transpose_lhs_hint = false} : vector<200x128xf32>, vector<128x1024xf32>, vector<200x1024xf32> -> vector<200x1024xf32>
    %add3A_823 = arith.addf %add3A_794, %dot_general3A_822 : vector<200x1024xf32>
    %get3A_824 = arith.constant 4 : index
    %get3A_825 = arith.constant 0 : index
    %get3A_826 = vector.load %arg3[%get3A_824, %get3A_825] : memref<12x128xf32, #tpu.memory_space<vmem>>, vector<1x128xf32>
    %get3A_827 = arith.constant 4 : index
    %get3A_828 = arith.constant 0 : index
    %get3A_829 = vector.load %arg4[%get3A_827, %get3A_828] : memref<12x128xf32, #tpu.memory_space<vmem>>, vector<1x128xf32>
    %mul3A_830 = arith.mulf %get3A_138, %get3A_829 : vector<1x128xf32>
    %sub3A_831 = arith.constant 1.000000e+00 : f32
    %sub3A_832 = vector.broadcast %sub3A_831 : f32 to vector<1x128xf32>
    %sub3A_833 = arith.subf %sub3A_832, %get3A_138 : vector<1x128xf32>
    %add3A_834 = arith.addf %mul3A_830, %sub3A_833 : vector<1x128xf32>
    %mul3A_835 = arith.mulf %get3A_826, %add3A_834 : vector<1x128xf32>
    %get3A_836 = arith.constant 4 : index
    %get3A_837 = arith.constant 0 : index
    %get3A_838 = vector.load %arg2[%get3A_836, %get3A_837] : memref<12x128xf32, #tpu.memory_space<vmem>>, vector<1x128xf32>
    %eq3A_839 = vector.broadcast %get3A_838 : vector<1x128xf32> to vector<200x128xf32>
    %eq3A_840 = vector.broadcast %convert_element_type3A_683 : vector<200x1xf32> to vector<200x128xf32>
    %eq3A_841 = arith.cmpf oeq, %eq3A_839, %eq3A_840 : vector<200x128xf32>
    %jit3A_842 = arith.constant 0.000000e+00 : f32
    %broadcast_in_dim3A_843 = vector.shape_cast %mul3A_835 : vector<1x128xf32> to vector<1x128xf32>
    %broadcast_in_dim3A_844 = vector.broadcast %broadcast_in_dim3A_843 : vector<1x128xf32> to vector<200x128xf32>
    %broadcast_in_dim3A_845 = vector.broadcast %jit3A_842 : f32 to vector<200x128xf32>
    %select_n3A_846 = arith.select %eq3A_841, %broadcast_in_dim3A_844, %broadcast_in_dim3A_845 : vector<200x128xi1>, vector<200x128xf32>
    %get3A_847 = arith.constant 512 : index
    %get3A_848 = arith.constant 0 : index
    %get3A_849 = vector.load %arg6[%get3A_847, %get3A_848] : memref<1024x1024xf32, #tpu.memory_space<vmem>>, vector<128x1024xf32>
    %dot_general3A_850 = arith.constant dense<0.000000e+00> : vector<200x1024xf32>
    %dot_general3A_851 = tpu.matmul %select_n3A_846, %get3A_849, %dot_general3A_850 {dimension_numbers = #tpu.dot_dimension_numbers<[1], [0], [0], [1], [0, 0, 1, 1], [], []>, precision = #tpu.contract_precision<fp32>, transpose_lhs_hint = false} : vector<200x128xf32>, vector<128x1024xf32>, vector<200x1024xf32> -> vector<200x1024xf32>
    %add3A_852 = arith.addf %add3A_823, %dot_general3A_851 : vector<200x1024xf32>
    %get3A_853 = arith.constant 5 : index
    %get3A_854 = arith.constant 0 : index
    %get3A_855 = vector.load %arg3[%get3A_853, %get3A_854] : memref<12x128xf32, #tpu.memory_space<vmem>>, vector<1x128xf32>
    %get3A_856 = arith.constant 5 : index
    %get3A_857 = arith.constant 0 : index
    %get3A_858 = vector.load %arg4[%get3A_856, %get3A_857] : memref<12x128xf32, #tpu.memory_space<vmem>>, vector<1x128xf32>
    %mul3A_859 = arith.mulf %get3A_138, %get3A_858 : vector<1x128xf32>
    %sub3A_860 = arith.constant 1.000000e+00 : f32
    %sub3A_861 = vector.broadcast %sub3A_860 : f32 to vector<1x128xf32>
    %sub3A_862 = arith.subf %sub3A_861, %get3A_138 : vector<1x128xf32>
    %add3A_863 = arith.addf %mul3A_859, %sub3A_862 : vector<1x128xf32>
    %mul3A_864 = arith.mulf %get3A_855, %add3A_863 : vector<1x128xf32>
    %get3A_865 = arith.constant 5 : index
    %get3A_866 = arith.constant 0 : index
    %get3A_867 = vector.load %arg2[%get3A_865, %get3A_866] : memref<12x128xf32, #tpu.memory_space<vmem>>, vector<1x128xf32>
    %eq3A_868 = vector.broadcast %get3A_867 : vector<1x128xf32> to vector<200x128xf32>
    %eq3A_869 = vector.broadcast %convert_element_type3A_683 : vector<200x1xf32> to vector<200x128xf32>
    %eq3A_870 = arith.cmpf oeq, %eq3A_868, %eq3A_869 : vector<200x128xf32>
    %jit3A_871 = arith.constant 0.000000e+00 : f32
    %broadcast_in_dim3A_872 = vector.shape_cast %mul3A_864 : vector<1x128xf32> to vector<1x128xf32>
    %broadcast_in_dim3A_873 = vector.broadcast %broadcast_in_dim3A_872 : vector<1x128xf32> to vector<200x128xf32>
    %broadcast_in_dim3A_874 = vector.broadcast %jit3A_871 : f32 to vector<200x128xf32>
    %select_n3A_875 = arith.select %eq3A_870, %broadcast_in_dim3A_873, %broadcast_in_dim3A_874 : vector<200x128xi1>, vector<200x128xf32>
    %get3A_876 = arith.constant 640 : index
    %get3A_877 = arith.constant 0 : index
    %get3A_878 = vector.load %arg6[%get3A_876, %get3A_877] : memref<1024x1024xf32, #tpu.memory_space<vmem>>, vector<128x1024xf32>
    %dot_general3A_879 = arith.constant dense<0.000000e+00> : vector<200x1024xf32>
    %dot_general3A_880 = tpu.matmul %select_n3A_875, %get3A_878, %dot_general3A_879 {dimension_numbers = #tpu.dot_dimension_numbers<[1], [0], [0], [1], [0, 0, 1, 1], [], []>, precision = #tpu.contract_precision<fp32>, transpose_lhs_hint = false} : vector<200x128xf32>, vector<128x1024xf32>, vector<200x1024xf32> -> vector<200x1024xf32>
    %add3A_881 = arith.addf %add3A_852, %dot_general3A_880 : vector<200x1024xf32>
    %get3A_882 = arith.constant 6 : index
    %get3A_883 = arith.constant 0 : index
    %get3A_884 = vector.load %arg3[%get3A_882, %get3A_883] : memref<12x128xf32, #tpu.memory_space<vmem>>, vector<1x128xf32>
    %get3A_885 = arith.constant 6 : index
    %get3A_886 = arith.constant 0 : index
    %get3A_887 = vector.load %arg4[%get3A_885, %get3A_886] : memref<12x128xf32, #tpu.memory_space<vmem>>, vector<1x128xf32>
    %mul3A_888 = arith.mulf %get3A_138, %get3A_887 : vector<1x128xf32>
    %sub3A_889 = arith.constant 1.000000e+00 : f32
    %sub3A_890 = vector.broadcast %sub3A_889 : f32 to vector<1x128xf32>
    %sub3A_891 = arith.subf %sub3A_890, %get3A_138 : vector<1x128xf32>
    %add3A_892 = arith.addf %mul3A_888, %sub3A_891 : vector<1x128xf32>
    %mul3A_893 = arith.mulf %get3A_884, %add3A_892 : vector<1x128xf32>
    %get3A_894 = arith.constant 6 : index
    %get3A_895 = arith.constant 0 : index
    %get3A_896 = vector.load %arg2[%get3A_894, %get3A_895] : memref<12x128xf32, #tpu.memory_space<vmem>>, vector<1x128xf32>
    %eq3A_897 = vector.broadcast %get3A_896 : vector<1x128xf32> to vector<200x128xf32>
    %eq3A_898 = vector.broadcast %convert_element_type3A_683 : vector<200x1xf32> to vector<200x128xf32>
    %eq3A_899 = arith.cmpf oeq, %eq3A_897, %eq3A_898 : vector<200x128xf32>
    %jit3A_900 = arith.constant 0.000000e+00 : f32
    %broadcast_in_dim3A_901 = vector.shape_cast %mul3A_893 : vector<1x128xf32> to vector<1x128xf32>
    %broadcast_in_dim3A_902 = vector.broadcast %broadcast_in_dim3A_901 : vector<1x128xf32> to vector<200x128xf32>
    %broadcast_in_dim3A_903 = vector.broadcast %jit3A_900 : f32 to vector<200x128xf32>
    %select_n3A_904 = arith.select %eq3A_899, %broadcast_in_dim3A_902, %broadcast_in_dim3A_903 : vector<200x128xi1>, vector<200x128xf32>
    %get3A_905 = arith.constant 768 : index
    %get3A_906 = arith.constant 0 : index
    %get3A_907 = vector.load %arg6[%get3A_905, %get3A_906] : memref<1024x1024xf32, #tpu.memory_space<vmem>>, vector<128x1024xf32>
    %dot_general3A_908 = arith.constant dense<0.000000e+00> : vector<200x1024xf32>
    %dot_general3A_909 = tpu.matmul %select_n3A_904, %get3A_907, %dot_general3A_908 {dimension_numbers = #tpu.dot_dimension_numbers<[1], [0], [0], [1], [0, 0, 1, 1], [], []>, precision = #tpu.contract_precision<fp32>, transpose_lhs_hint = false} : vector<200x128xf32>, vector<128x1024xf32>, vector<200x1024xf32> -> vector<200x1024xf32>
    %add3A_910 = arith.addf %add3A_881, %dot_general3A_909 : vector<200x1024xf32>
    %get3A_911 = arith.constant 7 : index
    %get3A_912 = arith.constant 0 : index
    %get3A_913 = vector.load %arg3[%get3A_911, %get3A_912] : memref<12x128xf32, #tpu.memory_space<vmem>>, vector<1x128xf32>
    %get3A_914 = arith.constant 7 : index
    %get3A_915 = arith.constant 0 : index
    %get3A_916 = vector.load %arg4[%get3A_914, %get3A_915] : memref<12x128xf32, #tpu.memory_space<vmem>>, vector<1x128xf32>
    %mul3A_917 = arith.mulf %get3A_138, %get3A_916 : vector<1x128xf32>
    %sub3A_918 = arith.constant 1.000000e+00 : f32
    %sub3A_919 = vector.broadcast %sub3A_918 : f32 to vector<1x128xf32>
    %sub3A_920 = arith.subf %sub3A_919, %get3A_138 : vector<1x128xf32>
    %add3A_921 = arith.addf %mul3A_917, %sub3A_920 : vector<1x128xf32>
    %mul3A_922 = arith.mulf %get3A_913, %add3A_921 : vector<1x128xf32>
    %get3A_923 = arith.constant 7 : index
    %get3A_924 = arith.constant 0 : index
    %get3A_925 = vector.load %arg2[%get3A_923, %get3A_924] : memref<12x128xf32, #tpu.memory_space<vmem>>, vector<1x128xf32>
    %eq3A_926 = vector.broadcast %get3A_925 : vector<1x128xf32> to vector<200x128xf32>
    %eq3A_927 = vector.broadcast %convert_element_type3A_683 : vector<200x1xf32> to vector<200x128xf32>
    %eq3A_928 = arith.cmpf oeq, %eq3A_926, %eq3A_927 : vector<200x128xf32>
    %jit3A_929 = arith.constant 0.000000e+00 : f32
    %broadcast_in_dim3A_930 = vector.shape_cast %mul3A_922 : vector<1x128xf32> to vector<1x128xf32>
    %broadcast_in_dim3A_931 = vector.broadcast %broadcast_in_dim3A_930 : vector<1x128xf32> to vector<200x128xf32>
    %broadcast_in_dim3A_932 = vector.broadcast %jit3A_929 : f32 to vector<200x128xf32>
    %select_n3A_933 = arith.select %eq3A_928, %broadcast_in_dim3A_931, %broadcast_in_dim3A_932 : vector<200x128xi1>, vector<200x128xf32>
    %get3A_934 = arith.constant 896 : index
    %get3A_935 = arith.constant 0 : index
    %get3A_936 = vector.load %arg6[%get3A_934, %get3A_935] : memref<1024x1024xf32, #tpu.memory_space<vmem>>, vector<128x1024xf32>
    %dot_general3A_937 = arith.constant dense<0.000000e+00> : vector<200x1024xf32>
    %dot_general3A_938 = tpu.matmul %select_n3A_933, %get3A_936, %dot_general3A_937 {dimension_numbers = #tpu.dot_dimension_numbers<[1], [0], [0], [1], [0, 0, 1, 1], [], []>, precision = #tpu.contract_precision<fp32>, transpose_lhs_hint = false} : vector<200x128xf32>, vector<128x1024xf32>, vector<200x1024xf32> -> vector<200x1024xf32>
    %add3A_939 = arith.addf %add3A_910, %dot_general3A_938 : vector<200x1024xf32>
    %mul3A_940 = arith.mulf %add3A_939, %add3A_939 : vector<200x1024xf32>
    %reduce_sum3A_941 = arith.constant dense<0.000000e+00> : vector<200xf32>
    %reduce_sum3A_942 = vector.multi_reduction <add>, %mul3A_940, %reduce_sum3A_941 [1] : vector<200x1024xf32> to vector<200xf32>
    %broadcast_in_dim3A_943 = vector.shape_cast %reduce_sum3A_942 : vector<200xf32> to vector<200x1xf32>
    %sqrt3A_944 = math.sqrt %broadcast_in_dim3A_943 : vector<200x1xf32>
    %max3A_945 = arith.constant 9.99999996E-13 : f32
    %max3A_946 = vector.broadcast %max3A_945 : f32 to vector<200x1xf32>
    %max3A_947 = arith.maximumf %sqrt3A_944, %max3A_946 : vector<200x1xf32>
    %div3A_948 = vector.broadcast %max3A_947 : vector<200x1xf32> to vector<200x1024xf32>
    %div3A_949 = arith.divf %add3A_939, %div3A_948 : vector<200x1024xf32>
    %swap3A_950 = arith.constant 400 : index
    %swap3A_951 = arith.constant 0 : index
    %swap3A_952 = vector.load %arg8[%swap3A_950, %swap3A_951] : memref<1000x1024xf32, #tpu.memory_space<vmem>>, vector<200x1024xf32>
    tpu.vector_store %arg8[%swap3A_950, %swap3A_951], %div3A_949 {strides = array<i32>} : memref<1000x1024xf32, #tpu.memory_space<vmem>>, vector<200x1024xf32>,
    %iota3A_953 = tpu.iota {dimensions = array<i32: 0>} : vector<200x1xi32>
    %add3A_954 = arith.constant 600 : i32
    %add3A_955 = vector.broadcast %add3A_954 : i32 to vector<200x1xi32>
    %add3A_956 = arith.addi %iota3A_953, %add3A_955 : vector<200x1xi32>
    %convert_element_type3A_957 = arith.sitofp %add3A_956 : vector<200x1xi32> to vector<200x1xf32>
    %get3A_958 = arith.constant 8 : index
    %get3A_959 = arith.constant 0 : index
    %get3A_960 = vector.load %arg3[%get3A_958, %get3A_959] : memref<12x128xf32, #tpu.memory_space<vmem>>, vector<1x128xf32>
    %mul3A_961 = arith.mulf %get3A_960, %get3A_138 : vector<1x128xf32>
    %get3A_962 = arith.constant 8 : index
    %get3A_963 = arith.constant 0 : index
    %get3A_964 = vector.load %arg4[%get3A_962, %get3A_963] : memref<12x128xf32, #tpu.memory_space<vmem>>, vector<1x128xf32>
    %mul3A_965 = arith.mulf %mul3A_961, %get3A_964 : vector<1x128xf32>
    %get3A_966 = arith.constant 8 : index
    %get3A_967 = arith.constant 0 : index
    %get3A_968 = vector.load %arg2[%get3A_966, %get3A_967] : memref<12x128xf32, #tpu.memory_space<vmem>>, vector<1x128xf32>
    %eq3A_969 = vector.broadcast %get3A_968 : vector<1x128xf32> to vector<200x128xf32>
    %eq3A_970 = vector.broadcast %convert_element_type3A_957 : vector<200x1xf32> to vector<200x128xf32>
    %eq3A_971 = arith.cmpf oeq, %eq3A_969, %eq3A_970 : vector<200x128xf32>
    %jit3A_972 = arith.constant 0.000000e+00 : f32
    %broadcast_in_dim3A_973 = vector.shape_cast %mul3A_965 : vector<1x128xf32> to vector<1x128xf32>
    %broadcast_in_dim3A_974 = vector.broadcast %broadcast_in_dim3A_973 : vector<1x128xf32> to vector<200x128xf32>
    %broadcast_in_dim3A_975 = vector.broadcast %jit3A_972 : f32 to vector<200x128xf32>
    %select_n3A_976 = arith.select %eq3A_971, %broadcast_in_dim3A_974, %broadcast_in_dim3A_975 : vector<200x128xi1>, vector<200x128xf32>
    %get3A_977 = arith.constant 0 : index
    %get3A_978 = arith.constant 0 : index
    %get3A_979 = vector.load %arg7[%get3A_977, %get3A_978] : memref<128x1024xf32, #tpu.memory_space<vmem>>, vector<128x1024xf32>
    %dot_general3A_980 = arith.constant dense<0.000000e+00> : vector<200x1024xf32>
    %dot_general3A_981 = tpu.matmul %select_n3A_976, %get3A_979, %dot_general3A_980 {dimension_numbers = #tpu.dot_dimension_numbers<[1], [0], [0], [1], [0, 0, 1, 1], [], []>, precision = #tpu.contract_precision<fp32>, transpose_lhs_hint = false} : vector<200x128xf32>, vector<128x1024xf32>, vector<200x1024xf32> -> vector<200x1024xf32>
    %get3A_982 = arith.constant 0 : index
    %get3A_983 = arith.constant 0 : index
    %get3A_984 = vector.load %arg3[%get3A_982, %get3A_983] : memref<12x128xf32, #tpu.memory_space<vmem>>, vector<1x128xf32>
    %get3A_985 = arith.constant 0 : index
    %get3A_986 = arith.constant 0 : index
    %get3A_987 = vector.load %arg4[%get3A_985, %get3A_986] : memref<12x128xf32, #tpu.memory_space<vmem>>, vector<1x128xf32>
    %mul3A_988 = arith.mulf %get3A_138, %get3A_987 : vector<1x128xf32>
    %sub3A_989 = arith.constant 1.000000e+00 : f32
    %sub3A_990 = vector.broadcast %sub3A_989 : f32 to vector<1x128xf32>
    %sub3A_991 = arith.subf %sub3A_990, %get3A_138 : vector<1x128xf32>
    %add3A_992 = arith.addf %mul3A_988, %sub3A_991 : vector<1x128xf32>
    %mul3A_993 = arith.mulf %get3A_984, %add3A_992 : vector<1x128xf32>
    %get3A_994 = arith.constant 0 : index
    %get3A_995 = arith.constant 0 : index
    %get3A_996 = vector.load %arg2[%get3A_994, %get3A_995] : memref<12x128xf32, #tpu.memory_space<vmem>>, vector<1x128xf32>
    %eq3A_997 = vector.broadcast %get3A_996 : vector<1x128xf32> to vector<200x128xf32>
    %eq3A_998 = vector.broadcast %convert_element_type3A_957 : vector<200x1xf32> to vector<200x128xf32>
    %eq3A_999 = arith.cmpf oeq, %eq3A_997, %eq3A_998 : vector<200x128xf32>
    %jit3A_1000 = arith.constant 0.000000e+00 : f32
    %broadcast_in_dim3A_1001 = vector.shape_cast %mul3A_993 : vector<1x128xf32> to vector<1x128xf32>
    %broadcast_in_dim3A_1002 = vector.broadcast %broadcast_in_dim3A_1001 : vector<1x128xf32> to vector<200x128xf32>
    %broadcast_in_dim3A_1003 = vector.broadcast %jit3A_1000 : f32 to vector<200x128xf32>
    %select_n3A_1004 = arith.select %eq3A_999, %broadcast_in_dim3A_1002, %broadcast_in_dim3A_1003 : vector<200x128xi1>, vector<200x128xf32>
    %get3A_1005 = arith.constant 0 : index
    %get3A_1006 = arith.constant 0 : index
    %get3A_1007 = vector.load %arg6[%get3A_1005, %get3A_1006] : memref<1024x1024xf32, #tpu.memory_space<vmem>>, vector<128x1024xf32>
    %dot_general3A_1008 = arith.constant dense<0.000000e+00> : vector<200x1024xf32>
    %dot_general3A_1009 = tpu.matmul %select_n3A_1004, %get3A_1007, %dot_general3A_1008 {dimension_numbers = #tpu.dot_dimension_numbers<[1], [0], [0], [1], [0, 0, 1, 1], [], []>, precision = #tpu.contract_precision<fp32>, transpose_lhs_hint = false} : vector<200x128xf32>, vector<128x1024xf32>, vector<200x1024xf32> -> vector<200x1024xf32>
    %add3A_1010 = arith.addf %dot_general3A_981, %dot_general3A_1009 : vector<200x1024xf32>
    %get3A_1011 = arith.constant 1 : index
    %get3A_1012 = arith.constant 0 : index
    %get3A_1013 = vector.load %arg3[%get3A_1011, %get3A_1012] : memref<12x128xf32, #tpu.memory_space<vmem>>, vector<1x128xf32>
    %get3A_1014 = arith.constant 1 : index
    %get3A_1015 = arith.constant 0 : index
    %get3A_1016 = vector.load %arg4[%get3A_1014, %get3A_1015] : memref<12x128xf32, #tpu.memory_space<vmem>>, vector<1x128xf32>
    %mul3A_1017 = arith.mulf %get3A_138, %get3A_1016 : vector<1x128xf32>
    %sub3A_1018 = arith.constant 1.000000e+00 : f32
    %sub3A_1019 = vector.broadcast %sub3A_1018 : f32 to vector<1x128xf32>
    %sub3A_1020 = arith.subf %sub3A_1019, %get3A_138 : vector<1x128xf32>
    %add3A_1021 = arith.addf %mul3A_1017, %sub3A_1020 : vector<1x128xf32>
    %mul3A_1022 = arith.mulf %get3A_1013, %add3A_1021 : vector<1x128xf32>
    %get3A_1023 = arith.constant 1 : index
    %get3A_1024 = arith.constant 0 : index
    %get3A_1025 = vector.load %arg2[%get3A_1023, %get3A_1024] : memref<12x128xf32, #tpu.memory_space<vmem>>, vector<1x128xf32>
    %eq3A_1026 = vector.broadcast %get3A_1025 : vector<1x128xf32> to vector<200x128xf32>
    %eq3A_1027 = vector.broadcast %convert_element_type3A_957 : vector<200x1xf32> to vector<200x128xf32>
    %eq3A_1028 = arith.cmpf oeq, %eq3A_1026, %eq3A_1027 : vector<200x128xf32>
    %jit3A_1029 = arith.constant 0.000000e+00 : f32
    %broadcast_in_dim3A_1030 = vector.shape_cast %mul3A_1022 : vector<1x128xf32> to vector<1x128xf32>
    %broadcast_in_dim3A_1031 = vector.broadcast %broadcast_in_dim3A_1030 : vector<1x128xf32> to vector<200x128xf32>
    %broadcast_in_dim3A_1032 = vector.broadcast %jit3A_1029 : f32 to vector<200x128xf32>
    %select_n3A_1033 = arith.select %eq3A_1028, %broadcast_in_dim3A_1031, %broadcast_in_dim3A_1032 : vector<200x128xi1>, vector<200x128xf32>
    %get3A_1034 = arith.constant 128 : index
    %get3A_1035 = arith.constant 0 : index
    %get3A_1036 = vector.load %arg6[%get3A_1034, %get3A_1035] : memref<1024x1024xf32, #tpu.memory_space<vmem>>, vector<128x1024xf32>
    %dot_general3A_1037 = arith.constant dense<0.000000e+00> : vector<200x1024xf32>
    %dot_general3A_1038 = tpu.matmul %select_n3A_1033, %get3A_1036, %dot_general3A_1037 {dimension_numbers = #tpu.dot_dimension_numbers<[1], [0], [0], [1], [0, 0, 1, 1], [], []>, precision = #tpu.contract_precision<fp32>, transpose_lhs_hint = false} : vector<200x128xf32>, vector<128x1024xf32>, vector<200x1024xf32> -> vector<200x1024xf32>
    %add3A_1039 = arith.addf %add3A_1010, %dot_general3A_1038 : vector<200x1024xf32>
    %get3A_1040 = arith.constant 2 : index
    %get3A_1041 = arith.constant 0 : index
    %get3A_1042 = vector.load %arg3[%get3A_1040, %get3A_1041] : memref<12x128xf32, #tpu.memory_space<vmem>>, vector<1x128xf32>
    %get3A_1043 = arith.constant 2 : index
    %get3A_1044 = arith.constant 0 : index
    %get3A_1045 = vector.load %arg4[%get3A_1043, %get3A_1044] : memref<12x128xf32, #tpu.memory_space<vmem>>, vector<1x128xf32>
    %mul3A_1046 = arith.mulf %get3A_138, %get3A_1045 : vector<1x128xf32>
    %sub3A_1047 = arith.constant 1.000000e+00 : f32
    %sub3A_1048 = vector.broadcast %sub3A_1047 : f32 to vector<1x128xf32>
    %sub3A_1049 = arith.subf %sub3A_1048, %get3A_138 : vector<1x128xf32>
    %add3A_1050 = arith.addf %mul3A_1046, %sub3A_1049 : vector<1x128xf32>
    %mul3A_1051 = arith.mulf %get3A_1042, %add3A_1050 : vector<1x128xf32>
    %get3A_1052 = arith.constant 2 : index
    %get3A_1053 = arith.constant 0 : index
    %get3A_1054 = vector.load %arg2[%get3A_1052, %get3A_1053] : memref<12x128xf32, #tpu.memory_space<vmem>>, vector<1x128xf32>
    %eq3A_1055 = vector.broadcast %get3A_1054 : vector<1x128xf32> to vector<200x128xf32>
    %eq3A_1056 = vector.broadcast %convert_element_type3A_957 : vector<200x1xf32> to vector<200x128xf32>
    %eq3A_1057 = arith.cmpf oeq, %eq3A_1055, %eq3A_1056 : vector<200x128xf32>
    %jit3A_1058 = arith.constant 0.000000e+00 : f32
    %broadcast_in_dim3A_1059 = vector.shape_cast %mul3A_1051 : vector<1x128xf32> to vector<1x128xf32>
    %broadcast_in_dim3A_1060 = vector.broadcast %broadcast_in_dim3A_1059 : vector<1x128xf32> to vector<200x128xf32>
    %broadcast_in_dim3A_1061 = vector.broadcast %jit3A_1058 : f32 to vector<200x128xf32>
    %select_n3A_1062 = arith.select %eq3A_1057, %broadcast_in_dim3A_1060, %broadcast_in_dim3A_1061 : vector<200x128xi1>, vector<200x128xf32>
    %get3A_1063 = arith.constant 256 : index
    %get3A_1064 = arith.constant 0 : index
    %get3A_1065 = vector.load %arg6[%get3A_1063, %get3A_1064] : memref<1024x1024xf32, #tpu.memory_space<vmem>>, vector<128x1024xf32>
    %dot_general3A_1066 = arith.constant dense<0.000000e+00> : vector<200x1024xf32>
    %dot_general3A_1067 = tpu.matmul %select_n3A_1062, %get3A_1065, %dot_general3A_1066 {dimension_numbers = #tpu.dot_dimension_numbers<[1], [0], [0], [1], [0, 0, 1, 1], [], []>, precision = #tpu.contract_precision<fp32>, transpose_lhs_hint = false} : vector<200x128xf32>, vector<128x1024xf32>, vector<200x1024xf32> -> vector<200x1024xf32>
    %add3A_1068 = arith.addf %add3A_1039, %dot_general3A_1067 : vector<200x1024xf32>
    %get3A_1069 = arith.constant 3 : index
    %get3A_1070 = arith.constant 0 : index
    %get3A_1071 = vector.load %arg3[%get3A_1069, %get3A_1070] : memref<12x128xf32, #tpu.memory_space<vmem>>, vector<1x128xf32>
    %get3A_1072 = arith.constant 3 : index
    %get3A_1073 = arith.constant 0 : index
    %get3A_1074 = vector.load %arg4[%get3A_1072, %get3A_1073] : memref<12x128xf32, #tpu.memory_space<vmem>>, vector<1x128xf32>
    %mul3A_1075 = arith.mulf %get3A_138, %get3A_1074 : vector<1x128xf32>
    %sub3A_1076 = arith.constant 1.000000e+00 : f32
    %sub3A_1077 = vector.broadcast %sub3A_1076 : f32 to vector<1x128xf32>
    %sub3A_1078 = arith.subf %sub3A_1077, %get3A_138 : vector<1x128xf32>
    %add3A_1079 = arith.addf %mul3A_1075, %sub3A_1078 : vector<1x128xf32>
    %mul3A_1080 = arith.mulf %get3A_1071, %add3A_1079 : vector<1x128xf32>
    %get3A_1081 = arith.constant 3 : index
    %get3A_1082 = arith.constant 0 : index
    %get3A_1083 = vector.load %arg2[%get3A_1081, %get3A_1082] : memref<12x128xf32, #tpu.memory_space<vmem>>, vector<1x128xf32>
    %eq3A_1084 = vector.broadcast %get3A_1083 : vector<1x128xf32> to vector<200x128xf32>
    %eq3A_1085 = vector.broadcast %convert_element_type3A_957 : vector<200x1xf32> to vector<200x128xf32>
    %eq3A_1086 = arith.cmpf oeq, %eq3A_1084, %eq3A_1085 : vector<200x128xf32>
    %jit3A_1087 = arith.constant 0.000000e+00 : f32
    %broadcast_in_dim3A_1088 = vector.shape_cast %mul3A_1080 : vector<1x128xf32> to vector<1x128xf32>
    %broadcast_in_dim3A_1089 = vector.broadcast %broadcast_in_dim3A_1088 : vector<1x128xf32> to vector<200x128xf32>
    %broadcast_in_dim3A_1090 = vector.broadcast %jit3A_1087 : f32 to vector<200x128xf32>
    %select_n3A_1091 = arith.select %eq3A_1086, %broadcast_in_dim3A_1089, %broadcast_in_dim3A_1090 : vector<200x128xi1>, vector<200x128xf32>
    %get3A_1092 = arith.constant 384 : index
    %get3A_1093 = arith.constant 0 : index
    %get3A_1094 = vector.load %arg6[%get3A_1092, %get3A_1093] : memref<1024x1024xf32, #tpu.memory_space<vmem>>, vector<128x1024xf32>
    %dot_general3A_1095 = arith.constant dense<0.000000e+00> : vector<200x1024xf32>
    %dot_general3A_1096 = tpu.matmul %select_n3A_1091, %get3A_1094, %dot_general3A_1095 {dimension_numbers = #tpu.dot_dimension_numbers<[1], [0], [0], [1], [0, 0, 1, 1], [], []>, precision = #tpu.contract_precision<fp32>, transpose_lhs_hint = false} : vector<200x128xf32>, vector<128x1024xf32>, vector<200x1024xf32> -> vector<200x1024xf32>
    %add3A_1097 = arith.addf %add3A_1068, %dot_general3A_1096 : vector<200x1024xf32>
    %get3A_1098 = arith.constant 4 : index
    %get3A_1099 = arith.constant 0 : index
    %get3A_1100 = vector.load %arg3[%get3A_1098, %get3A_1099] : memref<12x128xf32, #tpu.memory_space<vmem>>, vector<1x128xf32>
    %get3A_1101 = arith.constant 4 : index
    %get3A_1102 = arith.constant 0 : index
    %get3A_1103 = vector.load %arg4[%get3A_1101, %get3A_1102] : memref<12x128xf32, #tpu.memory_space<vmem>>, vector<1x128xf32>
    %mul3A_1104 = arith.mulf %get3A_138, %get3A_1103 : vector<1x128xf32>
    %sub3A_1105 = arith.constant 1.000000e+00 : f32
    %sub3A_1106 = vector.broadcast %sub3A_1105 : f32 to vector<1x128xf32>
    %sub3A_1107 = arith.subf %sub3A_1106, %get3A_138 : vector<1x128xf32>
    %add3A_1108 = arith.addf %mul3A_1104, %sub3A_1107 : vector<1x128xf32>
    %mul3A_1109 = arith.mulf %get3A_1100, %add3A_1108 : vector<1x128xf32>
    %get3A_1110 = arith.constant 4 : index
    %get3A_1111 = arith.constant 0 : index
    %get3A_1112 = vector.load %arg2[%get3A_1110, %get3A_1111] : memref<12x128xf32, #tpu.memory_space<vmem>>, vector<1x128xf32>
    %eq3A_1113 = vector.broadcast %get3A_1112 : vector<1x128xf32> to vector<200x128xf32>
    %eq3A_1114 = vector.broadcast %convert_element_type3A_957 : vector<200x1xf32> to vector<200x128xf32>
    %eq3A_1115 = arith.cmpf oeq, %eq3A_1113, %eq3A_1114 : vector<200x128xf32>
    %jit3A_1116 = arith.constant 0.000000e+00 : f32
    %broadcast_in_dim3A_1117 = vector.shape_cast %mul3A_1109 : vector<1x128xf32> to vector<1x128xf32>
    %broadcast_in_dim3A_1118 = vector.broadcast %broadcast_in_dim3A_1117 : vector<1x128xf32> to vector<200x128xf32>
    %broadcast_in_dim3A_1119 = vector.broadcast %jit3A_1116 : f32 to vector<200x128xf32>
    %select_n3A_1120 = arith.select %eq3A_1115, %broadcast_in_dim3A_1118, %broadcast_in_dim3A_1119 : vector<200x128xi1>, vector<200x128xf32>
    %get3A_1121 = arith.constant 512 : index
    %get3A_1122 = arith.constant 0 : index
    %get3A_1123 = vector.load %arg6[%get3A_1121, %get3A_1122] : memref<1024x1024xf32, #tpu.memory_space<vmem>>, vector<128x1024xf32>
    %dot_general3A_1124 = arith.constant dense<0.000000e+00> : vector<200x1024xf32>
    %dot_general3A_1125 = tpu.matmul %select_n3A_1120, %get3A_1123, %dot_general3A_1124 {dimension_numbers = #tpu.dot_dimension_numbers<[1], [0], [0], [1], [0, 0, 1, 1], [], []>, precision = #tpu.contract_precision<fp32>, transpose_lhs_hint = false} : vector<200x128xf32>, vector<128x1024xf32>, vector<200x1024xf32> -> vector<200x1024xf32>
    %add3A_1126 = arith.addf %add3A_1097, %dot_general3A_1125 : vector<200x1024xf32>
    %get3A_1127 = arith.constant 5 : index
    %get3A_1128 = arith.constant 0 : index
    %get3A_1129 = vector.load %arg3[%get3A_1127, %get3A_1128] : memref<12x128xf32, #tpu.memory_space<vmem>>, vector<1x128xf32>
    %get3A_1130 = arith.constant 5 : index
    %get3A_1131 = arith.constant 0 : index
    %get3A_1132 = vector.load %arg4[%get3A_1130, %get3A_1131] : memref<12x128xf32, #tpu.memory_space<vmem>>, vector<1x128xf32>
    %mul3A_1133 = arith.mulf %get3A_138, %get3A_1132 : vector<1x128xf32>
    %sub3A_1134 = arith.constant 1.000000e+00 : f32
    %sub3A_1135 = vector.broadcast %sub3A_1134 : f32 to vector<1x128xf32>
    %sub3A_1136 = arith.subf %sub3A_1135, %get3A_138 : vector<1x128xf32>
    %add3A_1137 = arith.addf %mul3A_1133, %sub3A_1136 : vector<1x128xf32>
    %mul3A_1138 = arith.mulf %get3A_1129, %add3A_1137 : vector<1x128xf32>
    %get3A_1139 = arith.constant 5 : index
    %get3A_1140 = arith.constant 0 : index
    %get3A_1141 = vector.load %arg2[%get3A_1139, %get3A_1140] : memref<12x128xf32, #tpu.memory_space<vmem>>, vector<1x128xf32>
    %eq3A_1142 = vector.broadcast %get3A_1141 : vector<1x128xf32> to vector<200x128xf32>
    %eq3A_1143 = vector.broadcast %convert_element_type3A_957 : vector<200x1xf32> to vector<200x128xf32>
    %eq3A_1144 = arith.cmpf oeq, %eq3A_1142, %eq3A_1143 : vector<200x128xf32>
    %jit3A_1145 = arith.constant 0.000000e+00 : f32
    %broadcast_in_dim3A_1146 = vector.shape_cast %mul3A_1138 : vector<1x128xf32> to vector<1x128xf32>
    %broadcast_in_dim3A_1147 = vector.broadcast %broadcast_in_dim3A_1146 : vector<1x128xf32> to vector<200x128xf32>
    %broadcast_in_dim3A_1148 = vector.broadcast %jit3A_1145 : f32 to vector<200x128xf32>
    %select_n3A_1149 = arith.select %eq3A_1144, %broadcast_in_dim3A_1147, %broadcast_in_dim3A_1148 : vector<200x128xi1>, vector<200x128xf32>
    %get3A_1150 = arith.constant 640 : index
    %get3A_1151 = arith.constant 0 : index
    %get3A_1152 = vector.load %arg6[%get3A_1150, %get3A_1151] : memref<1024x1024xf32, #tpu.memory_space<vmem>>, vector<128x1024xf32>
    %dot_general3A_1153 = arith.constant dense<0.000000e+00> : vector<200x1024xf32>
    %dot_general3A_1154 = tpu.matmul %select_n3A_1149, %get3A_1152, %dot_general3A_1153 {dimension_numbers = #tpu.dot_dimension_numbers<[1], [0], [0], [1], [0, 0, 1, 1], [], []>, precision = #tpu.contract_precision<fp32>, transpose_lhs_hint = false} : vector<200x128xf32>, vector<128x1024xf32>, vector<200x1024xf32> -> vector<200x1024xf32>
    %add3A_1155 = arith.addf %add3A_1126, %dot_general3A_1154 : vector<200x1024xf32>
    %get3A_1156 = arith.constant 6 : index
    %get3A_1157 = arith.constant 0 : index
    %get3A_1158 = vector.load %arg3[%get3A_1156, %get3A_1157] : memref<12x128xf32, #tpu.memory_space<vmem>>, vector<1x128xf32>
    %get3A_1159 = arith.constant 6 : index
    %get3A_1160 = arith.constant 0 : index
    %get3A_1161 = vector.load %arg4[%get3A_1159, %get3A_1160] : memref<12x128xf32, #tpu.memory_space<vmem>>, vector<1x128xf32>
    %mul3A_1162 = arith.mulf %get3A_138, %get3A_1161 : vector<1x128xf32>
    %sub3A_1163 = arith.constant 1.000000e+00 : f32
    %sub3A_1164 = vector.broadcast %sub3A_1163 : f32 to vector<1x128xf32>
    %sub3A_1165 = arith.subf %sub3A_1164, %get3A_138 : vector<1x128xf32>
    %add3A_1166 = arith.addf %mul3A_1162, %sub3A_1165 : vector<1x128xf32>
    %mul3A_1167 = arith.mulf %get3A_1158, %add3A_1166 : vector<1x128xf32>
    %get3A_1168 = arith.constant 6 : index
    %get3A_1169 = arith.constant 0 : index
    %get3A_1170 = vector.load %arg2[%get3A_1168, %get3A_1169] : memref<12x128xf32, #tpu.memory_space<vmem>>, vector<1x128xf32>
    %eq3A_1171 = vector.broadcast %get3A_1170 : vector<1x128xf32> to vector<200x128xf32>
    %eq3A_1172 = vector.broadcast %convert_element_type3A_957 : vector<200x1xf32> to vector<200x128xf32>
    %eq3A_1173 = arith.cmpf oeq, %eq3A_1171, %eq3A_1172 : vector<200x128xf32>
    %jit3A_1174 = arith.constant 0.000000e+00 : f32
    %broadcast_in_dim3A_1175 = vector.shape_cast %mul3A_1167 : vector<1x128xf32> to vector<1x128xf32>
    %broadcast_in_dim3A_1176 = vector.broadcast %broadcast_in_dim3A_1175 : vector<1x128xf32> to vector<200x128xf32>
    %broadcast_in_dim3A_1177 = vector.broadcast %jit3A_1174 : f32 to vector<200x128xf32>
    %select_n3A_1178 = arith.select %eq3A_1173, %broadcast_in_dim3A_1176, %broadcast_in_dim3A_1177 : vector<200x128xi1>, vector<200x128xf32>
    %get3A_1179 = arith.constant 768 : index
    %get3A_1180 = arith.constant 0 : index
    %get3A_1181 = vector.load %arg6[%get3A_1179, %get3A_1180] : memref<1024x1024xf32, #tpu.memory_space<vmem>>, vector<128x1024xf32>
    %dot_general3A_1182 = arith.constant dense<0.000000e+00> : vector<200x1024xf32>
    %dot_general3A_1183 = tpu.matmul %select_n3A_1178, %get3A_1181, %dot_general3A_1182 {dimension_numbers = #tpu.dot_dimension_numbers<[1], [0], [0], [1], [0, 0, 1, 1], [], []>, precision = #tpu.contract_precision<fp32>, transpose_lhs_hint = false} : vector<200x128xf32>, vector<128x1024xf32>, vector<200x1024xf32> -> vector<200x1024xf32>
    %add3A_1184 = arith.addf %add3A_1155, %dot_general3A_1183 : vector<200x1024xf32>
    %get3A_1185 = arith.constant 7 : index
    %get3A_1186 = arith.constant 0 : index
    %get3A_1187 = vector.load %arg3[%get3A_1185, %get3A_1186] : memref<12x128xf32, #tpu.memory_space<vmem>>, vector<1x128xf32>
    %get3A_1188 = arith.constant 7 : index
    %get3A_1189 = arith.constant 0 : index
    %get3A_1190 = vector.load %arg4[%get3A_1188, %get3A_1189] : memref<12x128xf32, #tpu.memory_space<vmem>>, vector<1x128xf32>
    %mul3A_1191 = arith.mulf %get3A_138, %get3A_1190 : vector<1x128xf32>
    %sub3A_1192 = arith.constant 1.000000e+00 : f32
    %sub3A_1193 = vector.broadcast %sub3A_1192 : f32 to vector<1x128xf32>
    %sub3A_1194 = arith.subf %sub3A_1193, %get3A_138 : vector<1x128xf32>
    %add3A_1195 = arith.addf %mul3A_1191, %sub3A_1194 : vector<1x128xf32>
    %mul3A_1196 = arith.mulf %get3A_1187, %add3A_1195 : vector<1x128xf32>
    %get3A_1197 = arith.constant 7 : index
    %get3A_1198 = arith.constant 0 : index
    %get3A_1199 = vector.load %arg2[%get3A_1197, %get3A_1198] : memref<12x128xf32, #tpu.memory_space<vmem>>, vector<1x128xf32>
    %eq3A_1200 = vector.broadcast %get3A_1199 : vector<1x128xf32> to vector<200x128xf32>
    %eq3A_1201 = vector.broadcast %convert_element_type3A_957 : vector<200x1xf32> to vector<200x128xf32>
    %eq3A_1202 = arith.cmpf oeq, %eq3A_1200, %eq3A_1201 : vector<200x128xf32>
    %jit3A_1203 = arith.constant 0.000000e+00 : f32
    %broadcast_in_dim3A_1204 = vector.shape_cast %mul3A_1196 : vector<1x128xf32> to vector<1x128xf32>
    %broadcast_in_dim3A_1205 = vector.broadcast %broadcast_in_dim3A_1204 : vector<1x128xf32> to vector<200x128xf32>
    %broadcast_in_dim3A_1206 = vector.broadcast %jit3A_1203 : f32 to vector<200x128xf32>
    %select_n3A_1207 = arith.select %eq3A_1202, %broadcast_in_dim3A_1205, %broadcast_in_dim3A_1206 : vector<200x128xi1>, vector<200x128xf32>
    %get3A_1208 = arith.constant 896 : index
    %get3A_1209 = arith.constant 0 : index
    %get3A_1210 = vector.load %arg6[%get3A_1208, %get3A_1209] : memref<1024x1024xf32, #tpu.memory_space<vmem>>, vector<128x1024xf32>
    %dot_general3A_1211 = arith.constant dense<0.000000e+00> : vector<200x1024xf32>
    %dot_general3A_1212 = tpu.matmul %select_n3A_1207, %get3A_1210, %dot_general3A_1211 {dimension_numbers = #tpu.dot_dimension_numbers<[1], [0], [0], [1], [0, 0, 1, 1], [], []>, precision = #tpu.contract_precision<fp32>, transpose_lhs_hint = false} : vector<200x128xf32>, vector<128x1024xf32>, vector<200x1024xf32> -> vector<200x1024xf32>
    %add3A_1213 = arith.addf %add3A_1184, %dot_general3A_1212 : vector<200x1024xf32>
    %mul3A_1214 = arith.mulf %add3A_1213, %add3A_1213 : vector<200x1024xf32>
    %reduce_sum3A_1215 = arith.constant dense<0.000000e+00> : vector<200xf32>
    %reduce_sum3A_1216 = vector.multi_reduction <add>, %mul3A_1214, %reduce_sum3A_1215 [1] : vector<200x1024xf32> to vector<200xf32>
    %broadcast_in_dim3A_1217 = vector.shape_cast %reduce_sum3A_1216 : vector<200xf32> to vector<200x1xf32>
    %sqrt3A_1218 = math.sqrt %broadcast_in_dim3A_1217 : vector<200x1xf32>
    %max3A_1219 = arith.constant 9.99999996E-13 : f32
    %max3A_1220 = vector.broadcast %max3A_1219 : f32 to vector<200x1xf32>
    %max3A_1221 = arith.maximumf %sqrt3A_1218, %max3A_1220 : vector<200x1xf32>
    %div3A_1222 = vector.broadcast %max3A_1221 : vector<200x1xf32> to vector<200x1024xf32>
    %div3A_1223 = arith.divf %add3A_1213, %div3A_1222 : vector<200x1024xf32>
    %swap3A_1224 = arith.constant 600 : index
    %swap3A_1225 = arith.constant 0 : index
    %swap3A_1226 = vector.load %arg8[%swap3A_1224, %swap3A_1225] : memref<1000x1024xf32, #tpu.memory_space<vmem>>, vector<200x1024xf32>
    tpu.vector_store %arg8[%swap3A_1224, %swap3A_1225], %div3A_1223 {strides = array<i32>} : memref<1000x1024xf32, #tpu.memory_space<vmem>>, vector<200x1024xf32>,
    %iota3A_1227 = tpu.iota {dimensions = array<i32: 0>} : vector<200x1xi32>
    %add3A_1228 = arith.constant 800 : i32
    %add3A_1229 = vector.broadcast %add3A_1228 : i32 to vector<200x1xi32>
    %add3A_1230 = arith.addi %iota3A_1227, %add3A_1229 : vector<200x1xi32>
    %convert_element_type3A_1231 = arith.sitofp %add3A_1230 : vector<200x1xi32> to vector<200x1xf32>
    %get3A_1232 = arith.constant 8 : index
    %get3A_1233 = arith.constant 0 : index
    %get3A_1234 = vector.load %arg3[%get3A_1232, %get3A_1233] : memref<12x128xf32, #tpu.memory_space<vmem>>, vector<1x128xf32>
    %mul3A_1235 = arith.mulf %get3A_1234, %get3A_138 : vector<1x128xf32>
    %get3A_1236 = arith.constant 8 : index
    %get3A_1237 = arith.constant 0 : index
    %get3A_1238 = vector.load %arg4[%get3A_1236, %get3A_1237] : memref<12x128xf32, #tpu.memory_space<vmem>>, vector<1x128xf32>
    %mul3A_1239 = arith.mulf %mul3A_1235, %get3A_1238 : vector<1x128xf32>
    %get3A_1240 = arith.constant 8 : index
    %get3A_1241 = arith.constant 0 : index
    %get3A_1242 = vector.load %arg2[%get3A_1240, %get3A_1241] : memref<12x128xf32, #tpu.memory_space<vmem>>, vector<1x128xf32>
    %eq3A_1243 = vector.broadcast %get3A_1242 : vector<1x128xf32> to vector<200x128xf32>
    %eq3A_1244 = vector.broadcast %convert_element_type3A_1231 : vector<200x1xf32> to vector<200x128xf32>
    %eq3A_1245 = arith.cmpf oeq, %eq3A_1243, %eq3A_1244 : vector<200x128xf32>
    %jit3A_1246 = arith.constant 0.000000e+00 : f32
    %broadcast_in_dim3A_1247 = vector.shape_cast %mul3A_1239 : vector<1x128xf32> to vector<1x128xf32>
    %broadcast_in_dim3A_1248 = vector.broadcast %broadcast_in_dim3A_1247 : vector<1x128xf32> to vector<200x128xf32>
    %broadcast_in_dim3A_1249 = vector.broadcast %jit3A_1246 : f32 to vector<200x128xf32>
    %select_n3A_1250 = arith.select %eq3A_1245, %broadcast_in_dim3A_1248, %broadcast_in_dim3A_1249 : vector<200x128xi1>, vector<200x128xf32>
    %get3A_1251 = arith.constant 0 : index
    %get3A_1252 = arith.constant 0 : index
    %get3A_1253 = vector.load %arg7[%get3A_1251, %get3A_1252] : memref<128x1024xf32, #tpu.memory_space<vmem>>, vector<128x1024xf32>
    %dot_general3A_1254 = arith.constant dense<0.000000e+00> : vector<200x1024xf32>
    %dot_general3A_1255 = tpu.matmul %select_n3A_1250, %get3A_1253, %dot_general3A_1254 {dimension_numbers = #tpu.dot_dimension_numbers<[1], [0], [0], [1], [0, 0, 1, 1], [], []>, precision = #tpu.contract_precision<fp32>, transpose_lhs_hint = false} : vector<200x128xf32>, vector<128x1024xf32>, vector<200x1024xf32> -> vector<200x1024xf32>
    %get3A_1256 = arith.constant 0 : index
    %get3A_1257 = arith.constant 0 : index
    %get3A_1258 = vector.load %arg3[%get3A_1256, %get3A_1257] : memref<12x128xf32, #tpu.memory_space<vmem>>, vector<1x128xf32>
    %get3A_1259 = arith.constant 0 : index
    %get3A_1260 = arith.constant 0 : index
    %get3A_1261 = vector.load %arg4[%get3A_1259, %get3A_1260] : memref<12x128xf32, #tpu.memory_space<vmem>>, vector<1x128xf32>
    %mul3A_1262 = arith.mulf %get3A_138, %get3A_1261 : vector<1x128xf32>
    %sub3A_1263 = arith.constant 1.000000e+00 : f32
    %sub3A_1264 = vector.broadcast %sub3A_1263 : f32 to vector<1x128xf32>
    %sub3A_1265 = arith.subf %sub3A_1264, %get3A_138 : vector<1x128xf32>
    %add3A_1266 = arith.addf %mul3A_1262, %sub3A_1265 : vector<1x128xf32>
    %mul3A_1267 = arith.mulf %get3A_1258, %add3A_1266 : vector<1x128xf32>
    %get3A_1268 = arith.constant 0 : index
    %get3A_1269 = arith.constant 0 : index
    %get3A_1270 = vector.load %arg2[%get3A_1268, %get3A_1269] : memref<12x128xf32, #tpu.memory_space<vmem>>, vector<1x128xf32>
    %eq3A_1271 = vector.broadcast %get3A_1270 : vector<1x128xf32> to vector<200x128xf32>
    %eq3A_1272 = vector.broadcast %convert_element_type3A_1231 : vector<200x1xf32> to vector<200x128xf32>
    %eq3A_1273 = arith.cmpf oeq, %eq3A_1271, %eq3A_1272 : vector<200x128xf32>
    %jit3A_1274 = arith.constant 0.000000e+00 : f32
    %broadcast_in_dim3A_1275 = vector.shape_cast %mul3A_1267 : vector<1x128xf32> to vector<1x128xf32>
    %broadcast_in_dim3A_1276 = vector.broadcast %broadcast_in_dim3A_1275 : vector<1x128xf32> to vector<200x128xf32>
    %broadcast_in_dim3A_1277 = vector.broadcast %jit3A_1274 : f32 to vector<200x128xf32>
    %select_n3A_1278 = arith.select %eq3A_1273, %broadcast_in_dim3A_1276, %broadcast_in_dim3A_1277 : vector<200x128xi1>, vector<200x128xf32>
    %get3A_1279 = arith.constant 0 : index
    %get3A_1280 = arith.constant 0 : index
    %get3A_1281 = vector.load %arg6[%get3A_1279, %get3A_1280] : memref<1024x1024xf32, #tpu.memory_space<vmem>>, vector<128x1024xf32>
    %dot_general3A_1282 = arith.constant dense<0.000000e+00> : vector<200x1024xf32>
    %dot_general3A_1283 = tpu.matmul %select_n3A_1278, %get3A_1281, %dot_general3A_1282 {dimension_numbers = #tpu.dot_dimension_numbers<[1], [0], [0], [1], [0, 0, 1, 1], [], []>, precision = #tpu.contract_precision<fp32>, transpose_lhs_hint = false} : vector<200x128xf32>, vector<128x1024xf32>, vector<200x1024xf32> -> vector<200x1024xf32>
    %add3A_1284 = arith.addf %dot_general3A_1255, %dot_general3A_1283 : vector<200x1024xf32>
    %get3A_1285 = arith.constant 1 : index
    %get3A_1286 = arith.constant 0 : index
    %get3A_1287 = vector.load %arg3[%get3A_1285, %get3A_1286] : memref<12x128xf32, #tpu.memory_space<vmem>>, vector<1x128xf32>
    %get3A_1288 = arith.constant 1 : index
    %get3A_1289 = arith.constant 0 : index
    %get3A_1290 = vector.load %arg4[%get3A_1288, %get3A_1289] : memref<12x128xf32, #tpu.memory_space<vmem>>, vector<1x128xf32>
    %mul3A_1291 = arith.mulf %get3A_138, %get3A_1290 : vector<1x128xf32>
    %sub3A_1292 = arith.constant 1.000000e+00 : f32
    %sub3A_1293 = vector.broadcast %sub3A_1292 : f32 to vector<1x128xf32>
    %sub3A_1294 = arith.subf %sub3A_1293, %get3A_138 : vector<1x128xf32>
    %add3A_1295 = arith.addf %mul3A_1291, %sub3A_1294 : vector<1x128xf32>
    %mul3A_1296 = arith.mulf %get3A_1287, %add3A_1295 : vector<1x128xf32>
    %get3A_1297 = arith.constant 1 : index
    %get3A_1298 = arith.constant 0 : index
    %get3A_1299 = vector.load %arg2[%get3A_1297, %get3A_1298] : memref<12x128xf32, #tpu.memory_space<vmem>>, vector<1x128xf32>
    %eq3A_1300 = vector.broadcast %get3A_1299 : vector<1x128xf32> to vector<200x128xf32>
    %eq3A_1301 = vector.broadcast %convert_element_type3A_1231 : vector<200x1xf32> to vector<200x128xf32>
    %eq3A_1302 = arith.cmpf oeq, %eq3A_1300, %eq3A_1301 : vector<200x128xf32>
    %jit3A_1303 = arith.constant 0.000000e+00 : f32
    %broadcast_in_dim3A_1304 = vector.shape_cast %mul3A_1296 : vector<1x128xf32> to vector<1x128xf32>
    %broadcast_in_dim3A_1305 = vector.broadcast %broadcast_in_dim3A_1304 : vector<1x128xf32> to vector<200x128xf32>
    %broadcast_in_dim3A_1306 = vector.broadcast %jit3A_1303 : f32 to vector<200x128xf32>
    %select_n3A_1307 = arith.select %eq3A_1302, %broadcast_in_dim3A_1305, %broadcast_in_dim3A_1306 : vector<200x128xi1>, vector<200x128xf32>
    %get3A_1308 = arith.constant 128 : index
    %get3A_1309 = arith.constant 0 : index
    %get3A_1310 = vector.load %arg6[%get3A_1308, %get3A_1309] : memref<1024x1024xf32, #tpu.memory_space<vmem>>, vector<128x1024xf32>
    %dot_general3A_1311 = arith.constant dense<0.000000e+00> : vector<200x1024xf32>
    %dot_general3A_1312 = tpu.matmul %select_n3A_1307, %get3A_1310, %dot_general3A_1311 {dimension_numbers = #tpu.dot_dimension_numbers<[1], [0], [0], [1], [0, 0, 1, 1], [], []>, precision = #tpu.contract_precision<fp32>, transpose_lhs_hint = false} : vector<200x128xf32>, vector<128x1024xf32>, vector<200x1024xf32> -> vector<200x1024xf32>
    %add3A_1313 = arith.addf %add3A_1284, %dot_general3A_1312 : vector<200x1024xf32>
    %get3A_1314 = arith.constant 2 : index
    %get3A_1315 = arith.constant 0 : index
    %get3A_1316 = vector.load %arg3[%get3A_1314, %get3A_1315] : memref<12x128xf32, #tpu.memory_space<vmem>>, vector<1x128xf32>
    %get3A_1317 = arith.constant 2 : index
    %get3A_1318 = arith.constant 0 : index
    %get3A_1319 = vector.load %arg4[%get3A_1317, %get3A_1318] : memref<12x128xf32, #tpu.memory_space<vmem>>, vector<1x128xf32>
    %mul3A_1320 = arith.mulf %get3A_138, %get3A_1319 : vector<1x128xf32>
    %sub3A_1321 = arith.constant 1.000000e+00 : f32
    %sub3A_1322 = vector.broadcast %sub3A_1321 : f32 to vector<1x128xf32>
    %sub3A_1323 = arith.subf %sub3A_1322, %get3A_138 : vector<1x128xf32>
    %add3A_1324 = arith.addf %mul3A_1320, %sub3A_1323 : vector<1x128xf32>
    %mul3A_1325 = arith.mulf %get3A_1316, %add3A_1324 : vector<1x128xf32>
    %get3A_1326 = arith.constant 2 : index
    %get3A_1327 = arith.constant 0 : index
    %get3A_1328 = vector.load %arg2[%get3A_1326, %get3A_1327] : memref<12x128xf32, #tpu.memory_space<vmem>>, vector<1x128xf32>
    %eq3A_1329 = vector.broadcast %get3A_1328 : vector<1x128xf32> to vector<200x128xf32>
    %eq3A_1330 = vector.broadcast %convert_element_type3A_1231 : vector<200x1xf32> to vector<200x128xf32>
    %eq3A_1331 = arith.cmpf oeq, %eq3A_1329, %eq3A_1330 : vector<200x128xf32>
    %jit3A_1332 = arith.constant 0.000000e+00 : f32
    %broadcast_in_dim3A_1333 = vector.shape_cast %mul3A_1325 : vector<1x128xf32> to vector<1x128xf32>
    %broadcast_in_dim3A_1334 = vector.broadcast %broadcast_in_dim3A_1333 : vector<1x128xf32> to vector<200x128xf32>
    %broadcast_in_dim3A_1335 = vector.broadcast %jit3A_1332 : f32 to vector<200x128xf32>
    %select_n3A_1336 = arith.select %eq3A_1331, %broadcast_in_dim3A_1334, %broadcast_in_dim3A_1335 : vector<200x128xi1>, vector<200x128xf32>
    %get3A_1337 = arith.constant 256 : index
    %get3A_1338 = arith.constant 0 : index
    %get3A_1339 = vector.load %arg6[%get3A_1337, %get3A_1338] : memref<1024x1024xf32, #tpu.memory_space<vmem>>, vector<128x1024xf32>
    %dot_general3A_1340 = arith.constant dense<0.000000e+00> : vector<200x1024xf32>
    %dot_general3A_1341 = tpu.matmul %select_n3A_1336, %get3A_1339, %dot_general3A_1340 {dimension_numbers = #tpu.dot_dimension_numbers<[1], [0], [0], [1], [0, 0, 1, 1], [], []>, precision = #tpu.contract_precision<fp32>, transpose_lhs_hint = false} : vector<200x128xf32>, vector<128x1024xf32>, vector<200x1024xf32> -> vector<200x1024xf32>
    %add3A_1342 = arith.addf %add3A_1313, %dot_general3A_1341 : vector<200x1024xf32>
    %get3A_1343 = arith.constant 3 : index
    %get3A_1344 = arith.constant 0 : index
    %get3A_1345 = vector.load %arg3[%get3A_1343, %get3A_1344] : memref<12x128xf32, #tpu.memory_space<vmem>>, vector<1x128xf32>
    %get3A_1346 = arith.constant 3 : index
    %get3A_1347 = arith.constant 0 : index
    %get3A_1348 = vector.load %arg4[%get3A_1346, %get3A_1347] : memref<12x128xf32, #tpu.memory_space<vmem>>, vector<1x128xf32>
    %mul3A_1349 = arith.mulf %get3A_138, %get3A_1348 : vector<1x128xf32>
    %sub3A_1350 = arith.constant 1.000000e+00 : f32
    %sub3A_1351 = vector.broadcast %sub3A_1350 : f32 to vector<1x128xf32>
    %sub3A_1352 = arith.subf %sub3A_1351, %get3A_138 : vector<1x128xf32>
    %add3A_1353 = arith.addf %mul3A_1349, %sub3A_1352 : vector<1x128xf32>
    %mul3A_1354 = arith.mulf %get3A_1345, %add3A_1353 : vector<1x128xf32>
    %get3A_1355 = arith.constant 3 : index
    %get3A_1356 = arith.constant 0 : index
    %get3A_1357 = vector.load %arg2[%get3A_1355, %get3A_1356] : memref<12x128xf32, #tpu.memory_space<vmem>>, vector<1x128xf32>
    %eq3A_1358 = vector.broadcast %get3A_1357 : vector<1x128xf32> to vector<200x128xf32>
    %eq3A_1359 = vector.broadcast %convert_element_type3A_1231 : vector<200x1xf32> to vector<200x128xf32>
    %eq3A_1360 = arith.cmpf oeq, %eq3A_1358, %eq3A_1359 : vector<200x128xf32>
    %jit3A_1361 = arith.constant 0.000000e+00 : f32
    %broadcast_in_dim3A_1362 = vector.shape_cast %mul3A_1354 : vector<1x128xf32> to vector<1x128xf32>
    %broadcast_in_dim3A_1363 = vector.broadcast %broadcast_in_dim3A_1362 : vector<1x128xf32> to vector<200x128xf32>
    %broadcast_in_dim3A_1364 = vector.broadcast %jit3A_1361 : f32 to vector<200x128xf32>
    %select_n3A_1365 = arith.select %eq3A_1360, %broadcast_in_dim3A_1363, %broadcast_in_dim3A_1364 : vector<200x128xi1>, vector<200x128xf32>
    %get3A_1366 = arith.constant 384 : index
    %get3A_1367 = arith.constant 0 : index
    %get3A_1368 = vector.load %arg6[%get3A_1366, %get3A_1367] : memref<1024x1024xf32, #tpu.memory_space<vmem>>, vector<128x1024xf32>
    %dot_general3A_1369 = arith.constant dense<0.000000e+00> : vector<200x1024xf32>
    %dot_general3A_1370 = tpu.matmul %select_n3A_1365, %get3A_1368, %dot_general3A_1369 {dimension_numbers = #tpu.dot_dimension_numbers<[1], [0], [0], [1], [0, 0, 1, 1], [], []>, precision = #tpu.contract_precision<fp32>, transpose_lhs_hint = false} : vector<200x128xf32>, vector<128x1024xf32>, vector<200x1024xf32> -> vector<200x1024xf32>
    %add3A_1371 = arith.addf %add3A_1342, %dot_general3A_1370 : vector<200x1024xf32>
    %get3A_1372 = arith.constant 4 : index
    %get3A_1373 = arith.constant 0 : index
    %get3A_1374 = vector.load %arg3[%get3A_1372, %get3A_1373] : memref<12x128xf32, #tpu.memory_space<vmem>>, vector<1x128xf32>
    %get3A_1375 = arith.constant 4 : index
    %get3A_1376 = arith.constant 0 : index
    %get3A_1377 = vector.load %arg4[%get3A_1375, %get3A_1376] : memref<12x128xf32, #tpu.memory_space<vmem>>, vector<1x128xf32>
    %mul3A_1378 = arith.mulf %get3A_138, %get3A_1377 : vector<1x128xf32>
    %sub3A_1379 = arith.constant 1.000000e+00 : f32
    %sub3A_1380 = vector.broadcast %sub3A_1379 : f32 to vector<1x128xf32>
    %sub3A_1381 = arith.subf %sub3A_1380, %get3A_138 : vector<1x128xf32>
    %add3A_1382 = arith.addf %mul3A_1378, %sub3A_1381 : vector<1x128xf32>
    %mul3A_1383 = arith.mulf %get3A_1374, %add3A_1382 : vector<1x128xf32>
    %get3A_1384 = arith.constant 4 : index
    %get3A_1385 = arith.constant 0 : index
    %get3A_1386 = vector.load %arg2[%get3A_1384, %get3A_1385] : memref<12x128xf32, #tpu.memory_space<vmem>>, vector<1x128xf32>
    %eq3A_1387 = vector.broadcast %get3A_1386 : vector<1x128xf32> to vector<200x128xf32>
    %eq3A_1388 = vector.broadcast %convert_element_type3A_1231 : vector<200x1xf32> to vector<200x128xf32>
    %eq3A_1389 = arith.cmpf oeq, %eq3A_1387, %eq3A_1388 : vector<200x128xf32>
    %jit3A_1390 = arith.constant 0.000000e+00 : f32
    %broadcast_in_dim3A_1391 = vector.shape_cast %mul3A_1383 : vector<1x128xf32> to vector<1x128xf32>
    %broadcast_in_dim3A_1392 = vector.broadcast %broadcast_in_dim3A_1391 : vector<1x128xf32> to vector<200x128xf32>
    %broadcast_in_dim3A_1393 = vector.broadcast %jit3A_1390 : f32 to vector<200x128xf32>
    %select_n3A_1394 = arith.select %eq3A_1389, %broadcast_in_dim3A_1392, %broadcast_in_dim3A_1393 : vector<200x128xi1>, vector<200x128xf32>
    %get3A_1395 = arith.constant 512 : index
    %get3A_1396 = arith.constant 0 : index
    %get3A_1397 = vector.load %arg6[%get3A_1395, %get3A_1396] : memref<1024x1024xf32, #tpu.memory_space<vmem>>, vector<128x1024xf32>
    %dot_general3A_1398 = arith.constant dense<0.000000e+00> : vector<200x1024xf32>
    %dot_general3A_1399 = tpu.matmul %select_n3A_1394, %get3A_1397, %dot_general3A_1398 {dimension_numbers = #tpu.dot_dimension_numbers<[1], [0], [0], [1], [0, 0, 1, 1], [], []>, precision = #tpu.contract_precision<fp32>, transpose_lhs_hint = false} : vector<200x128xf32>, vector<128x1024xf32>, vector<200x1024xf32> -> vector<200x1024xf32>
    %add3A_1400 = arith.addf %add3A_1371, %dot_general3A_1399 : vector<200x1024xf32>
    %get3A_1401 = arith.constant 5 : index
    %get3A_1402 = arith.constant 0 : index
    %get3A_1403 = vector.load %arg3[%get3A_1401, %get3A_1402] : memref<12x128xf32, #tpu.memory_space<vmem>>, vector<1x128xf32>
    %get3A_1404 = arith.constant 5 : index
    %get3A_1405 = arith.constant 0 : index
    %get3A_1406 = vector.load %arg4[%get3A_1404, %get3A_1405] : memref<12x128xf32, #tpu.memory_space<vmem>>, vector<1x128xf32>
    %mul3A_1407 = arith.mulf %get3A_138, %get3A_1406 : vector<1x128xf32>
    %sub3A_1408 = arith.constant 1.000000e+00 : f32
    %sub3A_1409 = vector.broadcast %sub3A_1408 : f32 to vector<1x128xf32>
    %sub3A_1410 = arith.subf %sub3A_1409, %get3A_138 : vector<1x128xf32>
    %add3A_1411 = arith.addf %mul3A_1407, %sub3A_1410 : vector<1x128xf32>
    %mul3A_1412 = arith.mulf %get3A_1403, %add3A_1411 : vector<1x128xf32>
    %get3A_1413 = arith.constant 5 : index
    %get3A_1414 = arith.constant 0 : index
    %get3A_1415 = vector.load %arg2[%get3A_1413, %get3A_1414] : memref<12x128xf32, #tpu.memory_space<vmem>>, vector<1x128xf32>
    %eq3A_1416 = vector.broadcast %get3A_1415 : vector<1x128xf32> to vector<200x128xf32>
    %eq3A_1417 = vector.broadcast %convert_element_type3A_1231 : vector<200x1xf32> to vector<200x128xf32>
    %eq3A_1418 = arith.cmpf oeq, %eq3A_1416, %eq3A_1417 : vector<200x128xf32>
    %jit3A_1419 = arith.constant 0.000000e+00 : f32
    %broadcast_in_dim3A_1420 = vector.shape_cast %mul3A_1412 : vector<1x128xf32> to vector<1x128xf32>
    %broadcast_in_dim3A_1421 = vector.broadcast %broadcast_in_dim3A_1420 : vector<1x128xf32> to vector<200x128xf32>
    %broadcast_in_dim3A_1422 = vector.broadcast %jit3A_1419 : f32 to vector<200x128xf32>
    %select_n3A_1423 = arith.select %eq3A_1418, %broadcast_in_dim3A_1421, %broadcast_in_dim3A_1422 : vector<200x128xi1>, vector<200x128xf32>
    %get3A_1424 = arith.constant 640 : index
    %get3A_1425 = arith.constant 0 : index
    %get3A_1426 = vector.load %arg6[%get3A_1424, %get3A_1425] : memref<1024x1024xf32, #tpu.memory_space<vmem>>, vector<128x1024xf32>
    %dot_general3A_1427 = arith.constant dense<0.000000e+00> : vector<200x1024xf32>
    %dot_general3A_1428 = tpu.matmul %select_n3A_1423, %get3A_1426, %dot_general3A_1427 {dimension_numbers = #tpu.dot_dimension_numbers<[1], [0], [0], [1], [0, 0, 1, 1], [], []>, precision = #tpu.contract_precision<fp32>, transpose_lhs_hint = false} : vector<200x128xf32>, vector<128x1024xf32>, vector<200x1024xf32> -> vector<200x1024xf32>
    %add3A_1429 = arith.addf %add3A_1400, %dot_general3A_1428 : vector<200x1024xf32>
    %get3A_1430 = arith.constant 6 : index
    %get3A_1431 = arith.constant 0 : index
    %get3A_1432 = vector.load %arg3[%get3A_1430, %get3A_1431] : memref<12x128xf32, #tpu.memory_space<vmem>>, vector<1x128xf32>
    %get3A_1433 = arith.constant 6 : index
    %get3A_1434 = arith.constant 0 : index
    %get3A_1435 = vector.load %arg4[%get3A_1433, %get3A_1434] : memref<12x128xf32, #tpu.memory_space<vmem>>, vector<1x128xf32>
    %mul3A_1436 = arith.mulf %get3A_138, %get3A_1435 : vector<1x128xf32>
    %sub3A_1437 = arith.constant 1.000000e+00 : f32
    %sub3A_1438 = vector.broadcast %sub3A_1437 : f32 to vector<1x128xf32>
    %sub3A_1439 = arith.subf %sub3A_1438, %get3A_138 : vector<1x128xf32>
    %add3A_1440 = arith.addf %mul3A_1436, %sub3A_1439 : vector<1x128xf32>
    %mul3A_1441 = arith.mulf %get3A_1432, %add3A_1440 : vector<1x128xf32>
    %get3A_1442 = arith.constant 6 : index
    %get3A_1443 = arith.constant 0 : index
    %get3A_1444 = vector.load %arg2[%get3A_1442, %get3A_1443] : memref<12x128xf32, #tpu.memory_space<vmem>>, vector<1x128xf32>
    %eq3A_1445 = vector.broadcast %get3A_1444 : vector<1x128xf32> to vector<200x128xf32>
    %eq3A_1446 = vector.broadcast %convert_element_type3A_1231 : vector<200x1xf32> to vector<200x128xf32>
    %eq3A_1447 = arith.cmpf oeq, %eq3A_1445, %eq3A_1446 : vector<200x128xf32>
    %jit3A_1448 = arith.constant 0.000000e+00 : f32
    %broadcast_in_dim3A_1449 = vector.shape_cast %mul3A_1441 : vector<1x128xf32> to vector<1x128xf32>
    %broadcast_in_dim3A_1450 = vector.broadcast %broadcast_in_dim3A_1449 : vector<1x128xf32> to vector<200x128xf32>
    %broadcast_in_dim3A_1451 = vector.broadcast %jit3A_1448 : f32 to vector<200x128xf32>
    %select_n3A_1452 = arith.select %eq3A_1447, %broadcast_in_dim3A_1450, %broadcast_in_dim3A_1451 : vector<200x128xi1>, vector<200x128xf32>
    %get3A_1453 = arith.constant 768 : index
    %get3A_1454 = arith.constant 0 : index
    %get3A_1455 = vector.load %arg6[%get3A_1453, %get3A_1454] : memref<1024x1024xf32, #tpu.memory_space<vmem>>, vector<128x1024xf32>
    %dot_general3A_1456 = arith.constant dense<0.000000e+00> : vector<200x1024xf32>
    %dot_general3A_1457 = tpu.matmul %select_n3A_1452, %get3A_1455, %dot_general3A_1456 {dimension_numbers = #tpu.dot_dimension_numbers<[1], [0], [0], [1], [0, 0, 1, 1], [], []>, precision = #tpu.contract_precision<fp32>, transpose_lhs_hint = false} : vector<200x128xf32>, vector<128x1024xf32>, vector<200x1024xf32> -> vector<200x1024xf32>
    %add3A_1458 = arith.addf %add3A_1429, %dot_general3A_1457 : vector<200x1024xf32>
    %get3A_1459 = arith.constant 7 : index
    %get3A_1460 = arith.constant 0 : index
    %get3A_1461 = vector.load %arg3[%get3A_1459, %get3A_1460] : memref<12x128xf32, #tpu.memory_space<vmem>>, vector<1x128xf32>
    %get3A_1462 = arith.constant 7 : index
    %get3A_1463 = arith.constant 0 : index
    %get3A_1464 = vector.load %arg4[%get3A_1462, %get3A_1463] : memref<12x128xf32, #tpu.memory_space<vmem>>, vector<1x128xf32>
    %mul3A_1465 = arith.mulf %get3A_138, %get3A_1464 : vector<1x128xf32>
    %sub3A_1466 = arith.constant 1.000000e+00 : f32
    %sub3A_1467 = vector.broadcast %sub3A_1466 : f32 to vector<1x128xf32>
    %sub3A_1468 = arith.subf %sub3A_1467, %get3A_138 : vector<1x128xf32>
    %add3A_1469 = arith.addf %mul3A_1465, %sub3A_1468 : vector<1x128xf32>
    %mul3A_1470 = arith.mulf %get3A_1461, %add3A_1469 : vector<1x128xf32>
    %get3A_1471 = arith.constant 7 : index
    %get3A_1472 = arith.constant 0 : index
    %get3A_1473 = vector.load %arg2[%get3A_1471, %get3A_1472] : memref<12x128xf32, #tpu.memory_space<vmem>>, vector<1x128xf32>
    %eq3A_1474 = vector.broadcast %get3A_1473 : vector<1x128xf32> to vector<200x128xf32>
    %eq3A_1475 = vector.broadcast %convert_element_type3A_1231 : vector<200x1xf32> to vector<200x128xf32>
    %eq3A_1476 = arith.cmpf oeq, %eq3A_1474, %eq3A_1475 : vector<200x128xf32>
    %jit3A_1477 = arith.constant 0.000000e+00 : f32
    %broadcast_in_dim3A_1478 = vector.shape_cast %mul3A_1470 : vector<1x128xf32> to vector<1x128xf32>
    %broadcast_in_dim3A_1479 = vector.broadcast %broadcast_in_dim3A_1478 : vector<1x128xf32> to vector<200x128xf32>
    %broadcast_in_dim3A_1480 = vector.broadcast %jit3A_1477 : f32 to vector<200x128xf32>
    %select_n3A_1481 = arith.select %eq3A_1476, %broadcast_in_dim3A_1479, %broadcast_in_dim3A_1480 : vector<200x128xi1>, vector<200x128xf32>
    %get3A_1482 = arith.constant 896 : index
    %get3A_1483 = arith.constant 0 : index
    %get3A_1484 = vector.load %arg6[%get3A_1482, %get3A_1483] : memref<1024x1024xf32, #tpu.memory_space<vmem>>, vector<128x1024xf32>
    %dot_general3A_1485 = arith.constant dense<0.000000e+00> : vector<200x1024xf32>
    %dot_general3A_1486 = tpu.matmul %select_n3A_1481, %get3A_1484, %dot_general3A_1485 {dimension_numbers = #tpu.dot_dimension_numbers<[1], [0], [0], [1], [0, 0, 1, 1], [], []>, precision = #tpu.contract_precision<fp32>, transpose_lhs_hint = false} : vector<200x128xf32>, vector<128x1024xf32>, vector<200x1024xf32> -> vector<200x1024xf32>
    %add3A_1487 = arith.addf %add3A_1458, %dot_general3A_1486 : vector<200x1024xf32>
    %mul3A_1488 = arith.mulf %add3A_1487, %add3A_1487 : vector<200x1024xf32>
    %reduce_sum3A_1489 = arith.constant dense<0.000000e+00> : vector<200xf32>
    %reduce_sum3A_1490 = vector.multi_reduction <add>, %mul3A_1488, %reduce_sum3A_1489 [1] : vector<200x1024xf32> to vector<200xf32>
    %broadcast_in_dim3A_1491 = vector.shape_cast %reduce_sum3A_1490 : vector<200xf32> to vector<200x1xf32>
    %sqrt3A_1492 = math.sqrt %broadcast_in_dim3A_1491 : vector<200x1xf32>
    %max3A_1493 = arith.constant 9.99999996E-13 : f32
    %max3A_1494 = vector.broadcast %max3A_1493 : f32 to vector<200x1xf32>
    %max3A_1495 = arith.maximumf %sqrt3A_1492, %max3A_1494 : vector<200x1xf32>
    %div3A_1496 = vector.broadcast %max3A_1495 : vector<200x1xf32> to vector<200x1024xf32>
    %div3A_1497 = arith.divf %add3A_1487, %div3A_1496 : vector<200x1024xf32>
    %swap3A_1498 = arith.constant 800 : index
    %swap3A_1499 = arith.constant 0 : index
    %swap3A_1500 = vector.load %arg8[%swap3A_1498, %swap3A_1499] : memref<1000x1024xf32, #tpu.memory_space<vmem>>, vector<200x1024xf32>
    tpu.vector_store %arg8[%swap3A_1498, %swap3A_1499], %div3A_1497 {strides = array<i32>} : memref<1000x1024xf32, #tpu.memory_space<vmem>>, vector<200x1024xf32>,
    %get3A_1501 = arith.constant 0 : index
    %get3A_1502 = arith.constant 0 : index
    %get3A_1503 = vector.load %arg7[%get3A_1501, %get3A_1502] : memref<128x1024xf32, #tpu.memory_space<vmem>>, vector<128x1024xf32>
    %get3A_1504 = arith.constant 0 : index
    %get3A_1505 = arith.constant 0 : index
    %get3A_1506 = vector.load %arg8[%get3A_1504, %get3A_1505] : memref<1000x1024xf32, #tpu.memory_space<vmem>>, vector<1000x1024xf32>
    %dot_general3A_1507 = arith.constant dense<0.000000e+00> : vector<128x1000xf32>
    %dot_general3A_1508 = tpu.matmul %get3A_1503, %get3A_1506, %dot_general3A_1507 {dimension_numbers = #tpu.dot_dimension_numbers<[1], [1], [0], [0], [0, 0, 1, 0], [], []>, precision = #tpu.contract_precision<fp32>, transpose_lhs_hint = false} : vector<128x1024xf32>, vector<1000x1024xf32>, vector<128x1000xf32> -> vector<128x1000xf32>
    %mul3A_1509 = arith.constant 2.000000e+01 : f32
    %mul3A_1510 = vector.broadcast %mul3A_1509 : f32 to vector<128x1000xf32>
    %mul3A_1511 = arith.mulf %mul3A_1510, %dot_general3A_1508 : vector<128x1000xf32>
    %swap3A_1512 = arith.constant 0 : index
    %swap3A_1513 = arith.constant 0 : index
    %swap3A_1514 = vector.load %arg5[%swap3A_1512, %swap3A_1513] : memref<128x1000xf32, #tpu.memory_space<vmem>>, vector<128x1000xf32>
    tpu.vector_store %arg5[%swap3A_1512, %swap3A_1513], %mul3A_1511 {strides = array<i32>} : memref<128x1000xf32, #tpu.memory_space<vmem>>, vector<128x1000xf32>,
    return
  }
}

module attributes {stable_mosaic.version = 14 : i64} {
  func.func @_stats_kernel(%arg0: memref<128x1024xf32, #tpu.memory_space<vmem>>, %arg1: memref<1000x128xf32, #tpu.memory_space<vmem>>, %arg2: memref<1000x128xf32, #tpu.memory_space<vmem>>, %arg3: memref<1024x1024xf32, #tpu.memory_space<vmem>>, %arg4: memref<1000x1xf32, #tpu.memory_space<vmem>>, %arg5: memref<12x128xf32, #tpu.memory_space<vmem>>, %arg6: memref<12x128xf32, #tpu.memory_space<vmem>>, %arg7: memref<12x128xf32, #tpu.memory_space<vmem>>) attributes {dimension_semantics = [], scalar_prefetch = 0 : i64, scratch_operands = 0 : i64, tpu.core_type = #tpu.core_type<tc>} {
    %get3A = arith.constant 0 : index
    %get3A_0 = arith.constant 0 : index
    %get3A_1 = vector.load %arg4[%get3A, %get3A_0] : memref<1000x1xf32, #tpu.memory_space<vmem>>, vector<1000x1xf32>
    %get3A_2 = arith.constant 0 : index
    %get3A_3 = arith.constant 0 : index
    %get3A_4 = vector.load %arg0[%get3A_2, %get3A_3] : memref<128x1024xf32, #tpu.memory_space<vmem>>, vector<128x1024xf32>
    %get3A_5 = arith.constant 0 : index
    %get3A_6 = arith.constant 0 : index
    %get3A_7 = vector.load %arg3[%get3A_5, %get3A_6] : memref<1024x1024xf32, #tpu.memory_space<vmem>>, vector<1000x1024xf32>
    %dot_general3A = arith.constant dense<0.000000e+00> : vector<1000x128xf32>
    %dot_general3A_8 = tpu.matmul %get3A_7, %get3A_4, %dot_general3A {dimension_numbers = #tpu.dot_dimension_numbers<[1], [1], [0], [0], [0, 0, 1, 0], [], []>, transpose_lhs_hint = false} : vector<1000x1024xf32>, vector<128x1024xf32>, vector<1000x128xf32> -> vector<1000x128xf32>
    %add3A = vector.broadcast %get3A_1 : vector<1000x1xf32> to vector<1000x128xf32>
    %add3A_9 = arith.addf %dot_general3A_8, %add3A : vector<1000x128xf32>
    %reduce_max3A = arith.constant dense<0xFF800000> : vector<128xf32>
    %reduce_max3A_10 = vector.multi_reduction <maximumf>, %add3A_9, %reduce_max3A [0] : vector<1000x128xf32> to vector<128xf32>
    %broadcast_in_dim3A = vector.shape_cast %reduce_max3A_10 : vector<128xf32> to vector<1x128xf32>
    %sub3A = vector.broadcast %broadcast_in_dim3A : vector<1x128xf32> to vector<1000x128xf32>
    %sub3A_11 = arith.subf %add3A_9, %sub3A : vector<1000x128xf32>
    %exp3A = math.exp %sub3A_11 : vector<1000x128xf32>
    %reduce_sum3A = arith.constant dense<0.000000e+00> : vector<128xf32>
    %reduce_sum3A_12 = vector.multi_reduction <add>, %exp3A, %reduce_sum3A [0] : vector<1000x128xf32> to vector<128xf32>
    %broadcast_in_dim3A_13 = vector.shape_cast %reduce_sum3A_12 : vector<128xf32> to vector<1x128xf32>
    %mul3A = arith.mulf %exp3A, %add3A_9 : vector<1000x128xf32>
    %reduce_sum3A_14 = arith.constant dense<0.000000e+00> : vector<128xf32>
    %reduce_sum3A_15 = vector.multi_reduction <add>, %mul3A, %reduce_sum3A_14 [0] : vector<1000x128xf32> to vector<128xf32>
    %broadcast_in_dim3A_16 = vector.shape_cast %reduce_sum3A_15 : vector<128xf32> to vector<1x128xf32>
    %log3A = math.log %broadcast_in_dim3A_13 : vector<1x128xf32>
    %add3A_17 = arith.addf %broadcast_in_dim3A, %log3A : vector<1x128xf32>
    %div3A = arith.divf %broadcast_in_dim3A_16, %broadcast_in_dim3A_13 : vector<1x128xf32>
    %sub3A_18 = arith.subf %add3A_17, %div3A : vector<1x128xf32>
    %div3A_19 = arith.constant 1.000000e+00 : f32
    %div3A_20 = vector.broadcast %div3A_19 : f32 to vector<1x128xf32>
    %div3A_21 = arith.divf %div3A_20, %broadcast_in_dim3A_13 : vector<1x128xf32>
    %iota3A = tpu.iota {dimensions = array<i32: 0>} : vector<1000x128xi32>
    %eq3A = vector.broadcast %broadcast_in_dim3A : vector<1x128xf32> to vector<1000x128xf32>
    %eq3A_22 = arith.cmpf oeq, %add3A_9, %eq3A : vector<1000x128xf32>
    %jit3A = arith.constant 1000 : i32
    %broadcast_in_dim3A_23 = vector.broadcast %jit3A : i32 to vector<1000x128xi32>
    %select_n3A = arith.select %eq3A_22, %iota3A, %broadcast_in_dim3A_23 : vector<1000x128xi1>, vector<1000x128xi32>
    %reduce_min3A = arith.constant dense<2147483647> : vector<128xi32>
    %reduce_min3A_24 = vector.multi_reduction <minsi>, %select_n3A, %reduce_min3A [0] : vector<1000x128xi32> to vector<128xi32>
    %broadcast_in_dim3A_25 = vector.shape_cast %reduce_min3A_24 : vector<128xi32> to vector<1x128xi32>
    %convert_element_type3A = arith.sitofp %broadcast_in_dim3A_25 : vector<1x128xi32> to vector<1x128xf32>
    %get3A_26 = arith.constant 0 : index
    %get3A_27 = arith.constant 0 : index
    %get3A_28 = vector.load %arg1[%get3A_26, %get3A_27] : memref<1000x128xf32, #tpu.memory_space<vmem>>, vector<1000x128xf32>
    %reduce_max3A_29 = arith.constant dense<0xFF800000> : vector<128xf32>
    %reduce_max3A_30 = vector.multi_reduction <maximumf>, %get3A_28, %reduce_max3A_29 [0] : vector<1000x128xf32> to vector<128xf32>
    %broadcast_in_dim3A_31 = vector.shape_cast %reduce_max3A_30 : vector<128xf32> to vector<1x128xf32>
    %get3A_32 = arith.constant 0 : index
    %get3A_33 = arith.constant 0 : index
    %get3A_34 = vector.load %arg2[%get3A_32, %get3A_33] : memref<1000x128xf32, #tpu.memory_space<vmem>>, vector<1000x128xf32>
    %reduce_max3A_35 = arith.constant dense<0xFF800000> : vector<128xf32>
    %reduce_max3A_36 = vector.multi_reduction <maximumf>, %get3A_34, %reduce_max3A_35 [0] : vector<1000x128xf32> to vector<128xf32>
    %broadcast_in_dim3A_37 = vector.shape_cast %reduce_max3A_36 : vector<128xf32> to vector<1x128xf32>
    %iota3A_38 = tpu.iota {dimensions = array<i32: 0>} : vector<1000x128xi32>
    %get3A_39 = arith.constant 0 : index
    %get3A_40 = arith.constant 0 : index
    %get3A_41 = vector.load %arg1[%get3A_39, %get3A_40] : memref<1000x128xf32, #tpu.memory_space<vmem>>, vector<1000x128xf32>
    %eq3A_42 = vector.broadcast %broadcast_in_dim3A_31 : vector<1x128xf32> to vector<1000x128xf32>
    %eq3A_43 = arith.cmpf oeq, %get3A_41, %eq3A_42 : vector<1000x128xf32>
    %jit3A_44 = arith.constant 1000 : i32
    %broadcast_in_dim3A_45 = vector.broadcast %jit3A_44 : i32 to vector<1000x128xi32>
    %select_n3A_46 = arith.select %eq3A_43, %iota3A_38, %broadcast_in_dim3A_45 : vector<1000x128xi1>, vector<1000x128xi32>
    %reduce_min3A_47 = arith.constant dense<2147483647> : vector<128xi32>
    %reduce_min3A_48 = vector.multi_reduction <minsi>, %select_n3A_46, %reduce_min3A_47 [0] : vector<1000x128xi32> to vector<128xi32>
    %broadcast_in_dim3A_49 = vector.shape_cast %reduce_min3A_48 : vector<128xi32> to vector<1x128xi32>
    %get3A_50 = arith.constant 0 : index
    %get3A_51 = arith.constant 0 : index
    %get3A_52 = vector.load %arg2[%get3A_50, %get3A_51] : memref<1000x128xf32, #tpu.memory_space<vmem>>, vector<1000x128xf32>
    %eq3A_53 = vector.broadcast %broadcast_in_dim3A_37 : vector<1x128xf32> to vector<1000x128xf32>
    %eq3A_54 = arith.cmpf oeq, %get3A_52, %eq3A_53 : vector<1000x128xf32>
    %jit3A_55 = arith.constant 1000 : i32
    %broadcast_in_dim3A_56 = vector.broadcast %jit3A_55 : i32 to vector<1000x128xi32>
    %select_n3A_57 = arith.select %eq3A_54, %iota3A_38, %broadcast_in_dim3A_56 : vector<1000x128xi1>, vector<1000x128xi32>
    %reduce_min3A_58 = arith.constant dense<2147483647> : vector<128xi32>
    %reduce_min3A_59 = vector.multi_reduction <minsi>, %select_n3A_57, %reduce_min3A_58 [0] : vector<1000x128xi32> to vector<128xi32>
    %broadcast_in_dim3A_60 = vector.shape_cast %reduce_min3A_59 : vector<128xi32> to vector<1x128xi32>
    %eq3A_61 = arith.cmpi eq, %broadcast_in_dim3A_49, %broadcast_in_dim3A_60 : vector<1x128xi32>
    %convert_element_type3A_62 = arith.extui %eq3A_61 : vector<1x128xi1> to vector<1x128xi32>
    %convert_element_type3A_63 = arith.sitofp %convert_element_type3A_62 : vector<1x128xi32> to vector<1x128xf32>
    %reduce_max3A_64 = vector.shape_cast %convert_element_type3A_63 : vector<1x128xf32> to vector<1x1x128xf32>
    %reduce_max3A_65 = arith.constant dense<0xFF800000> : vector<1xf32>
    %reduce_max3A_66 = vector.multi_reduction <maximumf>, %reduce_max3A_64, %reduce_max3A_65 [1, 2] : vector<1x1x128xf32> to vector<1xf32>
    %reduce_max3A_67 = vector.shape_cast %reduce_max3A_66 : vector<1xf32> to vector<1x1x1xf32>
    %reduce_max3A_68 = vector.extract %reduce_max3A_67[0, 0, 0] : f32 from vector<1x1x1xf32>
    %mul3A_69 = arith.mulf %convert_element_type3A_63, %convert_element_type3A : vector<1x128xf32>
    %sub3A_70 = arith.constant 1.000000e+00 : f32
    %sub3A_71 = vector.broadcast %sub3A_70 : f32 to vector<1x128xf32>
    %sub3A_72 = arith.subf %sub3A_71, %convert_element_type3A_63 : vector<1x128xf32>
    %mul3A_73 = arith.constant 1.000000e+03 : f32
    %mul3A_74 = vector.broadcast %mul3A_73 : f32 to vector<1x128xf32>
    %mul3A_75 = arith.mulf %sub3A_72, %mul3A_74 : vector<1x128xf32>
    %add3A_76 = arith.addf %mul3A_69, %mul3A_75 : vector<1x128xf32>
    %swap3A = arith.constant 8 : index
    %swap3A_77 = arith.constant 0 : index
    %swap3A_78 = vector.load %arg5[%swap3A, %swap3A_77] : memref<12x128xf32, #tpu.memory_space<vmem>>, vector<1x128xf32>
    tpu.vector_store %arg5[%swap3A, %swap3A_77], %add3A_76 {strides = array<i32>} : memref<12x128xf32, #tpu.memory_space<vmem>>, vector<1x128xf32>,
    %mul3A_79 = arith.constant 1.000000e+03 : f32
    %mul3A_80 = vector.broadcast %mul3A_79 : f32 to vector<1x128xf32>
    %mul3A_81 = arith.mulf %add3A_76, %mul3A_80 : vector<1x128xf32>
    %mul3A_82 = arith.mulf %convert_element_type3A_63, %sub3A_18 : vector<1x128xf32>
    %add3A_83 = arith.addf %mul3A_81, %mul3A_82 : vector<1x128xf32>
    %swap3A_84 = arith.constant 8 : index
    %swap3A_85 = arith.constant 0 : index
    %swap3A_86 = vector.load %arg6[%swap3A_84, %swap3A_85] : memref<12x128xf32, #tpu.memory_space<vmem>>, vector<1x128xf32>
    tpu.vector_store %arg6[%swap3A_84, %swap3A_85], %add3A_83 {strides = array<i32>} : memref<12x128xf32, #tpu.memory_space<vmem>>, vector<1x128xf32>,
    %max3A = arith.constant 9.99999997E-7 : f32
    %max3A_87 = vector.broadcast %max3A : f32 to vector<1x128xf32>
    %max3A_88 = arith.maximumf %div3A_21, %max3A_87 : vector<1x128xf32>
    %mul3A_89 = arith.mulf %max3A_88, %convert_element_type3A_63 : vector<1x128xf32>
    %swap3A_90 = arith.constant 8 : index
    %swap3A_91 = arith.constant 0 : index
    %swap3A_92 = vector.load %arg7[%swap3A_90, %swap3A_91] : memref<12x128xf32, #tpu.memory_space<vmem>>, vector<1x128xf32>
    tpu.vector_store %arg7[%swap3A_90, %swap3A_91], %mul3A_89 {strides = array<i32>} : memref<12x128xf32, #tpu.memory_space<vmem>>, vector<1x128xf32>,
    %broadcast_in_dim3A_93 = arith.constant 0.000000e+00 : f32
    %broadcast_in_dim3A_94 = vector.broadcast %broadcast_in_dim3A_93 : f32 to vector<3x128xf32>
    %sub3A_95 = arith.constant 3.000000e+00 : f32
    %sub3A_96 = vector.broadcast %sub3A_95 : f32 to vector<3x128xf32>
    %sub3A_97 = arith.subf %broadcast_in_dim3A_94, %sub3A_96 : vector<3x128xf32>
    %swap3A_98 = arith.constant 9 : index
    %swap3A_99 = arith.constant 0 : index
    %swap3A_100 = vector.load %arg5[%swap3A_98, %swap3A_99] : memref<12x128xf32, #tpu.memory_space<vmem>>, vector<3x128xf32>
    tpu.vector_store %arg5[%swap3A_98, %swap3A_99], %sub3A_97 {strides = array<i32>} : memref<12x128xf32, #tpu.memory_space<vmem>>, vector<3x128xf32>,
    %sub3A_101 = arith.constant 8.000000e+03 : f32
    %sub3A_102 = vector.broadcast %sub3A_101 : f32 to vector<3x128xf32>
    %sub3A_103 = arith.subf %broadcast_in_dim3A_94, %sub3A_102 : vector<3x128xf32>
    %swap3A_104 = arith.constant 9 : index
    %swap3A_105 = arith.constant 0 : index
    %swap3A_106 = vector.load %arg6[%swap3A_104, %swap3A_105] : memref<12x128xf32, #tpu.memory_space<vmem>>, vector<3x128xf32>
    tpu.vector_store %arg6[%swap3A_104, %swap3A_105], %sub3A_103 {strides = array<i32>} : memref<12x128xf32, #tpu.memory_space<vmem>>, vector<3x128xf32>,
    %swap3A_107 = arith.constant 9 : index
    %swap3A_108 = arith.constant 0 : index
    %swap3A_109 = vector.load %arg7[%swap3A_107, %swap3A_108] : memref<12x128xf32, #tpu.memory_space<vmem>>, vector<3x128xf32>
    tpu.vector_store %arg7[%swap3A_107, %swap3A_108], %broadcast_in_dim3A_94 {strides = array<i32>} : memref<12x128xf32, #tpu.memory_space<vmem>>, vector<3x128xf32>,
    %broadcast_in_dim3A_110 = vector.broadcast %reduce_max3A_68 : f32 to vector<1x128xf32>
    %swap3A_111 = arith.constant 9 : index
    %swap3A_112 = arith.constant 0 : index
    %swap3A_113 = vector.load %arg7[%swap3A_111, %swap3A_112] : memref<12x128xf32, #tpu.memory_space<vmem>>, vector<1x128xf32>
    tpu.vector_store %arg7[%swap3A_111, %swap3A_112], %broadcast_in_dim3A_110 {strides = array<i32>} : memref<12x128xf32, #tpu.memory_space<vmem>>, vector<1x128xf32>,
    %get3A_114 = arith.constant 0 : index
    %get3A_115 = arith.constant 0 : index
    %get3A_116 = vector.load %arg3[%get3A_114, %get3A_115] : memref<1024x1024xf32, #tpu.memory_space<vmem>>, vector<128x1024xf32>
    %dot_general3A_117 = arith.constant dense<0.000000e+00> : vector<1000x128xf32>
    %dot_general3A_118 = tpu.matmul %get3A_7, %get3A_116, %dot_general3A_117 {dimension_numbers = #tpu.dot_dimension_numbers<[1], [1], [0], [0], [0, 0, 1, 0], [], []>, transpose_lhs_hint = false} : vector<1000x1024xf32>, vector<128x1024xf32>, vector<1000x128xf32> -> vector<1000x128xf32>
    %add3A_119 = vector.broadcast %get3A_1 : vector<1000x1xf32> to vector<1000x128xf32>
    %add3A_120 = arith.addf %dot_general3A_118, %add3A_119 : vector<1000x128xf32>
    %reduce_max3A_121 = arith.constant dense<0xFF800000> : vector<128xf32>
    %reduce_max3A_122 = vector.multi_reduction <maximumf>, %add3A_120, %reduce_max3A_121 [0] : vector<1000x128xf32> to vector<128xf32>
    %broadcast_in_dim3A_123 = vector.shape_cast %reduce_max3A_122 : vector<128xf32> to vector<1x128xf32>
    %sub3A_124 = vector.broadcast %broadcast_in_dim3A_123 : vector<1x128xf32> to vector<1000x128xf32>
    %sub3A_125 = arith.subf %add3A_120, %sub3A_124 : vector<1000x128xf32>
    %exp3A_126 = math.exp %sub3A_125 : vector<1000x128xf32>
    %reduce_sum3A_127 = arith.constant dense<0.000000e+00> : vector<128xf32>
    %reduce_sum3A_128 = vector.multi_reduction <add>, %exp3A_126, %reduce_sum3A_127 [0] : vector<1000x128xf32> to vector<128xf32>
    %broadcast_in_dim3A_129 = vector.shape_cast %reduce_sum3A_128 : vector<128xf32> to vector<1x128xf32>
    %mul3A_130 = arith.mulf %exp3A_126, %add3A_120 : vector<1000x128xf32>
    %reduce_sum3A_131 = arith.constant dense<0.000000e+00> : vector<128xf32>
    %reduce_sum3A_132 = vector.multi_reduction <add>, %mul3A_130, %reduce_sum3A_131 [0] : vector<1000x128xf32> to vector<128xf32>
    %broadcast_in_dim3A_133 = vector.shape_cast %reduce_sum3A_132 : vector<128xf32> to vector<1x128xf32>
    %log3A_134 = math.log %broadcast_in_dim3A_129 : vector<1x128xf32>
    %add3A_135 = arith.addf %broadcast_in_dim3A_123, %log3A_134 : vector<1x128xf32>
    %div3A_136 = arith.divf %broadcast_in_dim3A_133, %broadcast_in_dim3A_129 : vector<1x128xf32>
    %sub3A_137 = arith.subf %add3A_135, %div3A_136 : vector<1x128xf32>
    %div3A_138 = arith.constant 1.000000e+00 : f32
    %div3A_139 = vector.broadcast %div3A_138 : f32 to vector<1x128xf32>
    %div3A_140 = arith.divf %div3A_139, %broadcast_in_dim3A_129 : vector<1x128xf32>
    %iota3A_141 = tpu.iota {dimensions = array<i32: 0>} : vector<1000x128xi32>
    %eq3A_142 = vector.broadcast %broadcast_in_dim3A_123 : vector<1x128xf32> to vector<1000x128xf32>
    %eq3A_143 = arith.cmpf oeq, %add3A_120, %eq3A_142 : vector<1000x128xf32>
    %jit3A_144 = arith.constant 1000 : i32
    %broadcast_in_dim3A_145 = vector.broadcast %jit3A_144 : i32 to vector<1000x128xi32>
    %select_n3A_146 = arith.select %eq3A_143, %iota3A_141, %broadcast_in_dim3A_145 : vector<1000x128xi1>, vector<1000x128xi32>
    %reduce_min3A_147 = arith.constant dense<2147483647> : vector<128xi32>
    %reduce_min3A_148 = vector.multi_reduction <minsi>, %select_n3A_146, %reduce_min3A_147 [0] : vector<1000x128xi32> to vector<128xi32>
    %broadcast_in_dim3A_149 = vector.shape_cast %reduce_min3A_148 : vector<128xi32> to vector<1x128xi32>
    %convert_element_type3A_150 = arith.sitofp %broadcast_in_dim3A_149 : vector<1x128xi32> to vector<1x128xf32>
    %iota3A_151 = tpu.iota {dimensions = array<i32: 1>} : vector<1x128xi32>
    %add3A_152 = arith.constant 0 : i32
    %add3A_153 = vector.broadcast %add3A_152 : i32 to vector<1x128xi32>
    %add3A_154 = arith.addi %iota3A_151, %add3A_153 : vector<1x128xi32>
    %lt3A = arith.constant 1000 : i32
    %lt3A_155 = vector.broadcast %lt3A : i32 to vector<1x128xi32>
    %lt3A_156 = arith.cmpi slt, %add3A_154, %lt3A_155 : vector<1x128xi32>
    %convert_element_type3A_157 = arith.extui %lt3A_156 : vector<1x128xi1> to vector<1x128xi32>
    %convert_element_type3A_158 = arith.sitofp %convert_element_type3A_157 : vector<1x128xi32> to vector<1x128xf32>
    %mul3A_159 = arith.mulf %convert_element_type3A_158, %convert_element_type3A_150 : vector<1x128xf32>
    %sub3A_160 = arith.constant 1.000000e+00 : f32
    %sub3A_161 = vector.broadcast %sub3A_160 : f32 to vector<1x128xf32>
    %sub3A_162 = arith.subf %sub3A_161, %convert_element_type3A_158 : vector<1x128xf32>
    %mul3A_163 = arith.constant -2.000000e+00 : f32
    %mul3A_164 = vector.broadcast %mul3A_163 : f32 to vector<1x128xf32>
    %mul3A_165 = arith.mulf %sub3A_162, %mul3A_164 : vector<1x128xf32>
    %add3A_166 = arith.addf %mul3A_159, %mul3A_165 : vector<1x128xf32>
    %swap3A_167 = arith.constant 0 : index
    %swap3A_168 = arith.constant 0 : index
    %swap3A_169 = vector.load %arg5[%swap3A_167, %swap3A_168] : memref<12x128xf32, #tpu.memory_space<vmem>>, vector<1x128xf32>
    tpu.vector_store %arg5[%swap3A_167, %swap3A_168], %add3A_166 {strides = array<i32>} : memref<12x128xf32, #tpu.memory_space<vmem>>, vector<1x128xf32>,
    %mul3A_170 = arith.constant 1.000000e+03 : f32
    %mul3A_171 = vector.broadcast %mul3A_170 : f32 to vector<1x128xf32>
    %mul3A_172 = arith.mulf %convert_element_type3A_150, %mul3A_171 : vector<1x128xf32>
    %add3A_173 = arith.addf %mul3A_172, %sub3A_137 : vector<1x128xf32>
    %mul3A_174 = arith.mulf %convert_element_type3A_158, %add3A_173 : vector<1x128xf32>
    %sub3A_175 = arith.constant 1.000000e+00 : f32
    %sub3A_176 = vector.broadcast %sub3A_175 : f32 to vector<1x128xf32>
    %sub3A_177 = arith.subf %sub3A_176, %convert_element_type3A_158 : vector<1x128xf32>
    %mul3A_178 = arith.constant -5.000000e+03 : f32
    %mul3A_179 = vector.broadcast %mul3A_178 : f32 to vector<1x128xf32>
    %mul3A_180 = arith.mulf %sub3A_177, %mul3A_179 : vector<1x128xf32>
    %add3A_181 = arith.addf %mul3A_174, %mul3A_180 : vector<1x128xf32>
    %swap3A_182 = arith.constant 0 : index
    %swap3A_183 = arith.constant 0 : index
    %swap3A_184 = vector.load %arg6[%swap3A_182, %swap3A_183] : memref<12x128xf32, #tpu.memory_space<vmem>>, vector<1x128xf32>
    tpu.vector_store %arg6[%swap3A_182, %swap3A_183], %add3A_181 {strides = array<i32>} : memref<12x128xf32, #tpu.memory_space<vmem>>, vector<1x128xf32>,
    %max3A_185 = arith.constant 9.99999997E-7 : f32
    %max3A_186 = vector.broadcast %max3A_185 : f32 to vector<1x128xf32>
    %max3A_187 = arith.maximumf %div3A_140, %max3A_186 : vector<1x128xf32>
    %mul3A_188 = arith.mulf %convert_element_type3A_158, %max3A_187 : vector<1x128xf32>
    %swap3A_189 = arith.constant 0 : index
    %swap3A_190 = arith.constant 0 : index
    %swap3A_191 = vector.load %arg7[%swap3A_189, %swap3A_190] : memref<12x128xf32, #tpu.memory_space<vmem>>, vector<1x128xf32>
    tpu.vector_store %arg7[%swap3A_189, %swap3A_190], %mul3A_188 {strides = array<i32>} : memref<12x128xf32, #tpu.memory_space<vmem>>, vector<1x128xf32>,
    %get3A_192 = arith.constant 128 : index
    %get3A_193 = arith.constant 0 : index
    %get3A_194 = vector.load %arg3[%get3A_192, %get3A_193] : memref<1024x1024xf32, #tpu.memory_space<vmem>>, vector<128x1024xf32>
    %dot_general3A_195 = arith.constant dense<0.000000e+00> : vector<1000x128xf32>
    %dot_general3A_196 = tpu.matmul %get3A_7, %get3A_194, %dot_general3A_195 {dimension_numbers = #tpu.dot_dimension_numbers<[1], [1], [0], [0], [0, 0, 1, 0], [], []>, transpose_lhs_hint = false} : vector<1000x1024xf32>, vector<128x1024xf32>, vector<1000x128xf32> -> vector<1000x128xf32>
    %add3A_197 = vector.broadcast %get3A_1 : vector<1000x1xf32> to vector<1000x128xf32>
    %add3A_198 = arith.addf %dot_general3A_196, %add3A_197 : vector<1000x128xf32>
    %reduce_max3A_199 = arith.constant dense<0xFF800000> : vector<128xf32>
    %reduce_max3A_200 = vector.multi_reduction <maximumf>, %add3A_198, %reduce_max3A_199 [0] : vector<1000x128xf32> to vector<128xf32>
    %broadcast_in_dim3A_201 = vector.shape_cast %reduce_max3A_200 : vector<128xf32> to vector<1x128xf32>
    %sub3A_202 = vector.broadcast %broadcast_in_dim3A_201 : vector<1x128xf32> to vector<1000x128xf32>
    %sub3A_203 = arith.subf %add3A_198, %sub3A_202 : vector<1000x128xf32>
    %exp3A_204 = math.exp %sub3A_203 : vector<1000x128xf32>
    %reduce_sum3A_205 = arith.constant dense<0.000000e+00> : vector<128xf32>
    %reduce_sum3A_206 = vector.multi_reduction <add>, %exp3A_204, %reduce_sum3A_205 [0] : vector<1000x128xf32> to vector<128xf32>
    %broadcast_in_dim3A_207 = vector.shape_cast %reduce_sum3A_206 : vector<128xf32> to vector<1x128xf32>
    %mul3A_208 = arith.mulf %exp3A_204, %add3A_198 : vector<1000x128xf32>
    %reduce_sum3A_209 = arith.constant dense<0.000000e+00> : vector<128xf32>
    %reduce_sum3A_210 = vector.multi_reduction <add>, %mul3A_208, %reduce_sum3A_209 [0] : vector<1000x128xf32> to vector<128xf32>
    %broadcast_in_dim3A_211 = vector.shape_cast %reduce_sum3A_210 : vector<128xf32> to vector<1x128xf32>
    %log3A_212 = math.log %broadcast_in_dim3A_207 : vector<1x128xf32>
    %add3A_213 = arith.addf %broadcast_in_dim3A_201, %log3A_212 : vector<1x128xf32>
    %div3A_214 = arith.divf %broadcast_in_dim3A_211, %broadcast_in_dim3A_207 : vector<1x128xf32>
    %sub3A_215 = arith.subf %add3A_213, %div3A_214 : vector<1x128xf32>
    %div3A_216 = arith.constant 1.000000e+00 : f32
    %div3A_217 = vector.broadcast %div3A_216 : f32 to vector<1x128xf32>
    %div3A_218 = arith.divf %div3A_217, %broadcast_in_dim3A_207 : vector<1x128xf32>
    %iota3A_219 = tpu.iota {dimensions = array<i32: 0>} : vector<1000x128xi32>
    %eq3A_220 = vector.broadcast %broadcast_in_dim3A_201 : vector<1x128xf32> to vector<1000x128xf32>
    %eq3A_221 = arith.cmpf oeq, %add3A_198, %eq3A_220 : vector<1000x128xf32>
    %jit3A_222 = arith.constant 1000 : i32
    %broadcast_in_dim3A_223 = vector.broadcast %jit3A_222 : i32 to vector<1000x128xi32>
    %select_n3A_224 = arith.select %eq3A_221, %iota3A_219, %broadcast_in_dim3A_223 : vector<1000x128xi1>, vector<1000x128xi32>
    %reduce_min3A_225 = arith.constant dense<2147483647> : vector<128xi32>
    %reduce_min3A_226 = vector.multi_reduction <minsi>, %select_n3A_224, %reduce_min3A_225 [0] : vector<1000x128xi32> to vector<128xi32>
    %broadcast_in_dim3A_227 = vector.shape_cast %reduce_min3A_226 : vector<128xi32> to vector<1x128xi32>
    %convert_element_type3A_228 = arith.sitofp %broadcast_in_dim3A_227 : vector<1x128xi32> to vector<1x128xf32>
    %iota3A_229 = tpu.iota {dimensions = array<i32: 1>} : vector<1x128xi32>
    %add3A_230 = arith.constant 128 : i32
    %add3A_231 = vector.broadcast %add3A_230 : i32 to vector<1x128xi32>
    %add3A_232 = arith.addi %iota3A_229, %add3A_231 : vector<1x128xi32>
    %lt3A_233 = arith.constant 1000 : i32
    %lt3A_234 = vector.broadcast %lt3A_233 : i32 to vector<1x128xi32>
    %lt3A_235 = arith.cmpi slt, %add3A_232, %lt3A_234 : vector<1x128xi32>
    %convert_element_type3A_236 = arith.extui %lt3A_235 : vector<1x128xi1> to vector<1x128xi32>
    %convert_element_type3A_237 = arith.sitofp %convert_element_type3A_236 : vector<1x128xi32> to vector<1x128xf32>
    %mul3A_238 = arith.mulf %convert_element_type3A_237, %convert_element_type3A_228 : vector<1x128xf32>
    %sub3A_239 = arith.constant 1.000000e+00 : f32
    %sub3A_240 = vector.broadcast %sub3A_239 : f32 to vector<1x128xf32>
    %sub3A_241 = arith.subf %sub3A_240, %convert_element_type3A_237 : vector<1x128xf32>
    %mul3A_242 = arith.constant -2.000000e+00 : f32
    %mul3A_243 = vector.broadcast %mul3A_242 : f32 to vector<1x128xf32>
    %mul3A_244 = arith.mulf %sub3A_241, %mul3A_243 : vector<1x128xf32>
    %add3A_245 = arith.addf %mul3A_238, %mul3A_244 : vector<1x128xf32>
    %swap3A_246 = arith.constant 1 : index
    %swap3A_247 = arith.constant 0 : index
    %swap3A_248 = vector.load %arg5[%swap3A_246, %swap3A_247] : memref<12x128xf32, #tpu.memory_space<vmem>>, vector<1x128xf32>
    tpu.vector_store %arg5[%swap3A_246, %swap3A_247], %add3A_245 {strides = array<i32>} : memref<12x128xf32, #tpu.memory_space<vmem>>, vector<1x128xf32>,
    %mul3A_249 = arith.constant 1.000000e+03 : f32
    %mul3A_250 = vector.broadcast %mul3A_249 : f32 to vector<1x128xf32>
    %mul3A_251 = arith.mulf %convert_element_type3A_228, %mul3A_250 : vector<1x128xf32>
    %add3A_252 = arith.addf %mul3A_251, %sub3A_215 : vector<1x128xf32>
    %mul3A_253 = arith.mulf %convert_element_type3A_237, %add3A_252 : vector<1x128xf32>
    %sub3A_254 = arith.constant 1.000000e+00 : f32
    %sub3A_255 = vector.broadcast %sub3A_254 : f32 to vector<1x128xf32>
    %sub3A_256 = arith.subf %sub3A_255, %convert_element_type3A_237 : vector<1x128xf32>
    %mul3A_257 = arith.constant -5.000000e+03 : f32
    %mul3A_258 = vector.broadcast %mul3A_257 : f32 to vector<1x128xf32>
    %mul3A_259 = arith.mulf %sub3A_256, %mul3A_258 : vector<1x128xf32>
    %add3A_260 = arith.addf %mul3A_253, %mul3A_259 : vector<1x128xf32>
    %swap3A_261 = arith.constant 1 : index
    %swap3A_262 = arith.constant 0 : index
    %swap3A_263 = vector.load %arg6[%swap3A_261, %swap3A_262] : memref<12x128xf32, #tpu.memory_space<vmem>>, vector<1x128xf32>
    tpu.vector_store %arg6[%swap3A_261, %swap3A_262], %add3A_260 {strides = array<i32>} : memref<12x128xf32, #tpu.memory_space<vmem>>, vector<1x128xf32>,
    %max3A_264 = arith.constant 9.99999997E-7 : f32
    %max3A_265 = vector.broadcast %max3A_264 : f32 to vector<1x128xf32>
    %max3A_266 = arith.maximumf %div3A_218, %max3A_265 : vector<1x128xf32>
    %mul3A_267 = arith.mulf %convert_element_type3A_237, %max3A_266 : vector<1x128xf32>
    %swap3A_268 = arith.constant 1 : index
    %swap3A_269 = arith.constant 0 : index
    %swap3A_270 = vector.load %arg7[%swap3A_268, %swap3A_269] : memref<12x128xf32, #tpu.memory_space<vmem>>, vector<1x128xf32>
    tpu.vector_store %arg7[%swap3A_268, %swap3A_269], %mul3A_267 {strides = array<i32>} : memref<12x128xf32, #tpu.memory_space<vmem>>, vector<1x128xf32>,
    %get3A_271 = arith.constant 256 : index
    %get3A_272 = arith.constant 0 : index
    %get3A_273 = vector.load %arg3[%get3A_271, %get3A_272] : memref<1024x1024xf32, #tpu.memory_space<vmem>>, vector<128x1024xf32>
    %dot_general3A_274 = arith.constant dense<0.000000e+00> : vector<1000x128xf32>
    %dot_general3A_275 = tpu.matmul %get3A_7, %get3A_273, %dot_general3A_274 {dimension_numbers = #tpu.dot_dimension_numbers<[1], [1], [0], [0], [0, 0, 1, 0], [], []>, transpose_lhs_hint = false} : vector<1000x1024xf32>, vector<128x1024xf32>, vector<1000x128xf32> -> vector<1000x128xf32>
    %add3A_276 = vector.broadcast %get3A_1 : vector<1000x1xf32> to vector<1000x128xf32>
    %add3A_277 = arith.addf %dot_general3A_275, %add3A_276 : vector<1000x128xf32>
    %reduce_max3A_278 = arith.constant dense<0xFF800000> : vector<128xf32>
    %reduce_max3A_279 = vector.multi_reduction <maximumf>, %add3A_277, %reduce_max3A_278 [0] : vector<1000x128xf32> to vector<128xf32>
    %broadcast_in_dim3A_280 = vector.shape_cast %reduce_max3A_279 : vector<128xf32> to vector<1x128xf32>
    %sub3A_281 = vector.broadcast %broadcast_in_dim3A_280 : vector<1x128xf32> to vector<1000x128xf32>
    %sub3A_282 = arith.subf %add3A_277, %sub3A_281 : vector<1000x128xf32>
    %exp3A_283 = math.exp %sub3A_282 : vector<1000x128xf32>
    %reduce_sum3A_284 = arith.constant dense<0.000000e+00> : vector<128xf32>
    %reduce_sum3A_285 = vector.multi_reduction <add>, %exp3A_283, %reduce_sum3A_284 [0] : vector<1000x128xf32> to vector<128xf32>
    %broadcast_in_dim3A_286 = vector.shape_cast %reduce_sum3A_285 : vector<128xf32> to vector<1x128xf32>
    %mul3A_287 = arith.mulf %exp3A_283, %add3A_277 : vector<1000x128xf32>
    %reduce_sum3A_288 = arith.constant dense<0.000000e+00> : vector<128xf32>
    %reduce_sum3A_289 = vector.multi_reduction <add>, %mul3A_287, %reduce_sum3A_288 [0] : vector<1000x128xf32> to vector<128xf32>
    %broadcast_in_dim3A_290 = vector.shape_cast %reduce_sum3A_289 : vector<128xf32> to vector<1x128xf32>
    %log3A_291 = math.log %broadcast_in_dim3A_286 : vector<1x128xf32>
    %add3A_292 = arith.addf %broadcast_in_dim3A_280, %log3A_291 : vector<1x128xf32>
    %div3A_293 = arith.divf %broadcast_in_dim3A_290, %broadcast_in_dim3A_286 : vector<1x128xf32>
    %sub3A_294 = arith.subf %add3A_292, %div3A_293 : vector<1x128xf32>
    %div3A_295 = arith.constant 1.000000e+00 : f32
    %div3A_296 = vector.broadcast %div3A_295 : f32 to vector<1x128xf32>
    %div3A_297 = arith.divf %div3A_296, %broadcast_in_dim3A_286 : vector<1x128xf32>
    %iota3A_298 = tpu.iota {dimensions = array<i32: 0>} : vector<1000x128xi32>
    %eq3A_299 = vector.broadcast %broadcast_in_dim3A_280 : vector<1x128xf32> to vector<1000x128xf32>
    %eq3A_300 = arith.cmpf oeq, %add3A_277, %eq3A_299 : vector<1000x128xf32>
    %jit3A_301 = arith.constant 1000 : i32
    %broadcast_in_dim3A_302 = vector.broadcast %jit3A_301 : i32 to vector<1000x128xi32>
    %select_n3A_303 = arith.select %eq3A_300, %iota3A_298, %broadcast_in_dim3A_302 : vector<1000x128xi1>, vector<1000x128xi32>
    %reduce_min3A_304 = arith.constant dense<2147483647> : vector<128xi32>
    %reduce_min3A_305 = vector.multi_reduction <minsi>, %select_n3A_303, %reduce_min3A_304 [0] : vector<1000x128xi32> to vector<128xi32>
    %broadcast_in_dim3A_306 = vector.shape_cast %reduce_min3A_305 : vector<128xi32> to vector<1x128xi32>
    %convert_element_type3A_307 = arith.sitofp %broadcast_in_dim3A_306 : vector<1x128xi32> to vector<1x128xf32>
    %iota3A_308 = tpu.iota {dimensions = array<i32: 1>} : vector<1x128xi32>
    %add3A_309 = arith.constant 256 : i32
    %add3A_310 = vector.broadcast %add3A_309 : i32 to vector<1x128xi32>
    %add3A_311 = arith.addi %iota3A_308, %add3A_310 : vector<1x128xi32>
    %lt3A_312 = arith.constant 1000 : i32
    %lt3A_313 = vector.broadcast %lt3A_312 : i32 to vector<1x128xi32>
    %lt3A_314 = arith.cmpi slt, %add3A_311, %lt3A_313 : vector<1x128xi32>
    %convert_element_type3A_315 = arith.extui %lt3A_314 : vector<1x128xi1> to vector<1x128xi32>
    %convert_element_type3A_316 = arith.sitofp %convert_element_type3A_315 : vector<1x128xi32> to vector<1x128xf32>
    %mul3A_317 = arith.mulf %convert_element_type3A_316, %convert_element_type3A_307 : vector<1x128xf32>
    %sub3A_318 = arith.constant 1.000000e+00 : f32
    %sub3A_319 = vector.broadcast %sub3A_318 : f32 to vector<1x128xf32>
    %sub3A_320 = arith.subf %sub3A_319, %convert_element_type3A_316 : vector<1x128xf32>
    %mul3A_321 = arith.constant -2.000000e+00 : f32
    %mul3A_322 = vector.broadcast %mul3A_321 : f32 to vector<1x128xf32>
    %mul3A_323 = arith.mulf %sub3A_320, %mul3A_322 : vector<1x128xf32>
    %add3A_324 = arith.addf %mul3A_317, %mul3A_323 : vector<1x128xf32>
    %swap3A_325 = arith.constant 2 : index
    %swap3A_326 = arith.constant 0 : index
    %swap3A_327 = vector.load %arg5[%swap3A_325, %swap3A_326] : memref<12x128xf32, #tpu.memory_space<vmem>>, vector<1x128xf32>
    tpu.vector_store %arg5[%swap3A_325, %swap3A_326], %add3A_324 {strides = array<i32>} : memref<12x128xf32, #tpu.memory_space<vmem>>, vector<1x128xf32>,
    %mul3A_328 = arith.constant 1.000000e+03 : f32
    %mul3A_329 = vector.broadcast %mul3A_328 : f32 to vector<1x128xf32>
    %mul3A_330 = arith.mulf %convert_element_type3A_307, %mul3A_329 : vector<1x128xf32>
    %add3A_331 = arith.addf %mul3A_330, %sub3A_294 : vector<1x128xf32>
    %mul3A_332 = arith.mulf %convert_element_type3A_316, %add3A_331 : vector<1x128xf32>
    %sub3A_333 = arith.constant 1.000000e+00 : f32
    %sub3A_334 = vector.broadcast %sub3A_333 : f32 to vector<1x128xf32>
    %sub3A_335 = arith.subf %sub3A_334, %convert_element_type3A_316 : vector<1x128xf32>
    %mul3A_336 = arith.constant -5.000000e+03 : f32
    %mul3A_337 = vector.broadcast %mul3A_336 : f32 to vector<1x128xf32>
    %mul3A_338 = arith.mulf %sub3A_335, %mul3A_337 : vector<1x128xf32>
    %add3A_339 = arith.addf %mul3A_332, %mul3A_338 : vector<1x128xf32>
    %swap3A_340 = arith.constant 2 : index
    %swap3A_341 = arith.constant 0 : index
    %swap3A_342 = vector.load %arg6[%swap3A_340, %swap3A_341] : memref<12x128xf32, #tpu.memory_space<vmem>>, vector<1x128xf32>
    tpu.vector_store %arg6[%swap3A_340, %swap3A_341], %add3A_339 {strides = array<i32>} : memref<12x128xf32, #tpu.memory_space<vmem>>, vector<1x128xf32>,
    %max3A_343 = arith.constant 9.99999997E-7 : f32
    %max3A_344 = vector.broadcast %max3A_343 : f32 to vector<1x128xf32>
    %max3A_345 = arith.maximumf %div3A_297, %max3A_344 : vector<1x128xf32>
    %mul3A_346 = arith.mulf %convert_element_type3A_316, %max3A_345 : vector<1x128xf32>
    %swap3A_347 = arith.constant 2 : index
    %swap3A_348 = arith.constant 0 : index
    %swap3A_349 = vector.load %arg7[%swap3A_347, %swap3A_348] : memref<12x128xf32, #tpu.memory_space<vmem>>, vector<1x128xf32>
    tpu.vector_store %arg7[%swap3A_347, %swap3A_348], %mul3A_346 {strides = array<i32>} : memref<12x128xf32, #tpu.memory_space<vmem>>, vector<1x128xf32>,
    %get3A_350 = arith.constant 384 : index
    %get3A_351 = arith.constant 0 : index
    %get3A_352 = vector.load %arg3[%get3A_350, %get3A_351] : memref<1024x1024xf32, #tpu.memory_space<vmem>>, vector<128x1024xf32>
    %dot_general3A_353 = arith.constant dense<0.000000e+00> : vector<1000x128xf32>
    %dot_general3A_354 = tpu.matmul %get3A_7, %get3A_352, %dot_general3A_353 {dimension_numbers = #tpu.dot_dimension_numbers<[1], [1], [0], [0], [0, 0, 1, 0], [], []>, transpose_lhs_hint = false} : vector<1000x1024xf32>, vector<128x1024xf32>, vector<1000x128xf32> -> vector<1000x128xf32>
    %add3A_355 = vector.broadcast %get3A_1 : vector<1000x1xf32> to vector<1000x128xf32>
    %add3A_356 = arith.addf %dot_general3A_354, %add3A_355 : vector<1000x128xf32>
    %reduce_max3A_357 = arith.constant dense<0xFF800000> : vector<128xf32>
    %reduce_max3A_358 = vector.multi_reduction <maximumf>, %add3A_356, %reduce_max3A_357 [0] : vector<1000x128xf32> to vector<128xf32>
    %broadcast_in_dim3A_359 = vector.shape_cast %reduce_max3A_358 : vector<128xf32> to vector<1x128xf32>
    %sub3A_360 = vector.broadcast %broadcast_in_dim3A_359 : vector<1x128xf32> to vector<1000x128xf32>
    %sub3A_361 = arith.subf %add3A_356, %sub3A_360 : vector<1000x128xf32>
    %exp3A_362 = math.exp %sub3A_361 : vector<1000x128xf32>
    %reduce_sum3A_363 = arith.constant dense<0.000000e+00> : vector<128xf32>
    %reduce_sum3A_364 = vector.multi_reduction <add>, %exp3A_362, %reduce_sum3A_363 [0] : vector<1000x128xf32> to vector<128xf32>
    %broadcast_in_dim3A_365 = vector.shape_cast %reduce_sum3A_364 : vector<128xf32> to vector<1x128xf32>
    %mul3A_366 = arith.mulf %exp3A_362, %add3A_356 : vector<1000x128xf32>
    %reduce_sum3A_367 = arith.constant dense<0.000000e+00> : vector<128xf32>
    %reduce_sum3A_368 = vector.multi_reduction <add>, %mul3A_366, %reduce_sum3A_367 [0] : vector<1000x128xf32> to vector<128xf32>
    %broadcast_in_dim3A_369 = vector.shape_cast %reduce_sum3A_368 : vector<128xf32> to vector<1x128xf32>
    %log3A_370 = math.log %broadcast_in_dim3A_365 : vector<1x128xf32>
    %add3A_371 = arith.addf %broadcast_in_dim3A_359, %log3A_370 : vector<1x128xf32>
    %div3A_372 = arith.divf %broadcast_in_dim3A_369, %broadcast_in_dim3A_365 : vector<1x128xf32>
    %sub3A_373 = arith.subf %add3A_371, %div3A_372 : vector<1x128xf32>
    %div3A_374 = arith.constant 1.000000e+00 : f32
    %div3A_375 = vector.broadcast %div3A_374 : f32 to vector<1x128xf32>
    %div3A_376 = arith.divf %div3A_375, %broadcast_in_dim3A_365 : vector<1x128xf32>
    %iota3A_377 = tpu.iota {dimensions = array<i32: 0>} : vector<1000x128xi32>
    %eq3A_378 = vector.broadcast %broadcast_in_dim3A_359 : vector<1x128xf32> to vector<1000x128xf32>
    %eq3A_379 = arith.cmpf oeq, %add3A_356, %eq3A_378 : vector<1000x128xf32>
    %jit3A_380 = arith.constant 1000 : i32
    %broadcast_in_dim3A_381 = vector.broadcast %jit3A_380 : i32 to vector<1000x128xi32>
    %select_n3A_382 = arith.select %eq3A_379, %iota3A_377, %broadcast_in_dim3A_381 : vector<1000x128xi1>, vector<1000x128xi32>
    %reduce_min3A_383 = arith.constant dense<2147483647> : vector<128xi32>
    %reduce_min3A_384 = vector.multi_reduction <minsi>, %select_n3A_382, %reduce_min3A_383 [0] : vector<1000x128xi32> to vector<128xi32>
    %broadcast_in_dim3A_385 = vector.shape_cast %reduce_min3A_384 : vector<128xi32> to vector<1x128xi32>
    %convert_element_type3A_386 = arith.sitofp %broadcast_in_dim3A_385 : vector<1x128xi32> to vector<1x128xf32>
    %iota3A_387 = tpu.iota {dimensions = array<i32: 1>} : vector<1x128xi32>
    %add3A_388 = arith.constant 384 : i32
    %add3A_389 = vector.broadcast %add3A_388 : i32 to vector<1x128xi32>
    %add3A_390 = arith.addi %iota3A_387, %add3A_389 : vector<1x128xi32>
    %lt3A_391 = arith.constant 1000 : i32
    %lt3A_392 = vector.broadcast %lt3A_391 : i32 to vector<1x128xi32>
    %lt3A_393 = arith.cmpi slt, %add3A_390, %lt3A_392 : vector<1x128xi32>
    %convert_element_type3A_394 = arith.extui %lt3A_393 : vector<1x128xi1> to vector<1x128xi32>
    %convert_element_type3A_395 = arith.sitofp %convert_element_type3A_394 : vector<1x128xi32> to vector<1x128xf32>
    %mul3A_396 = arith.mulf %convert_element_type3A_395, %convert_element_type3A_386 : vector<1x128xf32>
    %sub3A_397 = arith.constant 1.000000e+00 : f32
    %sub3A_398 = vector.broadcast %sub3A_397 : f32 to vector<1x128xf32>
    %sub3A_399 = arith.subf %sub3A_398, %convert_element_type3A_395 : vector<1x128xf32>
    %mul3A_400 = arith.constant -2.000000e+00 : f32
    %mul3A_401 = vector.broadcast %mul3A_400 : f32 to vector<1x128xf32>
    %mul3A_402 = arith.mulf %sub3A_399, %mul3A_401 : vector<1x128xf32>
    %add3A_403 = arith.addf %mul3A_396, %mul3A_402 : vector<1x128xf32>
    %swap3A_404 = arith.constant 3 : index
    %swap3A_405 = arith.constant 0 : index
    %swap3A_406 = vector.load %arg5[%swap3A_404, %swap3A_405] : memref<12x128xf32, #tpu.memory_space<vmem>>, vector<1x128xf32>
    tpu.vector_store %arg5[%swap3A_404, %swap3A_405], %add3A_403 {strides = array<i32>} : memref<12x128xf32, #tpu.memory_space<vmem>>, vector<1x128xf32>,
    %mul3A_407 = arith.constant 1.000000e+03 : f32
    %mul3A_408 = vector.broadcast %mul3A_407 : f32 to vector<1x128xf32>
    %mul3A_409 = arith.mulf %convert_element_type3A_386, %mul3A_408 : vector<1x128xf32>
    %add3A_410 = arith.addf %mul3A_409, %sub3A_373 : vector<1x128xf32>
    %mul3A_411 = arith.mulf %convert_element_type3A_395, %add3A_410 : vector<1x128xf32>
    %sub3A_412 = arith.constant 1.000000e+00 : f32
    %sub3A_413 = vector.broadcast %sub3A_412 : f32 to vector<1x128xf32>
    %sub3A_414 = arith.subf %sub3A_413, %convert_element_type3A_395 : vector<1x128xf32>
    %mul3A_415 = arith.constant -5.000000e+03 : f32
    %mul3A_416 = vector.broadcast %mul3A_415 : f32 to vector<1x128xf32>
    %mul3A_417 = arith.mulf %sub3A_414, %mul3A_416 : vector<1x128xf32>
    %add3A_418 = arith.addf %mul3A_411, %mul3A_417 : vector<1x128xf32>
    %swap3A_419 = arith.constant 3 : index
    %swap3A_420 = arith.constant 0 : index
    %swap3A_421 = vector.load %arg6[%swap3A_419, %swap3A_420] : memref<12x128xf32, #tpu.memory_space<vmem>>, vector<1x128xf32>
    tpu.vector_store %arg6[%swap3A_419, %swap3A_420], %add3A_418 {strides = array<i32>} : memref<12x128xf32, #tpu.memory_space<vmem>>, vector<1x128xf32>,
    %max3A_422 = arith.constant 9.99999997E-7 : f32
    %max3A_423 = vector.broadcast %max3A_422 : f32 to vector<1x128xf32>
    %max3A_424 = arith.maximumf %div3A_376, %max3A_423 : vector<1x128xf32>
    %mul3A_425 = arith.mulf %convert_element_type3A_395, %max3A_424 : vector<1x128xf32>
    %swap3A_426 = arith.constant 3 : index
    %swap3A_427 = arith.constant 0 : index
    %swap3A_428 = vector.load %arg7[%swap3A_426, %swap3A_427] : memref<12x128xf32, #tpu.memory_space<vmem>>, vector<1x128xf32>
    tpu.vector_store %arg7[%swap3A_426, %swap3A_427], %mul3A_425 {strides = array<i32>} : memref<12x128xf32, #tpu.memory_space<vmem>>, vector<1x128xf32>,
    %get3A_429 = arith.constant 512 : index
    %get3A_430 = arith.constant 0 : index
    %get3A_431 = vector.load %arg3[%get3A_429, %get3A_430] : memref<1024x1024xf32, #tpu.memory_space<vmem>>, vector<128x1024xf32>
    %dot_general3A_432 = arith.constant dense<0.000000e+00> : vector<1000x128xf32>
    %dot_general3A_433 = tpu.matmul %get3A_7, %get3A_431, %dot_general3A_432 {dimension_numbers = #tpu.dot_dimension_numbers<[1], [1], [0], [0], [0, 0, 1, 0], [], []>, transpose_lhs_hint = false} : vector<1000x1024xf32>, vector<128x1024xf32>, vector<1000x128xf32> -> vector<1000x128xf32>
    %add3A_434 = vector.broadcast %get3A_1 : vector<1000x1xf32> to vector<1000x128xf32>
    %add3A_435 = arith.addf %dot_general3A_433, %add3A_434 : vector<1000x128xf32>
    %reduce_max3A_436 = arith.constant dense<0xFF800000> : vector<128xf32>
    %reduce_max3A_437 = vector.multi_reduction <maximumf>, %add3A_435, %reduce_max3A_436 [0] : vector<1000x128xf32> to vector<128xf32>
    %broadcast_in_dim3A_438 = vector.shape_cast %reduce_max3A_437 : vector<128xf32> to vector<1x128xf32>
    %sub3A_439 = vector.broadcast %broadcast_in_dim3A_438 : vector<1x128xf32> to vector<1000x128xf32>
    %sub3A_440 = arith.subf %add3A_435, %sub3A_439 : vector<1000x128xf32>
    %exp3A_441 = math.exp %sub3A_440 : vector<1000x128xf32>
    %reduce_sum3A_442 = arith.constant dense<0.000000e+00> : vector<128xf32>
    %reduce_sum3A_443 = vector.multi_reduction <add>, %exp3A_441, %reduce_sum3A_442 [0] : vector<1000x128xf32> to vector<128xf32>
    %broadcast_in_dim3A_444 = vector.shape_cast %reduce_sum3A_443 : vector<128xf32> to vector<1x128xf32>
    %mul3A_445 = arith.mulf %exp3A_441, %add3A_435 : vector<1000x128xf32>
    %reduce_sum3A_446 = arith.constant dense<0.000000e+00> : vector<128xf32>
    %reduce_sum3A_447 = vector.multi_reduction <add>, %mul3A_445, %reduce_sum3A_446 [0] : vector<1000x128xf32> to vector<128xf32>
    %broadcast_in_dim3A_448 = vector.shape_cast %reduce_sum3A_447 : vector<128xf32> to vector<1x128xf32>
    %log3A_449 = math.log %broadcast_in_dim3A_444 : vector<1x128xf32>
    %add3A_450 = arith.addf %broadcast_in_dim3A_438, %log3A_449 : vector<1x128xf32>
    %div3A_451 = arith.divf %broadcast_in_dim3A_448, %broadcast_in_dim3A_444 : vector<1x128xf32>
    %sub3A_452 = arith.subf %add3A_450, %div3A_451 : vector<1x128xf32>
    %div3A_453 = arith.constant 1.000000e+00 : f32
    %div3A_454 = vector.broadcast %div3A_453 : f32 to vector<1x128xf32>
    %div3A_455 = arith.divf %div3A_454, %broadcast_in_dim3A_444 : vector<1x128xf32>
    %iota3A_456 = tpu.iota {dimensions = array<i32: 0>} : vector<1000x128xi32>
    %eq3A_457 = vector.broadcast %broadcast_in_dim3A_438 : vector<1x128xf32> to vector<1000x128xf32>
    %eq3A_458 = arith.cmpf oeq, %add3A_435, %eq3A_457 : vector<1000x128xf32>
    %jit3A_459 = arith.constant 1000 : i32
    %broadcast_in_dim3A_460 = vector.broadcast %jit3A_459 : i32 to vector<1000x128xi32>
    %select_n3A_461 = arith.select %eq3A_458, %iota3A_456, %broadcast_in_dim3A_460 : vector<1000x128xi1>, vector<1000x128xi32>
    %reduce_min3A_462 = arith.constant dense<2147483647> : vector<128xi32>
    %reduce_min3A_463 = vector.multi_reduction <minsi>, %select_n3A_461, %reduce_min3A_462 [0] : vector<1000x128xi32> to vector<128xi32>
    %broadcast_in_dim3A_464 = vector.shape_cast %reduce_min3A_463 : vector<128xi32> to vector<1x128xi32>
    %convert_element_type3A_465 = arith.sitofp %broadcast_in_dim3A_464 : vector<1x128xi32> to vector<1x128xf32>
    %iota3A_466 = tpu.iota {dimensions = array<i32: 1>} : vector<1x128xi32>
    %add3A_467 = arith.constant 512 : i32
    %add3A_468 = vector.broadcast %add3A_467 : i32 to vector<1x128xi32>
    %add3A_469 = arith.addi %iota3A_466, %add3A_468 : vector<1x128xi32>
    %lt3A_470 = arith.constant 1000 : i32
    %lt3A_471 = vector.broadcast %lt3A_470 : i32 to vector<1x128xi32>
    %lt3A_472 = arith.cmpi slt, %add3A_469, %lt3A_471 : vector<1x128xi32>
    %convert_element_type3A_473 = arith.extui %lt3A_472 : vector<1x128xi1> to vector<1x128xi32>
    %convert_element_type3A_474 = arith.sitofp %convert_element_type3A_473 : vector<1x128xi32> to vector<1x128xf32>
    %mul3A_475 = arith.mulf %convert_element_type3A_474, %convert_element_type3A_465 : vector<1x128xf32>
    %sub3A_476 = arith.constant 1.000000e+00 : f32
    %sub3A_477 = vector.broadcast %sub3A_476 : f32 to vector<1x128xf32>
    %sub3A_478 = arith.subf %sub3A_477, %convert_element_type3A_474 : vector<1x128xf32>
    %mul3A_479 = arith.constant -2.000000e+00 : f32
    %mul3A_480 = vector.broadcast %mul3A_479 : f32 to vector<1x128xf32>
    %mul3A_481 = arith.mulf %sub3A_478, %mul3A_480 : vector<1x128xf32>
    %add3A_482 = arith.addf %mul3A_475, %mul3A_481 : vector<1x128xf32>
    %swap3A_483 = arith.constant 4 : index
    %swap3A_484 = arith.constant 0 : index
    %swap3A_485 = vector.load %arg5[%swap3A_483, %swap3A_484] : memref<12x128xf32, #tpu.memory_space<vmem>>, vector<1x128xf32>
    tpu.vector_store %arg5[%swap3A_483, %swap3A_484], %add3A_482 {strides = array<i32>} : memref<12x128xf32, #tpu.memory_space<vmem>>, vector<1x128xf32>,
    %mul3A_486 = arith.constant 1.000000e+03 : f32
    %mul3A_487 = vector.broadcast %mul3A_486 : f32 to vector<1x128xf32>
    %mul3A_488 = arith.mulf %convert_element_type3A_465, %mul3A_487 : vector<1x128xf32>
    %add3A_489 = arith.addf %mul3A_488, %sub3A_452 : vector<1x128xf32>
    %mul3A_490 = arith.mulf %convert_element_type3A_474, %add3A_489 : vector<1x128xf32>
    %sub3A_491 = arith.constant 1.000000e+00 : f32
    %sub3A_492 = vector.broadcast %sub3A_491 : f32 to vector<1x128xf32>
    %sub3A_493 = arith.subf %sub3A_492, %convert_element_type3A_474 : vector<1x128xf32>
    %mul3A_494 = arith.constant -5.000000e+03 : f32
    %mul3A_495 = vector.broadcast %mul3A_494 : f32 to vector<1x128xf32>
    %mul3A_496 = arith.mulf %sub3A_493, %mul3A_495 : vector<1x128xf32>
    %add3A_497 = arith.addf %mul3A_490, %mul3A_496 : vector<1x128xf32>
    %swap3A_498 = arith.constant 4 : index
    %swap3A_499 = arith.constant 0 : index
    %swap3A_500 = vector.load %arg6[%swap3A_498, %swap3A_499] : memref<12x128xf32, #tpu.memory_space<vmem>>, vector<1x128xf32>
    tpu.vector_store %arg6[%swap3A_498, %swap3A_499], %add3A_497 {strides = array<i32>} : memref<12x128xf32, #tpu.memory_space<vmem>>, vector<1x128xf32>,
    %max3A_501 = arith.constant 9.99999997E-7 : f32
    %max3A_502 = vector.broadcast %max3A_501 : f32 to vector<1x128xf32>
    %max3A_503 = arith.maximumf %div3A_455, %max3A_502 : vector<1x128xf32>
    %mul3A_504 = arith.mulf %convert_element_type3A_474, %max3A_503 : vector<1x128xf32>
    %swap3A_505 = arith.constant 4 : index
    %swap3A_506 = arith.constant 0 : index
    %swap3A_507 = vector.load %arg7[%swap3A_505, %swap3A_506] : memref<12x128xf32, #tpu.memory_space<vmem>>, vector<1x128xf32>
    tpu.vector_store %arg7[%swap3A_505, %swap3A_506], %mul3A_504 {strides = array<i32>} : memref<12x128xf32, #tpu.memory_space<vmem>>, vector<1x128xf32>,
    %get3A_508 = arith.constant 640 : index
    %get3A_509 = arith.constant 0 : index
    %get3A_510 = vector.load %arg3[%get3A_508, %get3A_509] : memref<1024x1024xf32, #tpu.memory_space<vmem>>, vector<128x1024xf32>
    %dot_general3A_511 = arith.constant dense<0.000000e+00> : vector<1000x128xf32>
    %dot_general3A_512 = tpu.matmul %get3A_7, %get3A_510, %dot_general3A_511 {dimension_numbers = #tpu.dot_dimension_numbers<[1], [1], [0], [0], [0, 0, 1, 0], [], []>, transpose_lhs_hint = false} : vector<1000x1024xf32>, vector<128x1024xf32>, vector<1000x128xf32> -> vector<1000x128xf32>
    %add3A_513 = vector.broadcast %get3A_1 : vector<1000x1xf32> to vector<1000x128xf32>
    %add3A_514 = arith.addf %dot_general3A_512, %add3A_513 : vector<1000x128xf32>
    %reduce_max3A_515 = arith.constant dense<0xFF800000> : vector<128xf32>
    %reduce_max3A_516 = vector.multi_reduction <maximumf>, %add3A_514, %reduce_max3A_515 [0] : vector<1000x128xf32> to vector<128xf32>
    %broadcast_in_dim3A_517 = vector.shape_cast %reduce_max3A_516 : vector<128xf32> to vector<1x128xf32>
    %sub3A_518 = vector.broadcast %broadcast_in_dim3A_517 : vector<1x128xf32> to vector<1000x128xf32>
    %sub3A_519 = arith.subf %add3A_514, %sub3A_518 : vector<1000x128xf32>
    %exp3A_520 = math.exp %sub3A_519 : vector<1000x128xf32>
    %reduce_sum3A_521 = arith.constant dense<0.000000e+00> : vector<128xf32>
    %reduce_sum3A_522 = vector.multi_reduction <add>, %exp3A_520, %reduce_sum3A_521 [0] : vector<1000x128xf32> to vector<128xf32>
    %broadcast_in_dim3A_523 = vector.shape_cast %reduce_sum3A_522 : vector<128xf32> to vector<1x128xf32>
    %mul3A_524 = arith.mulf %exp3A_520, %add3A_514 : vector<1000x128xf32>
    %reduce_sum3A_525 = arith.constant dense<0.000000e+00> : vector<128xf32>
    %reduce_sum3A_526 = vector.multi_reduction <add>, %mul3A_524, %reduce_sum3A_525 [0] : vector<1000x128xf32> to vector<128xf32>
    %broadcast_in_dim3A_527 = vector.shape_cast %reduce_sum3A_526 : vector<128xf32> to vector<1x128xf32>
    %log3A_528 = math.log %broadcast_in_dim3A_523 : vector<1x128xf32>
    %add3A_529 = arith.addf %broadcast_in_dim3A_517, %log3A_528 : vector<1x128xf32>
    %div3A_530 = arith.divf %broadcast_in_dim3A_527, %broadcast_in_dim3A_523 : vector<1x128xf32>
    %sub3A_531 = arith.subf %add3A_529, %div3A_530 : vector<1x128xf32>
    %div3A_532 = arith.constant 1.000000e+00 : f32
    %div3A_533 = vector.broadcast %div3A_532 : f32 to vector<1x128xf32>
    %div3A_534 = arith.divf %div3A_533, %broadcast_in_dim3A_523 : vector<1x128xf32>
    %iota3A_535 = tpu.iota {dimensions = array<i32: 0>} : vector<1000x128xi32>
    %eq3A_536 = vector.broadcast %broadcast_in_dim3A_517 : vector<1x128xf32> to vector<1000x128xf32>
    %eq3A_537 = arith.cmpf oeq, %add3A_514, %eq3A_536 : vector<1000x128xf32>
    %jit3A_538 = arith.constant 1000 : i32
    %broadcast_in_dim3A_539 = vector.broadcast %jit3A_538 : i32 to vector<1000x128xi32>
    %select_n3A_540 = arith.select %eq3A_537, %iota3A_535, %broadcast_in_dim3A_539 : vector<1000x128xi1>, vector<1000x128xi32>
    %reduce_min3A_541 = arith.constant dense<2147483647> : vector<128xi32>
    %reduce_min3A_542 = vector.multi_reduction <minsi>, %select_n3A_540, %reduce_min3A_541 [0] : vector<1000x128xi32> to vector<128xi32>
    %broadcast_in_dim3A_543 = vector.shape_cast %reduce_min3A_542 : vector<128xi32> to vector<1x128xi32>
    %convert_element_type3A_544 = arith.sitofp %broadcast_in_dim3A_543 : vector<1x128xi32> to vector<1x128xf32>
    %iota3A_545 = tpu.iota {dimensions = array<i32: 1>} : vector<1x128xi32>
    %add3A_546 = arith.constant 640 : i32
    %add3A_547 = vector.broadcast %add3A_546 : i32 to vector<1x128xi32>
    %add3A_548 = arith.addi %iota3A_545, %add3A_547 : vector<1x128xi32>
    %lt3A_549 = arith.constant 1000 : i32
    %lt3A_550 = vector.broadcast %lt3A_549 : i32 to vector<1x128xi32>
    %lt3A_551 = arith.cmpi slt, %add3A_548, %lt3A_550 : vector<1x128xi32>
    %convert_element_type3A_552 = arith.extui %lt3A_551 : vector<1x128xi1> to vector<1x128xi32>
    %convert_element_type3A_553 = arith.sitofp %convert_element_type3A_552 : vector<1x128xi32> to vector<1x128xf32>
    %mul3A_554 = arith.mulf %convert_element_type3A_553, %convert_element_type3A_544 : vector<1x128xf32>
    %sub3A_555 = arith.constant 1.000000e+00 : f32
    %sub3A_556 = vector.broadcast %sub3A_555 : f32 to vector<1x128xf32>
    %sub3A_557 = arith.subf %sub3A_556, %convert_element_type3A_553 : vector<1x128xf32>
    %mul3A_558 = arith.constant -2.000000e+00 : f32
    %mul3A_559 = vector.broadcast %mul3A_558 : f32 to vector<1x128xf32>
    %mul3A_560 = arith.mulf %sub3A_557, %mul3A_559 : vector<1x128xf32>
    %add3A_561 = arith.addf %mul3A_554, %mul3A_560 : vector<1x128xf32>
    %swap3A_562 = arith.constant 5 : index
    %swap3A_563 = arith.constant 0 : index
    %swap3A_564 = vector.load %arg5[%swap3A_562, %swap3A_563] : memref<12x128xf32, #tpu.memory_space<vmem>>, vector<1x128xf32>
    tpu.vector_store %arg5[%swap3A_562, %swap3A_563], %add3A_561 {strides = array<i32>} : memref<12x128xf32, #tpu.memory_space<vmem>>, vector<1x128xf32>,
    %mul3A_565 = arith.constant 1.000000e+03 : f32
    %mul3A_566 = vector.broadcast %mul3A_565 : f32 to vector<1x128xf32>
    %mul3A_567 = arith.mulf %convert_element_type3A_544, %mul3A_566 : vector<1x128xf32>
    %add3A_568 = arith.addf %mul3A_567, %sub3A_531 : vector<1x128xf32>
    %mul3A_569 = arith.mulf %convert_element_type3A_553, %add3A_568 : vector<1x128xf32>
    %sub3A_570 = arith.constant 1.000000e+00 : f32
    %sub3A_571 = vector.broadcast %sub3A_570 : f32 to vector<1x128xf32>
    %sub3A_572 = arith.subf %sub3A_571, %convert_element_type3A_553 : vector<1x128xf32>
    %mul3A_573 = arith.constant -5.000000e+03 : f32
    %mul3A_574 = vector.broadcast %mul3A_573 : f32 to vector<1x128xf32>
    %mul3A_575 = arith.mulf %sub3A_572, %mul3A_574 : vector<1x128xf32>
    %add3A_576 = arith.addf %mul3A_569, %mul3A_575 : vector<1x128xf32>
    %swap3A_577 = arith.constant 5 : index
    %swap3A_578 = arith.constant 0 : index
    %swap3A_579 = vector.load %arg6[%swap3A_577, %swap3A_578] : memref<12x128xf32, #tpu.memory_space<vmem>>, vector<1x128xf32>
    tpu.vector_store %arg6[%swap3A_577, %swap3A_578], %add3A_576 {strides = array<i32>} : memref<12x128xf32, #tpu.memory_space<vmem>>, vector<1x128xf32>,
    %max3A_580 = arith.constant 9.99999997E-7 : f32
    %max3A_581 = vector.broadcast %max3A_580 : f32 to vector<1x128xf32>
    %max3A_582 = arith.maximumf %div3A_534, %max3A_581 : vector<1x128xf32>
    %mul3A_583 = arith.mulf %convert_element_type3A_553, %max3A_582 : vector<1x128xf32>
    %swap3A_584 = arith.constant 5 : index
    %swap3A_585 = arith.constant 0 : index
    %swap3A_586 = vector.load %arg7[%swap3A_584, %swap3A_585] : memref<12x128xf32, #tpu.memory_space<vmem>>, vector<1x128xf32>
    tpu.vector_store %arg7[%swap3A_584, %swap3A_585], %mul3A_583 {strides = array<i32>} : memref<12x128xf32, #tpu.memory_space<vmem>>, vector<1x128xf32>,
    %get3A_587 = arith.constant 768 : index
    %get3A_588 = arith.constant 0 : index
    %get3A_589 = vector.load %arg3[%get3A_587, %get3A_588] : memref<1024x1024xf32, #tpu.memory_space<vmem>>, vector<128x1024xf32>
    %dot_general3A_590 = arith.constant dense<0.000000e+00> : vector<1000x128xf32>
    %dot_general3A_591 = tpu.matmul %get3A_7, %get3A_589, %dot_general3A_590 {dimension_numbers = #tpu.dot_dimension_numbers<[1], [1], [0], [0], [0, 0, 1, 0], [], []>, transpose_lhs_hint = false} : vector<1000x1024xf32>, vector<128x1024xf32>, vector<1000x128xf32> -> vector<1000x128xf32>
    %add3A_592 = vector.broadcast %get3A_1 : vector<1000x1xf32> to vector<1000x128xf32>
    %add3A_593 = arith.addf %dot_general3A_591, %add3A_592 : vector<1000x128xf32>
    %reduce_max3A_594 = arith.constant dense<0xFF800000> : vector<128xf32>
    %reduce_max3A_595 = vector.multi_reduction <maximumf>, %add3A_593, %reduce_max3A_594 [0] : vector<1000x128xf32> to vector<128xf32>
    %broadcast_in_dim3A_596 = vector.shape_cast %reduce_max3A_595 : vector<128xf32> to vector<1x128xf32>
    %sub3A_597 = vector.broadcast %broadcast_in_dim3A_596 : vector<1x128xf32> to vector<1000x128xf32>
    %sub3A_598 = arith.subf %add3A_593, %sub3A_597 : vector<1000x128xf32>
    %exp3A_599 = math.exp %sub3A_598 : vector<1000x128xf32>
    %reduce_sum3A_600 = arith.constant dense<0.000000e+00> : vector<128xf32>
    %reduce_sum3A_601 = vector.multi_reduction <add>, %exp3A_599, %reduce_sum3A_600 [0] : vector<1000x128xf32> to vector<128xf32>
    %broadcast_in_dim3A_602 = vector.shape_cast %reduce_sum3A_601 : vector<128xf32> to vector<1x128xf32>
    %mul3A_603 = arith.mulf %exp3A_599, %add3A_593 : vector<1000x128xf32>
    %reduce_sum3A_604 = arith.constant dense<0.000000e+00> : vector<128xf32>
    %reduce_sum3A_605 = vector.multi_reduction <add>, %mul3A_603, %reduce_sum3A_604 [0] : vector<1000x128xf32> to vector<128xf32>
    %broadcast_in_dim3A_606 = vector.shape_cast %reduce_sum3A_605 : vector<128xf32> to vector<1x128xf32>
    %log3A_607 = math.log %broadcast_in_dim3A_602 : vector<1x128xf32>
    %add3A_608 = arith.addf %broadcast_in_dim3A_596, %log3A_607 : vector<1x128xf32>
    %div3A_609 = arith.divf %broadcast_in_dim3A_606, %broadcast_in_dim3A_602 : vector<1x128xf32>
    %sub3A_610 = arith.subf %add3A_608, %div3A_609 : vector<1x128xf32>
    %div3A_611 = arith.constant 1.000000e+00 : f32
    %div3A_612 = vector.broadcast %div3A_611 : f32 to vector<1x128xf32>
    %div3A_613 = arith.divf %div3A_612, %broadcast_in_dim3A_602 : vector<1x128xf32>
    %iota3A_614 = tpu.iota {dimensions = array<i32: 0>} : vector<1000x128xi32>
    %eq3A_615 = vector.broadcast %broadcast_in_dim3A_596 : vector<1x128xf32> to vector<1000x128xf32>
    %eq3A_616 = arith.cmpf oeq, %add3A_593, %eq3A_615 : vector<1000x128xf32>
    %jit3A_617 = arith.constant 1000 : i32
    %broadcast_in_dim3A_618 = vector.broadcast %jit3A_617 : i32 to vector<1000x128xi32>
    %select_n3A_619 = arith.select %eq3A_616, %iota3A_614, %broadcast_in_dim3A_618 : vector<1000x128xi1>, vector<1000x128xi32>
    %reduce_min3A_620 = arith.constant dense<2147483647> : vector<128xi32>
    %reduce_min3A_621 = vector.multi_reduction <minsi>, %select_n3A_619, %reduce_min3A_620 [0] : vector<1000x128xi32> to vector<128xi32>
    %broadcast_in_dim3A_622 = vector.shape_cast %reduce_min3A_621 : vector<128xi32> to vector<1x128xi32>
    %convert_element_type3A_623 = arith.sitofp %broadcast_in_dim3A_622 : vector<1x128xi32> to vector<1x128xf32>
    %iota3A_624 = tpu.iota {dimensions = array<i32: 1>} : vector<1x128xi32>
    %add3A_625 = arith.constant 768 : i32
    %add3A_626 = vector.broadcast %add3A_625 : i32 to vector<1x128xi32>
    %add3A_627 = arith.addi %iota3A_624, %add3A_626 : vector<1x128xi32>
    %lt3A_628 = arith.constant 1000 : i32
    %lt3A_629 = vector.broadcast %lt3A_628 : i32 to vector<1x128xi32>
    %lt3A_630 = arith.cmpi slt, %add3A_627, %lt3A_629 : vector<1x128xi32>
    %convert_element_type3A_631 = arith.extui %lt3A_630 : vector<1x128xi1> to vector<1x128xi32>
    %convert_element_type3A_632 = arith.sitofp %convert_element_type3A_631 : vector<1x128xi32> to vector<1x128xf32>
    %mul3A_633 = arith.mulf %convert_element_type3A_632, %convert_element_type3A_623 : vector<1x128xf32>
    %sub3A_634 = arith.constant 1.000000e+00 : f32
    %sub3A_635 = vector.broadcast %sub3A_634 : f32 to vector<1x128xf32>
    %sub3A_636 = arith.subf %sub3A_635, %convert_element_type3A_632 : vector<1x128xf32>
    %mul3A_637 = arith.constant -2.000000e+00 : f32
    %mul3A_638 = vector.broadcast %mul3A_637 : f32 to vector<1x128xf32>
    %mul3A_639 = arith.mulf %sub3A_636, %mul3A_638 : vector<1x128xf32>
    %add3A_640 = arith.addf %mul3A_633, %mul3A_639 : vector<1x128xf32>
    %swap3A_641 = arith.constant 6 : index
    %swap3A_642 = arith.constant 0 : index
    %swap3A_643 = vector.load %arg5[%swap3A_641, %swap3A_642] : memref<12x128xf32, #tpu.memory_space<vmem>>, vector<1x128xf32>
    tpu.vector_store %arg5[%swap3A_641, %swap3A_642], %add3A_640 {strides = array<i32>} : memref<12x128xf32, #tpu.memory_space<vmem>>, vector<1x128xf32>,
    %mul3A_644 = arith.constant 1.000000e+03 : f32
    %mul3A_645 = vector.broadcast %mul3A_644 : f32 to vector<1x128xf32>
    %mul3A_646 = arith.mulf %convert_element_type3A_623, %mul3A_645 : vector<1x128xf32>
    %add3A_647 = arith.addf %mul3A_646, %sub3A_610 : vector<1x128xf32>
    %mul3A_648 = arith.mulf %convert_element_type3A_632, %add3A_647 : vector<1x128xf32>
    %sub3A_649 = arith.constant 1.000000e+00 : f32
    %sub3A_650 = vector.broadcast %sub3A_649 : f32 to vector<1x128xf32>
    %sub3A_651 = arith.subf %sub3A_650, %convert_element_type3A_632 : vector<1x128xf32>
    %mul3A_652 = arith.constant -5.000000e+03 : f32
    %mul3A_653 = vector.broadcast %mul3A_652 : f32 to vector<1x128xf32>
    %mul3A_654 = arith.mulf %sub3A_651, %mul3A_653 : vector<1x128xf32>
    %add3A_655 = arith.addf %mul3A_648, %mul3A_654 : vector<1x128xf32>
    %swap3A_656 = arith.constant 6 : index
    %swap3A_657 = arith.constant 0 : index
    %swap3A_658 = vector.load %arg6[%swap3A_656, %swap3A_657] : memref<12x128xf32, #tpu.memory_space<vmem>>, vector<1x128xf32>
    tpu.vector_store %arg6[%swap3A_656, %swap3A_657], %add3A_655 {strides = array<i32>} : memref<12x128xf32, #tpu.memory_space<vmem>>, vector<1x128xf32>,
    %max3A_659 = arith.constant 9.99999997E-7 : f32
    %max3A_660 = vector.broadcast %max3A_659 : f32 to vector<1x128xf32>
    %max3A_661 = arith.maximumf %div3A_613, %max3A_660 : vector<1x128xf32>
    %mul3A_662 = arith.mulf %convert_element_type3A_632, %max3A_661 : vector<1x128xf32>
    %swap3A_663 = arith.constant 6 : index
    %swap3A_664 = arith.constant 0 : index
    %swap3A_665 = vector.load %arg7[%swap3A_663, %swap3A_664] : memref<12x128xf32, #tpu.memory_space<vmem>>, vector<1x128xf32>
    tpu.vector_store %arg7[%swap3A_663, %swap3A_664], %mul3A_662 {strides = array<i32>} : memref<12x128xf32, #tpu.memory_space<vmem>>, vector<1x128xf32>,
    %get3A_666 = arith.constant 896 : index
    %get3A_667 = arith.constant 0 : index
    %get3A_668 = vector.load %arg3[%get3A_666, %get3A_667] : memref<1024x1024xf32, #tpu.memory_space<vmem>>, vector<128x1024xf32>
    %dot_general3A_669 = arith.constant dense<0.000000e+00> : vector<1000x128xf32>
    %dot_general3A_670 = tpu.matmul %get3A_7, %get3A_668, %dot_general3A_669 {dimension_numbers = #tpu.dot_dimension_numbers<[1], [1], [0], [0], [0, 0, 1, 0], [], []>, transpose_lhs_hint = false} : vector<1000x1024xf32>, vector<128x1024xf32>, vector<1000x128xf32> -> vector<1000x128xf32>
    %add3A_671 = vector.broadcast %get3A_1 : vector<1000x1xf32> to vector<1000x128xf32>
    %add3A_672 = arith.addf %dot_general3A_670, %add3A_671 : vector<1000x128xf32>
    %reduce_max3A_673 = arith.constant dense<0xFF800000> : vector<128xf32>
    %reduce_max3A_674 = vector.multi_reduction <maximumf>, %add3A_672, %reduce_max3A_673 [0] : vector<1000x128xf32> to vector<128xf32>
    %broadcast_in_dim3A_675 = vector.shape_cast %reduce_max3A_674 : vector<128xf32> to vector<1x128xf32>
    %sub3A_676 = vector.broadcast %broadcast_in_dim3A_675 : vector<1x128xf32> to vector<1000x128xf32>
    %sub3A_677 = arith.subf %add3A_672, %sub3A_676 : vector<1000x128xf32>
    %exp3A_678 = math.exp %sub3A_677 : vector<1000x128xf32>
    %reduce_sum3A_679 = arith.constant dense<0.000000e+00> : vector<128xf32>
    %reduce_sum3A_680 = vector.multi_reduction <add>, %exp3A_678, %reduce_sum3A_679 [0] : vector<1000x128xf32> to vector<128xf32>
    %broadcast_in_dim3A_681 = vector.shape_cast %reduce_sum3A_680 : vector<128xf32> to vector<1x128xf32>
    %mul3A_682 = arith.mulf %exp3A_678, %add3A_672 : vector<1000x128xf32>
    %reduce_sum3A_683 = arith.constant dense<0.000000e+00> : vector<128xf32>
    %reduce_sum3A_684 = vector.multi_reduction <add>, %mul3A_682, %reduce_sum3A_683 [0] : vector<1000x128xf32> to vector<128xf32>
    %broadcast_in_dim3A_685 = vector.shape_cast %reduce_sum3A_684 : vector<128xf32> to vector<1x128xf32>
    %log3A_686 = math.log %broadcast_in_dim3A_681 : vector<1x128xf32>
    %add3A_687 = arith.addf %broadcast_in_dim3A_675, %log3A_686 : vector<1x128xf32>
    %div3A_688 = arith.divf %broadcast_in_dim3A_685, %broadcast_in_dim3A_681 : vector<1x128xf32>
    %sub3A_689 = arith.subf %add3A_687, %div3A_688 : vector<1x128xf32>
    %div3A_690 = arith.constant 1.000000e+00 : f32
    %div3A_691 = vector.broadcast %div3A_690 : f32 to vector<1x128xf32>
    %div3A_692 = arith.divf %div3A_691, %broadcast_in_dim3A_681 : vector<1x128xf32>
    %iota3A_693 = tpu.iota {dimensions = array<i32: 0>} : vector<1000x128xi32>
    %eq3A_694 = vector.broadcast %broadcast_in_dim3A_675 : vector<1x128xf32> to vector<1000x128xf32>
    %eq3A_695 = arith.cmpf oeq, %add3A_672, %eq3A_694 : vector<1000x128xf32>
    %jit3A_696 = arith.constant 1000 : i32
    %broadcast_in_dim3A_697 = vector.broadcast %jit3A_696 : i32 to vector<1000x128xi32>
    %select_n3A_698 = arith.select %eq3A_695, %iota3A_693, %broadcast_in_dim3A_697 : vector<1000x128xi1>, vector<1000x128xi32>
    %reduce_min3A_699 = arith.constant dense<2147483647> : vector<128xi32>
    %reduce_min3A_700 = vector.multi_reduction <minsi>, %select_n3A_698, %reduce_min3A_699 [0] : vector<1000x128xi32> to vector<128xi32>
    %broadcast_in_dim3A_701 = vector.shape_cast %reduce_min3A_700 : vector<128xi32> to vector<1x128xi32>
    %convert_element_type3A_702 = arith.sitofp %broadcast_in_dim3A_701 : vector<1x128xi32> to vector<1x128xf32>
    %iota3A_703 = tpu.iota {dimensions = array<i32: 1>} : vector<1x128xi32>
    %add3A_704 = arith.constant 896 : i32
    %add3A_705 = vector.broadcast %add3A_704 : i32 to vector<1x128xi32>
    %add3A_706 = arith.addi %iota3A_703, %add3A_705 : vector<1x128xi32>
    %lt3A_707 = arith.constant 1000 : i32
    %lt3A_708 = vector.broadcast %lt3A_707 : i32 to vector<1x128xi32>
    %lt3A_709 = arith.cmpi slt, %add3A_706, %lt3A_708 : vector<1x128xi32>
    %convert_element_type3A_710 = arith.extui %lt3A_709 : vector<1x128xi1> to vector<1x128xi32>
    %convert_element_type3A_711 = arith.sitofp %convert_element_type3A_710 : vector<1x128xi32> to vector<1x128xf32>
    %mul3A_712 = arith.mulf %convert_element_type3A_711, %convert_element_type3A_702 : vector<1x128xf32>
    %sub3A_713 = arith.constant 1.000000e+00 : f32
    %sub3A_714 = vector.broadcast %sub3A_713 : f32 to vector<1x128xf32>
    %sub3A_715 = arith.subf %sub3A_714, %convert_element_type3A_711 : vector<1x128xf32>
    %mul3A_716 = arith.constant -2.000000e+00 : f32
    %mul3A_717 = vector.broadcast %mul3A_716 : f32 to vector<1x128xf32>
    %mul3A_718 = arith.mulf %sub3A_715, %mul3A_717 : vector<1x128xf32>
    %add3A_719 = arith.addf %mul3A_712, %mul3A_718 : vector<1x128xf32>
    %swap3A_720 = arith.constant 7 : index
    %swap3A_721 = arith.constant 0 : index
    %swap3A_722 = vector.load %arg5[%swap3A_720, %swap3A_721] : memref<12x128xf32, #tpu.memory_space<vmem>>, vector<1x128xf32>
    tpu.vector_store %arg5[%swap3A_720, %swap3A_721], %add3A_719 {strides = array<i32>} : memref<12x128xf32, #tpu.memory_space<vmem>>, vector<1x128xf32>,
    %mul3A_723 = arith.constant 1.000000e+03 : f32
    %mul3A_724 = vector.broadcast %mul3A_723 : f32 to vector<1x128xf32>
    %mul3A_725 = arith.mulf %convert_element_type3A_702, %mul3A_724 : vector<1x128xf32>
    %add3A_726 = arith.addf %mul3A_725, %sub3A_689 : vector<1x128xf32>
    %mul3A_727 = arith.mulf %convert_element_type3A_711, %add3A_726 : vector<1x128xf32>
    %sub3A_728 = arith.constant 1.000000e+00 : f32
    %sub3A_729 = vector.broadcast %sub3A_728 : f32 to vector<1x128xf32>
    %sub3A_730 = arith.subf %sub3A_729, %convert_element_type3A_711 : vector<1x128xf32>
    %mul3A_731 = arith.constant -5.000000e+03 : f32
    %mul3A_732 = vector.broadcast %mul3A_731 : f32 to vector<1x128xf32>
    %mul3A_733 = arith.mulf %sub3A_730, %mul3A_732 : vector<1x128xf32>
    %add3A_734 = arith.addf %mul3A_727, %mul3A_733 : vector<1x128xf32>
    %swap3A_735 = arith.constant 7 : index
    %swap3A_736 = arith.constant 0 : index
    %swap3A_737 = vector.load %arg6[%swap3A_735, %swap3A_736] : memref<12x128xf32, #tpu.memory_space<vmem>>, vector<1x128xf32>
    tpu.vector_store %arg6[%swap3A_735, %swap3A_736], %add3A_734 {strides = array<i32>} : memref<12x128xf32, #tpu.memory_space<vmem>>, vector<1x128xf32>,
    %max3A_738 = arith.constant 9.99999997E-7 : f32
    %max3A_739 = vector.broadcast %max3A_738 : f32 to vector<1x128xf32>
    %max3A_740 = arith.maximumf %div3A_692, %max3A_739 : vector<1x128xf32>
    %mul3A_741 = arith.mulf %convert_element_type3A_711, %max3A_740 : vector<1x128xf32>
    %swap3A_742 = arith.constant 7 : index
    %swap3A_743 = arith.constant 0 : index
    %swap3A_744 = vector.load %arg7[%swap3A_742, %swap3A_743] : memref<12x128xf32, #tpu.memory_space<vmem>>, vector<1x128xf32>
    tpu.vector_store %arg7[%swap3A_742, %swap3A_743], %mul3A_741 {strides = array<i32>} : memref<12x128xf32, #tpu.memory_space<vmem>>, vector<1x128xf32>,
    return
  }
}

</mosaic_0001>

<sc_bundles>
// kernel: kernel.5.cloned.1.call-start
scs
__scs_entry_jumppad:
0x0: {  	(pc) =	sbr.rel $0x88, $3  }
0x1: {  	(tag) =	ssettag $0x0;
	lr =	simm.s32 $0x1  }
0x2: {  	[smem:$0x3F9C] =	sst lr;
	_ =	strace $0xD0000000  }
0x3: {  	_ = 	snop  }
0x4: {  	_ = 	snop  }
0x5: {  	_ = 	snop  }
0x6: {  	_ = 	snop  }
0x7: {  	_ = 	snop  }
__scs_overlays_trampoline_lowered:
0x8: {  	[smem:$0x3FAB] =	sst s0  }
0x9: {  	[smem:$0x3FAC] =	sst s1  }
0xa: {  	[smem:$0x3FAD] =	sst s2  }
0xb: {  	[smem:$0x3FAE] =	sst s3  }
0xc: {  	[smem:$0x3FAF] =	sst s4  }
0xd: {  	[smem:$0x3FB0] =	sst s5  }
0xe: {  	[smem:$0x3FB1] =	sst s6  }
0xf: {  	[smem:$0x3FB2] =	sst s7  }
0x10: {  	[smem:$0x3FB3] =	sst s8  }
0x11: {  	[smem:$0x3FB4] =	sst s9;
	s0 =	simm.s32 @!p0 $0x0  }
0x12: {  	s1 =	sld [smem:$0x3F9A];
	s0 =	simm.s32 @p0 $0x1  }
0x13: {  	[smem:$0x3FB5] =	sst s0;
	s0 =	simm.s32 @!p1 $0x0  }
0x14: {  	s2 =	sld [smem:$0x3F99];
	s0 =	simm.s32 @p1 $0x1  }
0x15: {  	[smem:$0x3FB6] =	sst s0;
	s0 =	simm.s32 @!p2 $0x0  }
0x16: {  	s3 =	sld [smem:$0x3FDB];
	s0 =	simm.s32 @p2 $0x1  }
0x17: {  	s4 =	simm.s32 $0x1BF5;
	[smem:$0x3FB8] =	sst s0  }
0x18: {  	s0 =	sld [smem:$0x3F9B];
	_ =	swait.ge [sflag:s4], $0x0  }
0x19: {  	s7 =	sld [smem:$0x3F9C]  }
0x1a: {  	s8 =	sadd.s32 $0xFFFFE003, lr  }
0x1b: {  	s9 =	sadd.s32 $0xFFFFFEF7, lr;
	s5 =	simm.s32 $0xFFFFFFFF;
	p2 =	slt.u32 s8, $0xFFFFF086  }
0x1c: {  	p1 =	slt.u32 s9, $0xF7A;
	s5 =	simm.s32 @!p2 $0x0  }
0x1d: {  	s5 =	simm.s32 @p1 $0x1;
	p0 =	seq.s32 s7, s2  }
0x1e: {  	s7 =	smul.u32 @!p0 $0xF7A, s2;
	p2 =	seq.s32 @!p0 s5, $0x0  }
0x1f: {  	s9 =	smul.u32 $0xF7A, s1;
	s8 =	simm.s32 @!p0 $0x1BF5;
	p2 =	por !p2, p0  }
0x20: {  	[sflag:s8] =	ssyncset.s32 @!p0 $0xFFFFF086;
	s6 =	sadd.s32 @!p0 s3, s7;
	s7 =	simm.s32 @!p0 $0x108  }
0x21: {  	s3 =	sadd.s32 s3, s9;
	s6 =	sadd.s32 @!p0 $0x88, s6;
	s7 =	simm.s32 @p2 $0x1082  }
0x22: {  	[simem:s7], [sflag:s8] =	dma.local @!p0 [hbm:s6], $0xF7A  }
0x23: {  	s9 =	sor.u32 $0xD0000000, s2;
	s6 =	simm.s32 $0x108;
	_ =	swait.ge @!p0 [sflag:s8], $0x0  }
0x24: {  	s3 =	sadd.s32 $0x88, s3;
	s6 =	simm.s32 @!p1 $0x1082;
	[sflag:s4] =	ssyncset.s32 $0xFFFFF086  }
0x25: {  	[simem:s6], [sflag:s4] =	dma.local [hbm:s3], $0xF7A  }
0x26: {  	[smem:$0x3F9C] =	sst s1;
	(tag) =	ssettag s2;
	_ =	strace s9  }
0x27: {  	s1 =	sld [smem:$0x3FAC]  }
0x28: {  	s2 =	sld [smem:$0x3FAD]  }
0x29: {  	s4 =	sld [smem:$0x3FAF]  }
0x2a: {  	p0 =	seq.s32 s5, $0x0;
	s5 =	sld [smem:$0x3FB0]  }
0x2b: {  	s6 =	sld [smem:$0x3FB1]  }
0x2c: {  	s7 =	sld [smem:$0x3FB2]  }
0x2d: {  	s3 =	simm.s32 $0x108;
	s8 =	sld [smem:$0x3FB3]  }
0x2e: {  	s3 =	simm.s32 @!p0 $0x1082;
	s9 =	sld [smem:$0x3FB4]  }
0x2f: {  	lr =	sadd.s32 s0, s3;
	s0 =	sld [smem:$0x3FAB]  }
0x30: {  	s3 =	sld [smem:$0x3FAE]  }
0x31: {  	[smem:$0x3FB7] =	sst s10  }
0x32: {  	s10 =	sld [smem:$0x3FB5];
	_ =	sdelay $0x3  }
0x33: {  	p0 =	seq.s32 s10, $0x1;
	s10 =	sld [smem:$0x3FB7];
	_ =	sdelay $0x3  }
0x34: {  	[smem:$0x3FB7] =	sst s10  }
0x35: {  	s10 =	sld [smem:$0x3FB6];
	_ =	sdelay $0x3  }
0x36: {  	p1 =	seq.s32 s10, $0x1;
	s10 =	sld [smem:$0x3FB7];
	_ =	sdelay $0x3  }
0x37: {  	[smem:$0x3FB7] =	sst s10  }
0x38: {  	s10 =	sld [smem:$0x3FB8]  }
0x39: {  	_ = 	snop;
	(pc) =	sbr.ind lr, $3  }
0x3a: {  	_ = 	snop  }
0x3b: {  	_ = 	snop  }
0x3c: {  	p2 =	seq.s32 s10, $0x1;
	s10 =	sld [smem:$0x3FB7]  }
0x3d: {  	_ =	shalt  }
0x3e: {  	_ =	shalt  }
0x3f: {  	_ =	shalt  }
0x40: {  	_ =	shalt  }
0x41: {  	_ =	shalt  }
0x42: {  	_ =	shalt  }
0x43: {  	_ =	shalt  }
0x44: {  	_ =	shalt  }
0x45: {  	_ =	shalt  }
0x46: {  	_ =	shalt  }
0x47: {  	_ =	shalt  }
0x48: {  	_ =	shalt  }
0x49: {  	_ =	shalt  }
0x4a: {  	_ =	shalt  }
0x4b: {  	_ =	shalt  }
0x4c: {  	_ =	shalt  }
0x4d: {  	_ =	shalt  }
0x4e: {  	_ =	shalt  }
0x4f: {  	_ =	shalt  }
0x50: {  	_ =	shalt  }
0x51: {  	_ =	shalt  }
0x52: {  	_ =	shalt  }
0x53: {  	_ =	shalt  }
0x54: {  	_ =	shalt  }
0x55: {  	_ =	shalt  }
0x56: {  	_ =	shalt  }
0x57: {  	_ =	shalt  }
0x58: {  	_ =	shalt  }
0x59: {  	_ =	shalt  }
0x5a: {  	_ =	shalt  }
0x5b: {  	_ =	shalt  }
0x5c: {  	_ =	shalt  }
0x5d: {  	_ =	shalt  }
0x5e: {  	_ =	shalt  }
0x5f: {  	_ =	shalt  }
0x60: {  	_ =	shalt  }
0x61: {  	_ =	shalt  }
0x62: {  	_ =	shalt  }
0x63: {  	_ =	shalt  }
0x64: {  	_ =	shalt  }
0x65: {  	_ =	shalt  }
0x66: {  	_ =	shalt  }
0x67: {  	_ =	shalt  }
0x68: {  	_ =	shalt  }
0x69: {  	_ =	shalt  }
0x6a: {  	_ =	shalt  }
0x6b: {  	_ =	shalt  }
0x6c: {  	_ =	shalt  }
0x6d: {  	_ =	shalt  }
0x6e: {  	_ =	shalt  }
0x6f: {  	_ =	shalt  }
0x70: {  	_ =	shalt  }
0x71: {  	_ =	shalt  }
0x72: {  	_ =	shalt  }
0x73: {  	_ =	shalt  }
0x74: {  	_ =	shalt  }
0x75: {  	_ =	shalt  }
0x76: {  	_ =	shalt  }
0x77: {  	_ =	shalt  }
0x78: {  	_ =	shalt  }
0x79: {  	_ =	shalt  }
0x7a: {  	_ =	shalt  }
0x7b: {  	_ =	shalt  }
0x7c: {  	_ =	shalt  }
0x7d: {  	_ =	shalt  }
0x7e: {  	_ =	shalt  }
0x7f: {  	_ =	shalt  }
0x80: {  	_ =	shalt  }
0x81: {  	_ =	shalt  }
0x82: {  	_ =	shalt  }
0x83: {  	_ =	shalt  }
0x84: {  	_ =	shalt  }
0x85: {  	_ =	shalt  }
0x86: {  	_ =	shalt  }
0x87: {  	_ =	shalt  }
.Lfunc_end0:
.L_simem_size_0:
called_computation_lowered:
.L_overlay_start_0:
0x88: {  	s2 =	sld [smem:$0x3FD9]  }
0x89: {  	s3 =	sld [smem:$0x3FFE];
	_ =	sdelay $0x1  }
0x8a: {  	s1 =	srdreg.scid  }
0x8b: {  	s0 =	sand.u32 $0x1, s1  }
0x8c: {  	s17 =	sshll.u32 s0, $0xA;
	s2 =	sadd.s32 s3, s2  }
0x8d: {  	s2 =	sadd.s32 s2, s17  }
0x8e: {  	[smem:$0x3FC3] =	sst s2  }
0x8f: {  	_ = 	snop  }
0x90: {  	s2 =	sld [smem:$0x3FD0];
	(tm) =	ssettm $0x1  }
0x91: {  	s18 =	sld [smem:$0x3FFB];
	_ =	sdelay $0x3  }
0x92: {  	_ =	strace s18  }
0x93: {  	s3 =	sld [smem:$0x3FFC];
	_ =	sdelay $0x3  }
0x94: {  	_ =	strace s3  }
0x95: {  	s3 =	sld [smem:$0x3FFD];
	_ =	sdelay $0x3  }
0x96: {  	_ =	strace s3  }
0x97: {  	_ =	strace $0x8FFFFFFF  }
0x98: {  	s19 =	sld [smem:$0x3FDB];
	_ =	sdelay $0x1  }
0x99: {  	s4 =	simm.s32 $_scs_section_size  }
0x9a: {  	s5 =	simm.s32 $_size__tile_overlayer_lowered;
	s6 =	simm.s32 $_tile_overlayer_lowered  }
0x9b: {  	s22 =	simm.s32 $0x1BFF;
	s21 =	sshll.u32 s6, $0x1;
	s3 =	sadd.s32 s4, s19  }
0x9c: {  	s7 =	simm.s32 $0x0;
	s20 =	sshll.u32 s5, $0x1;
	s5 =	sadd.s32 s21, s3  }
0x9d: {  	[timem:s7], [sflag:s22] =	dma.local [hbm:s5], s20  }
0x9e: {  	_ =	swait.ge [sflag:s22], s20  }
0x9f: {  	s4 =	ssub.s32 $0x0, s20;
	[sflag:s22] =	ssyncset.done $0x0  }
0xa0: {  	[sflag:s22] =	ssyncadd.s32 s4;
	_ =	sdelay $0x1  }
0xa1: {  	s23 =	simm.s32 $0x1B8B  }
0xa2: {  	_ =	swait.ge [sflag:s23], $0x1  }
0xa3: {  	[sflag:s23] =	ssyncset.done $0x0  }
0xa4: {  	s25 =	simm.s32 $0x1B8E;
	s24 =	sld [smem:$0x3FFE];
	[sflag:s23] =	ssyncadd.s32 $0xFFFFFFFF  }
0xa5: {  	s26 =	simm.s32 $execute0_lowered;
	[smem:$0x3FD2] =	sst s25  }
0xa6: {  	s5 =	sshll.u32 s26, $0x1;
	_ =	strace $0x80000046;
	[dreg:$0x1] =	wrdreg $0xFFFFFFFF  }
0xa7: {  	s28 =	simm.s32 $_size_execute0_lowered;
	s3 =	sadd.s32 s3, s5;
	[dreg:$0x0] =	wrdreg $0x0  }
0xa8: {  	s5 =	sshll.u32 s28, $0x1;
	[dreg:$0x2] =	wrdreg s3  }
0xa9: {  	[dreg:$0x3] =	wrdreg s5  }
0xaa: {  	[dreg:$0x4] =	wrdreg $0xC0  }
0xab: {  	_ =	task [dreg:s7], $0x5FFFF  }
0xac: {  	[dreg:$0x1] =	wrdreg $0xFFFFFFFF  }
0xad: {  	[dreg:$0x0] =	wrdreg $0x60  }
0xae: {  	[dreg:$0x2] =	wrdreg s24  }
0xaf: {  	[dreg:$0x3] =	wrdreg s2  }
0xb0: {  	[dreg:$0x4] =	wrdreg $0x9  }
0xb1: {  	_ =	task.clear_ibuf [dreg:s7], $0x5FFFF;
	_ =	strace $0x90000046  }
0xb2: {  	s29 =	simm.s32 $0x9;
	_ =	strace $0x80000048  }
0xb3: {  	_ =	swait.ge [sflag:s29], $0x1  }
0xb4: {  	[sflag:s29] =	ssyncadd.s32 $0xFFFFFFFF  }
0xb5: {  	_ =	strace $0x90000048  }
0xb6: {  	_ =	sfence  }
0xb7: {  	s30 =	sld [smem:$0x0];
	_ =	sdelay $0x2  }
0xb8: {  	s31 =	sshll.u32 s1, $0xD;
	s1 =	sshrl.u32 s1, $0x2  }
0xb9: {  	s3 =	sand.u32 $0x4000, s31;
	s1 =	sadd.s32 s1, s30  }
0xba: {  	s0 =	sor.u32 s3, s0;
	s1 =	sshll.u32 s1, $0x11  }
0xbb: {  	s0 =	sor.u32 s1, s0  }
0xbc: {  	s0 =	sadd.s32 $0x8F2B, s0  }
0xbd: {  	[sflag:s0] =	ssyncadd.remote.s32 $0x1  }
0xbe: {  	_ =	sfence.sel $0xFFFF  }
0xbf: {  	[dreg:$0x0] =	wrdreg $0xFFFFFFFF;
	(pc) =	sbr.abs _section_cstart, $3  }
0xc0: {  	[dreg:$0x1] =	wrdreg $0xFFFFFFFF  }
0xc1: {  	_ =	task.clear_ibuf [dreg:s7], $0x2FFFF;
	_ =	strace $0x9FFFFFFF  }
0xc2: {  	(tm) =	ssettm $0x7FFFFFFF  }
0xc3: {  	_ =	shalt  }
tec
execute0_lowered:
.L_overlay_start_1:
0x0: {  	(tag) =	ssettag $0x1  }
0x1: {  	v0 =	vimm.f32 $1.500000000e+01;
	vm0 =	vcmask $0x300  }
0x2: {  	vm14 =	vcmask $0x704;
	v0 =	vsel vm0, $0x0, v0  }
0x3: {  	vm15 =	vcmask $0xB08;
	v0 =	vsel vm14, $0x3F800000, v0  }
0x4: {  	vm4 =	vcmask $0xF0C;
	v0 =	vsel vm15, $0x40000000, v0  }
0x5: {  	vm5 =	vcmask $0x1310;
	v0 =	vsel vm4, $0x40400000, v0  }
0x6: {  	vm6 =	vcmask $0x1714;
	v0 =	vsel vm5, $0x40800000, v0  }
0x7: {  	vm7 =	vcmask $0x1B18;
	v0 =	vsel vm6, $0x40A00000, v0  }
0x8: {  	s4 =	rddreg [dreg:$0x0];
	vm8 =	vcmask $0x1F1C;
	v0 =	vsel vm7, $0x40C00000, v0  }
0x9: {  	s5 =	rddreg [dreg:$0x1];
	vm9 =	vcmask $0x2320;
	v0 =	vsel vm8, $0x40E00000, v0  }
0xa: {  	s2 =	srdreg.scid;
	s0 =	stileid.u32;
	vm10 =	vcmask $0x2724;
	v0 =	vsel vm9, $0x41000000, v0  }
0xb: {  	s1 =	rddreg [dreg:$0x2];
	vm11 =	vcmask $0x2B28;
	s3 =	sand.u32 $0x1, s2;
	s6 =	sshll.u32 s0, $0x1;
	v0 =	vsel vm10, $0x41100000, v0  }
0xc: {  	vm12 =	vcmask $0x2F2C;
	s2 =	simm.s32 $0x0;
	s7 =	ssub.s32 $0x2, s3;
	s3 =	sor.u32 s3, s6;
	v0 =	vsel vm11, $0x41200000, v0  }
0xd: {  	vm13 =	vcmask $0x3330;
	[smem:$0x7FF] =	sst s2;
	s3 =	smul.u32 $0x30, s3;
	v0 =	vsel vm12, $0x41300000, v0  }
0xe: {  	s4 =	sadd.s32 $0x20600, s4;
	vm14 =	vcmask $0x3734;
	s30 =	sshrl.u32 s7, $0x1;
	_ =	strace $0x80000047;
	v0 =	vsel vm13, $0x41400000, v0  }
0xf: {  	vm15 =	vcmask $0x3B38;
	s31 =	scvt.s32.f32 s3;
	s8 =	sadd.s32 $0x10, s3;
	s9 =	sadd.s32 $0x20, s3;
	v0 =	vsel vm14, $0x41500000, v0  }
0x10: {  	s6 =	ssub.s32 s7, s30;
	s8 =	scvt.s32.f32 s8;
	s9 =	scvt.s32.f32 s9;
	v2 =	vsel vm15, $0x41600000, v0  }
0x11: {  	s7 =	simm.s32 $0x1;
	s10 =	sshrl.u32 s3, $0x3;
	s6 =	smax.u32 s6, $0x1;
	v0 =	vadd.f32 s31, v2  }
0x12: {  	v3 =	vimm.f32 $0.0e+00;
	s5 =	sadd.s32 s5, s10;
	v1 =	vadd.f32 s8, v2;
	v2 =	vadd.f32 s9, v2;
	s8 =	simm.s32 $0x600;
	s9 =	simm.s32 $0x0  }
.LBB2_1:
0x13: {  	[tilespmem:s2], [sflag:$0x1] =	stream.linear.gather [hbm4b:s4+s2], $0x600, $0x38;
	[tilespmem:$0x680] =	vst v63  }
0x14: {  	s10 =	simm.s32 $0xE;
	s11 =	simm.s32 $0xF;
	s12 =	simm.s32 $0xB  }
0x15: {  	s13 =	simm.s32 $0xC;
	s14 =	simm.s32 $0xD;
	s15 =	simm.s32 $0x8  }
0x16: {  	s16 =	simm.s32 $0x9;
	s17 =	simm.s32 $0xA;
	s18 =	scvt.s32.f32 s2  }
0x17: {  	s19 =	simm.s32 $0x7;
	s11 =	scvt.s32.f32 s11;
	s14 =	scvt.s32.f32 s14  }
0x18: {  	s20 =	simm.s32 $0x6;
	s10 =	scvt.s32.f32 s10;
	s12 =	scvt.s32.f32 s12  }
0x19: {  	s21 =	simm.s32 $0x5;
	s13 =	scvt.s32.f32 s13;
	s16 =	scvt.s32.f32 s16  }
0x1a: {  	s22 =	simm.s32 $0x4;
	v23 =	vimm.s32 $0x0;
	s17 =	scvt.s32.f32 s17;
	s19 =	scvt.s32.f32 s19;
	v6 =	vmov s18  }
0x1b: {  	s24 =	simm.s32 $0x3;
	s15 =	scvt.s32.f32 s15;
	s25 =	scvt.s32.f32 s21;
	v7 =	vmov s11;
	v8 =	vmov s14;
	v9 =	vmov s10  }
0x1c: {  	s29 =	simm.s32 $0x2;
	s28 =	scvt.s32.f32 s22;
	s20 =	scvt.s32.f32 s20;
	v10 =	vmov s17;
	v11 =	vmov s12;
	v12 =	vmov s13  }
0x1d: {  	s30 =	scvt.s32.f32 s24;
	s31 =	scvt.s32.f32 s29;
	v13 =	vmov s19;
	v14 =	vmov s15;
	v15 =	vmov s16  }
0x1e: {  	_ =	swait.ge [sflag:s7], $0x600;
	v17 =	vmov s28;
	v18 =	vmov s25;
	v19 =	vmov s20  }
0x1f: {  	[sflag:s7] =	ssyncset.done $0x0;
	v20 =	vmov s31;
	v22 =	vmov s30;
	vm3 =	vlt.f32 v6, v0  }
0x20: {  	[sflag:s7] =	ssyncadd.s32 $0xFFFFFA00;
	v6 =	vimm.s32 $0x0;
	vm7 =	vlt.f32 v9, v0;
	vm0 =	vlt.f32 v14, v0  }
0x21: {  	v4 =	vld [tilespmem:s3+$0x0];
	vm6 =	vlt.f32 v7, v0;
	vm14 =	vlt.f32 v11, v0;
	v6 =	vsel vm0, $0xFFFFFFFF, v6  }
0x22: {  	v16 =	vld [tilespmem:s2+$0x0];
	vm11 =	vlt.f32 v12, v0;
	vm0 =	vlt.f32 v15, v0;
	[tilespmem:$0x1FF60] =	vst v6;
	v6 =	vimm.s32 $0x0  }
0x23: {  	vm10 =	vlt.f32 v8, v0;
	vm4 =	vlt.f32 v13, v0;
	v6 =	vsel vm0, $0xFFFFFFFF, v6  }
0x24: {  	s26 =	simm.s32 $0x1;
	v8 =	vimm.s32 $0x0;
	vm0 =	vlt.f32 v10, v0;
	[tilespmem:$0x1FF70] =	vst v6;
	v6 =	vimm.s32 $0x0  }
0x25: {  	s10 =	scvt.s32.f32 s26;
	vm8 =	vlt.f32 v17, v0;
	v6 =	vsel vm0, $0xFFFFFFFF, v6;
	vm0 =	vlt.f32 v19, v0  }
0x26: {  	vm5 =	vlt.f32 v22, v0;
	vm9 =	vlt.f32 v20, v0;
	v8 =	vsel vm0, $0xFFFFFFFF, v8  }
0x27: {  	v21 =	vmov s10;
	v5 =	vadd.f32 $-9.000000000e+02, v4;
	[tilespmem:$0x1FF90] =	vst v8;
	v8 =	vbroadcast v16, $0xD  }
0x28: {  	vm12 =	vlt.f32 v21, v0;
	v10 =	vimm.s32 $0x0;
	vm0 =	vlt.f32 v18, v0  }
0x29: {  	v7 =	vbroadcast v16, $0xE;
	v10 =	vsel vm0, $0xFFFFFFFF, v10;
	vm0 =	vgt.f32 v8, v5  }
0x2a: {  	v9 =	vbroadcast v16, $0xC;
	v11 =	vbroadcast v16, $0xA;
	v23 =	vsel vm0, $0xFFFFFFFF, v23  }
0x2b: {  	v13 =	vbroadcast v16, $0x8;
	vm0 =	vlt.f32 v7, v4;
	[tilespmem:$0x1FFB0] =	vst v23;
	v23 =	vimm.s32 $0x0  }
0x2c: {  	v12 =	vbroadcast v16, $0x9;
	v15 =	vbroadcast v16, $0x6;
	v23 =	vsel vm0, $0xFFFFFFFF, v23  }
0x2d: {  	v14 =	vbroadcast v16, $0x7;
	vm0 =	vlt.f32 v9, v4;
	[tilespmem:$0x1FFC0] =	vst v23;
	v23 =	vimm.s32 $0x0  }
0x2e: {  	v17 =	vbroadcast v16, $0x5;
	v20 =	vbroadcast v16, $0x2;
	v23 =	vsel vm0, $0xFFFFFFFF, v23  }
0x2f: {  	v19 =	vbroadcast v16, $0x3;
	vm0 =	vgt.f32 v9, v5;
	[tilespmem:$0x1FFD0] =	vst v23;
	v23 =	vimm.s32 $0x0  }
0x30: {  	v22 =	vbroadcast v16, $0x0;
	v21 =	vbroadcast v16, $0x1;
	[tilespmem:$0x1FF80] =	vst v6;
	v23 =	vsel vm0, $0xFFFFFFFF, v23  }
0x31: {  	v6 =	vbroadcast v16, $0xF;
	vm0 =	vlt.f32 v8, v4;
	[tilespmem:$0x1FFE0] =	vst v23;
	v23 =	vimm.s32 $0x0  }
0x32: {  	v18 =	vbroadcast v16, $0x4;
	vm15 =	vgt.f32 v7, v5;
	[tilespmem:$0x1FFA0] =	vst v10;
	v23 =	vsel vm0, $0xFFFFFFFF, v23  }
0x33: {  	s11 =	simm.s32 $0x0;
	s10 =	simm.s32 $0x10;
	v10 =	vbroadcast v16, $0xB;
	v16 =	vimm.f32 $0.0e+00;
	vm13 =	vlt.f32 v6, v4;
	[tilespmem:$0x1FFF0] =	vst v23  }
.LBB2_2:
0x34: {  	v23 =	vimm.s32 $0x0  }
0x35: {  	v23 =	vsel vm4, $0xFFFFFFFF, v23  }
0x36: {  	[tilespmem:$0x1FE40] =	vst v23;
	v23 =	vimm.s32 $0x0  }
0x37: {  	v23 =	vsel vm14, $0xFFFFFFFF, v23  }
0x38: {  	[tilespmem:$0x1FED0] =	vst v23;
	v23 =	vimm.s32 $0x0  }
0x39: {  	v23 =	vsel vm11, $0xFFFFFFFF, v23  }
0x3a: {  	[tilespmem:$0x1FF00] =	vst v23;
	v23 =	vimm.s32 $0x0  }
0x3b: {  	v23 =	vsel vm10, $0xFFFFFFFF, v23  }
0x3c: {  	[tilespmem:$0x1FF10] =	vst v23;
	v23 =	vimm.s32 $0x0  }
0x3d: {  	v23 =	vsel vm7, $0xFFFFFFFF, v23  }
0x3e: {  	[tilespmem:$0x1FF20] =	vst v23;
	v23 =	vimm.s32 $0x0  }
0x3f: {  	v23 =	vsel vm6, $0xFFFFFFFF, v23  }
0x40: {  	[tilespmem:$0x1FF40] =	vst v23;
	v23 =	vimm.s32 $0x0  }
0x41: {  	v23 =	vsel vm13, $0xFFFFFFFF, v23  }
0x42: {  	[tilespmem:$0x1FF50] =	vst v23;
	v23 =	vimm.s32 $0x0  }
0x43: {  	v23 =	vsel vm15, $0xFFFFFFFF, v23  }
0x44: {  	vm0 =	vgt.f32 v11, v5;
	[tilespmem:$0x1FF30] =	vst v23;
	v23 =	vimm.s32 $0x0  }
0x45: {  	v23 =	vsel vm0, $0xFFFFFFFF, v23  }
0x46: {  	vm0 =	vlt.f32 v10, v4;
	[tilespmem:$0x1FEC0] =	vst v23;
	v23 =	vimm.s32 $0x0  }
0x47: {  	vm4 =	vlt.f32 v17, v4;
	vm1 =	vlt.f32 v20, v4;
	v23 =	vsel vm0, $0xFFFFFFFF, v23  }
0x48: {  	vm14 =	veq.f32 v21, v4;
	vm0 =	vgt.f32 v10, v5;
	[tilespmem:$0x1FEE0] =	vst v23;
	v23 =	vimm.s32 $0x0  }
0x49: {  	vm2 =	vlt.f32 v22, v4;
	vm12 =	vmand vm12, vm14;
	v23 =	vsel vm0, $0xFFFFFFFF, v23  }
0x4a: {  	vm11 =	veq.f32 v22, v4;
	vm0 =	vlt.f32 v12, v4;
	[tilespmem:$0x1FEF0] =	vst v23;
	v23 =	vimm.s32 $0x0  }
0x4b: {  	vm3 =	vmand vm3, vm11;
	vm11 =	vgt.f32 v21, v5;
	v23 =	vsel vm0, $0xFFFFFFFF, v23  }
0x4c: {  	vm10 =	vgt.f32 v18, v5;
	vm0 =	vgt.f32 v12, v5;
	[tilespmem:$0x1FE90] =	vst v23;
	v23 =	vimm.s32 $0x0  }
0x4d: {  	vm2 =	vmor vm2, vm3;
	vm3 =	vgt.f32 v22, v5;
	v23 =	vsel vm0, $0xFFFFFFFF, v23  }
0x4e: {  	vm2 =	vmand vm3, vm2;
	vm0 =	vlt.f32 v11, v4;
	[tilespmem:$0x1FEA0] =	vst v23;
	v23 =	vimm.s32 $0x0  }
0x4f: {  	vm3 =	vlt.f32 v21, v4;
	vm7 =	vlt.f32 v19, v4;
	v23 =	vsel vm0, $0xFFFFFFFF, v23  }
0x50: {  	v21 =	vsel vm2, $0x3F800000, v3;
	vm0 =	vgt.f32 v14, v5;
	[tilespmem:$0x1FEB0] =	vst v23;
	v23 =	vimm.s32 $0x0  }
0x51: {  	vm2 =	vmor vm3, vm12;
	vm3 =	veq.f32 v20, v4;
	v23 =	vsel vm0, $0xFFFFFFFF, v23  }
0x52: {  	v16 =	vadd.f32 v21, v16;
	vm0 =	vlt.f32 v13, v4;
	[tilespmem:$0x1FE60] =	vst v23;
	v23 =	vimm.s32 $0x0  }
0x53: {  	vm2 =	vmand vm11, vm2;
	vm3 =	vmand vm9, vm3;
	v23 =	vsel vm0, $0xFFFFFFFF, v23  }
0x54: {  	vm6 =	vgt.f32 v19, v5;
	vm0 =	vgt.f32 v13, v5;
	[tilespmem:$0x1FE70] =	vst v23;
	v23 =	vimm.s32 $0x0  }
0x55: {  	vm1 =	vmor vm1, vm3;
	vm13 =	vgt.f32 v20, v5;
	v23 =	vsel vm0, $0xFFFFFFFF, v23  }
0x56: {  	v20 =	vsel vm2, $0x3F800000, v3;
	vm0 =	vlt.f32 v15, v4;
	[tilespmem:$0x1FE80] =	vst v23;
	v23 =	vimm.s32 $0x0  }
0x57: {  	vm2 =	veq.f32 v19, v4;
	vm1 =	vmand vm13, vm1;
	v23 =	vsel vm0, $0xFFFFFFFF, v23  }
0x58: {  	vm2 =	vmand vm5, vm2;
	vm0 =	vgt.f32 v15, v5;
	[tilespmem:$0x1FE20] =	vst v23;
	v23 =	vimm.s32 $0x0  }
0x59: {  	vm15 =	vgt.f32 v17, v5;
	v19 =	vsel vm1, $0x3F800000, v3;
	v23 =	vsel vm0, $0xFFFFFFFF, v23  }
0x5a: {  	vm1 =	vmor vm7, vm2;
	vm0 =	vlt.f32 v14, v4;
	[tilespmem:$0x1FE30] =	vst v23;
	v23 =	vimm.s32 $0x0  }
0x5b: {  	vm2 =	veq.f32 v18, v4;
	vm1 =	vmand vm6, vm1;
	v23 =	vsel vm0, $0xFFFFFFFF, v23  }
0x5c: {  	vm0 =	vlt.f32 v18, v4;
	v18 =	vsel vm1, $0x3F800000, v3;
	vm1 =	veq.f32 v17, v4;
	v17 =	vld [tilespmem:$0x1FFA0]  }
0x5d: {  	v16 =	vadd.f32 v16, v20;
	_ =	sdelay $0x1  }
0x5e: {  	v16 =	vadd.f32 v16, v19;
	vm2 =	vmand vm8, vm2  }
0x5f: {  	vm0 =	vmor vm0, vm2  }
0x60: {  	v16 =	vadd.f32 v16, v18;
	vm0 =	vmand vm10, vm0;
	vm2 =	vnez.u8 v17  }
0x61: {  	v17 =	vsel vm0, $0x3F800000, v3;
	vm1 =	vmand vm2, vm1  }
0x62: {  	vm0 =	vmor vm4, vm1;
	vm1 =	veq.f32 v15, v4;
	v15 =	vadd.f32 v16, v17;
	v16 =	vld [tilespmem:$0x1FF90]  }
0x63: {  	v17 =	vld [tilespmem:$0x1FE20];
	_ =	sdelay $0x3  }
0x64: {  	vm0 =	vmand vm15, vm0;
	vm2 =	vnez.u8 v16  }
0x65: {  	v16 =	vsel vm0, $0x3F800000, v3;
	vm0 =	vnez.u8 v17;
	vm1 =	vmand vm2, vm1  }
0x66: {  	vm0 =	vmor vm0, vm1;
	vm1 =	veq.f32 v14, v4;
	v14 =	vadd.f32 v15, v16;
	v15 =	vld [tilespmem:$0x1FE30];
	_ =	sdelay $0x4  }
0x67: {  	[tilespmem:$0x1FE50] =	vst v23;
	vm2 =	vnez.u8 v15;
	v15 =	vld [tilespmem:$0x1FE40]  }
0x68: {  	v16 =	vld [tilespmem:$0x1FE50];
	_ =	sdelay $0x3  }
0x69: {  	vm0 =	vmand vm2, vm0;
	vm2 =	vnez.u8 v15  }
0x6a: {  	v15 =	vsel vm0, $0x3F800000, v3;
	vm0 =	vnez.u8 v16;
	vm1 =	vmand vm2, vm1  }
0x6b: {  	vm0 =	vmor vm0, vm1;
	vm1 =	veq.f32 v13, v4;
	v13 =	vadd.f32 v14, v15;
	v14 =	vld [tilespmem:$0x1FE60];
	_ =	sdelay $0x4  }
0x6c: {  	vm2 =	vnez.u8 v14;
	v14 =	vld [tilespmem:$0x1FF60]  }
0x6d: {  	v15 =	vld [tilespmem:$0x1FE70];
	_ =	sdelay $0x3  }
0x6e: {  	vm0 =	vmand vm2, vm0;
	vm2 =	vnez.u8 v14  }
0x6f: {  	v14 =	vsel vm0, $0x3F800000, v3;
	vm0 =	vnez.u8 v15;
	vm1 =	vmand vm2, vm1  }
0x70: {  	vm0 =	vmor vm0, vm1;
	vm1 =	veq.f32 v12, v4;
	v12 =	vadd.f32 v13, v14;
	v13 =	vld [tilespmem:$0x1FE80];
	_ =	sdelay $0x4  }
0x71: {  	vm2 =	vnez.u8 v13;
	v13 =	vld [tilespmem:$0x1FF70]  }
0x72: {  	v14 =	vld [tilespmem:$0x1FE90];
	_ =	sdelay $0x3  }
0x73: {  	vm0 =	vmand vm2, vm0;
	vm2 =	vnez.u8 v13  }
0x74: {  	v13 =	vsel vm0, $0x3F800000, v3;
	vm0 =	vnez.u8 v14;
	vm1 =	vmand vm2, vm1  }
0x75: {  	vm0 =	vmor vm0, vm1;
	vm1 =	veq.f32 v11, v4;
	v11 =	vadd.f32 v12, v13;
	v12 =	vld [tilespmem:$0x1FEA0];
	_ =	sdelay $0x4  }
0x76: {  	vm2 =	vnez.u8 v12;
	v12 =	vld [tilespmem:$0x1FF80]  }
0x77: {  	v13 =	vld [tilespmem:$0x1FEB0];
	_ =	sdelay $0x3  }
0x78: {  	vm0 =	vmand vm2, vm0;
	vm2 =	vnez.u8 v12  }
0x79: {  	v12 =	vsel vm0, $0x3F800000, v3;
	vm0 =	vnez.u8 v13;
	vm1 =	vmand vm2, vm1  }
0x7a: {  	vm0 =	vmor vm0, vm1;
	vm1 =	veq.f32 v10, v4;
	v10 =	vadd.f32 v11, v12;
	v11 =	vld [tilespmem:$0x1FEC0];
	_ =	sdelay $0x4  }
0x7b: {  	vm2 =	vnez.u8 v11;
	v11 =	vld [tilespmem:$0x1FED0]  }
0x7c: {  	v12 =	vld [tilespmem:$0x1FEE0];
	_ =	sdelay $0x3  }
0x7d: {  	vm0 =	vmand vm2, vm0;
	vm2 =	vnez.u8 v11  }
0x7e: {  	v11 =	vsel vm0, $0x3F800000, v3;
	vm0 =	vnez.u8 v12;
	vm1 =	vmand vm2, vm1  }
0x7f: {  	vm0 =	vmor vm0, vm1;
	vm1 =	veq.f32 v9, v4;
	v9 =	vadd.f32 v10, v11;
	v10 =	vld [tilespmem:$0x1FEF0];
	_ =	sdelay $0x4  }
0x80: {  	vm2 =	vnez.u8 v10;
	v10 =	vld [tilespmem:$0x1FF00]  }
0x81: {  	v11 =	vld [tilespmem:$0x1FFD0];
	_ =	sdelay $0x3  }
0x82: {  	vm0 =	vmand vm2, vm0;
	vm2 =	vnez.u8 v10  }
0x83: {  	v10 =	vsel vm0, $0x3F800000, v3;
	vm0 =	vnez.u8 v11;
	vm1 =	vmand vm2, vm1  }
0x84: {  	vm0 =	vmor vm0, vm1;
	vm1 =	veq.f32 v8, v4;
	v8 =	vadd.f32 v9, v10;
	v9 =	vld [tilespmem:$0x1FFE0];
	_ =	sdelay $0x4  }
0x85: {  	vm2 =	vnez.u8 v9;
	v9 =	vld [tilespmem:$0x1FF10]  }
0x86: {  	v10 =	vld [tilespmem:$0x1FFF0];
	_ =	sdelay $0x3  }
0x87: {  	vm0 =	vmand vm2, vm0;
	vm2 =	vnez.u8 v9  }
0x88: {  	v9 =	vsel vm0, $0x3F800000, v3;
	vm0 =	vnez.u8 v10;
	vm1 =	vmand vm2, vm1  }
0x89: {  	vm0 =	vmor vm0, vm1;
	vm1 =	veq.f32 v7, v4;
	v7 =	vadd.f32 v8, v9;
	v8 =	vld [tilespmem:$0x1FFB0];
	_ =	sdelay $0x4  }
0x8a: {  	vm2 =	vnez.u8 v8;
	v8 =	vld [tilespmem:$0x1FF20];
	_ =	sdelay $0x3  }
0x8b: {  	vm0 =	vmand vm2, vm0  }
0x8c: {  	vm2 =	vnez.u8 v8;
	v8 =	vsel vm0, $0x3F800000, v3  }
0x8d: {  	s22 =	sadd.s32 $0x6, s10;
	s26 =	sadd.s32 $0x3, s10;
	v7 =	vadd.f32 v7, v8;
	v8 =	vld [tilespmem:$0x1FF30]  }
0x8e: {  	s23 =	sadd.s32 $0x5, s10;
	s11 =	sadd.s32 $0x10, s11;
	s30 =	scvt.s32.f32 s26;
	v9 =	vld [tilespmem:$0x1FFC0]  }
0x8f: {  	s24 =	sadd.s32 $0x4, s10;
	s23 =	scvt.s32.f32 s23;
	s22 =	scvt.s32.f32 s22;
	v21 =	vld [tilespmem:s11+$0x0]  }
0x90: {  	s31 =	scvt.s32.f32 s24;
	v23 =	vmov s30  }
0x91: {  	s15 =	sadd.s32 $0xC, s10;
	s18 =	sadd.s32 $0x9, s10;
	s21 =	sadd.s32 $0x7, s10;
	v19 =	vmov s22;
	v18 =	vmov s23;
	vm5 =	vlt.f32 v23, v0  }
0x92: {  	s17 =	sadd.s32 $0x8, s10;
	s18 =	scvt.s32.f32 s18;
	s21 =	scvt.s32.f32 s21;
	v17 =	vmov s31;
	vm1 =	vmand vm2, vm1;
	vm2 =	vnez.u8 v8;
	v8 =	vld [tilespmem:$0x1FF40]  }
0x93: {  	s15 =	scvt.s32.f32 s15;
	s17 =	scvt.s32.f32 s17;
	v23 =	vimm.s32 $0x0;
	vm8 =	vlt.f32 v17, v0;
	vm0 =	vnez.u8 v9;
	v9 =	vld [tilespmem:$0x1FF50]  }
0x94: {  	v17 =	vbroadcast v21, $0x5;
	v15 =	vmov s18;
	v13 =	vmov s21  }
0x95: {  	v14 =	vmov s17;
	vm4 =	vlt.f32 v13, v0;
	v12 =	vmov s15  }
0x96: {  	s12 =	sadd.s32 $0xE, s10;
	v13 =	vbroadcast v21, $0x8;
	vm11 =	vlt.f32 v12, v0;
	vm0 =	vmor vm0, vm1  }
0x97: {  	s12 =	scvt.s32.f32 s12;
	vm1 =	veq.f32 v6, v4;
	vm0 =	vmand vm2, vm0;
	vm2 =	vnez.u8 v8  }
0x98: {  	s13 =	sadd.s32 $0xF, s10;
	s20 =	scvt.s32.f32 s10;
	v8 =	vsel vm0, $0x3F800000, v3;
	vm0 =	vnez.u8 v9;
	vm1 =	vmand vm2, vm1  }
0x99: {  	s13 =	scvt.s32.f32 s13;
	v12 =	vbroadcast v21, $0x9;
	v11 =	vmov s12;
	vm0 =	vmor vm0, vm1  }
0x9a: {  	vm1 =	vgt.f32 v6, v5;
	v6 =	vadd.f32 v7, v8;
	v7 =	vmov s20  }
0x9b: {  	s19 =	sadd.s32 $0xA, s10;
	v8 =	vmov s13;
	vm0 =	vmand vm1, vm0;
	vm3 =	vlt.f32 v7, v0  }
0x9c: {  	s19 =	scvt.s32.f32 s19;
	v7 =	vimm.s32 $0x0;
	v9 =	vsel vm0, $0x3F800000, v3;
	vm0 =	vlt.f32 v14, v0  }
0x9d: {  	vm6 =	vlt.f32 v8, v0;
	v16 =	vadd.f32 v6, v9;
	v7 =	vsel vm0, $0xFFFFFFFF, v7  }
0x9e: {  	s16 =	sadd.s32 $0xD, s10;
	v6 =	vmov s19;
	vm0 =	vlt.f32 v15, v0;
	[tilespmem:$0x1FF60] =	vst v7;
	v7 =	vimm.s32 $0x0  }
0x9f: {  	s16 =	scvt.s32.f32 s16;
	v7 =	vsel vm0, $0xFFFFFFFF, v7;
	vm0 =	vlt.f32 v6, v0;
	v6 =	vimm.s32 $0x0  }
0xa0: {  	s14 =	sadd.s32 $0xB, s10;
	v8 =	vimm.s32 $0x0;
	v6 =	vsel vm0, $0xFFFFFFFF, v6;
	vm0 =	vlt.f32 v19, v0  }
0xa1: {  	s14 =	scvt.s32.f32 s14;
	vm7 =	vlt.f32 v11, v0;
	v10 =	vmov s16;
	v8 =	vsel vm0, $0xFFFFFFFF, v8  }
0xa2: {  	s29 =	sadd.s32 $0x1, s10;
	v11 =	vbroadcast v21, $0xA;
	vm10 =	vlt.f32 v10, v0;
	[tilespmem:$0x1FF90] =	vst v8;
	v8 =	vbroadcast v21, $0xD  }
0xa3: {  	s12 =	scvt.s32.f32 s29;
	v10 =	vimm.s32 $0x0;
	v9 =	vmov s14;
	vm0 =	vlt.f32 v18, v0  }
0xa4: {  	[tilespmem:$0x1FF70] =	vst v7;
	v7 =	vbroadcast v21, $0xE;
	v10 =	vsel vm0, $0xFFFFFFFF, v10;
	vm0 =	vgt.f32 v8, v5  }
0xa5: {  	s28 =	sadd.s32 $0x2, s10;
	v20 =	vmov s12;
	vm14 =	vlt.f32 v9, v0;
	v23 =	vsel vm0, $0xFFFFFFFF, v23  }
0xa6: {  	s13 =	scvt.s32.f32 s28;
	v9 =	vbroadcast v21, $0xC;
	vm0 =	vlt.f32 v7, v4;
	[tilespmem:$0x1FFB0] =	vst v23;
	v23 =	vimm.s32 $0x0  }
0xa7: {  	vm12 =	vlt.f32 v20, v0;
	v20 =	vbroadcast v21, $0x2;
	v23 =	vsel vm0, $0xFFFFFFFF, v23  }
0xa8: {  	v22 =	vmov s13;
	vm0 =	vlt.f32 v9, v4;
	[tilespmem:$0x1FFC0] =	vst v23;
	v23 =	vimm.s32 $0x0  }
0xa9: {  	p0 =	sne.s32 s10, $0x470;
	v14 =	vbroadcast v21, $0x7;
	v15 =	vbroadcast v21, $0x6;
	v23 =	vsel vm0, $0xFFFFFFFF, v23  }
.Ltmp0:
0xaa: {  	vm9 =	vlt.f32 v22, v0;
	vm0 =	vgt.f32 v9, v5;
	[tilespmem:$0x1FFD0] =	vst v23;
	v23 =	vimm.s32 $0x0;
	(pc) =	sbr.rel @p0 .LBB2_2-.Ltmp0, $4  }
0xab: {  	v22 =	vbroadcast v21, $0x0;
	v19 =	vbroadcast v21, $0x3;
	[tilespmem:$0x1FF80] =	vst v6;
	v23 =	vsel vm0, $0xFFFFFFFF, v23  }
0xac: {  	v6 =	vbroadcast v21, $0xF;
	vm0 =	vlt.f32 v8, v4;
	[tilespmem:$0x1FFE0] =	vst v23;
	v23 =	vimm.s32 $0x0  }
0xad: {  	v18 =	vbroadcast v21, $0x4;
	vm15 =	vgt.f32 v7, v5;
	[tilespmem:$0x1FFA0] =	vst v10;
	v23 =	vsel vm0, $0xFFFFFFFF, v23  }
0xae: {  	s10 =	sadd.s32 $0x10, s10;
	v10 =	vbroadcast v21, $0xB;
	v21 =	vbroadcast v21, $0x1;
	vm13 =	vlt.f32 v6, v4;
	[tilespmem:$0x1FFF0] =	vst v23  }
0xaf: {  	vm0 =	veq.f32 v22, v4  }
0xb0: {  	vm1 =	vlt.f32 v22, v4;
	vm0 =	vmand vm3, vm0  }
0xb1: {  	vm2 =	veq.f32 v21, v4;
	vm0 =	vmor vm1, vm0;
	vm1 =	vgt.f32 v22, v5  }
0xb2: {  	vm0 =	vmand vm1, vm0;
	vm1 =	vmand vm12, vm2;
	vm2 =	vlt.f32 v21, v4  }
0xb3: {  	vm3 =	veq.f32 v20, v4;
	vm1 =	vmor vm2, vm1;
	vm2 =	vgt.f32 v21, v5  }
0xb4: {  	v21 =	vsel vm0, $0x3F800000, v3;
	vm0 =	vmand vm2, vm1;
	vm1 =	vmand vm9, vm3  }
0xb5: {  	vm2 =	veq.f32 v19, v4;
	v22 =	vsel vm0, $0x3F800000, v3;
	vm0 =	vlt.f32 v20, v4  }
0xb6: {  	vm0 =	vmor vm0, vm1;
	vm1 =	vmand vm5, vm2;
	vm2 =	vlt.f32 v19, v4  }
0xb7: {  	vm3 =	vgt.f32 v20, v5;
	vm1 =	vmor vm2, vm1;
	vm2 =	vgt.f32 v19, v5  }
0xb8: {  	vm0 =	vmand vm3, vm0;
	vm3 =	vlt.f32 v18, v4;
	vm1 =	vmand vm2, vm1  }
0xb9: {  	vm2 =	veq.f32 v18, v4;
	v20 =	vsel vm1, $0x3F800000, v3;
	vm1 =	vgt.f32 v18, v5;
	v18 =	vld [tilespmem:$0x1FFA0];
	_ =	sdelay $0x2  }
0xba: {  	vm2 =	vmand vm8, vm2  }
0xbb: {  	v19 =	vsel vm0, $0x3F800000, v3;
	vm0 =	vmor vm3, vm2  }
0xbc: {  	vm2 =	veq.f32 v17, v4;
	vm0 =	vmand vm1, vm0;
	vm1 =	vnez.u8 v18  }
0xbd: {  	v16 =	vadd.f32 v21, v16;
	vm1 =	vmand vm1, vm2;
	vm2 =	vlt.f32 v17, v4  }
0xbe: {  	v18 =	vsel vm0, $0x3F800000, v3;
	vm0 =	vmor vm2, vm1;
	vm1 =	vgt.f32 v17, v5;
	v17 =	vld [tilespmem:$0x1FF90];
	_ =	sdelay $0x1  }
0xbf: {  	v16 =	vadd.f32 v16, v22;
	_ =	sdelay $0x1  }
0xc0: {  	v16 =	vadd.f32 v16, v19  }
0xc1: {  	vm2 =	veq.f32 v15, v4;
	vm0 =	vmand vm1, vm0;
	vm1 =	vnez.u8 v17  }
0xc2: {  	vm3 =	veq.f32 v14, v4;
	v17 =	vsel vm0, $0x3F800000, v3;
	vm1 =	vmand vm1, vm2  }
0xc3: {  	vm2 =	vmand vm4, vm3;
	vm3 =	vlt.f32 v15, v4;
	vm4 =	vlt.f32 v14, v4  }
0xc4: {  	vm0 =	vmor vm3, vm1;
	vm1 =	vmor vm4, vm2;
	vm2 =	vgt.f32 v14, v5;
	v14 =	vld [tilespmem:$0x1FF60]  }
0xc5: {  	v16 =	vadd.f32 v16, v20;
	_ =	sdelay $0x1  }
0xc6: {  	v16 =	vadd.f32 v16, v18;
	vm3 =	vgt.f32 v15, v5  }
0xc7: {  	vm0 =	vmand vm3, vm0;
	vm1 =	vmand vm2, vm1  }
0xc8: {  	vm2 =	veq.f32 v13, v4;
	vm3 =	vnez.u8 v14;
	v14 =	vadd.f32 v16, v17  }
0xc9: {  	v15 =	vsel vm0, $0x3F800000, v3;
	v16 =	vsel vm1, $0x3F800000, v3;
	vm1 =	vgt.f32 v13, v5  }
0xca: {  	vm2 =	vmand vm3, vm2;
	vm3 =	vlt.f32 v13, v4;
	v13 =	vadd.f32 v14, v15;
	v14 =	vld [tilespmem:$0x1FF70];
	_ =	sdelay $0x3  }
0xcb: {  	vm0 =	vmor vm3, vm2  }
0xcc: {  	vm0 =	vmand vm1, vm0;
	vm1 =	vnez.u8 v14;
	v14 =	vld [tilespmem:$0x1FF80];
	_ =	sdelay $0x1  }
0xcd: {  	vm2 =	veq.f32 v12, v4  }
0xce: {  	vm1 =	vmand vm1, vm2;
	vm2 =	vlt.f32 v12, v4  }
0xcf: {  	vm1 =	vmor vm2, vm1;
	vm2 =	vgt.f32 v12, v5;
	v12 =	vadd.f32 v13, v16  }
0xd0: {  	v13 =	vsel vm0, $0x3F800000, v3;
	vm0 =	veq.f32 v11, v4;
	vm3 =	vnez.u8 v14  }
0xd1: {  	vm1 =	vmand vm2, vm1;
	vm2 =	vgt.f32 v11, v5;
	vm0 =	vmand vm3, vm0  }
0xd2: {  	vm3 =	vlt.f32 v11, v4;
	v11 =	vadd.f32 v12, v13;
	v12 =	vsel vm1, $0x3F800000, v3  }
0xd3: {  	vm1 =	veq.f32 v10, v4;
	vm0 =	vmor vm3, vm0;
	vm3 =	vlt.f32 v10, v4  }
0xd4: {  	vm0 =	vmand vm2, vm0;
	vm2 =	vgt.f32 v10, v5;
	v10 =	vadd.f32 v11, v12  }
0xd5: {  	vm1 =	vmand vm14, vm1;
	v11 =	vsel vm0, $0x3F800000, v3  }
0xd6: {  	vm0 =	vmor vm3, vm1;
	vm1 =	veq.f32 v9, v4;
	v9 =	vadd.f32 v10, v11;
	v11 =	vld [tilespmem:$0x1FFD0];
	_ =	sdelay $0x3  }
0xd7: {  	vm0 =	vmand vm2, vm0  }
0xd8: {  	vm1 =	vmand vm11, vm1;
	v10 =	vsel vm0, $0x3F800000, v3;
	vm0 =	vnez.u8 v11  }
0xd9: {  	vm0 =	vmor vm0, vm1;
	vm1 =	veq.f32 v8, v4;
	v8 =	vadd.f32 v9, v10;
	v9 =	vld [tilespmem:$0x1FFE0];
	_ =	sdelay $0x1  }
0xda: {  	v10 =	vld [tilespmem:$0x1FFF0];
	_ =	sdelay $0x2  }
0xdb: {  	vm2 =	vnez.u8 v9  }
0xdc: {  	vm0 =	vmand vm2, vm0  }
0xdd: {  	vm1 =	vmand vm10, vm1;
	v9 =	vsel vm0, $0x3F800000, v3;
	vm0 =	vnez.u8 v10  }
0xde: {  	vm0 =	vmor vm0, vm1;
	vm1 =	veq.f32 v7, v4;
	v7 =	vadd.f32 v8, v9;
	v8 =	vld [tilespmem:$0x1FFB0]  }
0xdf: {  	s26 =	simm.s32 $0x3  }
0xe0: {  	s30 =	scvt.s32.f32 s26;
	v9 =	vld [tilespmem:$0x1FFC0]  }
0xe1: {  	s21 =	simm.s32 $0x6  }
0xe2: {  	s21 =	scvt.s32.f32 s21;
	v23 =	vmov s30  }
0xe3: {  	s22 =	simm.s32 $0x5;
	vm5 =	vlt.f32 v23, v1;
	vm2 =	vnez.u8 v8  }
0xe4: {  	s22 =	scvt.s32.f32 s22;
	v23 =	vimm.s32 $0x0;
	v19 =	vmov s21;
	vm0 =	vmand vm2, vm0  }
0xe5: {  	vm1 =	vmand vm7, vm1;
	v8 =	vsel vm0, $0x3F800000, v3;
	vm0 =	vnez.u8 v9  }
0xe6: {  	s14 =	simm.s32 $0xC;
	s23 =	simm.s32 $0x4;
	v18 =	vmov s22;
	vm0 =	vmor vm0, vm1;
	vm1 =	veq.f32 v6, v4  }
0xe7: {  	s16 =	simm.s32 $0x8;
	s17 =	simm.s32 $0x9;
	s31 =	scvt.s32.f32 s23;
	v4 =	vadd.f32 v7, v8;
	vm0 =	vmand vm15, vm0;
	vm1 =	vmand vm6, vm1  }
0xe8: {  	s20 =	simm.s32 $0x7;
	s17 =	scvt.s32.f32 s17;
	s16 =	scvt.s32.f32 s16;
	v7 =	vsel vm0, $0x3F800000, v3;
	vm0 =	vmor vm13, vm1;
	vm1 =	vgt.f32 v6, v5  }
0xe9: {  	s13 =	simm.s32 $0xB;
	s14 =	scvt.s32.f32 s14;
	s20 =	scvt.s32.f32 s20;
	v17 =	vmov s31;
	v4 =	vadd.f32 v4, v7;
	vm0 =	vmand vm1, vm0  }
0xea: {  	s13 =	scvt.s32.f32 s13;
	v15 =	vmov s16;
	v16 =	vmov s17;
	v5 =	vsel vm0, $0x3F800000, v3  }
0xeb: {  	s10 =	simm.s32 $0x0;
	s18 =	simm.s32 $0xA;
	v14 =	vmov s20;
	v13 =	vmov s14;
	v4 =	vadd.f32 v4, v5  }
0xec: {  	s19 =	scvt.s32.f32 s10;
	s18 =	scvt.s32.f32 s18;
	vm4 =	vlt.f32 v14, v1;
	vm14 =	vlt.f32 v17, v1;
	v12 =	vmov s13  }
0xed: {  	s11 =	simm.s32 $0xE;
	s15 =	simm.s32 $0xD;
	v11 =	vimm.f32 $0.0e+00;
	vm10 =	vlt.f32 v13, v1;
	vm0 =	vlt.f32 v4, $1.000000000e+01  }
0xee: {  	s15 =	scvt.s32.f32 s15;
	s11 =	scvt.s32.f32 s11;
	v10 =	vmov s18;
	v6 =	vmov s19;
	v4 =	vsel vm0, $0x3F800000, v11  }
0xef: {  	s29 =	simm.s32 $0x1;
	vm3 =	vlt.f32 v6, v1;
	v6 =	vimm.s32 $0x0;
	vm0 =	vlt.f32 v15, v1;
	[tilespmem:$0x600] =	vst v4  }
0xf0: {  	v9 =	vmov s11;
	s11 =	scvt.s32.f32 s29;
	v8 =	vmov s15;
	v6 =	vsel vm0, $0xFFFFFFFF, v6;
	v4 =	vld [tilespmem:s3+$0x10]  }
0xf1: {  	vm7 =	vlt.f32 v9, v1;
	vm0 =	vlt.f32 v16, v1;
	v21 =	vld [tilespmem:s10+$0x0];
	[tilespmem:$0x1FD80] =	vst v6;
	v6 =	vimm.s32 $0x0  }
0xf2: {  	s12 =	simm.s32 $0xF;
	v20 =	vmov s11;
	vm8 =	vlt.f32 v8, v1;
	v6 =	vsel vm0, $0xFFFFFFFF, v6  }
0xf3: {  	s12 =	scvt.s32.f32 s12;
	v8 =	vimm.s32 $0x0;
	vm0 =	vlt.f32 v10, v1;
	[tilespmem:$0x1FD90] =	vst v6;
	v6 =	vimm.s32 $0x0  }
0xf4: {  	s28 =	simm.s32 $0x2;
	vm13 =	vlt.f32 v12, v1;
	v6 =	vsel vm0, $0xFFFFFFFF, v6;
	vm0 =	vlt.f32 v19, v1  }
0xf5: {  	vm12 =	vlt.f32 v20, v1;
	v7 =	vmov s12;
	s12 =	scvt.s32.f32 s28;
	v8 =	vsel vm0, $0xFFFFFFFF, v8  }
0xf6: {  	vm6 =	vlt.f32 v7, v1;
	v5 =	vadd.f32 $-9.000000000e+02, v4;
	[tilespmem:$0x1FDB0] =	vst v8;
	v8 =	vbroadcast v21, $0xD  }
0xf7: {  	v22 =	vmov s12;
	v10 =	vimm.s32 $0x0;
	vm0 =	vlt.f32 v18, v1  }
0xf8: {  	v7 =	vbroadcast v21, $0xE;
	v10 =	vsel vm0, $0xFFFFFFFF, v10;
	vm0 =	vgt.f32 v8, v5  }
0xf9: {  	vm9 =	vlt.f32 v22, v1;
	[tilespmem:$0x1FDA0] =	vst v6;
	v6 =	vbroadcast v21, $0xF;
	v23 =	vsel vm0, $0xFFFFFFFF, v23  }
0xfa: {  	v9 =	vbroadcast v21, $0xC;
	vm0 =	vlt.f32 v7, v4;
	[tilespmem:$0x1FDD0] =	vst v23;
	v23 =	vimm.s32 $0x0  }
0xfb: {  	v12 =	vbroadcast v21, $0xA;
	v14 =	vbroadcast v21, $0x8;
	v23 =	vsel vm0, $0xFFFFFFFF, v23  }
0xfc: {  	v13 =	vbroadcast v21, $0x9;
	vm0 =	vlt.f32 v9, v4;
	[tilespmem:$0x1FDE0] =	vst v23;
	v23 =	vimm.s32 $0x0  }
0xfd: {  	v16 =	vbroadcast v21, $0x6;
	v15 =	vbroadcast v21, $0x7;
	v23 =	vsel vm0, $0xFFFFFFFF, v23  }
0xfe: {  	v18 =	vbroadcast v21, $0x4;
	vm0 =	vgt.f32 v9, v5;
	[tilespmem:$0x1FDF0] =	vst v23;
	v23 =	vimm.s32 $0x0  }
0xff: {  	v17 =	vbroadcast v21, $0x5;
	v20 =	vbroadcast v21, $0x2;
	v23 =	vsel vm0, $0xFFFFFFFF, v23  }
0x100: {  	v19 =	vbroadcast v21, $0x3;
	vm0 =	vlt.f32 v8, v4;
	[tilespmem:$0x1FE00] =	vst v23;
	v23 =	vimm.s32 $0x0  }
0x101: {  	v22 =	vbroadcast v21, $0x0;
	[tilespmem:$0x1FDC0] =	vst v10;
	v10 =	vbroadcast v21, $0xB;
	v23 =	vsel vm0, $0xFFFFFFFF, v23  }
0x102: {  	s11 =	simm.s32 $0x10;
	v21 =	vbroadcast v21, $0x1;
	vm11 =	vlt.f32 v6, v4;
	vm15 =	vgt.f32 v7, v5;
	[tilespmem:$0x1FE10] =	vst v23  }
.LBB2_4:
0x103: {  	v23 =	vimm.s32 $0x0  }
0x104: {  	v23 =	vsel vm4, $0xFFFFFFFF, v23  }
0x105: {  	[tilespmem:$0x1FC60] =	vst v23;
	v23 =	vimm.s32 $0x0  }
0x106: {  	v23 =	vsel vm13, $0xFFFFFFFF, v23  }
0x107: {  	[tilespmem:$0x1FCF0] =	vst v23;
	v23 =	vimm.s32 $0x0  }
0x108: {  	v23 =	vsel vm8, $0xFFFFFFFF, v23  }
0x109: {  	[tilespmem:$0x1FD30] =	vst v23;
	v23 =	vimm.s32 $0x0  }
0x10a: {  	v23 =	vsel vm10, $0xFFFFFFFF, v23  }
0x10b: {  	[tilespmem:$0x1FD20] =	vst v23;
	v23 =	vimm.s32 $0x0  }
0x10c: {  	v23 =	vsel vm7, $0xFFFFFFFF, v23  }
0x10d: {  	[tilespmem:$0x1FD40] =	vst v23;
	v23 =	vimm.s32 $0x0  }
0x10e: {  	v23 =	vsel vm6, $0xFFFFFFFF, v23  }
0x10f: {  	[tilespmem:$0x1FD60] =	vst v23;
	v23 =	vimm.s32 $0x0  }
0x110: {  	v23 =	vsel vm15, $0xFFFFFFFF, v23  }
0x111: {  	[tilespmem:$0x1FD50] =	vst v23;
	v23 =	vimm.s32 $0x0  }
0x112: {  	v23 =	vsel vm11, $0xFFFFFFFF, v23  }
0x113: {  	vm0 =	vgt.f32 v12, v5;
	[tilespmem:$0x1FD70] =	vst v23;
	v23 =	vimm.s32 $0x0  }
0x114: {  	v23 =	vsel vm0, $0xFFFFFFFF, v23  }
0x115: {  	vm0 =	vlt.f32 v10, v4;
	[tilespmem:$0x1FCE0] =	vst v23;
	v23 =	vimm.s32 $0x0  }
0x116: {  	vm4 =	vlt.f32 v17, v4;
	vm1 =	vlt.f32 v20, v4;
	v23 =	vsel vm0, $0xFFFFFFFF, v23  }
0x117: {  	vm2 =	vlt.f32 v22, v4;
	vm0 =	vgt.f32 v10, v5;
	[tilespmem:$0x1FD00] =	vst v23;
	v23 =	vimm.s32 $0x0  }
0x118: {  	vm13 =	vgt.f32 v20, v5;
	vm8 =	veq.f32 v21, v4;
	v23 =	vsel vm0, $0xFFFFFFFF, v23  }
0x119: {  	vm8 =	vmand vm12, vm8;
	vm0 =	vlt.f32 v13, v4;
	[tilespmem:$0x1FD10] =	vst v23;
	v23 =	vimm.s32 $0x0  }
0x11a: {  	vm10 =	vgt.f32 v18, v5;
	vm7 =	vlt.f32 v19, v4;
	v23 =	vsel vm0, $0xFFFFFFFF, v23  }
0x11b: {  	vm6 =	vgt.f32 v19, v5;
	vm0 =	vgt.f32 v13, v5;
	[tilespmem:$0x1FCB0] =	vst v23;
	v23 =	vimm.s32 $0x0  }
0x11c: {  	vm15 =	vgt.f32 v17, v5;
	vm11 =	veq.f32 v22, v4;
	v23 =	vsel vm0, $0xFFFFFFFF, v23  }
0x11d: {  	vm3 =	vmand vm3, vm11;
	vm0 =	vlt.f32 v12, v4;
	[tilespmem:$0x1FCC0] =	vst v23;
	v23 =	vimm.s32 $0x0  }
0x11e: {  	vm11 =	vgt.f32 v21, v5;
	vm2 =	vmor vm2, vm3;
	v23 =	vsel vm0, $0xFFFFFFFF, v23  }
0x11f: {  	vm3 =	vgt.f32 v22, v5;
	vm0 =	vgt.f32 v15, v5;
	[tilespmem:$0x1FCD0] =	vst v23;
	v23 =	vimm.s32 $0x0  }
0x120: {  	vm2 =	vmand vm3, vm2;
	vm3 =	vlt.f32 v21, v4;
	v23 =	vsel vm0, $0xFFFFFFFF, v23  }
0x121: {  	v21 =	vsel vm2, $0x3F800000, v3;
	vm0 =	vlt.f32 v14, v4;
	[tilespmem:$0x1FC80] =	vst v23;
	v23 =	vimm.s32 $0x0  }
0x122: {  	vm2 =	vmor vm3, vm8;
	vm3 =	veq.f32 v20, v4;
	v23 =	vsel vm0, $0xFFFFFFFF, v23  }
0x123: {  	v11 =	vadd.f32 v21, v11;
	vm0 =	vgt.f32 v14, v5;
	[tilespmem:$0x1FC90] =	vst v23;
	v23 =	vimm.s32 $0x0  }
0x124: {  	vm2 =	vmand vm11, vm2;
	vm3 =	vmand vm9, vm3;
	v23 =	vsel vm0, $0xFFFFFFFF, v23  }
0x125: {  	v20 =	vsel vm2, $0x3F800000, v3;
	vm0 =	vlt.f32 v16, v4;
	[tilespmem:$0x1FCA0] =	vst v23;
	v23 =	vimm.s32 $0x0  }
0x126: {  	vm1 =	vmor vm1, vm3;
	vm2 =	veq.f32 v19, v4;
	v23 =	vsel vm0, $0xFFFFFFFF, v23  }
0x127: {  	vm1 =	vmand vm13, vm1;
	vm0 =	vgt.f32 v16, v5;
	[tilespmem:$0x1FC40] =	vst v23;
	v23 =	vimm.s32 $0x0  }
0x128: {  	vm2 =	vmand vm5, vm2;
	v19 =	vsel vm1, $0x3F800000, v3;
	v23 =	vsel vm0, $0xFFFFFFFF, v23  }
0x129: {  	vm1 =	vmor vm7, vm2;
	vm0 =	vlt.f32 v15, v4;
	[tilespmem:$0x1FC50] =	vst v23;
	v23 =	vimm.s32 $0x0  }
0x12a: {  	vm2 =	veq.f32 v18, v4;
	vm1 =	vmand vm6, vm1;
	v23 =	vsel vm0, $0xFFFFFFFF, v23  }
0x12b: {  	vm0 =	vlt.f32 v18, v4;
	v18 =	vsel vm1, $0x3F800000, v3;
	vm1 =	veq.f32 v17, v4;
	v17 =	vld [tilespmem:$0x1FDC0];
	_ =	sdelay $0x1  }
0x12c: {  	v11 =	vadd.f32 v11, v20;
	_ =	sdelay $0x1  }
0x12d: {  	v11 =	vadd.f32 v11, v19;
	vm2 =	vmand vm14, vm2  }
0x12e: {  	vm0 =	vmor vm0, vm2;
	vm2 =	vnez.u8 v17  }
0x12f: {  	v11 =	vadd.f32 v11, v18;
	vm0 =	vmand vm10, vm0;
	vm1 =	vmand vm2, vm1  }
0x130: {  	v17 =	vsel vm0, $0x3F800000, v3;
	vm0 =	vmor vm4, vm1;
	vm1 =	veq.f32 v16, v4;
	v16 =	vld [tilespmem:$0x1FDB0]  }
0x131: {  	v11 =	vadd.f32 v11, v17;
	v17 =	vld [tilespmem:$0x1FC40];
	_ =	sdelay $0x3  }
0x132: {  	vm0 =	vmand vm15, vm0;
	vm2 =	vnez.u8 v16  }
0x133: {  	v16 =	vsel vm0, $0x3F800000, v3;
	vm0 =	vnez.u8 v17;
	vm1 =	vmand vm2, vm1  }
0x134: {  	vm0 =	vmor vm0, vm1;
	vm1 =	veq.f32 v15, v4;
	v15 =	vld [tilespmem:$0x1FC50];
	_ =	sdelay $0x4  }
0x135: {  	[tilespmem:$0x1FC70] =	vst v23;
	vm2 =	vnez.u8 v15;
	v15 =	vld [tilespmem:$0x1FC60]  }
0x136: {  	v11 =	vadd.f32 v11, v16;
	v16 =	vld [tilespmem:$0x1FC70];
	_ =	sdelay $0x3  }
0x137: {  	vm0 =	vmand vm2, vm0;
	vm2 =	vnez.u8 v15  }
0x138: {  	v15 =	vsel vm0, $0x3F800000, v3;
	vm0 =	vnez.u8 v16;
	vm1 =	vmand vm2, vm1  }
0x139: {  	vm0 =	vmor vm0, vm1;
	vm1 =	veq.f32 v14, v4;
	v14 =	vld [tilespmem:$0x1FC80];
	_ =	sdelay $0x4  }
0x13a: {  	vm2 =	vnez.u8 v14;
	v14 =	vld [tilespmem:$0x1FD80]  }
0x13b: {  	v11 =	vadd.f32 v11, v15;
	v15 =	vld [tilespmem:$0x1FC90];
	_ =	sdelay $0x3  }
0x13c: {  	vm0 =	vmand vm2, vm0;
	vm2 =	vnez.u8 v14  }
0x13d: {  	v14 =	vsel vm0, $0x3F800000, v3;
	vm0 =	vnez.u8 v15;
	vm1 =	vmand vm2, vm1  }
0x13e: {  	vm0 =	vmor vm0, vm1;
	vm1 =	veq.f32 v13, v4;
	v13 =	vld [tilespmem:$0x1FCA0];
	_ =	sdelay $0x4  }
0x13f: {  	vm2 =	vnez.u8 v13;
	v13 =	vld [tilespmem:$0x1FD90]  }
0x140: {  	v11 =	vadd.f32 v11, v14;
	v14 =	vld [tilespmem:$0x1FCB0];
	_ =	sdelay $0x3  }
0x141: {  	vm0 =	vmand vm2, vm0;
	vm2 =	vnez.u8 v13  }
0x142: {  	v13 =	vsel vm0, $0x3F800000, v3;
	vm0 =	vnez.u8 v14;
	vm1 =	vmand vm2, vm1  }
0x143: {  	vm0 =	vmor vm0, vm1;
	vm1 =	veq.f32 v12, v4;
	v12 =	vld [tilespmem:$0x1FCC0];
	_ =	sdelay $0x4  }
0x144: {  	vm2 =	vnez.u8 v12;
	v12 =	vld [tilespmem:$0x1FDA0]  }
0x145: {  	v11 =	vadd.f32 v11, v13;
	v13 =	vld [tilespmem:$0x1FCD0];
	_ =	sdelay $0x3  }
0x146: {  	vm0 =	vmand vm2, vm0;
	vm2 =	vnez.u8 v12  }
0x147: {  	v12 =	vsel vm0, $0x3F800000, v3;
	vm0 =	vnez.u8 v13;
	vm1 =	vmand vm2, vm1  }
0x148: {  	vm0 =	vmor vm0, vm1;
	vm1 =	veq.f32 v10, v4;
	v10 =	vadd.f32 v11, v12;
	v11 =	vld [tilespmem:$0x1FCE0];
	_ =	sdelay $0x4  }
0x149: {  	vm2 =	vnez.u8 v11;
	v11 =	vld [tilespmem:$0x1FCF0]  }
0x14a: {  	v12 =	vld [tilespmem:$0x1FD00];
	_ =	sdelay $0x3  }
0x14b: {  	vm0 =	vmand vm2, vm0;
	vm2 =	vnez.u8 v11  }
0x14c: {  	v11 =	vsel vm0, $0x3F800000, v3;
	vm0 =	vnez.u8 v12;
	vm1 =	vmand vm2, vm1  }
0x14d: {  	vm0 =	vmor vm0, vm1;
	vm1 =	veq.f32 v9, v4;
	v9 =	vadd.f32 v10, v11;
	v10 =	vld [tilespmem:$0x1FD10];
	_ =	sdelay $0x4  }
0x14e: {  	vm2 =	vnez.u8 v10;
	v10 =	vld [tilespmem:$0x1FD20]  }
0x14f: {  	v11 =	vld [tilespmem:$0x1FDF0];
	_ =	sdelay $0x3  }
0x150: {  	vm0 =	vmand vm2, vm0;
	vm2 =	vnez.u8 v10  }
0x151: {  	v10 =	vsel vm0, $0x3F800000, v3;
	vm0 =	vnez.u8 v11;
	vm1 =	vmand vm2, vm1  }
0x152: {  	vm0 =	vmor vm0, vm1;
	vm1 =	veq.f32 v8, v4;
	v8 =	vadd.f32 v9, v10;
	v9 =	vld [tilespmem:$0x1FE00];
	_ =	sdelay $0x4  }
0x153: {  	vm2 =	vnez.u8 v9;
	v9 =	vld [tilespmem:$0x1FD30]  }
0x154: {  	v10 =	vld [tilespmem:$0x1FE10];
	_ =	sdelay $0x3  }
0x155: {  	vm0 =	vmand vm2, vm0;
	vm2 =	vnez.u8 v9  }
0x156: {  	v9 =	vsel vm0, $0x3F800000, v3;
	vm0 =	vnez.u8 v10;
	vm1 =	vmand vm2, vm1  }
0x157: {  	vm0 =	vmor vm0, vm1;
	vm1 =	veq.f32 v7, v4;
	v7 =	vadd.f32 v8, v9;
	v8 =	vld [tilespmem:$0x1FDD0];
	_ =	sdelay $0x4  }
0x158: {  	vm2 =	vnez.u8 v8;
	v8 =	vld [tilespmem:$0x1FD40];
	_ =	sdelay $0x3  }
0x159: {  	vm0 =	vmand vm2, vm0  }
0x15a: {  	vm2 =	vnez.u8 v8;
	v8 =	vsel vm0, $0x3F800000, v3  }
0x15b: {  	s22 =	sadd.s32 $0x6, s11;
	s26 =	sadd.s32 $0x3, s11;
	v7 =	vadd.f32 v7, v8;
	v8 =	vld [tilespmem:$0x1FD50]  }
0x15c: {  	s23 =	sadd.s32 $0x5, s11;
	s10 =	sadd.s32 $0x10, s10;
	s30 =	scvt.s32.f32 s26;
	v9 =	vld [tilespmem:$0x1FDE0]  }
0x15d: {  	s24 =	sadd.s32 $0x4, s11;
	s23 =	scvt.s32.f32 s23;
	s22 =	scvt.s32.f32 s22;
	v21 =	vld [tilespmem:s10+$0x0]  }
0x15e: {  	s31 =	scvt.s32.f32 s24;
	v23 =	vmov s30  }
0x15f: {  	s15 =	sadd.s32 $0xC, s11;
	s18 =	sadd.s32 $0x9, s11;
	s21 =	sadd.s32 $0x7, s11;
	v19 =	vmov s22;
	v18 =	vmov s23;
	vm5 =	vlt.f32 v23, v1  }
0x160: {  	s17 =	sadd.s32 $0x8, s11;
	s18 =	scvt.s32.f32 s18;
	s21 =	scvt.s32.f32 s21;
	v17 =	vmov s31;
	vm1 =	vmand vm2, vm1;
	vm2 =	vnez.u8 v8;
	v8 =	vld [tilespmem:$0x1FD60]  }
0x161: {  	s15 =	scvt.s32.f32 s15;
	s17 =	scvt.s32.f32 s17;
	v23 =	vimm.s32 $0x0;
	vm14 =	vlt.f32 v17, v1;
	vm0 =	vnez.u8 v9;
	v9 =	vld [tilespmem:$0x1FD70]  }
0x162: {  	v17 =	vbroadcast v21, $0x5;
	v16 =	vmov s18;
	v14 =	vmov s21  }
0x163: {  	v15 =	vmov s17;
	vm4 =	vlt.f32 v14, v1;
	v13 =	vmov s15  }
0x164: {  	s12 =	sadd.s32 $0xE, s11;
	v14 =	vbroadcast v21, $0x8;
	vm10 =	vlt.f32 v13, v1;
	vm0 =	vmor vm0, vm1  }
0x165: {  	s12 =	scvt.s32.f32 s12;
	vm1 =	veq.f32 v6, v4;
	vm0 =	vmand vm2, vm0;
	vm2 =	vnez.u8 v8  }
0x166: {  	s13 =	sadd.s32 $0xF, s11;
	s20 =	scvt.s32.f32 s11;
	v8 =	vsel vm0, $0x3F800000, v3;
	vm0 =	vnez.u8 v9;
	vm1 =	vmand vm2, vm1  }
0x167: {  	s13 =	scvt.s32.f32 s13;
	v13 =	vbroadcast v21, $0x9;
	v12 =	vmov s12;
	vm0 =	vmor vm0, vm1  }
0x168: {  	vm1 =	vgt.f32 v6, v5;
	v6 =	vadd.f32 v7, v8;
	v7 =	vmov s20  }
0x169: {  	s19 =	sadd.s32 $0xA, s11;
	v8 =	vmov s13;
	vm0 =	vmand vm1, vm0;
	vm3 =	vlt.f32 v7, v1  }
0x16a: {  	s19 =	scvt.s32.f32 s19;
	v7 =	vimm.s32 $0x0;
	v9 =	vsel vm0, $0x3F800000, v3;
	vm0 =	vlt.f32 v15, v1  }
0x16b: {  	vm6 =	vlt.f32 v8, v1;
	v11 =	vadd.f32 v6, v9;
	v7 =	vsel vm0, $0xFFFFFFFF, v7  }
0x16c: {  	s16 =	sadd.s32 $0xD, s11;
	v6 =	vmov s19;
	vm0 =	vlt.f32 v16, v1;
	[tilespmem:$0x1FD80] =	vst v7;
	v7 =	vimm.s32 $0x0  }
0x16d: {  	s16 =	scvt.s32.f32 s16;
	v7 =	vsel vm0, $0xFFFFFFFF, v7;
	vm0 =	vlt.f32 v6, v1;
	v6 =	vimm.s32 $0x0  }
0x16e: {  	s14 =	sadd.s32 $0xB, s11;
	v8 =	vimm.s32 $0x0;
	v6 =	vsel vm0, $0xFFFFFFFF, v6;
	vm0 =	vlt.f32 v19, v1  }
0x16f: {  	s14 =	scvt.s32.f32 s14;
	vm7 =	vlt.f32 v12, v1;
	v10 =	vmov s16;
	v8 =	vsel vm0, $0xFFFFFFFF, v8  }
0x170: {  	s29 =	sadd.s32 $0x1, s11;
	v12 =	vbroadcast v21, $0xA;
	vm8 =	vlt.f32 v10, v1;
	[tilespmem:$0x1FDB0] =	vst v8;
	v8 =	vbroadcast v21, $0xD  }
0x171: {  	s12 =	scvt.s32.f32 s29;
	v10 =	vimm.s32 $0x0;
	v9 =	vmov s14;
	vm0 =	vlt.f32 v18, v1  }
0x172: {  	[tilespmem:$0x1FD90] =	vst v7;
	v7 =	vbroadcast v21, $0xE;
	v10 =	vsel vm0, $0xFFFFFFFF, v10;
	vm0 =	vgt.f32 v8, v5  }
0x173: {  	s28 =	sadd.s32 $0x2, s11;
	v20 =	vmov s12;
	vm13 =	vlt.f32 v9, v1;
	v23 =	vsel vm0, $0xFFFFFFFF, v23  }
0x174: {  	s13 =	scvt.s32.f32 s28;
	v9 =	vbroadcast v21, $0xC;
	vm0 =	vlt.f32 v7, v4;
	[tilespmem:$0x1FDD0] =	vst v23;
	v23 =	vimm.s32 $0x0  }
0x175: {  	vm12 =	vlt.f32 v20, v1;
	v20 =	vbroadcast v21, $0x2;
	v23 =	vsel vm0, $0xFFFFFFFF, v23  }
0x176: {  	v22 =	vmov s13;
	vm0 =	vlt.f32 v9, v4;
	[tilespmem:$0x1FDE0] =	vst v23;
	v23 =	vimm.s32 $0x0  }
0x177: {  	p0 =	sne.s32 s11, $0x470;
	v15 =	vbroadcast v21, $0x7;
	v16 =	vbroadcast v21, $0x6;
	v23 =	vsel vm0, $0xFFFFFFFF, v23  }
.Ltmp1:
0x178: {  	vm9 =	vlt.f32 v22, v1;
	vm0 =	vgt.f32 v9, v5;
	[tilespmem:$0x1FDF0] =	vst v23;
	v23 =	vimm.s32 $0x0;
	(pc) =	sbr.rel @p0 .LBB2_4-.Ltmp1, $4  }
0x179: {  	v22 =	vbroadcast v21, $0x0;
	v19 =	vbroadcast v21, $0x3;
	[tilespmem:$0x1FDA0] =	vst v6;
	v23 =	vsel vm0, $0xFFFFFFFF, v23  }
0x17a: {  	v6 =	vbroadcast v21, $0xF;
	vm0 =	vlt.f32 v8, v4;
	[tilespmem:$0x1FE00] =	vst v23;
	v23 =	vimm.s32 $0x0  }
0x17b: {  	v18 =	vbroadcast v21, $0x4;
	vm15 =	vgt.f32 v7, v5;
	[tilespmem:$0x1FDC0] =	vst v10;
	v23 =	vsel vm0, $0xFFFFFFFF, v23  }
0x17c: {  	s11 =	sadd.s32 $0x10, s11;
	v10 =	vbroadcast v21, $0xB;
	v21 =	vbroadcast v21, $0x1;
	vm11 =	vlt.f32 v6, v4;
	[tilespmem:$0x1FE10] =	vst v23  }
0x17d: {  	vm0 =	veq.f32 v22, v4  }
0x17e: {  	vm1 =	vlt.f32 v22, v4;
	vm0 =	vmand vm3, vm0  }
0x17f: {  	vm2 =	veq.f32 v21, v4;
	vm0 =	vmor vm1, vm0;
	vm1 =	vgt.f32 v22, v5  }
0x180: {  	vm0 =	vmand vm1, vm0;
	vm1 =	vmand vm12, vm2;
	vm2 =	vlt.f32 v21, v4  }
0x181: {  	vm3 =	veq.f32 v20, v4;
	vm1 =	vmor vm2, vm1;
	vm2 =	vgt.f32 v21, v5  }
0x182: {  	v21 =	vsel vm0, $0x3F800000, v3;
	vm0 =	vmand vm2, vm1;
	vm1 =	vmand vm9, vm3  }
0x183: {  	vm2 =	veq.f32 v19, v4;
	v22 =	vsel vm0, $0x3F800000, v3;
	vm0 =	vlt.f32 v20, v4  }
0x184: {  	vm0 =	vmor vm0, vm1;
	vm1 =	vmand vm5, vm2;
	vm2 =	vlt.f32 v19, v4  }
0x185: {  	vm3 =	vgt.f32 v20, v5;
	vm1 =	vmor vm2, vm1;
	vm2 =	vgt.f32 v19, v5  }
0x186: {  	vm0 =	vmand vm3, vm0;
	vm3 =	vlt.f32 v18, v4;
	vm1 =	vmand vm2, vm1  }
0x187: {  	vm2 =	veq.f32 v18, v4;
	v20 =	vsel vm1, $0x3F800000, v3;
	vm1 =	vgt.f32 v18, v5;
	v18 =	vld [tilespmem:$0x1FDC0];
	_ =	sdelay $0x2  }
0x188: {  	vm2 =	vmand vm14, vm2  }
0x189: {  	v19 =	vsel vm0, $0x3F800000, v3;
	vm0 =	vmor vm3, vm2  }
0x18a: {  	vm2 =	veq.f32 v17, v4;
	vm0 =	vmand vm1, vm0;
	vm1 =	vnez.u8 v18  }
0x18b: {  	vm1 =	vmand vm1, vm2;
	vm2 =	vlt.f32 v17, v4  }
0x18c: {  	v18 =	vsel vm0, $0x3F800000, v3;
	vm0 =	vmor vm2, vm1;
	vm1 =	vgt.f32 v17, v5;
	v17 =	vld [tilespmem:$0x1FDB0];
	_ =	sdelay $0x1  }
0x18d: {  	v11 =	vadd.f32 v21, v11;
	_ =	sdelay $0x1  }
0x18e: {  	v11 =	vadd.f32 v11, v22  }
0x18f: {  	vm2 =	veq.f32 v16, v4;
	vm0 =	vmand vm1, vm0;
	vm1 =	vnez.u8 v17  }
0x190: {  	vm3 =	veq.f32 v15, v4;
	v17 =	vsel vm0, $0x3F800000, v3;
	vm1 =	vmand vm1, vm2  }
0x191: {  	vm2 =	vmand vm4, vm3;
	vm3 =	vlt.f32 v16, v4;
	vm4 =	vlt.f32 v15, v4  }
0x192: {  	vm0 =	vmor vm3, vm1;
	vm1 =	vmor vm4, vm2;
	vm2 =	vgt.f32 v15, v5;
	v15 =	vld [tilespmem:$0x1FD80];
	_ =	sdelay $0x1  }
0x193: {  	v11 =	vadd.f32 v11, v19  }
0x194: {  	vm3 =	vgt.f32 v16, v5  }
0x195: {  	v11 =	vadd.f32 v11, v20;
	vm0 =	vmand vm3, vm0;
	vm1 =	vmand vm2, vm1  }
0x196: {  	vm2 =	veq.f32 v14, v4;
	v16 =	vsel vm1, $0x3F800000, v3;
	vm3 =	vnez.u8 v15  }
0x197: {  	vm1 =	vgt.f32 v14, v5;
	vm2 =	vmand vm3, vm2;
	vm3 =	vlt.f32 v14, v4;
	v14 =	vld [tilespmem:$0x1FD90];
	_ =	sdelay $0x1  }
0x198: {  	v11 =	vadd.f32 v11, v18;
	_ =	sdelay $0x1  }
0x199: {  	v11 =	vadd.f32 v11, v17;
	v15 =	vsel vm0, $0x3F800000, v3;
	vm0 =	vmor vm3, vm2  }
0x19a: {  	vm0 =	vmand vm1, vm0;
	vm1 =	vnez.u8 v14;
	v14 =	vld [tilespmem:$0x1FDA0]  }
0x19b: {  	v11 =	vadd.f32 v11, v15;
	vm2 =	veq.f32 v13, v4  }
0x19c: {  	vm1 =	vmand vm1, vm2;
	vm2 =	vlt.f32 v13, v4  }
0x19d: {  	v11 =	vadd.f32 v11, v16;
	vm1 =	vmor vm2, vm1;
	vm2 =	vgt.f32 v13, v5  }
0x19e: {  	v13 =	vsel vm0, $0x3F800000, v3;
	vm0 =	veq.f32 v12, v4;
	vm1 =	vmand vm2, vm1  }
0x19f: {  	vm2 =	vgt.f32 v12, v5;
	v11 =	vadd.f32 v11, v13;
	vm3 =	vnez.u8 v14  }
0x1a0: {  	vm0 =	vmand vm3, vm0;
	vm3 =	vlt.f32 v12, v4;
	v12 =	vsel vm1, $0x3F800000, v3  }
0x1a1: {  	vm1 =	veq.f32 v10, v4;
	vm0 =	vmor vm3, vm0;
	vm3 =	vlt.f32 v10, v4  }
0x1a2: {  	vm0 =	vmand vm2, vm0;
	vm2 =	vgt.f32 v10, v5;
	v10 =	vadd.f32 v11, v12  }
0x1a3: {  	vm1 =	vmand vm13, vm1;
	v11 =	vsel vm0, $0x3F800000, v3  }
0x1a4: {  	vm0 =	vmor vm3, vm1;
	vm1 =	veq.f32 v9, v4;
	v9 =	vadd.f32 v10, v11;
	v11 =	vld [tilespmem:$0x1FDF0];
	_ =	sdelay $0x3  }
0x1a5: {  	vm0 =	vmand vm2, vm0  }
0x1a6: {  	vm1 =	vmand vm10, vm1;
	v10 =	vsel vm0, $0x3F800000, v3;
	vm0 =	vnez.u8 v11  }
0x1a7: {  	vm0 =	vmor vm0, vm1;
	vm1 =	veq.f32 v8, v4;
	v8 =	vadd.f32 v9, v10;
	v9 =	vld [tilespmem:$0x1FE00];
	_ =	sdelay $0x1  }
0x1a8: {  	v10 =	vld [tilespmem:$0x1FE10];
	_ =	sdelay $0x2  }
0x1a9: {  	vm2 =	vnez.u8 v9  }
0x1aa: {  	vm0 =	vmand vm2, vm0  }
0x1ab: {  	vm1 =	vmand vm8, vm1;
	v9 =	vsel vm0, $0x3F800000, v3;
	vm0 =	vnez.u8 v10  }
0x1ac: {  	vm0 =	vmor vm0, vm1;
	vm1 =	veq.f32 v7, v4;
	v7 =	vadd.f32 v8, v9;
	v8 =	vld [tilespmem:$0x1FDD0]  }
0x1ad: {  	s26 =	simm.s32 $0x3  }
0x1ae: {  	s30 =	scvt.s32.f32 s26;
	v9 =	vld [tilespmem:$0x1FDE0]  }
0x1af: {  	s21 =	simm.s32 $0x6  }
0x1b0: {  	s21 =	scvt.s32.f32 s21;
	v23 =	vmov s30  }
0x1b1: {  	s22 =	simm.s32 $0x5;
	vm5 =	vlt.f32 v23, v2;
	vm2 =	vnez.u8 v8  }
0x1b2: {  	s22 =	scvt.s32.f32 s22;
	v23 =	vimm.s32 $0x0;
	v19 =	vmov s21;
	vm0 =	vmand vm2, vm0  }
0x1b3: {  	vm1 =	vmand vm7, vm1;
	v8 =	vsel vm0, $0x3F800000, v3;
	vm0 =	vnez.u8 v9  }
0x1b4: {  	s23 =	simm.s32 $0x4;
	v18 =	vmov s22;
	vm0 =	vmor vm0, vm1;
	vm1 =	veq.f32 v6, v4  }
0x1b5: {  	s13 =	simm.s32 $0xB;
	s16 =	simm.s32 $0x8;
	s31 =	scvt.s32.f32 s23;
	v4 =	vadd.f32 v7, v8;
	vm0 =	vmand vm15, vm0;
	vm1 =	vmand vm6, vm1  }
0x1b6: {  	s17 =	simm.s32 $0x9;
	s20 =	simm.s32 $0x7;
	s16 =	scvt.s32.f32 s16;
	v7 =	vsel vm0, $0x3F800000, v3;
	vm0 =	vmor vm11, vm1;
	vm1 =	vgt.f32 v6, v5  }
0x1b7: {  	s14 =	simm.s32 $0xC;
	s17 =	scvt.s32.f32 s17;
	s20 =	scvt.s32.f32 s20;
	v17 =	vmov s31;
	v4 =	vadd.f32 v4, v7;
	vm0 =	vmand vm1, vm0  }
0x1b8: {  	s13 =	scvt.s32.f32 s13;
	s14 =	scvt.s32.f32 s14;
	vm14 =	vlt.f32 v17, v2;
	v15 =	vmov s16;
	v5 =	vsel vm0, $0x3F800000, v3  }
0x1b9: {  	s10 =	simm.s32 $0x0;
	v16 =	vmov s17;
	v14 =	vmov s20;
	v4 =	vadd.f32 v4, v5  }
0x1ba: {  	s19 =	scvt.s32.f32 s10;
	v13 =	vmov s14;
	vm4 =	vlt.f32 v14, v2;
	v12 =	vmov s13  }
0x1bb: {  	s11 =	simm.s32 $0xE;
	s18 =	simm.s32 $0xA;
	vm13 =	vlt.f32 v12, v2;
	v11 =	vimm.f32 $0.0e+00;
	vm0 =	vlt.f32 v4, $1.000000000e+01  }
0x1bc: {  	s15 =	simm.s32 $0xD;
	s11 =	scvt.s32.f32 s11;
	s18 =	scvt.s32.f32 s18;
	vm10 =	vlt.f32 v13, v2;
	v6 =	vmov s19;
	v4 =	vsel vm0, $0x3F800000, v11  }
0x1bd: {  	s29 =	simm.s32 $0x1;
	s15 =	scvt.s32.f32 s15;
	vm3 =	vlt.f32 v6, v2;
	v6 =	vimm.s32 $0x0;
	vm0 =	vlt.f32 v15, v2;
	[tilespmem:$0x610] =	vst v4  }
0x1be: {  	v10 =	vmov s18;
	v9 =	vmov s11;
	s11 =	scvt.s32.f32 s29;
	v6 =	vsel vm0, $0xFFFFFFFF, v6;
	v4 =	vld [tilespmem:s3+$0x20]  }
0x1bf: {  	v8 =	vmov s15;
	vm0 =	vlt.f32 v16, v2;
	v21 =	vld [tilespmem:s10+$0x0];
	[tilespmem:$0x1FBA0] =	vst v6;
	v6 =	vimm.s32 $0x0  }
0x1c0: {  	s12 =	simm.s32 $0xF;
	vm7 =	vlt.f32 v9, v2;
	v20 =	vmov s11;
	v6 =	vsel vm0, $0xFFFFFFFF, v6  }
0x1c1: {  	s12 =	scvt.s32.f32 s12;
	vm8 =	vlt.f32 v8, v2;
	vm0 =	vlt.f32 v10, v2;
	[tilespmem:$0x1FBB0] =	vst v6;
	v6 =	vimm.s32 $0x0  }
0x1c2: {  	s28 =	simm.s32 $0x2;
	v8 =	vimm.s32 $0x0;
	v6 =	vsel vm0, $0xFFFFFFFF, v6;
	vm0 =	vlt.f32 v19, v2  }
0x1c3: {  	vm12 =	vlt.f32 v20, v2;
	v7 =	vmov s12;
	s12 =	scvt.s32.f32 s28;
	v8 =	vsel vm0, $0xFFFFFFFF, v8  }
0x1c4: {  	vm6 =	vlt.f32 v7, v2;
	v5 =	vadd.f32 $-9.000000000e+02, v4;
	[tilespmem:$0x1FBD0] =	vst v8;
	v8 =	vbroadcast v21, $0xD  }
0x1c5: {  	v22 =	vmov s12;
	v10 =	vimm.s32 $0x0;
	vm0 =	vlt.f32 v18, v2  }
0x1c6: {  	v7 =	vbroadcast v21, $0xE;
	v10 =	vsel vm0, $0xFFFFFFFF, v10;
	vm0 =	vgt.f32 v8, v5  }
0x1c7: {  	vm9 =	vlt.f32 v22, v2;
	[tilespmem:$0x1FBC0] =	vst v6;
	v6 =	vbroadcast v21, $0xF;
	v23 =	vsel vm0, $0xFFFFFFFF, v23  }
0x1c8: {  	v9 =	vbroadcast v21, $0xC;
	vm0 =	vlt.f32 v7, v4;
	[tilespmem:$0x1FBF0] =	vst v23;
	v23 =	vimm.s32 $0x0  }
0x1c9: {  	v12 =	vbroadcast v21, $0xA;
	v14 =	vbroadcast v21, $0x8;
	v23 =	vsel vm0, $0xFFFFFFFF, v23  }
0x1ca: {  	v13 =	vbroadcast v21, $0x9;
	vm0 =	vlt.f32 v9, v4;
	[tilespmem:$0x1FC00] =	vst v23;
	v23 =	vimm.s32 $0x0  }
0x1cb: {  	v16 =	vbroadcast v21, $0x6;
	v15 =	vbroadcast v21, $0x7;
	v23 =	vsel vm0, $0xFFFFFFFF, v23  }
0x1cc: {  	v18 =	vbroadcast v21, $0x4;
	vm0 =	vgt.f32 v9, v5;
	[tilespmem:$0x1FC10] =	vst v23;
	v23 =	vimm.s32 $0x0  }
0x1cd: {  	v17 =	vbroadcast v21, $0x5;
	v20 =	vbroadcast v21, $0x2;
	v23 =	vsel vm0, $0xFFFFFFFF, v23  }
0x1ce: {  	v19 =	vbroadcast v21, $0x3;
	vm0 =	vlt.f32 v8, v4;
	[tilespmem:$0x1FC20] =	vst v23;
	v23 =	vimm.s32 $0x0  }
0x1cf: {  	v22 =	vbroadcast v21, $0x0;
	[tilespmem:$0x1FBE0] =	vst v10;
	v10 =	vbroadcast v21, $0xB;
	v23 =	vsel vm0, $0xFFFFFFFF, v23  }
0x1d0: {  	s11 =	simm.s32 $0x10;
	v21 =	vbroadcast v21, $0x1;
	vm11 =	vlt.f32 v6, v4;
	vm15 =	vgt.f32 v7, v5;
	[tilespmem:$0x1FC30] =	vst v23  }
.LBB2_6:
0x1d1: {  	v23 =	vimm.s32 $0x0  }
0x1d2: {  	v23 =	vsel vm4, $0xFFFFFFFF, v23  }
0x1d3: {  	[tilespmem:$0x1FA80] =	vst v23;
	v23 =	vimm.s32 $0x0  }
0x1d4: {  	v23 =	vsel vm13, $0xFFFFFFFF, v23  }
0x1d5: {  	[tilespmem:$0x1FB10] =	vst v23;
	v23 =	vimm.s32 $0x0  }
0x1d6: {  	v23 =	vsel vm8, $0xFFFFFFFF, v23  }
0x1d7: {  	[tilespmem:$0x1FB50] =	vst v23;
	v23 =	vimm.s32 $0x0  }
0x1d8: {  	v23 =	vsel vm10, $0xFFFFFFFF, v23  }
0x1d9: {  	[tilespmem:$0x1FB40] =	vst v23;
	v23 =	vimm.s32 $0x0  }
0x1da: {  	v23 =	vsel vm7, $0xFFFFFFFF, v23  }
0x1db: {  	[tilespmem:$0x1FB60] =	vst v23;
	v23 =	vimm.s32 $0x0  }
0x1dc: {  	v23 =	vsel vm6, $0xFFFFFFFF, v23  }
0x1dd: {  	[tilespmem:$0x1FB80] =	vst v23;
	v23 =	vimm.s32 $0x0  }
0x1de: {  	v23 =	vsel vm15, $0xFFFFFFFF, v23  }
0x1df: {  	[tilespmem:$0x1FB70] =	vst v23;
	v23 =	vimm.s32 $0x0  }
0x1e0: {  	v23 =	vsel vm11, $0xFFFFFFFF, v23  }
0x1e1: {  	vm0 =	vgt.f32 v12, v5;
	[tilespmem:$0x1FB90] =	vst v23;
	v23 =	vimm.s32 $0x0  }
0x1e2: {  	v23 =	vsel vm0, $0xFFFFFFFF, v23  }
0x1e3: {  	vm0 =	vlt.f32 v10, v4;
	[tilespmem:$0x1FB00] =	vst v23;
	v23 =	vimm.s32 $0x0  }
0x1e4: {  	vm4 =	vlt.f32 v17, v4;
	vm1 =	vlt.f32 v20, v4;
	v23 =	vsel vm0, $0xFFFFFFFF, v23  }
0x1e5: {  	vm2 =	vlt.f32 v22, v4;
	vm0 =	vgt.f32 v10, v5;
	[tilespmem:$0x1FB20] =	vst v23;
	v23 =	vimm.s32 $0x0  }
0x1e6: {  	vm13 =	vgt.f32 v20, v5;
	vm8 =	veq.f32 v21, v4;
	v23 =	vsel vm0, $0xFFFFFFFF, v23  }
0x1e7: {  	vm8 =	vmand vm12, vm8;
	vm0 =	vlt.f32 v13, v4;
	[tilespmem:$0x1FB30] =	vst v23;
	v23 =	vimm.s32 $0x0  }
0x1e8: {  	vm10 =	vgt.f32 v18, v5;
	vm7 =	vlt.f32 v19, v4;
	v23 =	vsel vm0, $0xFFFFFFFF, v23  }
0x1e9: {  	vm6 =	vgt.f32 v19, v5;
	vm0 =	vgt.f32 v13, v5;
	[tilespmem:$0x1FAD0] =	vst v23;
	v23 =	vimm.s32 $0x0  }
0x1ea: {  	vm15 =	vgt.f32 v17, v5;
	vm11 =	veq.f32 v22, v4;
	v23 =	vsel vm0, $0xFFFFFFFF, v23  }
0x1eb: {  	vm3 =	vmand vm3, vm11;
	vm0 =	vlt.f32 v12, v4;
	[tilespmem:$0x1FAE0] =	vst v23;
	v23 =	vimm.s32 $0x0  }
0x1ec: {  	vm11 =	vgt.f32 v21, v5;
	vm2 =	vmor vm2, vm3;
	v23 =	vsel vm0, $0xFFFFFFFF, v23  }
0x1ed: {  	vm3 =	vgt.f32 v22, v5;
	vm0 =	vgt.f32 v15, v5;
	[tilespmem:$0x1FAF0] =	vst v23;
	v23 =	vimm.s32 $0x0  }
0x1ee: {  	vm2 =	vmand vm3, vm2;
	vm3 =	vlt.f32 v21, v4;
	v23 =	vsel vm0, $0xFFFFFFFF, v23  }
0x1ef: {  	v21 =	vsel vm2, $0x3F800000, v3;
	vm0 =	vlt.f32 v14, v4;
	[tilespmem:$0x1FAA0] =	vst v23;
	v23 =	vimm.s32 $0x0  }
0x1f0: {  	vm2 =	vmor vm3, vm8;
	vm3 =	veq.f32 v20, v4;
	v23 =	vsel vm0, $0xFFFFFFFF, v23  }
0x1f1: {  	v11 =	vadd.f32 v21, v11;
	vm0 =	vgt.f32 v14, v5;
	[tilespmem:$0x1FAB0] =	vst v23;
	v23 =	vimm.s32 $0x0  }
0x1f2: {  	vm2 =	vmand vm11, vm2;
	vm3 =	vmand vm9, vm3;
	v23 =	vsel vm0, $0xFFFFFFFF, v23  }
0x1f3: {  	v20 =	vsel vm2, $0x3F800000, v3;
	vm0 =	vlt.f32 v16, v4;
	[tilespmem:$0x1FAC0] =	vst v23;
	v23 =	vimm.s32 $0x0  }
0x1f4: {  	vm1 =	vmor vm1, vm3;
	vm2 =	veq.f32 v19, v4;
	v23 =	vsel vm0, $0xFFFFFFFF, v23  }
0x1f5: {  	vm1 =	vmand vm13, vm1;
	vm0 =	vgt.f32 v16, v5;
	[tilespmem:$0x1FA60] =	vst v23;
	v23 =	vimm.s32 $0x0  }
0x1f6: {  	vm2 =	vmand vm5, vm2;
	v19 =	vsel vm1, $0x3F800000, v3;
	v23 =	vsel vm0, $0xFFFFFFFF, v23  }
0x1f7: {  	vm1 =	vmor vm7, vm2;
	vm0 =	vlt.f32 v15, v4;
	[tilespmem:$0x1FA70] =	vst v23;
	v23 =	vimm.s32 $0x0  }
0x1f8: {  	vm2 =	veq.f32 v18, v4;
	vm1 =	vmand vm6, vm1;
	v23 =	vsel vm0, $0xFFFFFFFF, v23  }
0x1f9: {  	vm0 =	vlt.f32 v18, v4;
	v18 =	vsel vm1, $0x3F800000, v3;
	vm1 =	veq.f32 v17, v4;
	v17 =	vld [tilespmem:$0x1FBE0];
	_ =	sdelay $0x1  }
0x1fa: {  	v11 =	vadd.f32 v11, v20;
	_ =	sdelay $0x1  }
0x1fb: {  	v11 =	vadd.f32 v11, v19;
	vm2 =	vmand vm14, vm2  }
0x1fc: {  	vm0 =	vmor vm0, vm2;
	vm2 =	vnez.u8 v17  }
0x1fd: {  	v11 =	vadd.f32 v11, v18;
	vm0 =	vmand vm10, vm0;
	vm1 =	vmand vm2, vm1  }
0x1fe: {  	v17 =	vsel vm0, $0x3F800000, v3;
	vm0 =	vmor vm4, vm1;
	vm1 =	veq.f32 v16, v4;
	v16 =	vld [tilespmem:$0x1FBD0]  }
0x1ff: {  	v11 =	vadd.f32 v11, v17;
	v17 =	vld [tilespmem:$0x1FA60];
	_ =	sdelay $0x3  }
0x200: {  	vm0 =	vmand vm15, vm0;
	vm2 =	vnez.u8 v16  }
0x201: {  	v16 =	vsel vm0, $0x3F800000, v3;
	vm0 =	vnez.u8 v17;
	vm1 =	vmand vm2, vm1  }
0x202: {  	vm0 =	vmor vm0, vm1;
	vm1 =	veq.f32 v15, v4;
	v15 =	vld [tilespmem:$0x1FA70];
	_ =	sdelay $0x4  }
0x203: {  	[tilespmem:$0x1FA90] =	vst v23;
	vm2 =	vnez.u8 v15;
	v15 =	vld [tilespmem:$0x1FA80]  }
0x204: {  	v11 =	vadd.f32 v11, v16;
	v16 =	vld [tilespmem:$0x1FA90];
	_ =	sdelay $0x3  }
0x205: {  	vm0 =	vmand vm2, vm0;
	vm2 =	vnez.u8 v15  }
0x206: {  	v15 =	vsel vm0, $0x3F800000, v3;
	vm0 =	vnez.u8 v16;
	vm1 =	vmand vm2, vm1  }
0x207: {  	vm0 =	vmor vm0, vm1;
	vm1 =	veq.f32 v14, v4;
	v14 =	vld [tilespmem:$0x1FAA0];
	_ =	sdelay $0x4  }
0x208: {  	vm2 =	vnez.u8 v14;
	v14 =	vld [tilespmem:$0x1FBA0]  }
0x209: {  	v11 =	vadd.f32 v11, v15;
	v15 =	vld [tilespmem:$0x1FAB0];
	_ =	sdelay $0x3  }
0x20a: {  	vm0 =	vmand vm2, vm0;
	vm2 =	vnez.u8 v14  }
0x20b: {  	v14 =	vsel vm0, $0x3F800000, v3;
	vm0 =	vnez.u8 v15;
	vm1 =	vmand vm2, vm1  }
0x20c: {  	vm0 =	vmor vm0, vm1;
	vm1 =	veq.f32 v13, v4;
	v13 =	vld [tilespmem:$0x1FAC0];
	_ =	sdelay $0x4  }
0x20d: {  	vm2 =	vnez.u8 v13;
	v13 =	vld [tilespmem:$0x1FBB0]  }
0x20e: {  	v11 =	vadd.f32 v11, v14;
	v14 =	vld [tilespmem:$0x1FAD0];
	_ =	sdelay $0x3  }
0x20f: {  	vm0 =	vmand vm2, vm0;
	vm2 =	vnez.u8 v13  }
0x210: {  	v13 =	vsel vm0, $0x3F800000, v3;
	vm0 =	vnez.u8 v14;
	vm1 =	vmand vm2, vm1  }
0x211: {  	vm0 =	vmor vm0, vm1;
	vm1 =	veq.f32 v12, v4;
	v12 =	vld [tilespmem:$0x1FAE0];
	_ =	sdelay $0x4  }
0x212: {  	vm2 =	vnez.u8 v12;
	v12 =	vld [tilespmem:$0x1FBC0]  }
0x213: {  	v11 =	vadd.f32 v11, v13;
	v13 =	vld [tilespmem:$0x1FAF0];
	_ =	sdelay $0x3  }
0x214: {  	vm0 =	vmand vm2, vm0;
	vm2 =	vnez.u8 v12  }
0x215: {  	v12 =	vsel vm0, $0x3F800000, v3;
	vm0 =	vnez.u8 v13;
	vm1 =	vmand vm2, vm1  }
0x216: {  	vm0 =	vmor vm0, vm1;
	vm1 =	veq.f32 v10, v4;
	v10 =	vadd.f32 v11, v12;
	v11 =	vld [tilespmem:$0x1FB00];
	_ =	sdelay $0x4  }
0x217: {  	vm2 =	vnez.u8 v11;
	v11 =	vld [tilespmem:$0x1FB10]  }
0x218: {  	v12 =	vld [tilespmem:$0x1FB20];
	_ =	sdelay $0x3  }
0x219: {  	vm0 =	vmand vm2, vm0;
	vm2 =	vnez.u8 v11  }
0x21a: {  	v11 =	vsel vm0, $0x3F800000, v3;
	vm0 =	vnez.u8 v12;
	vm1 =	vmand vm2, vm1  }
0x21b: {  	vm0 =	vmor vm0, vm1;
	vm1 =	veq.f32 v9, v4;
	v9 =	vadd.f32 v10, v11;
	v10 =	vld [tilespmem:$0x1FB30];
	_ =	sdelay $0x4  }
0x21c: {  	vm2 =	vnez.u8 v10;
	v10 =	vld [tilespmem:$0x1FB40]  }
0x21d: {  	v11 =	vld [tilespmem:$0x1FC10];
	_ =	sdelay $0x3  }
0x21e: {  	vm0 =	vmand vm2, vm0;
	vm2 =	vnez.u8 v10  }
0x21f: {  	v10 =	vsel vm0, $0x3F800000, v3;
	vm0 =	vnez.u8 v11;
	vm1 =	vmand vm2, vm1  }
0x220: {  	vm0 =	vmor vm0, vm1;
	vm1 =	veq.f32 v8, v4;
	v8 =	vadd.f32 v9, v10;
	v9 =	vld [tilespmem:$0x1FC20];
	_ =	sdelay $0x4  }
0x221: {  	vm2 =	vnez.u8 v9;
	v9 =	vld [tilespmem:$0x1FB50]  }
0x222: {  	v10 =	vld [tilespmem:$0x1FC30];
	_ =	sdelay $0x3  }
0x223: {  	vm0 =	vmand vm2, vm0;
	vm2 =	vnez.u8 v9  }
0x224: {  	v9 =	vsel vm0, $0x3F800000, v3;
	vm0 =	vnez.u8 v10;
	vm1 =	vmand vm2, vm1  }
0x225: {  	vm0 =	vmor vm0, vm1;
	vm1 =	veq.f32 v7, v4;
	v7 =	vadd.f32 v8, v9;
	v8 =	vld [tilespmem:$0x1FBF0];
	_ =	sdelay $0x4  }
0x226: {  	vm2 =	vnez.u8 v8;
	v8 =	vld [tilespmem:$0x1FB60];
	_ =	sdelay $0x3  }
0x227: {  	vm0 =	vmand vm2, vm0  }
0x228: {  	vm2 =	vnez.u8 v8;
	v8 =	vsel vm0, $0x3F800000, v3  }
0x229: {  	s22 =	sadd.s32 $0x6, s11;
	s26 =	sadd.s32 $0x3, s11;
	v7 =	vadd.f32 v7, v8;
	v8 =	vld [tilespmem:$0x1FB70]  }
0x22a: {  	s23 =	sadd.s32 $0x5, s11;
	s10 =	sadd.s32 $0x10, s10;
	s30 =	scvt.s32.f32 s26;
	v9 =	vld [tilespmem:$0x1FC00]  }
0x22b: {  	s24 =	sadd.s32 $0x4, s11;
	s23 =	scvt.s32.f32 s23;
	s22 =	scvt.s32.f32 s22;
	v21 =	vld [tilespmem:s10+$0x0]  }
0x22c: {  	s31 =	scvt.s32.f32 s24;
	v23 =	vmov s30  }
0x22d: {  	s15 =	sadd.s32 $0xC, s11;
	s18 =	sadd.s32 $0x9, s11;
	s21 =	sadd.s32 $0x7, s11;
	v19 =	vmov s22;
	v18 =	vmov s23;
	vm5 =	vlt.f32 v23, v2  }
0x22e: {  	s17 =	sadd.s32 $0x8, s11;
	s18 =	scvt.s32.f32 s18;
	s21 =	scvt.s32.f32 s21;
	v17 =	vmov s31;
	vm1 =	vmand vm2, vm1;
	vm2 =	vnez.u8 v8;
	v8 =	vld [tilespmem:$0x1FB80]  }
0x22f: {  	s15 =	scvt.s32.f32 s15;
	s17 =	scvt.s32.f32 s17;
	v23 =	vimm.s32 $0x0;
	vm14 =	vlt.f32 v17, v2;
	vm0 =	vnez.u8 v9;
	v9 =	vld [tilespmem:$0x1FB90]  }
0x230: {  	v17 =	vbroadcast v21, $0x5;
	v16 =	vmov s18;
	v14 =	vmov s21  }
0x231: {  	v15 =	vmov s17;
	vm4 =	vlt.f32 v14, v2;
	v13 =	vmov s15  }
0x232: {  	s12 =	sadd.s32 $0xE, s11;
	v14 =	vbroadcast v21, $0x8;
	vm10 =	vlt.f32 v13, v2;
	vm0 =	vmor vm0, vm1  }
0x233: {  	s12 =	scvt.s32.f32 s12;
	vm1 =	veq.f32 v6, v4;
	vm0 =	vmand vm2, vm0;
	vm2 =	vnez.u8 v8  }
0x234: {  	s13 =	sadd.s32 $0xF, s11;
	s20 =	scvt.s32.f32 s11;
	v8 =	vsel vm0, $0x3F800000, v3;
	vm0 =	vnez.u8 v9;
	vm1 =	vmand vm2, vm1  }
0x235: {  	s13 =	scvt.s32.f32 s13;
	v13 =	vbroadcast v21, $0x9;
	v12 =	vmov s12;
	vm0 =	vmor vm0, vm1  }
0x236: {  	vm1 =	vgt.f32 v6, v5;
	v6 =	vadd.f32 v7, v8;
	v7 =	vmov s20  }
0x237: {  	s19 =	sadd.s32 $0xA, s11;
	v8 =	vmov s13;
	vm0 =	vmand vm1, vm0;
	vm3 =	vlt.f32 v7, v2  }
0x238: {  	s19 =	scvt.s32.f32 s19;
	v7 =	vimm.s32 $0x0;
	v9 =	vsel vm0, $0x3F800000, v3;
	vm0 =	vlt.f32 v15, v2  }
0x239: {  	vm6 =	vlt.f32 v8, v2;
	v11 =	vadd.f32 v6, v9;
	v7 =	vsel vm0, $0xFFFFFFFF, v7  }
0x23a: {  	s16 =	sadd.s32 $0xD, s11;
	v6 =	vmov s19;
	vm0 =	vlt.f32 v16, v2;
	[tilespmem:$0x1FBA0] =	vst v7;
	v7 =	vimm.s32 $0x0  }
0x23b: {  	s16 =	scvt.s32.f32 s16;
	v7 =	vsel vm0, $0xFFFFFFFF, v7;
	vm0 =	vlt.f32 v6, v2;
	v6 =	vimm.s32 $0x0  }
0x23c: {  	s14 =	sadd.s32 $0xB, s11;
	v8 =	vimm.s32 $0x0;
	v6 =	vsel vm0, $0xFFFFFFFF, v6;
	vm0 =	vlt.f32 v19, v2  }
0x23d: {  	s14 =	scvt.s32.f32 s14;
	vm7 =	vlt.f32 v12, v2;
	v10 =	vmov s16;
	v8 =	vsel vm0, $0xFFFFFFFF, v8  }
0x23e: {  	s29 =	sadd.s32 $0x1, s11;
	v12 =	vbroadcast v21, $0xA;
	vm8 =	vlt.f32 v10, v2;
	[tilespmem:$0x1FBD0] =	vst v8;
	v8 =	vbroadcast v21, $0xD  }
0x23f: {  	s12 =	scvt.s32.f32 s29;
	v10 =	vimm.s32 $0x0;
	v9 =	vmov s14;
	vm0 =	vlt.f32 v18, v2  }
0x240: {  	[tilespmem:$0x1FBB0] =	vst v7;
	v7 =	vbroadcast v21, $0xE;
	v10 =	vsel vm0, $0xFFFFFFFF, v10;
	vm0 =	vgt.f32 v8, v5  }
0x241: {  	s28 =	sadd.s32 $0x2, s11;
	v20 =	vmov s12;
	vm13 =	vlt.f32 v9, v2;
	v23 =	vsel vm0, $0xFFFFFFFF, v23  }
0x242: {  	s13 =	scvt.s32.f32 s28;
	v9 =	vbroadcast v21, $0xC;
	vm0 =	vlt.f32 v7, v4;
	[tilespmem:$0x1FBF0] =	vst v23;
	v23 =	vimm.s32 $0x0  }
0x243: {  	vm12 =	vlt.f32 v20, v2;
	v20 =	vbroadcast v21, $0x2;
	v23 =	vsel vm0, $0xFFFFFFFF, v23  }
0x244: {  	v22 =	vmov s13;
	vm0 =	vlt.f32 v9, v4;
	[tilespmem:$0x1FC00] =	vst v23;
	v23 =	vimm.s32 $0x0  }
0x245: {  	p0 =	sne.s32 s11, $0x470;
	v15 =	vbroadcast v21, $0x7;
	v16 =	vbroadcast v21, $0x6;
	v23 =	vsel vm0, $0xFFFFFFFF, v23  }
.Ltmp2:
0x246: {  	vm9 =	vlt.f32 v22, v2;
	vm0 =	vgt.f32 v9, v5;
	[tilespmem:$0x1FC10] =	vst v23;
	v23 =	vimm.s32 $0x0;
	(pc) =	sbr.rel @p0 .LBB2_6-.Ltmp2, $4  }
0x247: {  	v22 =	vbroadcast v21, $0x0;
	v19 =	vbroadcast v21, $0x3;
	[tilespmem:$0x1FBC0] =	vst v6;
	v23 =	vsel vm0, $0xFFFFFFFF, v23  }
0x248: {  	v6 =	vbroadcast v21, $0xF;
	vm0 =	vlt.f32 v8, v4;
	[tilespmem:$0x1FC20] =	vst v23;
	v23 =	vimm.s32 $0x0  }
0x249: {  	v18 =	vbroadcast v21, $0x4;
	vm15 =	vgt.f32 v7, v5;
	[tilespmem:$0x1FBE0] =	vst v10;
	v23 =	vsel vm0, $0xFFFFFFFF, v23  }
0x24a: {  	s11 =	sadd.s32 $0x10, s11;
	v10 =	vbroadcast v21, $0xB;
	v21 =	vbroadcast v21, $0x1;
	vm11 =	vlt.f32 v6, v4;
	[tilespmem:$0x1FC30] =	vst v23  }
0x24b: {  	vm0 =	veq.f32 v22, v4  }
0x24c: {  	vm1 =	vlt.f32 v22, v4;
	vm0 =	vmand vm3, vm0;
	vm2 =	veq.f32 v21, v4  }
0x24d: {  	vm3 =	veq.f32 v20, v4;
	vm0 =	vmor vm1, vm0;
	vm1 =	vgt.f32 v22, v5  }
0x24e: {  	vm0 =	vmand vm1, vm0;
	vm1 =	vmand vm12, vm2;
	vm12 =	vlt.f32 v21, v4  }
0x24f: {  	vm1 =	vmor vm12, vm1;
	vm12 =	vgt.f32 v21, v5;
	v36 =	vsel vm0, $0x3F800000, v3  }
0x250: {  	vm12 =	vmand vm12, vm1;
	vm1 =	vmand vm9, vm3;
	vm9 =	vlt.f32 v20, v4  }
0x251: {  	v11 =	vadd.f32 v36, v11;
	v37 =	vsel vm12, $0x3F800000, v3;
	vm12 =	veq.f32 v19, v4  }
0x252: {  	v40 =	vld [tilespmem:$0x1FBE0];
	vm0 =	vmor vm9, vm1;
	vm9 =	vlt.f32 v19, v4;
	vm5 =	vmand vm5, vm12  }
0x253: {  	vm12 =	vgt.f32 v19, v5;
	v11 =	vadd.f32 v11, v37;
	vm1 =	vmor vm9, vm5  }
0x254: {  	vm9 =	vgt.f32 v20, v5;
	vm1 =	vmand vm12, vm1;
	vm12 =	veq.f32 v18, v4  }
0x255: {  	vm0 =	vmand vm9, vm0;
	vm9 =	vgt.f32 v18, v5;
	vm2 =	vmand vm14, vm12  }
0x256: {  	v42 =	vld [tilespmem:$0x1FBD0];
	vm14 =	vlt.f32 v18, v4;
	v38 =	vsel vm0, $0x3F800000, v3;
	v39 =	vsel vm1, $0x3F800000, v3  }
0x257: {  	vm12 =	veq.f32 v17, v4;
	vm5 =	vmor vm14, vm2;
	vm14 =	vnez.u8 v40  }
0x258: {  	v47 =	vld [tilespmem:$0x1FBB0];
	v11 =	vadd.f32 v11, v38;
	vm0 =	vmand vm9, vm5;
	vm1 =	vmand vm14, vm12  }
0x259: {  	vm5 =	vlt.f32 v17, v4;
	vm9 =	vgt.f32 v17, v5;
	vm12 =	veq.f32 v16, v4  }
0x25a: {  	vm14 =	veq.f32 v15, v4;
	v41 =	vsel vm0, $0x3F800000, v3;
	vm0 =	vmor vm5, vm1  }
0x25b: {  	v44 =	vld [tilespmem:$0x1FBA0];
	vm5 =	vnez.u8 v42;
	v11 =	vadd.f32 v11, v39;
	vm0 =	vmand vm9, vm0  }
0x25c: {  	vm1 =	vmand vm5, vm12;
	vm9 =	vmand vm4, vm14;
	vm12 =	vlt.f32 v16, v4  }
0x25d: {  	vm14 =	vlt.f32 v15, v4;
	vm4 =	vnez.u8 v47;
	vm5 =	vlt.f32 v13, v4  }
0x25e: {  	v43 =	vsel vm0, $0x3F800000, v3;
	vm0 =	vmor vm12, vm1;
	vm9 =	vmor vm14, vm9  }
0x25f: {  	v11 =	vadd.f32 v11, v41;
	vm12 =	vgt.f32 v15, v5;
	vm14 =	vgt.f32 v16, v5  }
0x260: {  	vm1 =	vmand vm12, vm9;
	vm9 =	veq.f32 v14, v4;
	vm12 =	vnez.u8 v44  }
0x261: {  	v49 =	vld [tilespmem:$0x1FBC0];
	vm0 =	vmand vm14, vm0;
	vm14 =	vlt.f32 v14, v4;
	vm2 =	vmand vm12, vm9  }
0x262: {  	v11 =	vadd.f32 v11, v43;
	v45 =	vsel vm0, $0x3F800000, v3;
	v46 =	vsel vm1, $0x3F800000, v3  }
0x263: {  	vm12 =	vgt.f32 v14, v5;
	vm9 =	vmor vm14, vm2;
	vm14 =	veq.f32 v13, v4  }
0x264: {  	v54 =	vld [tilespmem:$0x1FC10];
	vm2 =	vgt.f32 v12, v5;
	v11 =	vadd.f32 v11, v45;
	vm0 =	vmand vm12, vm9  }
0x265: {  	vm1 =	vmand vm4, vm14;
	vm9 =	vgt.f32 v13, v5;
	vm12 =	veq.f32 v12, v4  }
0x266: {  	vm14 =	vnez.u8 v49;
	vm4 =	vlt.f32 v10, v4;
	vm1 =	vmor vm5, vm1  }
0x267: {  	v55 =	vld [tilespmem:$0x1FC20];
	v48 =	vsel vm0, $0x3F800000, v3;
	vm0 =	vmand vm14, vm12;
	vm12 =	veq.f32 v10, v4  }
0x268: {  	v59 =	vld [tilespmem:$0x1FBF0];
	vm5 =	vgt.f32 v10, v5;
	v11 =	vadd.f32 v11, v46;
	vm1 =	vmand vm9, vm1  }
0x269: {  	v62 =	vld [tilespmem:$0x1FC00];
	vm9 =	vlt.f32 v12, v4;
	vm14 =	vmand vm13, vm12;
	vm13 =	vnez.u8 v54  }
0x26a: {  	vm0 =	vmor vm9, vm0;
	v50 =	vsel vm1, $0x3F800000, v3;
	v11 =	vadd.f32 v11, v48  }
0x26b: {  	v58 =	vld [tilespmem:$0x1FC30];
	vm1 =	vmor vm4, vm14;
	vm9 =	veq.f32 v9, v4;
	vm14 =	veq.f32 v8, v4  }
0x26c: {  	vm4 =	vnez.u8 v55;
	vm0 =	vmand vm2, vm0;
	v11 =	vadd.f32 v11, v50  }
0x26d: {  	vm12 =	vmand vm10, vm9;
	vm9 =	vnez.u8 v59;
	v51 =	vsel vm0, $0x3F800000, v3  }
0x26e: {  	vm10 =	vnez.u8 v62;
	vm0 =	vmand vm5, vm1;
	v52 =	vadd.f32 v11, v51  }
0x26f: {  	vm1 =	vmand vm8, vm14;
	v53 =	vsel vm0, $0x3F800000, v3;
	vm0 =	vmor vm13, vm12  }
0x270: {  	vm5 =	vnez.u8 v58;
	vm0 =	vmand vm4, vm0;
	v56 =	vadd.f32 v52, v53  }
0x271: {  	vm8 =	veq.f32 v7, v4;
	v57 =	vsel vm0, $0x3F800000, v3;
	vm0 =	vmor vm5, vm1  }
0x272: {  	vm1 =	vmand vm7, vm8;
	vm0 =	vmand vm9, vm0;
	v60 =	vadd.f32 v56, v57  }
0x273: {  	vm12 =	veq.f32 v6, v4;
	v61 =	vsel vm0, $0x3F800000, v3;
	vm0 =	vmor vm10, vm1  }
0x274: {  	vm1 =	vmand vm6, vm12;
	vm0 =	vmand vm15, vm0;
	v4 =	vadd.f32 v60, v61  }
0x275: {  	vm14 =	vgt.f32 v6, v5;
	vm13 =	vmor vm11, vm1;
	v63 =	vsel vm0, $0x3F800000, v3  }
0x276: {  	vm0 =	vmand vm14, vm13;
	v4 =	vadd.f32 v4, v63  }
0x277: {  	v5 =	vsel vm0, $0x3F800000, v3  }
0x278: {  	v4 =	vadd.f32 v4, v5;
	_ =	sdelay $0x1  }
0x279: {  	s9 =	sadd.s32 $0x1, s9;
	vm15 =	vlt.f32 v4, $1.000000000e+01  }
0x27a: {  	p0 =	sne.s32 s9, s6;
	v4 =	vsel vm15, $0x3F800000, v3  }
.Ltmp3:
0x27b: {  	[tilespmem:$0x620] =	vst v4;
	(pc) =	sbr.rel @p0 .LBB2_1-.Ltmp3, $4  }
0x27c: {  	[hbm4b:s5+s2] =	stream.linear.scatter [tilespmem:s8], [sflag:$0x1], $0x30, $0x38;
	[tilespmem:$0x680] =	vst v63  }
0x27d: {  	_ =	swait.ge [sflag:s7], $0x30  }
0x27e: {  	[sflag:s7] =	ssyncset.done $0x0  }
0x27f: {  	[sflag:s7] =	ssyncadd.s32 $0xFFFFFFD0  }
0x280: {  	_ =	sfence.sel $0x180000  }
0x281: {  	[bflag:$0x0] =	sbarrier.arrive $0xFFFF  }
0x282: {  	p0 =	sne.s32 s0, $0x0;
	_ =	strace $0x90000047  }
0x283: {  	s0 =	sadd.s32 @!p0 $0x100000, s1;
	[bflag:$0x2] =	sbarrier.arrive $0xFFFF  }
0x284: {  	[sflag:s0] =	ssyncadd.tile.s32 @!p0 $0x1;
	_ =	shalt  }
.Lfunc_end2:
_tile_overlayer_lowered:
.L_overlay_start_2:
0x285: {  	(tag) =	ssettag $0x2  }
0x286: {  	s0 =	rddreg [dreg:$0x0];
	s2 =	stileid.u32  }
0x287: {  	s1 =	rddreg [dreg:$0x1];
	p0 =	sne.s32 s2, $0x0  }
0x288: {  	s3 =	rddreg [dreg:$0x2];
	[bflag:$0x3] =	sbarrier.arrive $0xFFFF;
	s2 =	simm.s32 @!p0 $0x1C01  }
0x289: {  	[timem:s3], [sflag:s2] =	dma.local @!p0 [hbm:s0], s1  }
0x28a: {  	s0 =	simm.s32 @!p0 $0x1  }
0x28b: {  	_ =	swait.ge @!p0 [sflag:s0], s1  }
0x28c: {  	s1 =	ssub.s32 @!p0 $0x0, s1;
	[sflag:s0] =	ssyncset.done @!p0 $0x0  }
0x28d: {  	[sflag:s0] =	ssyncadd.s32 @!p0 s1  }
0x28e: {  	[bflag:$0x3] =	sbarrier.arrive $0xFFFF  }
0x28f: {  	_ =	shalt  }

</sc_bundles>
